<compile_context>
chip_gen: v7x
topology: tpu7x:2x2x1
jax: 0.10.2.dev20260603
libtpu: 0.0.44.dev20260713+nightly
codegen_flags: <defaults>
</compile_context>

<pallas_src>
import jax
import jax.numpy as jnp
from jax import lax
from jax.experimental import pallas as pl
from jax.experimental.pallas import tpu as pltpu
from jax.experimental.pallas import tpu_sc as plsc

N = 10000
E = 160000
D = 514
DOUT = 256
NPAD = 10240
CW = 128
NCHUNK = 5
DPAD = NCHUNK * CW

NC, NS = 2, 16
EPT = E // NS
WIN = 128
NWIN = 80
EPT_PAD = NWIN * WIN
ROWS_PER_TILE = NPAD // NS

NBLK = 5
BLK = N // NBLK


def _sc_segment_sum_body(tab, edges4, o0, o1, o2, o3, o4a, o4b,
                         spm, rows0, rows1, exr, gsem0, gsem1, isem):
    c = lax.axis_index("c")
    s = lax.axis_index("s")

    def load_idx(w, slot):
        pltpu.async_copy(edges4.at[s, w], exr.at[slot], isem)

    def wait_idx():
        pltpu.make_async_copy(edges4.at[s, 0], exr.at[0], isem).wait()

    def do_chunk(q, out, w_lo, w_hi):
        nwin = w_hi - w_lo
        def _zrow(r, _):
            def _zcol(k, _):
                rows0[r, pl.ds(k * 16, 16)] = jnp.zeros((16,), jnp.float32)
                return 0
            return lax.fori_loop(0, CW // 16, _zcol, 0)
        lax.fori_loop(0, WIN, _zrow, 0)
        for k in range(ROWS_PER_TILE // WIN):
            pltpu.sync_copy(rows0, spm.at[pl.ds(s * ROWS_PER_TILE + k * WIN, WIN)])
        plsc.subcore_barrier()

        def start(rbuf, slot, sem):
            pltpu.async_copy(tab.at[exr.at[slot, q]], rbuf, sem)

        def wait(rbuf, sem):
            pltpu.make_async_copy(tab.at[exr.at[0, q]], rbuf, sem).wait()

        def scatter(rbuf, slot):
            pltpu.sync_copy(rbuf, spm.at[exr.at[slot, NCHUNK]], add=True)

        pltpu.sync_copy(edges4.at[s, w_lo], exr.at[0])
        start(rows0, 0, gsem0)
        load_idx(w_lo + 1, 1)

        def gbody(g, _):
            b = w_lo + 2 * g + 2
            wait_idx()
            start(rows1, 1, gsem1)
            wait(rows0, gsem0)
            scatter(rows0, 0)
            load_idx(b, 0)
            wait_idx()
            start(rows0, 0, gsem0)
            wait(rows1, gsem1)
            scatter(rows1, 1)
            load_idx(b + 1, 1)
            return 0
        lax.fori_loop(0, nwin // 2 - 1, gbody, 0)
        wait_idx()
        start(rows1, 1, gsem1)
        wait(rows0, gsem0)
        scatter(rows0, 0)
        wait(rows1, gsem1)
        scatter(rows1, 1)

        plsc.subcore_barrier()
        pltpu.sync_copy(spm.at[pl.ds(s * ROWS_PER_TILE, ROWS_PER_TILE)],
                        out.at[pl.ds(s * ROWS_PER_TILE, ROWS_PER_TILE)])
        plsc.subcore_barrier()

    @pl.when(c == 0)
    def _():
        do_chunk(0, o0, 0, NWIN)
        do_chunk(1, o1, 0, NWIN)
        do_chunk(4, o4a, 0, NWIN // 2)

    @pl.when(c == 1)
    def _():
        do_chunk(2, o2, 0, NWIN)
        do_chunk(3, o3, 0, NWIN)
        do_chunk(4, o4b, NWIN // 2, NWIN)


def _sc_segment_sum(tab, edges4):
    mesh = plsc.VectorSubcoreMesh(core_axis_name="c", subcore_axis_name="s",
                                  num_cores=NC, num_subcores=NS)
    f = pl.kernel(
        _sc_segment_sum_body,
        out_type=[jax.ShapeDtypeStruct((NPAD, CW), jnp.float32)] * (NCHUNK + 1),
        mesh=mesh,
        scratch_types=[
            pltpu.VMEM_SHARED((NPAD, CW), jnp.float32),
            pltpu.VMEM((WIN, CW), jnp.float32),
            pltpu.VMEM((WIN, CW), jnp.float32),
            pltpu.VMEM((2, NCHUNK + 1, WIN), jnp.int32),
            pltpu.SemaphoreType.DMA,
            pltpu.SemaphoreType.DMA,
            pltpu.SemaphoreType.DMA,
        ],
    )
    return f(tab, edges4)


def _dot_t(a, w):
    return lax.dot_general(a, w, (((1,), (1,)), ((), ())),
                           preferred_element_type=jnp.float32)


def _xroot_body(x_ref, wroot_ref, brel_ref, out_ref):
    out_ref[...] = _dot_t(x_ref[...], wroot_ref[...]) + brel_ref[...]


def _xroot(cell_x, wroot, brel):
    blk = 2000
    return pl.pallas_call(
        _xroot_body,
        grid=(N // blk,),
        in_specs=[
            pl.BlockSpec((blk, D), lambda i: (i, 0)),
            pl.BlockSpec((D, D), lambda i: (0, 0)),
            pl.BlockSpec((1, D), lambda i: (0, 0)),
        ],
        out_specs=pl.BlockSpec((blk, D), lambda i: (i, 0)),
        out_shape=jax.ShapeDtypeStruct((N, D), jnp.float32),
    )(cell_x, wroot, brel)


def _tc_body(xr_ref, a0, a1, a2, a3, a4a, a4b, wrel_ref,
             gnw, gnb, gns, bng, bnb, linw, linb, out_ref,
             ssum, ssq, smax, smin):
    i = pl.program_id(0)

    h = xr_ref[...]
    for q, aq in enumerate((a0, a1, a2, a3)):
        h += _dot_t(aq[...], wrel_ref[:, q * CW:(q + 1) * CW])
    a4 = a4a[:, 0:2] + a4b[:, 0:2]
    h += _dot_t(a4, wrel_ref[:, 4 * CW:D])

    @pl.when(i == 0)
    def _():
        ssum[...] = jnp.zeros_like(ssum)
        ssq[...] = jnp.zeros_like(ssq)
        smax[...] = jnp.full_like(smax, -jnp.inf)
        smin[...] = jnp.full_like(smin, jnp.inf)

    ssum[...] += jnp.sum(h, axis=0, keepdims=True)
    ssq[...] += jnp.sum(h * h, axis=0, keepdims=True)
    smax[...] = jnp.maximum(smax[...], jnp.max(h, axis=0, keepdims=True))
    smin[...] = jnp.minimum(smin[...], jnp.min(h, axis=0, keepdims=True))

    @pl.when(i == NBLK - 1)
    def _():
        inv_n = 1.0 / N
        mean = ssum[...] * inv_n
        ex2 = ssq[...] * inv_n
        sm = gns[...] * mean
        gnvar = ex2 - 2.0 * sm * mean + sm * sm
        a1v = gnw[...] * lax.rsqrt(gnvar + 1e-5)
        b1v = gnb[...] - a1v * sm
        tvar = ex2 - mean * mean
        m1 = a1v * mean + b1v
        v1 = a1v * a1v * tvar
        a2v = bng[...] * lax.rsqrt(v1 + 1e-5)
        b2v = bnb[...] - a2v * m1
        A = a1v * a2v
        B = a2v * b1v + b2v
        r = jnp.where(A >= 0.0, A * smax[...], A * smin[...]) + B
        out_ref[...] = _dot_t(r, linw[...]) + linb[...]


def _tc_encode(xr, aggs, wrel, gnw, gnb, gns, bng, bnb, linw, linb):
    row_spec = pl.BlockSpec((BLK, D), lambda i: (i, 0))
    agg_spec = pl.BlockSpec((BLK, CW), lambda i: (i, 0))
    def whole(shape):
        return pl.BlockSpec(shape, lambda i: tuple(0 for _ in shape))
    return pl.pallas_call(
        _tc_body,
        grid=(NBLK,),
        in_specs=[
            row_spec, agg_spec, agg_spec, agg_spec, agg_spec, agg_spec,
            agg_spec,
            whole((D, D)),
            whole((1, D)), whole((1, D)), whole((1, D)),
            whole((1, D)), whole((1, D)),
            whole((DOUT, D)), whole((1, DOUT)),
        ],
        out_specs=whole((1, DOUT)),
        out_shape=jax.ShapeDtypeStruct((1, DOUT), jnp.float32),
        scratch_shapes=[
            pltpu.VMEM((1, D), jnp.float32),
            pltpu.VMEM((1, D), jnp.float32),
            pltpu.VMEM((1, D), jnp.float32),
            pltpu.VMEM((1, D), jnp.float32),
        ],
    )(xr, *aggs, wrel, gnw, gnb, gns, bng, bnb, linw, linb)


def kernel(cell_x, cell_edge_index, tissue_x, tissue_edge_index,
           assignment_mat, W_rel, b_rel, W_root, gn_weight, gn_bias,
           gn_mean_scale, bn_gamma, bn_beta, lin_W, lin_b):
    del tissue_x, tissue_edge_index, assignment_mat

    src = cell_edge_index[0].astype(jnp.int32)
    dst = cell_edge_index[1].astype(jnp.int32)

    npad_e = EPT_PAD - EPT
    tile_ids = jnp.arange(NS, dtype=jnp.int32)[:, None]
    j = jnp.arange(npad_e, dtype=jnp.int32)[None, :]
    pad_src = (tile_ids * 997 + j * 41) % N
    pad_dst = N + (j + tile_ids * 13) % (NPAD - N)
    src2 = jnp.concatenate([src.reshape(NS, EPT), pad_src], axis=1)
    dst2 = jnp.concatenate([dst.reshape(NS, EPT), pad_dst], axis=1)
    src2 = src2.reshape(NS, NWIN, 1, WIN)
    dst2 = dst2.reshape(NS, NWIN, 1, WIN)
    p = jnp.arange(NCHUNK + 1, dtype=jnp.int32).reshape(1, 1, NCHUNK + 1, 1)
    edges4 = jnp.where(p < NCHUNK, src2 + p * N, dst2)

    tab = jnp.concatenate(
        [cell_x[:, q * CW:(q + 1) * CW] for q in range(NCHUNK - 1)]
        + [jnp.pad(cell_x[:, (NCHUNK - 1) * CW:], ((0, 0), (0, DPAD - D)))],
        axis=0)

    aggs = _sc_segment_sum(tab, edges4)
    xr = _xroot(cell_x, W_root, b_rel.reshape(1, D))

    out = _tc_encode(
        xr, aggs, W_rel,
        gn_weight.reshape(1, D), gn_bias.reshape(1, D),
        gn_mean_scale.reshape(1, D), bn_gamma.reshape(1, D),
        bn_beta.reshape(1, D), lin_W, lin_b.reshape(1, DOUT))
    return out[:, None, :]

# --- scband reference (transcript-rebuilt; emitter-appended) ---
"""Pipeline reference for scband-gnnencoder-30537217474822 (READ-ONLY COPY).

The authoritative reference and input builder live on the scoring server;
editing this copy changes nothing except your own understanding.
"""

import jax, jax.numpy as jnp
import numpy as np

N, E = 10000, 160000
NT, ET = 500, 4000
D, DT = 514, 1028
DOUT = 256

def setup_inputs(seed: int = 0) -> dict:
    key = jax.random.key(seed)
    ks = jax.random.split(key, 12)
    cell_x = jax.random.normal(ks[0], (N, D), dtype=jnp.float32)
    cell_edge_index = jax.random.randint(ks[1], (2, E), 0, N, dtype=jnp.int64)
    tissue_x = jax.random.normal(ks[2], (NT, DT), dtype=jnp.float32)
    tissue_edge_index = jax.random.randint(ks[3], (2, ET), 0, NT, dtype=jnp.int64)
    assignment_mat = jax.random.uniform(ks[4], (N, NT), dtype=jnp.float32)
    s = 1.0 / np.sqrt(D)
    W_rel = jax.random.uniform(ks[5], (D, D), minval=-s, maxval=s, dtype=jnp.float32)
    b_rel = jax.random.uniform(ks[6], (D,), minval=-s, maxval=s, dtype=jnp.float32)
    W_root = jax.random.uniform(ks[7], (D, D), minval=-s, maxval=s, dtype=jnp.float32)
    gn_weight = jnp.ones((D,), dtype=jnp.float32)
    gn_bias = jnp.zeros((D,), dtype=jnp.float32)
    gn_mean_scale = jnp.ones((D,), dtype=jnp.float32)
    bn_gamma = jnp.ones((D,), dtype=jnp.float32)
    bn_beta = jnp.zeros((D,), dtype=jnp.float32)
    lin_W = jax.random.uniform(ks[8], (DOUT, D), minval=-s, maxval=s, dtype=jnp.float32)
    lin_b = jax.random.uniform(ks[9], (DOUT,), minval=-s, maxval=s, dtype=jnp.float32)
    return {"cell_x": cell_x, "cell_edge_index": cell_edge_index,
            "tissue_x": tissue_x, "tissue_edge_index": tissue_edge_index,
            "assignment_mat": assignment_mat,
            "W_rel": W_rel, "b_rel": b_rel, "W_root": W_root,
            "gn_weight": gn_weight, "gn_bias": gn_bias, "gn_mean_scale": gn_mean_scale,
            "bn_gamma": bn_gamma, "bn_beta": bn_beta,
            "lin_W": lin_W, "lin_b": lin_b}

def reference(cell_x, cell_edge_index, tissue_x, tissue_edge_index, assignment_mat,
              W_rel, b_rel, W_root, gn_weight, gn_bias, gn_mean_scale,
              bn_gamma, bn_beta, lin_W, lin_b):
    n = cell_x.shape[0]
    src = cell_edge_index[0]
    dst = cell_edge_index[1]
    # GraphConv (PyG semantics, aggr='add'): lin_rel(sum_j x_j) + lin_root(x)
    agg = jax.ops.segment_sum(cell_x[src], dst, num_segments=n)
    h = agg @ W_rel.T + b_rel + cell_x @ W_root.T
    # GraphNorm (single graph): per-feature mean/var over nodes with learnable mean scale
    mean = jnp.mean(h, axis=0)
    sub = h - gn_mean_scale * mean
    var = jnp.mean(sub * sub, axis=0)
    h = gn_weight * sub / jnp.sqrt(var + 1e-5) + gn_bias
    # BatchNorm1d over nodes (training-mode batch stats, biased variance)
    m = jnp.mean(h, axis=0)
    v = jnp.mean((h - m) ** 2, axis=0)
    h = bn_gamma * (h - m) / jnp.sqrt(v + 1e-5) + bn_beta
    # readout with aggregate_method='max' -> MaxPooling over the (single) graph
    r = jnp.max(h, axis=0, keepdims=True)  # [1, 514]
    x = r @ lin_W.T + lin_b  # [1, 256]
    return x[:, None, :]  # unsqueeze(1) -> [1, 1, 256]

if __name__ == "__main__":
    import jax
    _d = setup_inputs()
    print(jax.jit(kernel)(*tuple(_d.values())))

</pallas_src>

<mosaic_0001>
#map = affine_map<(d0, d1) -> (0, 0)>
#map1 = affine_map<(d0, d1) -> (0, 0, 0, 0)>
module attributes {stable_mosaic.version = 14 : i64} {
  func.func @_sc_segment_sum_body(%arg0: i32, %arg1: i32, %arg2: memref<50000x128xf32, #tpu.memory_space<hbm>>, %arg3: memref<16x80x6x128xi32, #tpu.memory_space<hbm>>, %arg4: memref<10240x128xf32, #tpu.memory_space<hbm>>, %arg5: memref<10240x128xf32, #tpu.memory_space<hbm>>, %arg6: memref<10240x128xf32, #tpu.memory_space<hbm>>, %arg7: memref<10240x128xf32, #tpu.memory_space<hbm>>, %arg8: memref<10240x128xf32, #tpu.memory_space<hbm>>, %arg9: memref<10240x128xf32, #tpu.memory_space<hbm>>, %arg10: memref<10240x128xf32, #tpu.memory_space<vmem_shared>>, %arg11: memref<128x128xf32, #tpu.memory_space<vmem>>, %arg12: memref<128x128xf32, #tpu.memory_space<vmem>>, %arg13: memref<2x6x128xi32, #tpu.memory_space<vmem>>, %arg14: memref<!tpu.dma_semaphore, #tpu.memory_space<semaphore_mem>>, %arg15: memref<!tpu.dma_semaphore, #tpu.memory_space<semaphore_mem>>, %arg16: memref<!tpu.dma_semaphore, #tpu.memory_space<semaphore_mem>>) attributes {dimension_semantics = [#tpu.dimension_semantics<core_parallel>, #tpu.dimension_semantics<subcore_parallel>], iteration_bounds = array<i64: 2, 16>, scalar_prefetch = 0 : i64, scratch_operands = 7 : i64, tpu.core_type = #tpu.core_type<sc_vector_subcore>, window_params = [{transform_indices = #map}, {transform_indices = #map1}, {transform_indices = #map}, {transform_indices = #map}, {transform_indices = #map}, {transform_indices = #map}, {transform_indices = #map}, {transform_indices = #map}]} {
    %eq3A = arith.constant 0 : i32
    %eq3A_0 = arith.cmpi eq, %arg0, %eq3A : i32
    %convert_element_type3A = arith.extui %eq3A_0 : i1 to i32
    %cond3A = arith.constant 0 : i32
    %cond3A_1 = arith.cmpi ne, %convert_element_type3A, %cond3A : i32
    scf.if %cond3A_1 {
      %scan3A = arith.constant 0 : i32
      %scan3A_7 = arith.constant 0 : i32
      %scan3A_8 = arith.constant 128 : i32
      %scan3A_9 = arith.addi %scan3A_7, %scan3A_8 : i32
      %scan3A_10 = arith.constant 1 : i32
      %scan3A_11 = scf.for %scan3A_345 = %scan3A_7 to %scan3A_9 step %scan3A_10 iter_args(%scan3A_346 = %scan3A) -> (i32)  : i32 {
        %scan3A_347 = arith.constant 0 : i32
        %scan3A_348 = arith.constant 0 : i32
        %scan3A_349 = arith.constant 8 : i32
        %scan3A_350 = arith.addi %scan3A_348, %scan3A_349 : i32
        %scan3A_351 = arith.constant 1 : i32
        %scan3A_352 = scf.for %scan3A_354 = %scan3A_348 to %scan3A_350 step %scan3A_351 iter_args(%scan3A_355 = %scan3A_347) -> (i32)  : i32 {
          %broadcast_in_dim3A = arith.constant 0.000000e+00 : f32
          %broadcast_in_dim3A_356 = vector.broadcast %broadcast_in_dim3A : f32 to vector<16xf32>
          %mul3A_357 = arith.constant 16 : i32
          %mul3A_358 = arith.muli %scan3A_354, %mul3A_357 : i32
          %swap3A = arith.index_cast %scan3A_345 : i32 to index
          %swap3A_359 = arith.index_cast %mul3A_358 : i32 to index
          %swap3A_360 = tpu.vector_load %arg11[%swap3A, %swap3A_359] {strides = array<i32>} : memref<128x128xf32, #tpu.memory_space<vmem>>, vector<1x16xf32>,
          %swap3A_361 = vector.shape_cast %swap3A_360 : vector<1x16xf32> to vector<16xf32>
          %swap3A_362 = vector.shape_cast %broadcast_in_dim3A_356 : vector<16xf32> to vector<1x16xf32>
          tpu.vector_store %arg11[%swap3A, %swap3A_359], %swap3A_362 {strides = array<i32>} : memref<128x128xf32, #tpu.memory_space<vmem>>, vector<1x16xf32>,
          %scan3A_363 = arith.constant 0 : i32
          scf.yield %scan3A_363 : i32
        }
        %scan3A_353 = arith.constant 8 : i32
        scf.yield %scan3A_352 : i32
      }
      %scan3A_12 = arith.constant 128 : i32
      %mul3A = arith.constant 640 : i32
      %mul3A_13 = arith.muli %arg1, %mul3A : i32
      %add3A = arith.constant 0 : i32
      %add3A_14 = arith.addi %mul3A_13, %add3A : i32
      "tpu.region"() ({
        %run_scoped3A_345 = tpu.sem_alloc : memref<!tpu.dma_semaphore, #tpu.memory_space<semaphore_mem>>
        %dma_start3A_346 = arith.constant 0 : i32
        %dma_start3A_347 = tpu.memref_slice %arg10[%add3A_14, %dma_start3A_346] : memref<10240x128xf32, #tpu.memory_space<vmem_shared>> -> memref<128x128xf32, #tpu.memory_space<vmem_shared>>
        %dma_start3A_348 = arith.constant 0 : i32
        %dma_start3A_349 = tpu.memref_slice %arg10[%add3A_14, %dma_start3A_348] : memref<10240x128xf32, #tpu.memory_space<vmem_shared>> -> memref<128x128xf32, #tpu.memory_space<vmem_shared>>
        tpu.enqueue_dma source(%arg11 : memref<128x128xf32, #tpu.memory_space<vmem>>) target(%dma_start3A_349 : memref<128x128xf32, #tpu.memory_space<vmem_shared>>) target_semaphore(%run_scoped3A_345 : memref<!tpu.dma_semaphore, #tpu.memory_space<semaphore_mem>>)
        %dma_wait3A_350 = arith.constant 0 : i32
        %dma_wait3A_351 = tpu.memref_slice %arg10[%add3A_14, %dma_wait3A_350] : memref<10240x128xf32, #tpu.memory_space<vmem_shared>> -> memref<128x128xf32, #tpu.memory_space<vmem_shared>>
        %dma_wait3A_352 = arith.constant 0 : i32
        %dma_wait3A_353 = tpu.memref_slice %arg10[%add3A_14, %dma_wait3A_352] : memref<10240x128xf32, #tpu.memory_space<vmem_shared>> -> memref<128x128xf32, #tpu.memory_space<vmem_shared>>
        tpu.wait_dma2 semaphore(%run_scoped3A_345 : memref<!tpu.dma_semaphore, #tpu.memory_space<semaphore_mem>>) src(%arg11 : memref<128x128xf32, #tpu.memory_space<vmem>>) dst(%dma_wait3A_353 : memref<128x128xf32, #tpu.memory_space<vmem_shared>>)
        tpu.yield
      }) : () -> ()
      %mul3A_15 = arith.constant 640 : i32
      %mul3A_16 = arith.muli %arg1, %mul3A_15 : i32
      %add3A_17 = arith.constant 128 : i32
      %add3A_18 = arith.addi %mul3A_16, %add3A_17 : i32
      "tpu.region"() ({
        %run_scoped3A_345 = tpu.sem_alloc : memref<!tpu.dma_semaphore, #tpu.memory_space<semaphore_mem>>
        %dma_start3A_346 = arith.constant 0 : i32
        %dma_start3A_347 = tpu.memref_slice %arg10[%add3A_18, %dma_start3A_346] : memref<10240x128xf32, #tpu.memory_space<vmem_shared>> -> memref<128x128xf32, #tpu.memory_space<vmem_shared>>
        %dma_start3A_348 = arith.constant 0 : i32
        %dma_start3A_349 = tpu.memref_slice %arg10[%add3A_18, %dma_start3A_348] : memref<10240x128xf32, #tpu.memory_space<vmem_shared>> -> memref<128x128xf32, #tpu.memory_space<vmem_shared>>
        tpu.enqueue_dma source(%arg11 : memref<128x128xf32, #tpu.memory_space<vmem>>) target(%dma_start3A_349 : memref<128x128xf32, #tpu.memory_space<vmem_shared>>) target_semaphore(%run_scoped3A_345 : memref<!tpu.dma_semaphore, #tpu.memory_space<semaphore_mem>>)
        %dma_wait3A_350 = arith.constant 0 : i32
        %dma_wait3A_351 = tpu.memref_slice %arg10[%add3A_18, %dma_wait3A_350] : memref<10240x128xf32, #tpu.memory_space<vmem_shared>> -> memref<128x128xf32, #tpu.memory_space<vmem_shared>>
        %dma_wait3A_352 = arith.constant 0 : i32
        %dma_wait3A_353 = tpu.memref_slice %arg10[%add3A_18, %dma_wait3A_352] : memref<10240x128xf32, #tpu.memory_space<vmem_shared>> -> memref<128x128xf32, #tpu.memory_space<vmem_shared>>
        tpu.wait_dma2 semaphore(%run_scoped3A_345 : memref<!tpu.dma_semaphore, #tpu.memory_space<semaphore_mem>>) src(%arg11 : memref<128x128xf32, #tpu.memory_space<vmem>>) dst(%dma_wait3A_353 : memref<128x128xf32, #tpu.memory_space<vmem_shared>>)
        tpu.yield
      }) : () -> ()
      %mul3A_19 = arith.constant 640 : i32
      %mul3A_20 = arith.muli %arg1, %mul3A_19 : i32
      %add3A_21 = arith.constant 256 : i32
      %add3A_22 = arith.addi %mul3A_20, %add3A_21 : i32
      "tpu.region"() ({
        %run_scoped3A_345 = tpu.sem_alloc : memref<!tpu.dma_semaphore, #tpu.memory_space<semaphore_mem>>
        %dma_start3A_346 = arith.constant 0 : i32
        %dma_start3A_347 = tpu.memref_slice %arg10[%add3A_22, %dma_start3A_346] : memref<10240x128xf32, #tpu.memory_space<vmem_shared>> -> memref<128x128xf32, #tpu.memory_space<vmem_shared>>
        %dma_start3A_348 = arith.constant 0 : i32
        %dma_start3A_349 = tpu.memref_slice %arg10[%add3A_22, %dma_start3A_348] : memref<10240x128xf32, #tpu.memory_space<vmem_shared>> -> memref<128x128xf32, #tpu.memory_space<vmem_shared>>
        tpu.enqueue_dma source(%arg11 : memref<128x128xf32, #tpu.memory_space<vmem>>) target(%dma_start3A_349 : memref<128x128xf32, #tpu.memory_space<vmem_shared>>) target_semaphore(%run_scoped3A_345 : memref<!tpu.dma_semaphore, #tpu.memory_space<semaphore_mem>>)
        %dma_wait3A_350 = arith.constant 0 : i32
        %dma_wait3A_351 = tpu.memref_slice %arg10[%add3A_22, %dma_wait3A_350] : memref<10240x128xf32, #tpu.memory_space<vmem_shared>> -> memref<128x128xf32, #tpu.memory_space<vmem_shared>>
        %dma_wait3A_352 = arith.constant 0 : i32
        %dma_wait3A_353 = tpu.memref_slice %arg10[%add3A_22, %dma_wait3A_352] : memref<10240x128xf32, #tpu.memory_space<vmem_shared>> -> memref<128x128xf32, #tpu.memory_space<vmem_shared>>
        tpu.wait_dma2 semaphore(%run_scoped3A_345 : memref<!tpu.dma_semaphore, #tpu.memory_space<semaphore_mem>>) src(%arg11 : memref<128x128xf32, #tpu.memory_space<vmem>>) dst(%dma_wait3A_353 : memref<128x128xf32, #tpu.memory_space<vmem_shared>>)
        tpu.yield
      }) : () -> ()
      %mul3A_23 = arith.constant 640 : i32
      %mul3A_24 = arith.muli %arg1, %mul3A_23 : i32
      %add3A_25 = arith.constant 384 : i32
      %add3A_26 = arith.addi %mul3A_24, %add3A_25 : i32
      "tpu.region"() ({
        %run_scoped3A_345 = tpu.sem_alloc : memref<!tpu.dma_semaphore, #tpu.memory_space<semaphore_mem>>
        %dma_start3A_346 = arith.constant 0 : i32
        %dma_start3A_347 = tpu.memref_slice %arg10[%add3A_26, %dma_start3A_346] : memref<10240x128xf32, #tpu.memory_space<vmem_shared>> -> memref<128x128xf32, #tpu.memory_space<vmem_shared>>
        %dma_start3A_348 = arith.constant 0 : i32
        %dma_start3A_349 = tpu.memref_slice %arg10[%add3A_26, %dma_start3A_348] : memref<10240x128xf32, #tpu.memory_space<vmem_shared>> -> memref<128x128xf32, #tpu.memory_space<vmem_shared>>
        tpu.enqueue_dma source(%arg11 : memref<128x128xf32, #tpu.memory_space<vmem>>) target(%dma_start3A_349 : memref<128x128xf32, #tpu.memory_space<vmem_shared>>) target_semaphore(%run_scoped3A_345 : memref<!tpu.dma_semaphore, #tpu.memory_space<semaphore_mem>>)
        %dma_wait3A_350 = arith.constant 0 : i32
        %dma_wait3A_351 = tpu.memref_slice %arg10[%add3A_26, %dma_wait3A_350] : memref<10240x128xf32, #tpu.memory_space<vmem_shared>> -> memref<128x128xf32, #tpu.memory_space<vmem_shared>>
        %dma_wait3A_352 = arith.constant 0 : i32
        %dma_wait3A_353 = tpu.memref_slice %arg10[%add3A_26, %dma_wait3A_352] : memref<10240x128xf32, #tpu.memory_space<vmem_shared>> -> memref<128x128xf32, #tpu.memory_space<vmem_shared>>
        tpu.wait_dma2 semaphore(%run_scoped3A_345 : memref<!tpu.dma_semaphore, #tpu.memory_space<semaphore_mem>>) src(%arg11 : memref<128x128xf32, #tpu.memory_space<vmem>>) dst(%dma_wait3A_353 : memref<128x128xf32, #tpu.memory_space<vmem_shared>>)
        tpu.yield
      }) : () -> ()
      %mul3A_27 = arith.constant 640 : i32
      %mul3A_28 = arith.muli %arg1, %mul3A_27 : i32
      %add3A_29 = arith.constant 512 : i32
      %add3A_30 = arith.addi %mul3A_28, %add3A_29 : i32
      "tpu.region"() ({
        %run_scoped3A_345 = tpu.sem_alloc : memref<!tpu.dma_semaphore, #tpu.memory_space<semaphore_mem>>
        %dma_start3A_346 = arith.constant 0 : i32
        %dma_start3A_347 = tpu.memref_slice %arg10[%add3A_30, %dma_start3A_346] : memref<10240x128xf32, #tpu.memory_space<vmem_shared>> -> memref<128x128xf32, #tpu.memory_space<vmem_shared>>
        %dma_start3A_348 = arith.constant 0 : i32
        %dma_start3A_349 = tpu.memref_slice %arg10[%add3A_30, %dma_start3A_348] : memref<10240x128xf32, #tpu.memory_space<vmem_shared>> -> memref<128x128xf32, #tpu.memory_space<vmem_shared>>
        tpu.enqueue_dma source(%arg11 : memref<128x128xf32, #tpu.memory_space<vmem>>) target(%dma_start3A_349 : memref<128x128xf32, #tpu.memory_space<vmem_shared>>) target_semaphore(%run_scoped3A_345 : memref<!tpu.dma_semaphore, #tpu.memory_space<semaphore_mem>>)
        %dma_wait3A_350 = arith.constant 0 : i32
        %dma_wait3A_351 = tpu.memref_slice %arg10[%add3A_30, %dma_wait3A_350] : memref<10240x128xf32, #tpu.memory_space<vmem_shared>> -> memref<128x128xf32, #tpu.memory_space<vmem_shared>>
        %dma_wait3A_352 = arith.constant 0 : i32
        %dma_wait3A_353 = tpu.memref_slice %arg10[%add3A_30, %dma_wait3A_352] : memref<10240x128xf32, #tpu.memory_space<vmem_shared>> -> memref<128x128xf32, #tpu.memory_space<vmem_shared>>
        tpu.wait_dma2 semaphore(%run_scoped3A_345 : memref<!tpu.dma_semaphore, #tpu.memory_space<semaphore_mem>>) src(%arg11 : memref<128x128xf32, #tpu.memory_space<vmem>>) dst(%dma_wait3A_353 : memref<128x128xf32, #tpu.memory_space<vmem_shared>>)
        tpu.yield
      }) : () -> ()
      %barrier3A = arith.constant 0 : index
      tpu.barrier barrier_id(%barrier3A)
      %run_scoped3A = arith.constant 0 : i32
      %run_scoped3A_31 = arith.constant 0 : i32
      "tpu.region"() ({
        %run_scoped3A_345 = tpu.sem_alloc : memref<!tpu.dma_semaphore, #tpu.memory_space<semaphore_mem>>
        %dma_start3A_346 = arith.constant 0 : i32
        %dma_start3A_347 = arith.constant 0 : i32
        %dma_start3A_348 = tpu.memref_slice %arg13[%run_scoped3A_31, %dma_start3A_346, %dma_start3A_347] : memref<2x6x128xi32, #tpu.memory_space<vmem>> -> memref<1x6x128xi32, #tpu.memory_space<vmem>>
        %dma_start3A_349 = tpu.memref_squeeze %dma_start3A_348 : memref<1x6x128xi32, #tpu.memory_space<vmem>> -> memref<6x128xi32, #tpu.memory_space<vmem>>
        %dma_start3A_350 = arith.constant 0 : i32
        %dma_start3A_351 = arith.constant 0 : i32
        %dma_start3A_352 = tpu.memref_slice %arg3[%arg1, %run_scoped3A, %dma_start3A_350, %dma_start3A_351] : memref<16x80x6x128xi32, #tpu.memory_space<hbm>> -> memref<1x1x6x128xi32, #tpu.memory_space<hbm>>
        %dma_start3A_353 = tpu.memref_squeeze %dma_start3A_352 : memref<1x1x6x128xi32, #tpu.memory_space<hbm>> -> memref<6x128xi32, #tpu.memory_space<hbm>>
        %dma_start3A_354 = arith.constant 0 : i32
        %dma_start3A_355 = arith.constant 0 : i32
        %dma_start3A_356 = tpu.memref_slice %arg13[%run_scoped3A_31, %dma_start3A_354, %dma_start3A_355] : memref<2x6x128xi32, #tpu.memory_space<vmem>> -> memref<1x6x128xi32, #tpu.memory_space<vmem>>
        %dma_start3A_357 = tpu.memref_squeeze %dma_start3A_356 : memref<1x6x128xi32, #tpu.memory_space<vmem>> -> memref<6x128xi32, #tpu.memory_space<vmem>>
        %dma_start3A_358 = arith.constant 0 : i32
        %dma_start3A_359 = arith.constant 0 : i32
        %dma_start3A_360 = tpu.memref_slice %arg3[%arg1, %run_scoped3A, %dma_start3A_358, %dma_start3A_359] : memref<16x80x6x128xi32, #tpu.memory_space<hbm>> -> memref<1x1x6x128xi32, #tpu.memory_space<hbm>>
        %dma_start3A_361 = tpu.memref_squeeze %dma_start3A_360 : memref<1x1x6x128xi32, #tpu.memory_space<hbm>> -> memref<6x128xi32, #tpu.memory_space<hbm>>
        tpu.enqueue_dma source(%dma_start3A_361 : memref<6x128xi32, #tpu.memory_space<hbm>>) target(%dma_start3A_357 : memref<6x128xi32, #tpu.memory_space<vmem>>) target_semaphore(%run_scoped3A_345 : memref<!tpu.dma_semaphore, #tpu.memory_space<semaphore_mem>>)
        %dma_wait3A_362 = arith.constant 0 : i32
        %dma_wait3A_363 = arith.constant 0 : i32
        %dma_wait3A_364 = tpu.memref_slice %arg13[%run_scoped3A_31, %dma_wait3A_362, %dma_wait3A_363] : memref<2x6x128xi32, #tpu.memory_space<vmem>> -> memref<1x6x128xi32, #tpu.memory_space<vmem>>
        %dma_wait3A_365 = tpu.memref_squeeze %dma_wait3A_364 : memref<1x6x128xi32, #tpu.memory_space<vmem>> -> memref<6x128xi32, #tpu.memory_space<vmem>>
        %dma_wait3A_366 = arith.constant 0 : i32
        %dma_wait3A_367 = arith.constant 0 : i32
        %dma_wait3A_368 = tpu.memref_slice %arg3[%arg1, %run_scoped3A, %dma_wait3A_366, %dma_wait3A_367] : memref<16x80x6x128xi32, #tpu.memory_space<hbm>> -> memref<1x1x6x128xi32, #tpu.memory_space<hbm>>
        %dma_wait3A_369 = tpu.memref_squeeze %dma_wait3A_368 : memref<1x1x6x128xi32, #tpu.memory_space<hbm>> -> memref<6x128xi32, #tpu.memory_space<hbm>>
        %dma_wait3A_370 = arith.constant 0 : i32
        %dma_wait3A_371 = arith.constant 0 : i32
        %dma_wait3A_372 = tpu.memref_slice %arg13[%run_scoped3A_31, %dma_wait3A_370, %dma_wait3A_371] : memref<2x6x128xi32, #tpu.memory_space<vmem>> -> memref<1x6x128xi32, #tpu.memory_space<vmem>>
        %dma_wait3A_373 = tpu.memref_squeeze %dma_wait3A_372 : memref<1x6x128xi32, #tpu.memory_space<vmem>> -> memref<6x128xi32, #tpu.memory_space<vmem>>
        %dma_wait3A_374 = arith.constant 0 : i32
        %dma_wait3A_375 = arith.constant 0 : i32
        %dma_wait3A_376 = tpu.memref_slice %arg3[%arg1, %run_scoped3A, %dma_wait3A_374, %dma_wait3A_375] : memref<16x80x6x128xi32, #tpu.memory_space<hbm>> -> memref<1x1x6x128xi32, #tpu.memory_space<hbm>>
        %dma_wait3A_377 = tpu.memref_squeeze %dma_wait3A_376 : memref<1x1x6x128xi32, #tpu.memory_space<hbm>> -> memref<6x128xi32, #tpu.memory_space<hbm>>
        tpu.wait_dma2 semaphore(%run_scoped3A_345 : memref<!tpu.dma_semaphore, #tpu.memory_space<semaphore_mem>>) src(%dma_wait3A_377 : memref<6x128xi32, #tpu.memory_space<hbm>>) dst(%dma_wait3A_373 : memref<6x128xi32, #tpu.memory_space<vmem>>)
        tpu.yield
      }) : () -> ()
      %dma_start3A = arith.constant 0 : i32
      %dma_start3A_32 = arith.constant 0 : i32
      %dma_start3A_33 = arith.constant 0 : i32
      %dma_start3A_34 = tpu.memref_slice %arg13[%dma_start3A, %dma_start3A_32, %dma_start3A_33] : memref<2x6x128xi32, #tpu.memory_space<vmem>> -> memref<1x1x128xi32, #tpu.memory_space<vmem>>
      %dma_start3A_35 = tpu.memref_squeeze %dma_start3A_34 : memref<1x1x128xi32, #tpu.memory_space<vmem>> -> memref<128xi32, #tpu.memory_space<vmem>>
      %dma_start3A_36 = arith.constant 0 : i32
      %dma_start3A_37 = arith.constant 0 : i32
      %dma_start3A_38 = tpu.memref_slice %arg2[%dma_start3A_36, %dma_start3A_37] : memref<50000x128xf32, #tpu.memory_space<hbm>> -> memref<50000x128xf32, #tpu.memory_space<hbm>>
      tpu.enqueue_indirect_dma source(%dma_start3A_38 : memref<50000x128xf32, #tpu.memory_space<hbm>>) target(%arg11 : memref<128x128xf32, #tpu.memory_space<vmem>>) offsets(%dma_start3A_35 : memref<128xi32, #tpu.memory_space<vmem>>) semaphore(%arg14 : memref<!tpu.dma_semaphore, #tpu.memory_space<semaphore_mem>>)
      %dma_start3A_39 = arith.constant 1 : i32
      %dma_start3A_40 = arith.constant 1 : i32
      %dma_start3A_41 = arith.constant 0 : i32
      %dma_start3A_42 = arith.constant 0 : i32
      %dma_start3A_43 = tpu.memref_slice %arg13[%dma_start3A_40, %dma_start3A_41, %dma_start3A_42] : memref<2x6x128xi32, #tpu.memory_space<vmem>> -> memref<1x6x128xi32, #tpu.memory_space<vmem>>
      %dma_start3A_44 = tpu.memref_squeeze %dma_start3A_43 : memref<1x6x128xi32, #tpu.memory_space<vmem>> -> memref<6x128xi32, #tpu.memory_space<vmem>>
      %dma_start3A_45 = arith.constant 0 : i32
      %dma_start3A_46 = arith.constant 0 : i32
      %dma_start3A_47 = tpu.memref_slice %arg3[%arg1, %dma_start3A_39, %dma_start3A_45, %dma_start3A_46] : memref<16x80x6x128xi32, #tpu.memory_space<hbm>> -> memref<1x1x6x128xi32, #tpu.memory_space<hbm>>
      %dma_start3A_48 = tpu.memref_squeeze %dma_start3A_47 : memref<1x1x6x128xi32, #tpu.memory_space<hbm>> -> memref<6x128xi32, #tpu.memory_space<hbm>>
      %dma_start3A_49 = arith.constant 0 : i32
      %dma_start3A_50 = arith.constant 0 : i32
      %dma_start3A_51 = tpu.memref_slice %arg13[%dma_start3A_40, %dma_start3A_49, %dma_start3A_50] : memref<2x6x128xi32, #tpu.memory_space<vmem>> -> memref<1x6x128xi32, #tpu.memory_space<vmem>>
      %dma_start3A_52 = tpu.memref_squeeze %dma_start3A_51 : memref<1x6x128xi32, #tpu.memory_space<vmem>> -> memref<6x128xi32, #tpu.memory_space<vmem>>
      %dma_start3A_53 = arith.constant 0 : i32
      %dma_start3A_54 = arith.constant 0 : i32
      %dma_start3A_55 = tpu.memref_slice %arg3[%arg1, %dma_start3A_39, %dma_start3A_53, %dma_start3A_54] : memref<16x80x6x128xi32, #tpu.memory_space<hbm>> -> memref<1x1x6x128xi32, #tpu.memory_space<hbm>>
      %dma_start3A_56 = tpu.memref_squeeze %dma_start3A_55 : memref<1x1x6x128xi32, #tpu.memory_space<hbm>> -> memref<6x128xi32, #tpu.memory_space<hbm>>
      tpu.enqueue_dma source(%dma_start3A_56 : memref<6x128xi32, #tpu.memory_space<hbm>>) target(%dma_start3A_52 : memref<6x128xi32, #tpu.memory_space<vmem>>) target_semaphore(%arg16 : memref<!tpu.dma_semaphore, #tpu.memory_space<semaphore_mem>>)
      %scan3A_57 = arith.constant 0 : i32
      %scan3A_58 = arith.constant 0 : i32
      %scan3A_59 = arith.constant 39 : i32
      %scan3A_60 = arith.addi %scan3A_58, %scan3A_59 : i32
      %scan3A_61 = arith.constant 1 : i32
      %scan3A_62 = scf.for %scan3A_345 = %scan3A_58 to %scan3A_60 step %scan3A_61 iter_args(%scan3A_346 = %scan3A_57) -> (i32)  : i32 {
        %mul3A_347 = arith.constant 2 : i32
        %mul3A_348 = arith.muli %mul3A_347, %scan3A_345 : i32
        %add3A_349 = arith.constant 0 : i32
        %add3A_350 = arith.addi %add3A_349, %mul3A_348 : i32
        %add3A_351 = arith.constant 2 : i32
        %add3A_352 = arith.addi %add3A_350, %add3A_351 : i32
        %dma_wait3A_353 = arith.constant 0 : i32
        %dma_wait3A_354 = arith.constant 0 : i32
        %dma_wait3A_355 = arith.constant 0 : i32
        %dma_wait3A_356 = arith.constant 0 : i32
        %dma_wait3A_357 = tpu.memref_slice %arg13[%dma_wait3A_354, %dma_wait3A_355, %dma_wait3A_356] : memref<2x6x128xi32, #tpu.memory_space<vmem>> -> memref<1x6x128xi32, #tpu.memory_space<vmem>>
        %dma_wait3A_358 = tpu.memref_squeeze %dma_wait3A_357 : memref<1x6x128xi32, #tpu.memory_space<vmem>> -> memref<6x128xi32, #tpu.memory_space<vmem>>
        %dma_wait3A_359 = arith.constant 0 : i32
        %dma_wait3A_360 = arith.constant 0 : i32
        %dma_wait3A_361 = tpu.memref_slice %arg3[%arg1, %dma_wait3A_353, %dma_wait3A_359, %dma_wait3A_360] : memref<16x80x6x128xi32, #tpu.memory_space<hbm>> -> memref<1x1x6x128xi32, #tpu.memory_space<hbm>>
        %dma_wait3A_362 = tpu.memref_squeeze %dma_wait3A_361 : memref<1x1x6x128xi32, #tpu.memory_space<hbm>> -> memref<6x128xi32, #tpu.memory_space<hbm>>
        %dma_wait3A_363 = arith.constant 0 : i32
        %dma_wait3A_364 = arith.constant 0 : i32
        %dma_wait3A_365 = tpu.memref_slice %arg13[%dma_wait3A_354, %dma_wait3A_363, %dma_wait3A_364] : memref<2x6x128xi32, #tpu.memory_space<vmem>> -> memref<1x6x128xi32, #tpu.memory_space<vmem>>
        %dma_wait3A_366 = tpu.memref_squeeze %dma_wait3A_365 : memref<1x6x128xi32, #tpu.memory_space<vmem>> -> memref<6x128xi32, #tpu.memory_space<vmem>>
        %dma_wait3A_367 = arith.constant 0 : i32
        %dma_wait3A_368 = arith.constant 0 : i32
        %dma_wait3A_369 = tpu.memref_slice %arg3[%arg1, %dma_wait3A_353, %dma_wait3A_367, %dma_wait3A_368] : memref<16x80x6x128xi32, #tpu.memory_space<hbm>> -> memref<1x1x6x128xi32, #tpu.memory_space<hbm>>
        %dma_wait3A_370 = tpu.memref_squeeze %dma_wait3A_369 : memref<1x1x6x128xi32, #tpu.memory_space<hbm>> -> memref<6x128xi32, #tpu.memory_space<hbm>>
        tpu.wait_dma2 semaphore(%arg16 : memref<!tpu.dma_semaphore, #tpu.memory_space<semaphore_mem>>) src(%dma_wait3A_370 : memref<6x128xi32, #tpu.memory_space<hbm>>) dst(%dma_wait3A_366 : memref<6x128xi32, #tpu.memory_space<vmem>>)
        %dma_start3A_371 = arith.constant 1 : i32
        %dma_start3A_372 = arith.constant 0 : i32
        %dma_start3A_373 = arith.constant 0 : i32
        %dma_start3A_374 = tpu.memref_slice %arg13[%dma_start3A_371, %dma_start3A_372, %dma_start3A_373] : memref<2x6x128xi32, #tpu.memory_space<vmem>> -> memref<1x1x128xi32, #tpu.memory_space<vmem>>
        %dma_start3A_375 = tpu.memref_squeeze %dma_start3A_374 : memref<1x1x128xi32, #tpu.memory_space<vmem>> -> memref<128xi32, #tpu.memory_space<vmem>>
        %dma_start3A_376 = arith.constant 0 : i32
        %dma_start3A_377 = arith.constant 0 : i32
        %dma_start3A_378 = tpu.memref_slice %arg2[%dma_start3A_376, %dma_start3A_377] : memref<50000x128xf32, #tpu.memory_space<hbm>> -> memref<50000x128xf32, #tpu.memory_space<hbm>>
        tpu.enqueue_indirect_dma source(%dma_start3A_378 : memref<50000x128xf32, #tpu.memory_space<hbm>>) target(%arg12 : memref<128x128xf32, #tpu.memory_space<vmem>>) offsets(%dma_start3A_375 : memref<128xi32, #tpu.memory_space<vmem>>) semaphore(%arg15 : memref<!tpu.dma_semaphore, #tpu.memory_space<semaphore_mem>>)
        %dma_wait3A_379 = arith.constant 0 : i32
        %dma_wait3A_380 = arith.constant 0 : i32
        %dma_wait3A_381 = arith.constant 0 : i32
        %dma_wait3A_382 = tpu.memref_slice %arg13[%dma_wait3A_379, %dma_wait3A_380, %dma_wait3A_381] : memref<2x6x128xi32, #tpu.memory_space<vmem>> -> memref<1x1x128xi32, #tpu.memory_space<vmem>>
        %dma_wait3A_383 = tpu.memref_squeeze %dma_wait3A_382 : memref<1x1x128xi32, #tpu.memory_space<vmem>> -> memref<128xi32, #tpu.memory_space<vmem>>
        %dma_wait3A_384 = arith.constant 0 : i32
        %dma_wait3A_385 = arith.constant 0 : i32
        %dma_wait3A_386 = tpu.memref_slice %arg2[%dma_wait3A_384, %dma_wait3A_385] : memref<50000x128xf32, #tpu.memory_space<hbm>> -> memref<50000x128xf32, #tpu.memory_space<hbm>>
        tpu.wait_indirect_dma semaphore(%arg14 : memref<!tpu.dma_semaphore, #tpu.memory_space<semaphore_mem>>) src(%dma_wait3A_386 : memref<50000x128xf32, #tpu.memory_space<hbm>>) dst(%arg11 : memref<128x128xf32, #tpu.memory_space<vmem>>)
        %run_scoped3A_387 = arith.constant 0 : i32
        %run_scoped3A_388 = arith.constant 5 : i32
        "tpu.region"() ({
          %run_scoped3A_462 = tpu.sem_alloc : memref<!tpu.dma_semaphore, #tpu.memory_space<semaphore_mem>>
          %dma_start3A_463 = arith.constant 0 : i32
          %dma_start3A_464 = tpu.memref_slice %arg13[%run_scoped3A_387, %run_scoped3A_388, %dma_start3A_463] : memref<2x6x128xi32, #tpu.memory_space<vmem>> -> memref<1x1x128xi32, #tpu.memory_space<vmem>>
          %dma_start3A_465 = tpu.memref_squeeze %dma_start3A_464 : memref<1x1x128xi32, #tpu.memory_space<vmem>> -> memref<128xi32, #tpu.memory_space<vmem>>
          %dma_start3A_466 = arith.constant 0 : i32
          %dma_start3A_467 = arith.constant 0 : i32
          %dma_start3A_468 = tpu.memref_slice %arg10[%dma_start3A_466, %dma_start3A_467] : memref<10240x128xf32, #tpu.memory_space<vmem_shared>> -> memref<10240x128xf32, #tpu.memory_space<vmem_shared>>
          tpu.enqueue_indirect_dma source(%arg11 : memref<128x128xf32, #tpu.memory_space<vmem>>) target(%dma_start3A_468 : memref<10240x128xf32, #tpu.memory_space<vmem_shared>>) offsets(%dma_start3A_465 : memref<128xi32, #tpu.memory_space<vmem>>) semaphore(%run_scoped3A_462 : memref<!tpu.dma_semaphore, #tpu.memory_space<semaphore_mem>>) {add = true}
          %dma_wait3A_469 = arith.constant 0 : i32
          %dma_wait3A_470 = tpu.memref_slice %arg13[%run_scoped3A_387, %run_scoped3A_388, %dma_wait3A_469] : memref<2x6x128xi32, #tpu.memory_space<vmem>> -> memref<1x1x128xi32, #tpu.memory_space<vmem>>
          %dma_wait3A_471 = tpu.memref_squeeze %dma_wait3A_470 : memref<1x1x128xi32, #tpu.memory_space<vmem>> -> memref<128xi32, #tpu.memory_space<vmem>>
          %dma_wait3A_472 = arith.constant 0 : i32
          %dma_wait3A_473 = arith.constant 0 : i32
          %dma_wait3A_474 = tpu.memref_slice %arg10[%dma_wait3A_472, %dma_wait3A_473] : memref<10240x128xf32, #tpu.memory_space<vmem_shared>> -> memref<10240x128xf32, #tpu.memory_space<vmem_shared>>
          tpu.wait_indirect_dma semaphore(%run_scoped3A_462 : memref<!tpu.dma_semaphore, #tpu.memory_space<semaphore_mem>>) src(%arg11 : memref<128x128xf32, #tpu.memory_space<vmem>>) dst(%dma_wait3A_474 : memref<10240x128xf32, #tpu.memory_space<vmem_shared>>)
          tpu.yield
        }) : () -> ()
        %dma_start3A_389 = arith.constant 0 : i32
        %dma_start3A_390 = arith.constant 0 : i32
        %dma_start3A_391 = arith.constant 0 : i32
        %dma_start3A_392 = tpu.memref_slice %arg13[%dma_start3A_389, %dma_start3A_390, %dma_start3A_391] : memref<2x6x128xi32, #tpu.memory_space<vmem>> -> memref<1x6x128xi32, #tpu.memory_space<vmem>>
        %dma_start3A_393 = tpu.memref_squeeze %dma_start3A_392 : memref<1x6x128xi32, #tpu.memory_space<vmem>> -> memref<6x128xi32, #tpu.memory_space<vmem>>
        %dma_start3A_394 = arith.constant 0 : i32
        %dma_start3A_395 = arith.constant 0 : i32
        %dma_start3A_396 = tpu.memref_slice %arg3[%arg1, %add3A_352, %dma_start3A_394, %dma_start3A_395] : memref<16x80x6x128xi32, #tpu.memory_space<hbm>> -> memref<1x1x6x128xi32, #tpu.memory_space<hbm>>
        %dma_start3A_397 = tpu.memref_squeeze %dma_start3A_396 : memref<1x1x6x128xi32, #tpu.memory_space<hbm>> -> memref<6x128xi32, #tpu.memory_space<hbm>>
        %dma_start3A_398 = arith.constant 0 : i32
        %dma_start3A_399 = arith.constant 0 : i32
        %dma_start3A_400 = tpu.memref_slice %arg13[%dma_start3A_389, %dma_start3A_398, %dma_start3A_399] : memref<2x6x128xi32, #tpu.memory_space<vmem>> -> memref<1x6x128xi32, #tpu.memory_space<vmem>>
        %dma_start3A_401 = tpu.memref_squeeze %dma_start3A_400 : memref<1x6x128xi32, #tpu.memory_space<vmem>> -> memref<6x128xi32, #tpu.memory_space<vmem>>
        %dma_start3A_402 = arith.constant 0 : i32
        %dma_start3A_403 = arith.constant 0 : i32
        %dma_start3A_404 = tpu.memref_slice %arg3[%arg1, %add3A_352, %dma_start3A_402, %dma_start3A_403] : memref<16x80x6x128xi32, #tpu.memory_space<hbm>> -> memref<1x1x6x128xi32, #tpu.memory_space<hbm>>
        %dma_start3A_405 = tpu.memref_squeeze %dma_start3A_404 : memref<1x1x6x128xi32, #tpu.memory_space<hbm>> -> memref<6x128xi32, #tpu.memory_space<hbm>>
        tpu.enqueue_dma source(%dma_start3A_405 : memref<6x128xi32, #tpu.memory_space<hbm>>) target(%dma_start3A_401 : memref<6x128xi32, #tpu.memory_space<vmem>>) target_semaphore(%arg16 : memref<!tpu.dma_semaphore, #tpu.memory_space<semaphore_mem>>)
        %dma_wait3A_406 = arith.constant 0 : i32
        %dma_wait3A_407 = arith.constant 0 : i32
        %dma_wait3A_408 = arith.constant 0 : i32
        %dma_wait3A_409 = arith.constant 0 : i32
        %dma_wait3A_410 = tpu.memref_slice %arg13[%dma_wait3A_407, %dma_wait3A_408, %dma_wait3A_409] : memref<2x6x128xi32, #tpu.memory_space<vmem>> -> memref<1x6x128xi32, #tpu.memory_space<vmem>>
        %dma_wait3A_411 = tpu.memref_squeeze %dma_wait3A_410 : memref<1x6x128xi32, #tpu.memory_space<vmem>> -> memref<6x128xi32, #tpu.memory_space<vmem>>
        %dma_wait3A_412 = arith.constant 0 : i32
        %dma_wait3A_413 = arith.constant 0 : i32
        %dma_wait3A_414 = tpu.memref_slice %arg3[%arg1, %dma_wait3A_406, %dma_wait3A_412, %dma_wait3A_413] : memref<16x80x6x128xi32, #tpu.memory_space<hbm>> -> memref<1x1x6x128xi32, #tpu.memory_space<hbm>>
        %dma_wait3A_415 = tpu.memref_squeeze %dma_wait3A_414 : memref<1x1x6x128xi32, #tpu.memory_space<hbm>> -> memref<6x128xi32, #tpu.memory_space<hbm>>
        %dma_wait3A_416 = arith.constant 0 : i32
        %dma_wait3A_417 = arith.constant 0 : i32
        %dma_wait3A_418 = tpu.memref_slice %arg13[%dma_wait3A_407, %dma_wait3A_416, %dma_wait3A_417] : memref<2x6x128xi32, #tpu.memory_space<vmem>> -> memref<1x6x128xi32, #tpu.memory_space<vmem>>
        %dma_wait3A_419 = tpu.memref_squeeze %dma_wait3A_418 : memref<1x6x128xi32, #tpu.memory_space<vmem>> -> memref<6x128xi32, #tpu.memory_space<vmem>>
        %dma_wait3A_420 = arith.constant 0 : i32
        %dma_wait3A_421 = arith.constant 0 : i32
        %dma_wait3A_422 = tpu.memref_slice %arg3[%arg1, %dma_wait3A_406, %dma_wait3A_420, %dma_wait3A_421] : memref<16x80x6x128xi32, #tpu.memory_space<hbm>> -> memref<1x1x6x128xi32, #tpu.memory_space<hbm>>
        %dma_wait3A_423 = tpu.memref_squeeze %dma_wait3A_422 : memref<1x1x6x128xi32, #tpu.memory_space<hbm>> -> memref<6x128xi32, #tpu.memory_space<hbm>>
        tpu.wait_dma2 semaphore(%arg16 : memref<!tpu.dma_semaphore, #tpu.memory_space<semaphore_mem>>) src(%dma_wait3A_423 : memref<6x128xi32, #tpu.memory_space<hbm>>) dst(%dma_wait3A_419 : memref<6x128xi32, #tpu.memory_space<vmem>>)
        %dma_start3A_424 = arith.constant 0 : i32
        %dma_start3A_425 = arith.constant 0 : i32
        %dma_start3A_426 = arith.constant 0 : i32
        %dma_start3A_427 = tpu.memref_slice %arg13[%dma_start3A_424, %dma_start3A_425, %dma_start3A_426] : memref<2x6x128xi32, #tpu.memory_space<vmem>> -> memref<1x1x128xi32, #tpu.memory_space<vmem>>
        %dma_start3A_428 = tpu.memref_squeeze %dma_start3A_427 : memref<1x1x128xi32, #tpu.memory_space<vmem>> -> memref<128xi32, #tpu.memory_space<vmem>>
        %dma_start3A_429 = arith.constant 0 : i32
        %dma_start3A_430 = arith.constant 0 : i32
        %dma_start3A_431 = tpu.memref_slice %arg2[%dma_start3A_429, %dma_start3A_430] : memref<50000x128xf32, #tpu.memory_space<hbm>> -> memref<50000x128xf32, #tpu.memory_space<hbm>>
        tpu.enqueue_indirect_dma source(%dma_start3A_431 : memref<50000x128xf32, #tpu.memory_space<hbm>>) target(%arg11 : memref<128x128xf32, #tpu.memory_space<vmem>>) offsets(%dma_start3A_428 : memref<128xi32, #tpu.memory_space<vmem>>) semaphore(%arg14 : memref<!tpu.dma_semaphore, #tpu.memory_space<semaphore_mem>>)
        %dma_wait3A_432 = arith.constant 0 : i32
        %dma_wait3A_433 = arith.constant 0 : i32
        %dma_wait3A_434 = arith.constant 0 : i32
        %dma_wait3A_435 = tpu.memref_slice %arg13[%dma_wait3A_432, %dma_wait3A_433, %dma_wait3A_434] : memref<2x6x128xi32, #tpu.memory_space<vmem>> -> memref<1x1x128xi32, #tpu.memory_space<vmem>>
        %dma_wait3A_436 = tpu.memref_squeeze %dma_wait3A_435 : memref<1x1x128xi32, #tpu.memory_space<vmem>> -> memref<128xi32, #tpu.memory_space<vmem>>
        %dma_wait3A_437 = arith.constant 0 : i32
        %dma_wait3A_438 = arith.constant 0 : i32
        %dma_wait3A_439 = tpu.memref_slice %arg2[%dma_wait3A_437, %dma_wait3A_438] : memref<50000x128xf32, #tpu.memory_space<hbm>> -> memref<50000x128xf32, #tpu.memory_space<hbm>>
        tpu.wait_indirect_dma semaphore(%arg15 : memref<!tpu.dma_semaphore, #tpu.memory_space<semaphore_mem>>) src(%dma_wait3A_439 : memref<50000x128xf32, #tpu.memory_space<hbm>>) dst(%arg12 : memref<128x128xf32, #tpu.memory_space<vmem>>)
        %run_scoped3A_440 = arith.constant 1 : i32
        %run_scoped3A_441 = arith.constant 5 : i32
        "tpu.region"() ({
          %run_scoped3A_462 = tpu.sem_alloc : memref<!tpu.dma_semaphore, #tpu.memory_space<semaphore_mem>>
          %dma_start3A_463 = arith.constant 0 : i32
          %dma_start3A_464 = tpu.memref_slice %arg13[%run_scoped3A_440, %run_scoped3A_441, %dma_start3A_463] : memref<2x6x128xi32, #tpu.memory_space<vmem>> -> memref<1x1x128xi32, #tpu.memory_space<vmem>>
          %dma_start3A_465 = tpu.memref_squeeze %dma_start3A_464 : memref<1x1x128xi32, #tpu.memory_space<vmem>> -> memref<128xi32, #tpu.memory_space<vmem>>
          %dma_start3A_466 = arith.constant 0 : i32
          %dma_start3A_467 = arith.constant 0 : i32
          %dma_start3A_468 = tpu.memref_slice %arg10[%dma_start3A_466, %dma_start3A_467] : memref<10240x128xf32, #tpu.memory_space<vmem_shared>> -> memref<10240x128xf32, #tpu.memory_space<vmem_shared>>
          tpu.enqueue_indirect_dma source(%arg12 : memref<128x128xf32, #tpu.memory_space<vmem>>) target(%dma_start3A_468 : memref<10240x128xf32, #tpu.memory_space<vmem_shared>>) offsets(%dma_start3A_465 : memref<128xi32, #tpu.memory_space<vmem>>) semaphore(%run_scoped3A_462 : memref<!tpu.dma_semaphore, #tpu.memory_space<semaphore_mem>>) {add = true}
          %dma_wait3A_469 = arith.constant 0 : i32
          %dma_wait3A_470 = tpu.memref_slice %arg13[%run_scoped3A_440, %run_scoped3A_441, %dma_wait3A_469] : memref<2x6x128xi32, #tpu.memory_space<vmem>> -> memref<1x1x128xi32, #tpu.memory_space<vmem>>
          %dma_wait3A_471 = tpu.memref_squeeze %dma_wait3A_470 : memref<1x1x128xi32, #tpu.memory_space<vmem>> -> memref<128xi32, #tpu.memory_space<vmem>>
          %dma_wait3A_472 = arith.constant 0 : i32
          %dma_wait3A_473 = arith.constant 0 : i32
          %dma_wait3A_474 = tpu.memref_slice %arg10[%dma_wait3A_472, %dma_wait3A_473] : memref<10240x128xf32, #tpu.memory_space<vmem_shared>> -> memref<10240x128xf32, #tpu.memory_space<vmem_shared>>
          tpu.wait_indirect_dma semaphore(%run_scoped3A_462 : memref<!tpu.dma_semaphore, #tpu.memory_space<semaphore_mem>>) src(%arg12 : memref<128x128xf32, #tpu.memory_space<vmem>>) dst(%dma_wait3A_474 : memref<10240x128xf32, #tpu.memory_space<vmem_shared>>)
          tpu.yield
        }) : () -> ()
        %add3A_442 = arith.constant 1 : i32
        %add3A_443 = arith.addi %add3A_352, %add3A_442 : i32
        %dma_start3A_444 = arith.constant 1 : i32
        %dma_start3A_445 = arith.constant 0 : i32
        %dma_start3A_446 = arith.constant 0 : i32
        %dma_start3A_447 = tpu.memref_slice %arg13[%dma_start3A_444, %dma_start3A_445, %dma_start3A_446] : memref<2x6x128xi32, #tpu.memory_space<vmem>> -> memref<1x6x128xi32, #tpu.memory_space<vmem>>
        %dma_start3A_448 = tpu.memref_squeeze %dma_start3A_447 : memref<1x6x128xi32, #tpu.memory_space<vmem>> -> memref<6x128xi32, #tpu.memory_space<vmem>>
        %dma_start3A_449 = arith.constant 0 : i32
        %dma_start3A_450 = arith.constant 0 : i32
        %dma_start3A_451 = tpu.memref_slice %arg3[%arg1, %add3A_443, %dma_start3A_449, %dma_start3A_450] : memref<16x80x6x128xi32, #tpu.memory_space<hbm>> -> memref<1x1x6x128xi32, #tpu.memory_space<hbm>>
        %dma_start3A_452 = tpu.memref_squeeze %dma_start3A_451 : memref<1x1x6x128xi32, #tpu.memory_space<hbm>> -> memref<6x128xi32, #tpu.memory_space<hbm>>
        %dma_start3A_453 = arith.constant 0 : i32
        %dma_start3A_454 = arith.constant 0 : i32
        %dma_start3A_455 = tpu.memref_slice %arg13[%dma_start3A_444, %dma_start3A_453, %dma_start3A_454] : memref<2x6x128xi32, #tpu.memory_space<vmem>> -> memref<1x6x128xi32, #tpu.memory_space<vmem>>
        %dma_start3A_456 = tpu.memref_squeeze %dma_start3A_455 : memref<1x6x128xi32, #tpu.memory_space<vmem>> -> memref<6x128xi32, #tpu.memory_space<vmem>>
        %dma_start3A_457 = arith.constant 0 : i32
        %dma_start3A_458 = arith.constant 0 : i32
        %dma_start3A_459 = tpu.memref_slice %arg3[%arg1, %add3A_443, %dma_start3A_457, %dma_start3A_458] : memref<16x80x6x128xi32, #tpu.memory_space<hbm>> -> memref<1x1x6x128xi32, #tpu.memory_space<hbm>>
        %dma_start3A_460 = tpu.memref_squeeze %dma_start3A_459 : memref<1x1x6x128xi32, #tpu.memory_space<hbm>> -> memref<6x128xi32, #tpu.memory_space<hbm>>
        tpu.enqueue_dma source(%dma_start3A_460 : memref<6x128xi32, #tpu.memory_space<hbm>>) target(%dma_start3A_456 : memref<6x128xi32, #tpu.memory_space<vmem>>) target_semaphore(%arg16 : memref<!tpu.dma_semaphore, #tpu.memory_space<semaphore_mem>>)
        %scan3A_461 = arith.constant 0 : i32
        scf.yield %scan3A_461 : i32
      }
      %scan3A_63 = arith.constant 39 : i32
      %dma_wait3A = arith.constant 0 : i32
      %dma_wait3A_64 = arith.constant 0 : i32
      %dma_wait3A_65 = arith.constant 0 : i32
      %dma_wait3A_66 = arith.constant 0 : i32
      %dma_wait3A_67 = tpu.memref_slice %arg13[%dma_wait3A_64, %dma_wait3A_65, %dma_wait3A_66] : memref<2x6x128xi32, #tpu.memory_space<vmem>> -> memref<1x6x128xi32, #tpu.memory_space<vmem>>
      %dma_wait3A_68 = tpu.memref_squeeze %dma_wait3A_67 : memref<1x6x128xi32, #tpu.memory_space<vmem>> -> memref<6x128xi32, #tpu.memory_space<vmem>>
      %dma_wait3A_69 = arith.constant 0 : i32
      %dma_wait3A_70 = arith.constant 0 : i32
      %dma_wait3A_71 = tpu.memref_slice %arg3[%arg1, %dma_wait3A, %dma_wait3A_69, %dma_wait3A_70] : memref<16x80x6x128xi32, #tpu.memory_space<hbm>> -> memref<1x1x6x128xi32, #tpu.memory_space<hbm>>
      %dma_wait3A_72 = tpu.memref_squeeze %dma_wait3A_71 : memref<1x1x6x128xi32, #tpu.memory_space<hbm>> -> memref<6x128xi32, #tpu.memory_space<hbm>>
      %dma_wait3A_73 = arith.constant 0 : i32
      %dma_wait3A_74 = arith.constant 0 : i32
      %dma_wait3A_75 = tpu.memref_slice %arg13[%dma_wait3A_64, %dma_wait3A_73, %dma_wait3A_74] : memref<2x6x128xi32, #tpu.memory_space<vmem>> -> memref<1x6x128xi32, #tpu.memory_space<vmem>>
      %dma_wait3A_76 = tpu.memref_squeeze %dma_wait3A_75 : memref<1x6x128xi32, #tpu.memory_space<vmem>> -> memref<6x128xi32, #tpu.memory_space<vmem>>
      %dma_wait3A_77 = arith.constant 0 : i32
      %dma_wait3A_78 = arith.constant 0 : i32
      %dma_wait3A_79 = tpu.memref_slice %arg3[%arg1, %dma_wait3A, %dma_wait3A_77, %dma_wait3A_78] : memref<16x80x6x128xi32, #tpu.memory_space<hbm>> -> memref<1x1x6x128xi32, #tpu.memory_space<hbm>>
      %dma_wait3A_80 = tpu.memref_squeeze %dma_wait3A_79 : memref<1x1x6x128xi32, #tpu.memory_space<hbm>> -> memref<6x128xi32, #tpu.memory_space<hbm>>
      tpu.wait_dma2 semaphore(%arg16 : memref<!tpu.dma_semaphore, #tpu.memory_space<semaphore_mem>>) src(%dma_wait3A_80 : memref<6x128xi32, #tpu.memory_space<hbm>>) dst(%dma_wait3A_76 : memref<6x128xi32, #tpu.memory_space<vmem>>)
      %dma_start3A_81 = arith.constant 1 : i32
      %dma_start3A_82 = arith.constant 0 : i32
      %dma_start3A_83 = arith.constant 0 : i32
      %dma_start3A_84 = tpu.memref_slice %arg13[%dma_start3A_81, %dma_start3A_82, %dma_start3A_83] : memref<2x6x128xi32, #tpu.memory_space<vmem>> -> memref<1x1x128xi32, #tpu.memory_space<vmem>>
      %dma_start3A_85 = tpu.memref_squeeze %dma_start3A_84 : memref<1x1x128xi32, #tpu.memory_space<vmem>> -> memref<128xi32, #tpu.memory_space<vmem>>
      %dma_start3A_86 = arith.constant 0 : i32
      %dma_start3A_87 = arith.constant 0 : i32
      %dma_start3A_88 = tpu.memref_slice %arg2[%dma_start3A_86, %dma_start3A_87] : memref<50000x128xf32, #tpu.memory_space<hbm>> -> memref<50000x128xf32, #tpu.memory_space<hbm>>
      tpu.enqueue_indirect_dma source(%dma_start3A_88 : memref<50000x128xf32, #tpu.memory_space<hbm>>) target(%arg12 : memref<128x128xf32, #tpu.memory_space<vmem>>) offsets(%dma_start3A_85 : memref<128xi32, #tpu.memory_space<vmem>>) semaphore(%arg15 : memref<!tpu.dma_semaphore, #tpu.memory_space<semaphore_mem>>)
      %dma_wait3A_89 = arith.constant 0 : i32
      %dma_wait3A_90 = arith.constant 0 : i32
      %dma_wait3A_91 = arith.constant 0 : i32
      %dma_wait3A_92 = tpu.memref_slice %arg13[%dma_wait3A_89, %dma_wait3A_90, %dma_wait3A_91] : memref<2x6x128xi32, #tpu.memory_space<vmem>> -> memref<1x1x128xi32, #tpu.memory_space<vmem>>
      %dma_wait3A_93 = tpu.memref_squeeze %dma_wait3A_92 : memref<1x1x128xi32, #tpu.memory_space<vmem>> -> memref<128xi32, #tpu.memory_space<vmem>>
      %dma_wait3A_94 = arith.constant 0 : i32
      %dma_wait3A_95 = arith.constant 0 : i32
      %dma_wait3A_96 = tpu.memref_slice %arg2[%dma_wait3A_94, %dma_wait3A_95] : memref<50000x128xf32, #tpu.memory_space<hbm>> -> memref<50000x128xf32, #tpu.memory_space<hbm>>
      tpu.wait_indirect_dma semaphore(%arg14 : memref<!tpu.dma_semaphore, #tpu.memory_space<semaphore_mem>>) src(%dma_wait3A_96 : memref<50000x128xf32, #tpu.memory_space<hbm>>) dst(%arg11 : memref<128x128xf32, #tpu.memory_space<vmem>>)
      %run_scoped3A_97 = arith.constant 0 : i32
      %run_scoped3A_98 = arith.constant 5 : i32
      "tpu.region"() ({
        %run_scoped3A_345 = tpu.sem_alloc : memref<!tpu.dma_semaphore, #tpu.memory_space<semaphore_mem>>
        %dma_start3A_346 = arith.constant 0 : i32
        %dma_start3A_347 = tpu.memref_slice %arg13[%run_scoped3A_97, %run_scoped3A_98, %dma_start3A_346] : memref<2x6x128xi32, #tpu.memory_space<vmem>> -> memref<1x1x128xi32, #tpu.memory_space<vmem>>
        %dma_start3A_348 = tpu.memref_squeeze %dma_start3A_347 : memref<1x1x128xi32, #tpu.memory_space<vmem>> -> memref<128xi32, #tpu.memory_space<vmem>>
        %dma_start3A_349 = arith.constant 0 : i32
        %dma_start3A_350 = arith.constant 0 : i32
        %dma_start3A_351 = tpu.memref_slice %arg10[%dma_start3A_349, %dma_start3A_350] : memref<10240x128xf32, #tpu.memory_space<vmem_shared>> -> memref<10240x128xf32, #tpu.memory_space<vmem_shared>>
        tpu.enqueue_indirect_dma source(%arg11 : memref<128x128xf32, #tpu.memory_space<vmem>>) target(%dma_start3A_351 : memref<10240x128xf32, #tpu.memory_space<vmem_shared>>) offsets(%dma_start3A_348 : memref<128xi32, #tpu.memory_space<vmem>>) semaphore(%run_scoped3A_345 : memref<!tpu.dma_semaphore, #tpu.memory_space<semaphore_mem>>) {add = true}
        %dma_wait3A_352 = arith.constant 0 : i32
        %dma_wait3A_353 = tpu.memref_slice %arg13[%run_scoped3A_97, %run_scoped3A_98, %dma_wait3A_352] : memref<2x6x128xi32, #tpu.memory_space<vmem>> -> memref<1x1x128xi32, #tpu.memory_space<vmem>>
        %dma_wait3A_354 = tpu.memref_squeeze %dma_wait3A_353 : memref<1x1x128xi32, #tpu.memory_space<vmem>> -> memref<128xi32, #tpu.memory_space<vmem>>
        %dma_wait3A_355 = arith.constant 0 : i32
        %dma_wait3A_356 = arith.constant 0 : i32
        %dma_wait3A_357 = tpu.memref_slice %arg10[%dma_wait3A_355, %dma_wait3A_356] : memref<10240x128xf32, #tpu.memory_space<vmem_shared>> -> memref<10240x128xf32, #tpu.memory_space<vmem_shared>>
        tpu.wait_indirect_dma semaphore(%run_scoped3A_345 : memref<!tpu.dma_semaphore, #tpu.memory_space<semaphore_mem>>) src(%arg11 : memref<128x128xf32, #tpu.memory_space<vmem>>) dst(%dma_wait3A_357 : memref<10240x128xf32, #tpu.memory_space<vmem_shared>>)
        tpu.yield
      }) : () -> ()
      %dma_wait3A_99 = arith.constant 0 : i32
      %dma_wait3A_100 = arith.constant 0 : i32
      %dma_wait3A_101 = arith.constant 0 : i32
      %dma_wait3A_102 = tpu.memref_slice %arg13[%dma_wait3A_99, %dma_wait3A_100, %dma_wait3A_101] : memref<2x6x128xi32, #tpu.memory_space<vmem>> -> memref<1x1x128xi32, #tpu.memory_space<vmem>>
      %dma_wait3A_103 = tpu.memref_squeeze %dma_wait3A_102 : memref<1x1x128xi32, #tpu.memory_space<vmem>> -> memref<128xi32, #tpu.memory_space<vmem>>
      %dma_wait3A_104 = arith.constant 0 : i32
      %dma_wait3A_105 = arith.constant 0 : i32
      %dma_wait3A_106 = tpu.memref_slice %arg2[%dma_wait3A_104, %dma_wait3A_105] : memref<50000x128xf32, #tpu.memory_space<hbm>> -> memref<50000x128xf32, #tpu.memory_space<hbm>>
      tpu.wait_indirect_dma semaphore(%arg15 : memref<!tpu.dma_semaphore, #tpu.memory_space<semaphore_mem>>) src(%dma_wait3A_106 : memref<50000x128xf32, #tpu.memory_space<hbm>>) dst(%arg12 : memref<128x128xf32, #tpu.memory_space<vmem>>)
      %run_scoped3A_107 = arith.constant 1 : i32
      %run_scoped3A_108 = arith.constant 5 : i32
      "tpu.region"() ({
        %run_scoped3A_345 = tpu.sem_alloc : memref<!tpu.dma_semaphore, #tpu.memory_space<semaphore_mem>>
        %dma_start3A_346 = arith.constant 0 : i32
        %dma_start3A_347 = tpu.memref_slice %arg13[%run_scoped3A_107, %run_scoped3A_108, %dma_start3A_346] : memref<2x6x128xi32, #tpu.memory_space<vmem>> -> memref<1x1x128xi32, #tpu.memory_space<vmem>>
        %dma_start3A_348 = tpu.memref_squeeze %dma_start3A_347 : memref<1x1x128xi32, #tpu.memory_space<vmem>> -> memref<128xi32, #tpu.memory_space<vmem>>
        %dma_start3A_349 = arith.constant 0 : i32
        %dma_start3A_350 = arith.constant 0 : i32
        %dma_start3A_351 = tpu.memref_slice %arg10[%dma_start3A_349, %dma_start3A_350] : memref<10240x128xf32, #tpu.memory_space<vmem_shared>> -> memref<10240x128xf32, #tpu.memory_space<vmem_shared>>
        tpu.enqueue_indirect_dma source(%arg12 : memref<128x128xf32, #tpu.memory_space<vmem>>) target(%dma_start3A_351 : memref<10240x128xf32, #tpu.memory_space<vmem_shared>>) offsets(%dma_start3A_348 : memref<128xi32, #tpu.memory_space<vmem>>) semaphore(%run_scoped3A_345 : memref<!tpu.dma_semaphore, #tpu.memory_space<semaphore_mem>>) {add = true}
        %dma_wait3A_352 = arith.constant 0 : i32
        %dma_wait3A_353 = tpu.memref_slice %arg13[%run_scoped3A_107, %run_scoped3A_108, %dma_wait3A_352] : memref<2x6x128xi32, #tpu.memory_space<vmem>> -> memref<1x1x128xi32, #tpu.memory_space<vmem>>
        %dma_wait3A_354 = tpu.memref_squeeze %dma_wait3A_353 : memref<1x1x128xi32, #tpu.memory_space<vmem>> -> memref<128xi32, #tpu.memory_space<vmem>>
        %dma_wait3A_355 = arith.constant 0 : i32
        %dma_wait3A_356 = arith.constant 0 : i32
        %dma_wait3A_357 = tpu.memref_slice %arg10[%dma_wait3A_355, %dma_wait3A_356] : memref<10240x128xf32, #tpu.memory_space<vmem_shared>> -> memref<10240x128xf32, #tpu.memory_space<vmem_shared>>
        tpu.wait_indirect_dma semaphore(%run_scoped3A_345 : memref<!tpu.dma_semaphore, #tpu.memory_space<semaphore_mem>>) src(%arg12 : memref<128x128xf32, #tpu.memory_space<vmem>>) dst(%dma_wait3A_357 : memref<10240x128xf32, #tpu.memory_space<vmem_shared>>)
        tpu.yield
      }) : () -> ()
      %barrier3A_109 = arith.constant 0 : index
      tpu.barrier barrier_id(%barrier3A_109)
      %mul3A_110 = arith.constant 640 : i32
      %mul3A_111 = arith.muli %arg1, %mul3A_110 : i32
      %mul3A_112 = arith.constant 640 : i32
      %mul3A_113 = arith.muli %arg1, %mul3A_112 : i32
      "tpu.region"() ({
        %run_scoped3A_345 = tpu.sem_alloc : memref<!tpu.dma_semaphore, #tpu.memory_space<semaphore_mem>>
        %dma_start3A_346 = arith.constant 0 : i32
        %dma_start3A_347 = tpu.memref_slice %arg4[%mul3A_113, %dma_start3A_346] : memref<10240x128xf32, #tpu.memory_space<hbm>> -> memref<640x128xf32, #tpu.memory_space<hbm>>
        %dma_start3A_348 = arith.constant 0 : i32
        %dma_start3A_349 = tpu.memref_slice %arg10[%mul3A_111, %dma_start3A_348] : memref<10240x128xf32, #tpu.memory_space<vmem_shared>> -> memref<640x128xf32, #tpu.memory_space<vmem_shared>>
        tpu.enqueue_dma source(%dma_start3A_349 : memref<640x128xf32, #tpu.memory_space<vmem_shared>>) target(%dma_start3A_347 : memref<640x128xf32, #tpu.memory_space<hbm>>) target_semaphore(%run_scoped3A_345 : memref<!tpu.dma_semaphore, #tpu.memory_space<semaphore_mem>>)
        %dma_wait3A_350 = arith.constant 0 : i32
        %dma_wait3A_351 = tpu.memref_slice %arg4[%mul3A_113, %dma_wait3A_350] : memref<10240x128xf32, #tpu.memory_space<hbm>> -> memref<640x128xf32, #tpu.memory_space<hbm>>
        %dma_wait3A_352 = arith.constant 0 : i32
        %dma_wait3A_353 = tpu.memref_slice %arg10[%mul3A_111, %dma_wait3A_352] : memref<10240x128xf32, #tpu.memory_space<vmem_shared>> -> memref<640x128xf32, #tpu.memory_space<vmem_shared>>
        tpu.wait_dma2 semaphore(%run_scoped3A_345 : memref<!tpu.dma_semaphore, #tpu.memory_space<semaphore_mem>>) src(%dma_wait3A_353 : memref<640x128xf32, #tpu.memory_space<vmem_shared>>) dst(%dma_wait3A_351 : memref<640x128xf32, #tpu.memory_space<hbm>>)
        tpu.yield
      }) : () -> ()
      %barrier3A_114 = arith.constant 0 : index
      tpu.barrier barrier_id(%barrier3A_114)
      %scan3A_115 = arith.constant 0 : i32
      %scan3A_116 = arith.constant 0 : i32
      %scan3A_117 = arith.constant 128 : i32
      %scan3A_118 = arith.addi %scan3A_116, %scan3A_117 : i32
      %scan3A_119 = arith.constant 1 : i32
      %scan3A_120 = scf.for %scan3A_345 = %scan3A_116 to %scan3A_118 step %scan3A_119 iter_args(%scan3A_346 = %scan3A_115) -> (i32)  : i32 {
        %scan3A_347 = arith.constant 0 : i32
        %scan3A_348 = arith.constant 0 : i32
        %scan3A_349 = arith.constant 8 : i32
        %scan3A_350 = arith.addi %scan3A_348, %scan3A_349 : i32
        %scan3A_351 = arith.constant 1 : i32
        %scan3A_352 = scf.for %scan3A_354 = %scan3A_348 to %scan3A_350 step %scan3A_351 iter_args(%scan3A_355 = %scan3A_347) -> (i32)  : i32 {
          %broadcast_in_dim3A = arith.constant 0.000000e+00 : f32
          %broadcast_in_dim3A_356 = vector.broadcast %broadcast_in_dim3A : f32 to vector<16xf32>
          %mul3A_357 = arith.constant 16 : i32
          %mul3A_358 = arith.muli %scan3A_354, %mul3A_357 : i32
          %swap3A = arith.index_cast %scan3A_345 : i32 to index
          %swap3A_359 = arith.index_cast %mul3A_358 : i32 to index
          %swap3A_360 = tpu.vector_load %arg11[%swap3A, %swap3A_359] {strides = array<i32>} : memref<128x128xf32, #tpu.memory_space<vmem>>, vector<1x16xf32>,
          %swap3A_361 = vector.shape_cast %swap3A_360 : vector<1x16xf32> to vector<16xf32>
          %swap3A_362 = vector.shape_cast %broadcast_in_dim3A_356 : vector<16xf32> to vector<1x16xf32>
          tpu.vector_store %arg11[%swap3A, %swap3A_359], %swap3A_362 {strides = array<i32>} : memref<128x128xf32, #tpu.memory_space<vmem>>, vector<1x16xf32>,
          %scan3A_363 = arith.constant 0 : i32
          scf.yield %scan3A_363 : i32
        }
        %scan3A_353 = arith.constant 8 : i32
        scf.yield %scan3A_352 : i32
      }
      %scan3A_121 = arith.constant 128 : i32
      %mul3A_122 = arith.constant 640 : i32
      %mul3A_123 = arith.muli %arg1, %mul3A_122 : i32
      %add3A_124 = arith.constant 0 : i32
      %add3A_125 = arith.addi %mul3A_123, %add3A_124 : i32
      "tpu.region"() ({
        %run_scoped3A_345 = tpu.sem_alloc : memref<!tpu.dma_semaphore, #tpu.memory_space<semaphore_mem>>
        %dma_start3A_346 = arith.constant 0 : i32
        %dma_start3A_347 = tpu.memref_slice %arg10[%add3A_125, %dma_start3A_346] : memref<10240x128xf32, #tpu.memory_space<vmem_shared>> -> memref<128x128xf32, #tpu.memory_space<vmem_shared>>
        %dma_start3A_348 = arith.constant 0 : i32
        %dma_start3A_349 = tpu.memref_slice %arg10[%add3A_125, %dma_start3A_348] : memref<10240x128xf32, #tpu.memory_space<vmem_shared>> -> memref<128x128xf32, #tpu.memory_space<vmem_shared>>
        tpu.enqueue_dma source(%arg11 : memref<128x128xf32, #tpu.memory_space<vmem>>) target(%dma_start3A_349 : memref<128x128xf32, #tpu.memory_space<vmem_shared>>) target_semaphore(%run_scoped3A_345 : memref<!tpu.dma_semaphore, #tpu.memory_space<semaphore_mem>>)
        %dma_wait3A_350 = arith.constant 0 : i32
        %dma_wait3A_351 = tpu.memref_slice %arg10[%add3A_125, %dma_wait3A_350] : memref<10240x128xf32, #tpu.memory_space<vmem_shared>> -> memref<128x128xf32, #tpu.memory_space<vmem_shared>>
        %dma_wait3A_352 = arith.constant 0 : i32
        %dma_wait3A_353 = tpu.memref_slice %arg10[%add3A_125, %dma_wait3A_352] : memref<10240x128xf32, #tpu.memory_space<vmem_shared>> -> memref<128x128xf32, #tpu.memory_space<vmem_shared>>
        tpu.wait_dma2 semaphore(%run_scoped3A_345 : memref<!tpu.dma_semaphore, #tpu.memory_space<semaphore_mem>>) src(%arg11 : memref<128x128xf32, #tpu.memory_space<vmem>>) dst(%dma_wait3A_353 : memref<128x128xf32, #tpu.memory_space<vmem_shared>>)
        tpu.yield
      }) : () -> ()
      %mul3A_126 = arith.constant 640 : i32
      %mul3A_127 = arith.muli %arg1, %mul3A_126 : i32
      %add3A_128 = arith.constant 128 : i32
      %add3A_129 = arith.addi %mul3A_127, %add3A_128 : i32
      "tpu.region"() ({
        %run_scoped3A_345 = tpu.sem_alloc : memref<!tpu.dma_semaphore, #tpu.memory_space<semaphore_mem>>
        %dma_start3A_346 = arith.constant 0 : i32
        %dma_start3A_347 = tpu.memref_slice %arg10[%add3A_129, %dma_start3A_346] : memref<10240x128xf32, #tpu.memory_space<vmem_shared>> -> memref<128x128xf32, #tpu.memory_space<vmem_shared>>
        %dma_start3A_348 = arith.constant 0 : i32
        %dma_start3A_349 = tpu.memref_slice %arg10[%add3A_129, %dma_start3A_348] : memref<10240x128xf32, #tpu.memory_space<vmem_shared>> -> memref<128x128xf32, #tpu.memory_space<vmem_shared>>
        tpu.enqueue_dma source(%arg11 : memref<128x128xf32, #tpu.memory_space<vmem>>) target(%dma_start3A_349 : memref<128x128xf32, #tpu.memory_space<vmem_shared>>) target_semaphore(%run_scoped3A_345 : memref<!tpu.dma_semaphore, #tpu.memory_space<semaphore_mem>>)
        %dma_wait3A_350 = arith.constant 0 : i32
        %dma_wait3A_351 = tpu.memref_slice %arg10[%add3A_129, %dma_wait3A_350] : memref<10240x128xf32, #tpu.memory_space<vmem_shared>> -> memref<128x128xf32, #tpu.memory_space<vmem_shared>>
        %dma_wait3A_352 = arith.constant 0 : i32
        %dma_wait3A_353 = tpu.memref_slice %arg10[%add3A_129, %dma_wait3A_352] : memref<10240x128xf32, #tpu.memory_space<vmem_shared>> -> memref<128x128xf32, #tpu.memory_space<vmem_shared>>
        tpu.wait_dma2 semaphore(%run_scoped3A_345 : memref<!tpu.dma_semaphore, #tpu.memory_space<semaphore_mem>>) src(%arg11 : memref<128x128xf32, #tpu.memory_space<vmem>>) dst(%dma_wait3A_353 : memref<128x128xf32, #tpu.memory_space<vmem_shared>>)
        tpu.yield
      }) : () -> ()
      %mul3A_130 = arith.constant 640 : i32
      %mul3A_131 = arith.muli %arg1, %mul3A_130 : i32
      %add3A_132 = arith.constant 256 : i32
      %add3A_133 = arith.addi %mul3A_131, %add3A_132 : i32
      "tpu.region"() ({
        %run_scoped3A_345 = tpu.sem_alloc : memref<!tpu.dma_semaphore, #tpu.memory_space<semaphore_mem>>
        %dma_start3A_346 = arith.constant 0 : i32
        %dma_start3A_347 = tpu.memref_slice %arg10[%add3A_133, %dma_start3A_346] : memref<10240x128xf32, #tpu.memory_space<vmem_shared>> -> memref<128x128xf32, #tpu.memory_space<vmem_shared>>
        %dma_start3A_348 = arith.constant 0 : i32
        %dma_start3A_349 = tpu.memref_slice %arg10[%add3A_133, %dma_start3A_348] : memref<10240x128xf32, #tpu.memory_space<vmem_shared>> -> memref<128x128xf32, #tpu.memory_space<vmem_shared>>
        tpu.enqueue_dma source(%arg11 : memref<128x128xf32, #tpu.memory_space<vmem>>) target(%dma_start3A_349 : memref<128x128xf32, #tpu.memory_space<vmem_shared>>) target_semaphore(%run_scoped3A_345 : memref<!tpu.dma_semaphore, #tpu.memory_space<semaphore_mem>>)
        %dma_wait3A_350 = arith.constant 0 : i32
        %dma_wait3A_351 = tpu.memref_slice %arg10[%add3A_133, %dma_wait3A_350] : memref<10240x128xf32, #tpu.memory_space<vmem_shared>> -> memref<128x128xf32, #tpu.memory_space<vmem_shared>>
        %dma_wait3A_352 = arith.constant 0 : i32
        %dma_wait3A_353 = tpu.memref_slice %arg10[%add3A_133, %dma_wait3A_352] : memref<10240x128xf32, #tpu.memory_space<vmem_shared>> -> memref<128x128xf32, #tpu.memory_space<vmem_shared>>
        tpu.wait_dma2 semaphore(%run_scoped3A_345 : memref<!tpu.dma_semaphore, #tpu.memory_space<semaphore_mem>>) src(%arg11 : memref<128x128xf32, #tpu.memory_space<vmem>>) dst(%dma_wait3A_353 : memref<128x128xf32, #tpu.memory_space<vmem_shared>>)
        tpu.yield
      }) : () -> ()
      %mul3A_134 = arith.constant 640 : i32
      %mul3A_135 = arith.muli %arg1, %mul3A_134 : i32
      %add3A_136 = arith.constant 384 : i32
      %add3A_137 = arith.addi %mul3A_135, %add3A_136 : i32
      "tpu.region"() ({
        %run_scoped3A_345 = tpu.sem_alloc : memref<!tpu.dma_semaphore, #tpu.memory_space<semaphore_mem>>
        %dma_start3A_346 = arith.constant 0 : i32
        %dma_start3A_347 = tpu.memref_slice %arg10[%add3A_137, %dma_start3A_346] : memref<10240x128xf32, #tpu.memory_space<vmem_shared>> -> memref<128x128xf32, #tpu.memory_space<vmem_shared>>
        %dma_start3A_348 = arith.constant 0 : i32
        %dma_start3A_349 = tpu.memref_slice %arg10[%add3A_137, %dma_start3A_348] : memref<10240x128xf32, #tpu.memory_space<vmem_shared>> -> memref<128x128xf32, #tpu.memory_space<vmem_shared>>
        tpu.enqueue_dma source(%arg11 : memref<128x128xf32, #tpu.memory_space<vmem>>) target(%dma_start3A_349 : memref<128x128xf32, #tpu.memory_space<vmem_shared>>) target_semaphore(%run_scoped3A_345 : memref<!tpu.dma_semaphore, #tpu.memory_space<semaphore_mem>>)
        %dma_wait3A_350 = arith.constant 0 : i32
        %dma_wait3A_351 = tpu.memref_slice %arg10[%add3A_137, %dma_wait3A_350] : memref<10240x128xf32, #tpu.memory_space<vmem_shared>> -> memref<128x128xf32, #tpu.memory_space<vmem_shared>>
        %dma_wait3A_352 = arith.constant 0 : i32
        %dma_wait3A_353 = tpu.memref_slice %arg10[%add3A_137, %dma_wait3A_352] : memref<10240x128xf32, #tpu.memory_space<vmem_shared>> -> memref<128x128xf32, #tpu.memory_space<vmem_shared>>
        tpu.wait_dma2 semaphore(%run_scoped3A_345 : memref<!tpu.dma_semaphore, #tpu.memory_space<semaphore_mem>>) src(%arg11 : memref<128x128xf32, #tpu.memory_space<vmem>>) dst(%dma_wait3A_353 : memref<128x128xf32, #tpu.memory_space<vmem_shared>>)
        tpu.yield
      }) : () -> ()
      %mul3A_138 = arith.constant 640 : i32
      %mul3A_139 = arith.muli %arg1, %mul3A_138 : i32
      %add3A_140 = arith.constant 512 : i32
      %add3A_141 = arith.addi %mul3A_139, %add3A_140 : i32
      "tpu.region"() ({
        %run_scoped3A_345 = tpu.sem_alloc : memref<!tpu.dma_semaphore, #tpu.memory_space<semaphore_mem>>
        %dma_start3A_346 = arith.constant 0 : i32
        %dma_start3A_347 = tpu.memref_slice %arg10[%add3A_141, %dma_start3A_346] : memref<10240x128xf32, #tpu.memory_space<vmem_shared>> -> memref<128x128xf32, #tpu.memory_space<vmem_shared>>
        %dma_start3A_348 = arith.constant 0 : i32
        %dma_start3A_349 = tpu.memref_slice %arg10[%add3A_141, %dma_start3A_348] : memref<10240x128xf32, #tpu.memory_space<vmem_shared>> -> memref<128x128xf32, #tpu.memory_space<vmem_shared>>
        tpu.enqueue_dma source(%arg11 : memref<128x128xf32, #tpu.memory_space<vmem>>) target(%dma_start3A_349 : memref<128x128xf32, #tpu.memory_space<vmem_shared>>) target_semaphore(%run_scoped3A_345 : memref<!tpu.dma_semaphore, #tpu.memory_space<semaphore_mem>>)
        %dma_wait3A_350 = arith.constant 0 : i32
        %dma_wait3A_351 = tpu.memref_slice %arg10[%add3A_141, %dma_wait3A_350] : memref<10240x128xf32, #tpu.memory_space<vmem_shared>> -> memref<128x128xf32, #tpu.memory_space<vmem_shared>>
        %dma_wait3A_352 = arith.constant 0 : i32
        %dma_wait3A_353 = tpu.memref_slice %arg10[%add3A_141, %dma_wait3A_352] : memref<10240x128xf32, #tpu.memory_space<vmem_shared>> -> memref<128x128xf32, #tpu.memory_space<vmem_shared>>
        tpu.wait_dma2 semaphore(%run_scoped3A_345 : memref<!tpu.dma_semaphore, #tpu.memory_space<semaphore_mem>>) src(%arg11 : memref<128x128xf32, #tpu.memory_space<vmem>>) dst(%dma_wait3A_353 : memref<128x128xf32, #tpu.memory_space<vmem_shared>>)
        tpu.yield
      }) : () -> ()
      %barrier3A_142 = arith.constant 0 : index
      tpu.barrier barrier_id(%barrier3A_142)
      %run_scoped3A_143 = arith.constant 0 : i32
      %run_scoped3A_144 = arith.constant 0 : i32
      "tpu.region"() ({
        %run_scoped3A_345 = tpu.sem_alloc : memref<!tpu.dma_semaphore, #tpu.memory_space<semaphore_mem>>
        %dma_start3A_346 = arith.constant 0 : i32
        %dma_start3A_347 = arith.constant 0 : i32
        %dma_start3A_348 = tpu.memref_slice %arg13[%run_scoped3A_144, %dma_start3A_346, %dma_start3A_347] : memref<2x6x128xi32, #tpu.memory_space<vmem>> -> memref<1x6x128xi32, #tpu.memory_space<vmem>>
        %dma_start3A_349 = tpu.memref_squeeze %dma_start3A_348 : memref<1x6x128xi32, #tpu.memory_space<vmem>> -> memref<6x128xi32, #tpu.memory_space<vmem>>
        %dma_start3A_350 = arith.constant 0 : i32
        %dma_start3A_351 = arith.constant 0 : i32
        %dma_start3A_352 = tpu.memref_slice %arg3[%arg1, %run_scoped3A_143, %dma_start3A_350, %dma_start3A_351] : memref<16x80x6x128xi32, #tpu.memory_space<hbm>> -> memref<1x1x6x128xi32, #tpu.memory_space<hbm>>
        %dma_start3A_353 = tpu.memref_squeeze %dma_start3A_352 : memref<1x1x6x128xi32, #tpu.memory_space<hbm>> -> memref<6x128xi32, #tpu.memory_space<hbm>>
        %dma_start3A_354 = arith.constant 0 : i32
        %dma_start3A_355 = arith.constant 0 : i32
        %dma_start3A_356 = tpu.memref_slice %arg13[%run_scoped3A_144, %dma_start3A_354, %dma_start3A_355] : memref<2x6x128xi32, #tpu.memory_space<vmem>> -> memref<1x6x128xi32, #tpu.memory_space<vmem>>
        %dma_start3A_357 = tpu.memref_squeeze %dma_start3A_356 : memref<1x6x128xi32, #tpu.memory_space<vmem>> -> memref<6x128xi32, #tpu.memory_space<vmem>>
        %dma_start3A_358 = arith.constant 0 : i32
        %dma_start3A_359 = arith.constant 0 : i32
        %dma_start3A_360 = tpu.memref_slice %arg3[%arg1, %run_scoped3A_143, %dma_start3A_358, %dma_start3A_359] : memref<16x80x6x128xi32, #tpu.memory_space<hbm>> -> memref<1x1x6x128xi32, #tpu.memory_space<hbm>>
        %dma_start3A_361 = tpu.memref_squeeze %dma_start3A_360 : memref<1x1x6x128xi32, #tpu.memory_space<hbm>> -> memref<6x128xi32, #tpu.memory_space<hbm>>
        tpu.enqueue_dma source(%dma_start3A_361 : memref<6x128xi32, #tpu.memory_space<hbm>>) target(%dma_start3A_357 : memref<6x128xi32, #tpu.memory_space<vmem>>) target_semaphore(%run_scoped3A_345 : memref<!tpu.dma_semaphore, #tpu.memory_space<semaphore_mem>>)
        %dma_wait3A_362 = arith.constant 0 : i32
        %dma_wait3A_363 = arith.constant 0 : i32
        %dma_wait3A_364 = tpu.memref_slice %arg13[%run_scoped3A_144, %dma_wait3A_362, %dma_wait3A_363] : memref<2x6x128xi32, #tpu.memory_space<vmem>> -> memref<1x6x128xi32, #tpu.memory_space<vmem>>
        %dma_wait3A_365 = tpu.memref_squeeze %dma_wait3A_364 : memref<1x6x128xi32, #tpu.memory_space<vmem>> -> memref<6x128xi32, #tpu.memory_space<vmem>>
        %dma_wait3A_366 = arith.constant 0 : i32
        %dma_wait3A_367 = arith.constant 0 : i32
        %dma_wait3A_368 = tpu.memref_slice %arg3[%arg1, %run_scoped3A_143, %dma_wait3A_366, %dma_wait3A_367] : memref<16x80x6x128xi32, #tpu.memory_space<hbm>> -> memref<1x1x6x128xi32, #tpu.memory_space<hbm>>
        %dma_wait3A_369 = tpu.memref_squeeze %dma_wait3A_368 : memref<1x1x6x128xi32, #tpu.memory_space<hbm>> -> memref<6x128xi32, #tpu.memory_space<hbm>>
        %dma_wait3A_370 = arith.constant 0 : i32
        %dma_wait3A_371 = arith.constant 0 : i32
        %dma_wait3A_372 = tpu.memref_slice %arg13[%run_scoped3A_144, %dma_wait3A_370, %dma_wait3A_371] : memref<2x6x128xi32, #tpu.memory_space<vmem>> -> memref<1x6x128xi32, #tpu.memory_space<vmem>>
        %dma_wait3A_373 = tpu.memref_squeeze %dma_wait3A_372 : memref<1x6x128xi32, #tpu.memory_space<vmem>> -> memref<6x128xi32, #tpu.memory_space<vmem>>
        %dma_wait3A_374 = arith.constant 0 : i32
        %dma_wait3A_375 = arith.constant 0 : i32
        %dma_wait3A_376 = tpu.memref_slice %arg3[%arg1, %run_scoped3A_143, %dma_wait3A_374, %dma_wait3A_375] : memref<16x80x6x128xi32, #tpu.memory_space<hbm>> -> memref<1x1x6x128xi32, #tpu.memory_space<hbm>>
        %dma_wait3A_377 = tpu.memref_squeeze %dma_wait3A_376 : memref<1x1x6x128xi32, #tpu.memory_space<hbm>> -> memref<6x128xi32, #tpu.memory_space<hbm>>
        tpu.wait_dma2 semaphore(%run_scoped3A_345 : memref<!tpu.dma_semaphore, #tpu.memory_space<semaphore_mem>>) src(%dma_wait3A_377 : memref<6x128xi32, #tpu.memory_space<hbm>>) dst(%dma_wait3A_373 : memref<6x128xi32, #tpu.memory_space<vmem>>)
        tpu.yield
      }) : () -> ()
      %dma_start3A_145 = arith.constant 0 : i32
      %dma_start3A_146 = arith.constant 1 : i32
      %dma_start3A_147 = arith.constant 0 : i32
      %dma_start3A_148 = tpu.memref_slice %arg13[%dma_start3A_145, %dma_start3A_146, %dma_start3A_147] : memref<2x6x128xi32, #tpu.memory_space<vmem>> -> memref<1x1x128xi32, #tpu.memory_space<vmem>>
      %dma_start3A_149 = tpu.memref_squeeze %dma_start3A_148 : memref<1x1x128xi32, #tpu.memory_space<vmem>> -> memref<128xi32, #tpu.memory_space<vmem>>
      %dma_start3A_150 = arith.constant 0 : i32
      %dma_start3A_151 = arith.constant 0 : i32
      %dma_start3A_152 = tpu.memref_slice %arg2[%dma_start3A_150, %dma_start3A_151] : memref<50000x128xf32, #tpu.memory_space<hbm>> -> memref<50000x128xf32, #tpu.memory_space<hbm>>
      tpu.enqueue_indirect_dma source(%dma_start3A_152 : memref<50000x128xf32, #tpu.memory_space<hbm>>) target(%arg11 : memref<128x128xf32, #tpu.memory_space<vmem>>) offsets(%dma_start3A_149 : memref<128xi32, #tpu.memory_space<vmem>>) semaphore(%arg14 : memref<!tpu.dma_semaphore, #tpu.memory_space<semaphore_mem>>)
      %dma_start3A_153 = arith.constant 1 : i32
      %dma_start3A_154 = arith.constant 1 : i32
      %dma_start3A_155 = arith.constant 0 : i32
      %dma_start3A_156 = arith.constant 0 : i32
      %dma_start3A_157 = tpu.memref_slice %arg13[%dma_start3A_154, %dma_start3A_155, %dma_start3A_156] : memref<2x6x128xi32, #tpu.memory_space<vmem>> -> memref<1x6x128xi32, #tpu.memory_space<vmem>>
      %dma_start3A_158 = tpu.memref_squeeze %dma_start3A_157 : memref<1x6x128xi32, #tpu.memory_space<vmem>> -> memref<6x128xi32, #tpu.memory_space<vmem>>
      %dma_start3A_159 = arith.constant 0 : i32
      %dma_start3A_160 = arith.constant 0 : i32
      %dma_start3A_161 = tpu.memref_slice %arg3[%arg1, %dma_start3A_153, %dma_start3A_159, %dma_start3A_160] : memref<16x80x6x128xi32, #tpu.memory_space<hbm>> -> memref<1x1x6x128xi32, #tpu.memory_space<hbm>>
      %dma_start3A_162 = tpu.memref_squeeze %dma_start3A_161 : memref<1x1x6x128xi32, #tpu.memory_space<hbm>> -> memref<6x128xi32, #tpu.memory_space<hbm>>
      %dma_start3A_163 = arith.constant 0 : i32
      %dma_start3A_164 = arith.constant 0 : i32
      %dma_start3A_165 = tpu.memref_slice %arg13[%dma_start3A_154, %dma_start3A_163, %dma_start3A_164] : memref<2x6x128xi32, #tpu.memory_space<vmem>> -> memref<1x6x128xi32, #tpu.memory_space<vmem>>
      %dma_start3A_166 = tpu.memref_squeeze %dma_start3A_165 : memref<1x6x128xi32, #tpu.memory_space<vmem>> -> memref<6x128xi32, #tpu.memory_space<vmem>>
      %dma_start3A_167 = arith.constant 0 : i32
      %dma_start3A_168 = arith.constant 0 : i32
      %dma_start3A_169 = tpu.memref_slice %arg3[%arg1, %dma_start3A_153, %dma_start3A_167, %dma_start3A_168] : memref<16x80x6x128xi32, #tpu.memory_space<hbm>> -> memref<1x1x6x128xi32, #tpu.memory_space<hbm>>
      %dma_start3A_170 = tpu.memref_squeeze %dma_start3A_169 : memref<1x1x6x128xi32, #tpu.memory_space<hbm>> -> memref<6x128xi32, #tpu.memory_space<hbm>>
      tpu.enqueue_dma source(%dma_start3A_170 : memref<6x128xi32, #tpu.memory_space<hbm>>) target(%dma_start3A_166 : memref<6x128xi32, #tpu.memory_space<vmem>>) target_semaphore(%arg16 : memref<!tpu.dma_semaphore, #tpu.memory_space<semaphore_mem>>)
      %scan3A_171 = arith.constant 0 : i32
      %scan3A_172 = arith.constant 0 : i32
      %scan3A_173 = arith.constant 39 : i32
      %scan3A_174 = arith.addi %scan3A_172, %scan3A_173 : i32
      %scan3A_175 = arith.constant 1 : i32
      %scan3A_176 = scf.for %scan3A_345 = %scan3A_172 to %scan3A_174 step %scan3A_175 iter_args(%scan3A_346 = %scan3A_171) -> (i32)  : i32 {
        %mul3A_347 = arith.constant 2 : i32
        %mul3A_348 = arith.muli %mul3A_347, %scan3A_345 : i32
        %add3A_349 = arith.constant 0 : i32
        %add3A_350 = arith.addi %add3A_349, %mul3A_348 : i32
        %add3A_351 = arith.constant 2 : i32
        %add3A_352 = arith.addi %add3A_350, %add3A_351 : i32
        %dma_wait3A_353 = arith.constant 0 : i32
        %dma_wait3A_354 = arith.constant 0 : i32
        %dma_wait3A_355 = arith.constant 0 : i32
        %dma_wait3A_356 = arith.constant 0 : i32
        %dma_wait3A_357 = tpu.memref_slice %arg13[%dma_wait3A_354, %dma_wait3A_355, %dma_wait3A_356] : memref<2x6x128xi32, #tpu.memory_space<vmem>> -> memref<1x6x128xi32, #tpu.memory_space<vmem>>
        %dma_wait3A_358 = tpu.memref_squeeze %dma_wait3A_357 : memref<1x6x128xi32, #tpu.memory_space<vmem>> -> memref<6x128xi32, #tpu.memory_space<vmem>>
        %dma_wait3A_359 = arith.constant 0 : i32
        %dma_wait3A_360 = arith.constant 0 : i32
        %dma_wait3A_361 = tpu.memref_slice %arg3[%arg1, %dma_wait3A_353, %dma_wait3A_359, %dma_wait3A_360] : memref<16x80x6x128xi32, #tpu.memory_space<hbm>> -> memref<1x1x6x128xi32, #tpu.memory_space<hbm>>
        %dma_wait3A_362 = tpu.memref_squeeze %dma_wait3A_361 : memref<1x1x6x128xi32, #tpu.memory_space<hbm>> -> memref<6x128xi32, #tpu.memory_space<hbm>>
        %dma_wait3A_363 = arith.constant 0 : i32
        %dma_wait3A_364 = arith.constant 0 : i32
        %dma_wait3A_365 = tpu.memref_slice %arg13[%dma_wait3A_354, %dma_wait3A_363, %dma_wait3A_364] : memref<2x6x128xi32, #tpu.memory_space<vmem>> -> memref<1x6x128xi32, #tpu.memory_space<vmem>>
        %dma_wait3A_366 = tpu.memref_squeeze %dma_wait3A_365 : memref<1x6x128xi32, #tpu.memory_space<vmem>> -> memref<6x128xi32, #tpu.memory_space<vmem>>
        %dma_wait3A_367 = arith.constant 0 : i32
        %dma_wait3A_368 = arith.constant 0 : i32
        %dma_wait3A_369 = tpu.memref_slice %arg3[%arg1, %dma_wait3A_353, %dma_wait3A_367, %dma_wait3A_368] : memref<16x80x6x128xi32, #tpu.memory_space<hbm>> -> memref<1x1x6x128xi32, #tpu.memory_space<hbm>>
        %dma_wait3A_370 = tpu.memref_squeeze %dma_wait3A_369 : memref<1x1x6x128xi32, #tpu.memory_space<hbm>> -> memref<6x128xi32, #tpu.memory_space<hbm>>
        tpu.wait_dma2 semaphore(%arg16 : memref<!tpu.dma_semaphore, #tpu.memory_space<semaphore_mem>>) src(%dma_wait3A_370 : memref<6x128xi32, #tpu.memory_space<hbm>>) dst(%dma_wait3A_366 : memref<6x128xi32, #tpu.memory_space<vmem>>)
        %dma_start3A_371 = arith.constant 1 : i32
        %dma_start3A_372 = arith.constant 1 : i32
        %dma_start3A_373 = arith.constant 0 : i32
        %dma_start3A_374 = tpu.memref_slice %arg13[%dma_start3A_371, %dma_start3A_372, %dma_start3A_373] : memref<2x6x128xi32, #tpu.memory_space<vmem>> -> memref<1x1x128xi32, #tpu.memory_space<vmem>>
        %dma_start3A_375 = tpu.memref_squeeze %dma_start3A_374 : memref<1x1x128xi32, #tpu.memory_space<vmem>> -> memref<128xi32, #tpu.memory_space<vmem>>
        %dma_start3A_376 = arith.constant 0 : i32
        %dma_start3A_377 = arith.constant 0 : i32
        %dma_start3A_378 = tpu.memref_slice %arg2[%dma_start3A_376, %dma_start3A_377] : memref<50000x128xf32, #tpu.memory_space<hbm>> -> memref<50000x128xf32, #tpu.memory_space<hbm>>
        tpu.enqueue_indirect_dma source(%dma_start3A_378 : memref<50000x128xf32, #tpu.memory_space<hbm>>) target(%arg12 : memref<128x128xf32, #tpu.memory_space<vmem>>) offsets(%dma_start3A_375 : memref<128xi32, #tpu.memory_space<vmem>>) semaphore(%arg15 : memref<!tpu.dma_semaphore, #tpu.memory_space<semaphore_mem>>)
        %dma_wait3A_379 = arith.constant 0 : i32
        %dma_wait3A_380 = arith.constant 1 : i32
        %dma_wait3A_381 = arith.constant 0 : i32
        %dma_wait3A_382 = tpu.memref_slice %arg13[%dma_wait3A_379, %dma_wait3A_380, %dma_wait3A_381] : memref<2x6x128xi32, #tpu.memory_space<vmem>> -> memref<1x1x128xi32, #tpu.memory_space<vmem>>
        %dma_wait3A_383 = tpu.memref_squeeze %dma_wait3A_382 : memref<1x1x128xi32, #tpu.memory_space<vmem>> -> memref<128xi32, #tpu.memory_space<vmem>>
        %dma_wait3A_384 = arith.constant 0 : i32
        %dma_wait3A_385 = arith.constant 0 : i32
        %dma_wait3A_386 = tpu.memref_slice %arg2[%dma_wait3A_384, %dma_wait3A_385] : memref<50000x128xf32, #tpu.memory_space<hbm>> -> memref<50000x128xf32, #tpu.memory_space<hbm>>
        tpu.wait_indirect_dma semaphore(%arg14 : memref<!tpu.dma_semaphore, #tpu.memory_space<semaphore_mem>>) src(%dma_wait3A_386 : memref<50000x128xf32, #tpu.memory_space<hbm>>) dst(%arg11 : memref<128x128xf32, #tpu.memory_space<vmem>>)
        %run_scoped3A_387 = arith.constant 0 : i32
        %run_scoped3A_388 = arith.constant 5 : i32
        "tpu.region"() ({
          %run_scoped3A_462 = tpu.sem_alloc : memref<!tpu.dma_semaphore, #tpu.memory_space<semaphore_mem>>
          %dma_start3A_463 = arith.constant 0 : i32
          %dma_start3A_464 = tpu.memref_slice %arg13[%run_scoped3A_387, %run_scoped3A_388, %dma_start3A_463] : memref<2x6x128xi32, #tpu.memory_space<vmem>> -> memref<1x1x128xi32, #tpu.memory_space<vmem>>
          %dma_start3A_465 = tpu.memref_squeeze %dma_start3A_464 : memref<1x1x128xi32, #tpu.memory_space<vmem>> -> memref<128xi32, #tpu.memory_space<vmem>>
          %dma_start3A_466 = arith.constant 0 : i32
          %dma_start3A_467 = arith.constant 0 : i32
          %dma_start3A_468 = tpu.memref_slice %arg10[%dma_start3A_466, %dma_start3A_467] : memref<10240x128xf32, #tpu.memory_space<vmem_shared>> -> memref<10240x128xf32, #tpu.memory_space<vmem_shared>>
          tpu.enqueue_indirect_dma source(%arg11 : memref<128x128xf32, #tpu.memory_space<vmem>>) target(%dma_start3A_468 : memref<10240x128xf32, #tpu.memory_space<vmem_shared>>) offsets(%dma_start3A_465 : memref<128xi32, #tpu.memory_space<vmem>>) semaphore(%run_scoped3A_462 : memref<!tpu.dma_semaphore, #tpu.memory_space<semaphore_mem>>) {add = true}
          %dma_wait3A_469 = arith.constant 0 : i32
          %dma_wait3A_470 = tpu.memref_slice %arg13[%run_scoped3A_387, %run_scoped3A_388, %dma_wait3A_469] : memref<2x6x128xi32, #tpu.memory_space<vmem>> -> memref<1x1x128xi32, #tpu.memory_space<vmem>>
          %dma_wait3A_471 = tpu.memref_squeeze %dma_wait3A_470 : memref<1x1x128xi32, #tpu.memory_space<vmem>> -> memref<128xi32, #tpu.memory_space<vmem>>
          %dma_wait3A_472 = arith.constant 0 : i32
          %dma_wait3A_473 = arith.constant 0 : i32
          %dma_wait3A_474 = tpu.memref_slice %arg10[%dma_wait3A_472, %dma_wait3A_473] : memref<10240x128xf32, #tpu.memory_space<vmem_shared>> -> memref<10240x128xf32, #tpu.memory_space<vmem_shared>>
          tpu.wait_indirect_dma semaphore(%run_scoped3A_462 : memref<!tpu.dma_semaphore, #tpu.memory_space<semaphore_mem>>) src(%arg11 : memref<128x128xf32, #tpu.memory_space<vmem>>) dst(%dma_wait3A_474 : memref<10240x128xf32, #tpu.memory_space<vmem_shared>>)
          tpu.yield
        }) : () -> ()
        %dma_start3A_389 = arith.constant 0 : i32
        %dma_start3A_390 = arith.constant 0 : i32
        %dma_start3A_391 = arith.constant 0 : i32
        %dma_start3A_392 = tpu.memref_slice %arg13[%dma_start3A_389, %dma_start3A_390, %dma_start3A_391] : memref<2x6x128xi32, #tpu.memory_space<vmem>> -> memref<1x6x128xi32, #tpu.memory_space<vmem>>
        %dma_start3A_393 = tpu.memref_squeeze %dma_start3A_392 : memref<1x6x128xi32, #tpu.memory_space<vmem>> -> memref<6x128xi32, #tpu.memory_space<vmem>>
        %dma_start3A_394 = arith.constant 0 : i32
        %dma_start3A_395 = arith.constant 0 : i32
        %dma_start3A_396 = tpu.memref_slice %arg3[%arg1, %add3A_352, %dma_start3A_394, %dma_start3A_395] : memref<16x80x6x128xi32, #tpu.memory_space<hbm>> -> memref<1x1x6x128xi32, #tpu.memory_space<hbm>>
        %dma_start3A_397 = tpu.memref_squeeze %dma_start3A_396 : memref<1x1x6x128xi32, #tpu.memory_space<hbm>> -> memref<6x128xi32, #tpu.memory_space<hbm>>
        %dma_start3A_398 = arith.constant 0 : i32
        %dma_start3A_399 = arith.constant 0 : i32
        %dma_start3A_400 = tpu.memref_slice %arg13[%dma_start3A_389, %dma_start3A_398, %dma_start3A_399] : memref<2x6x128xi32, #tpu.memory_space<vmem>> -> memref<1x6x128xi32, #tpu.memory_space<vmem>>
        %dma_start3A_401 = tpu.memref_squeeze %dma_start3A_400 : memref<1x6x128xi32, #tpu.memory_space<vmem>> -> memref<6x128xi32, #tpu.memory_space<vmem>>
        %dma_start3A_402 = arith.constant 0 : i32
        %dma_start3A_403 = arith.constant 0 : i32
        %dma_start3A_404 = tpu.memref_slice %arg3[%arg1, %add3A_352, %dma_start3A_402, %dma_start3A_403] : memref<16x80x6x128xi32, #tpu.memory_space<hbm>> -> memref<1x1x6x128xi32, #tpu.memory_space<hbm>>
        %dma_start3A_405 = tpu.memref_squeeze %dma_start3A_404 : memref<1x1x6x128xi32, #tpu.memory_space<hbm>> -> memref<6x128xi32, #tpu.memory_space<hbm>>
        tpu.enqueue_dma source(%dma_start3A_405 : memref<6x128xi32, #tpu.memory_space<hbm>>) target(%dma_start3A_401 : memref<6x128xi32, #tpu.memory_space<vmem>>) target_semaphore(%arg16 : memref<!tpu.dma_semaphore, #tpu.memory_space<semaphore_mem>>)
        %dma_wait3A_406 = arith.constant 0 : i32
        %dma_wait3A_407 = arith.constant 0 : i32
        %dma_wait3A_408 = arith.constant 0 : i32
        %dma_wait3A_409 = arith.constant 0 : i32
        %dma_wait3A_410 = tpu.memref_slice %arg13[%dma_wait3A_407, %dma_wait3A_408, %dma_wait3A_409] : memref<2x6x128xi32, #tpu.memory_space<vmem>> -> memref<1x6x128xi32, #tpu.memory_space<vmem>>
        %dma_wait3A_411 = tpu.memref_squeeze %dma_wait3A_410 : memref<1x6x128xi32, #tpu.memory_space<vmem>> -> memref<6x128xi32, #tpu.memory_space<vmem>>
        %dma_wait3A_412 = arith.constant 0 : i32
        %dma_wait3A_413 = arith.constant 0 : i32
        %dma_wait3A_414 = tpu.memref_slice %arg3[%arg1, %dma_wait3A_406, %dma_wait3A_412, %dma_wait3A_413] : memref<16x80x6x128xi32, #tpu.memory_space<hbm>> -> memref<1x1x6x128xi32, #tpu.memory_space<hbm>>
        %dma_wait3A_415 = tpu.memref_squeeze %dma_wait3A_414 : memref<1x1x6x128xi32, #tpu.memory_space<hbm>> -> memref<6x128xi32, #tpu.memory_space<hbm>>
        %dma_wait3A_416 = arith.constant 0 : i32
        %dma_wait3A_417 = arith.constant 0 : i32
        %dma_wait3A_418 = tpu.memref_slice %arg13[%dma_wait3A_407, %dma_wait3A_416, %dma_wait3A_417] : memref<2x6x128xi32, #tpu.memory_space<vmem>> -> memref<1x6x128xi32, #tpu.memory_space<vmem>>
        %dma_wait3A_419 = tpu.memref_squeeze %dma_wait3A_418 : memref<1x6x128xi32, #tpu.memory_space<vmem>> -> memref<6x128xi32, #tpu.memory_space<vmem>>
        %dma_wait3A_420 = arith.constant 0 : i32
        %dma_wait3A_421 = arith.constant 0 : i32
        %dma_wait3A_422 = tpu.memref_slice %arg3[%arg1, %dma_wait3A_406, %dma_wait3A_420, %dma_wait3A_421] : memref<16x80x6x128xi32, #tpu.memory_space<hbm>> -> memref<1x1x6x128xi32, #tpu.memory_space<hbm>>
        %dma_wait3A_423 = tpu.memref_squeeze %dma_wait3A_422 : memref<1x1x6x128xi32, #tpu.memory_space<hbm>> -> memref<6x128xi32, #tpu.memory_space<hbm>>
        tpu.wait_dma2 semaphore(%arg16 : memref<!tpu.dma_semaphore, #tpu.memory_space<semaphore_mem>>) src(%dma_wait3A_423 : memref<6x128xi32, #tpu.memory_space<hbm>>) dst(%dma_wait3A_419 : memref<6x128xi32, #tpu.memory_space<vmem>>)
        %dma_start3A_424 = arith.constant 0 : i32
        %dma_start3A_425 = arith.constant 1 : i32
        %dma_start3A_426 = arith.constant 0 : i32
        %dma_start3A_427 = tpu.memref_slice %arg13[%dma_start3A_424, %dma_start3A_425, %dma_start3A_426] : memref<2x6x128xi32, #tpu.memory_space<vmem>> -> memref<1x1x128xi32, #tpu.memory_space<vmem>>
        %dma_start3A_428 = tpu.memref_squeeze %dma_start3A_427 : memref<1x1x128xi32, #tpu.memory_space<vmem>> -> memref<128xi32, #tpu.memory_space<vmem>>
        %dma_start3A_429 = arith.constant 0 : i32
        %dma_start3A_430 = arith.constant 0 : i32
        %dma_start3A_431 = tpu.memref_slice %arg2[%dma_start3A_429, %dma_start3A_430] : memref<50000x128xf32, #tpu.memory_space<hbm>> -> memref<50000x128xf32, #tpu.memory_space<hbm>>
        tpu.enqueue_indirect_dma source(%dma_start3A_431 : memref<50000x128xf32, #tpu.memory_space<hbm>>) target(%arg11 : memref<128x128xf32, #tpu.memory_space<vmem>>) offsets(%dma_start3A_428 : memref<128xi32, #tpu.memory_space<vmem>>) semaphore(%arg14 : memref<!tpu.dma_semaphore, #tpu.memory_space<semaphore_mem>>)
        %dma_wait3A_432 = arith.constant 0 : i32
        %dma_wait3A_433 = arith.constant 1 : i32
        %dma_wait3A_434 = arith.constant 0 : i32
        %dma_wait3A_435 = tpu.memref_slice %arg13[%dma_wait3A_432, %dma_wait3A_433, %dma_wait3A_434] : memref<2x6x128xi32, #tpu.memory_space<vmem>> -> memref<1x1x128xi32, #tpu.memory_space<vmem>>
        %dma_wait3A_436 = tpu.memref_squeeze %dma_wait3A_435 : memref<1x1x128xi32, #tpu.memory_space<vmem>> -> memref<128xi32, #tpu.memory_space<vmem>>
        %dma_wait3A_437 = arith.constant 0 : i32
        %dma_wait3A_438 = arith.constant 0 : i32
        %dma_wait3A_439 = tpu.memref_slice %arg2[%dma_wait3A_437, %dma_wait3A_438] : memref<50000x128xf32, #tpu.memory_space<hbm>> -> memref<50000x128xf32, #tpu.memory_space<hbm>>
        tpu.wait_indirect_dma semaphore(%arg15 : memref<!tpu.dma_semaphore, #tpu.memory_space<semaphore_mem>>) src(%dma_wait3A_439 : memref<50000x128xf32, #tpu.memory_space<hbm>>) dst(%arg12 : memref<128x128xf32, #tpu.memory_space<vmem>>)
        %run_scoped3A_440 = arith.constant 1 : i32
        %run_scoped3A_441 = arith.constant 5 : i32
        "tpu.region"() ({
          %run_scoped3A_462 = tpu.sem_alloc : memref<!tpu.dma_semaphore, #tpu.memory_space<semaphore_mem>>
          %dma_start3A_463 = arith.constant 0 : i32
          %dma_start3A_464 = tpu.memref_slice %arg13[%run_scoped3A_440, %run_scoped3A_441, %dma_start3A_463] : memref<2x6x128xi32, #tpu.memory_space<vmem>> -> memref<1x1x128xi32, #tpu.memory_space<vmem>>
          %dma_start3A_465 = tpu.memref_squeeze %dma_start3A_464 : memref<1x1x128xi32, #tpu.memory_space<vmem>> -> memref<128xi32, #tpu.memory_space<vmem>>
          %dma_start3A_466 = arith.constant 0 : i32
          %dma_start3A_467 = arith.constant 0 : i32
          %dma_start3A_468 = tpu.memref_slice %arg10[%dma_start3A_466, %dma_start3A_467] : memref<10240x128xf32, #tpu.memory_space<vmem_shared>> -> memref<10240x128xf32, #tpu.memory_space<vmem_shared>>
          tpu.enqueue_indirect_dma source(%arg12 : memref<128x128xf32, #tpu.memory_space<vmem>>) target(%dma_start3A_468 : memref<10240x128xf32, #tpu.memory_space<vmem_shared>>) offsets(%dma_start3A_465 : memref<128xi32, #tpu.memory_space<vmem>>) semaphore(%run_scoped3A_462 : memref<!tpu.dma_semaphore, #tpu.memory_space<semaphore_mem>>) {add = true}
          %dma_wait3A_469 = arith.constant 0 : i32
          %dma_wait3A_470 = tpu.memref_slice %arg13[%run_scoped3A_440, %run_scoped3A_441, %dma_wait3A_469] : memref<2x6x128xi32, #tpu.memory_space<vmem>> -> memref<1x1x128xi32, #tpu.memory_space<vmem>>
          %dma_wait3A_471 = tpu.memref_squeeze %dma_wait3A_470 : memref<1x1x128xi32, #tpu.memory_space<vmem>> -> memref<128xi32, #tpu.memory_space<vmem>>
          %dma_wait3A_472 = arith.constant 0 : i32
          %dma_wait3A_473 = arith.constant 0 : i32
          %dma_wait3A_474 = tpu.memref_slice %arg10[%dma_wait3A_472, %dma_wait3A_473] : memref<10240x128xf32, #tpu.memory_space<vmem_shared>> -> memref<10240x128xf32, #tpu.memory_space<vmem_shared>>
          tpu.wait_indirect_dma semaphore(%run_scoped3A_462 : memref<!tpu.dma_semaphore, #tpu.memory_space<semaphore_mem>>) src(%arg12 : memref<128x128xf32, #tpu.memory_space<vmem>>) dst(%dma_wait3A_474 : memref<10240x128xf32, #tpu.memory_space<vmem_shared>>)
          tpu.yield
        }) : () -> ()
        %add3A_442 = arith.constant 1 : i32
        %add3A_443 = arith.addi %add3A_352, %add3A_442 : i32
        %dma_start3A_444 = arith.constant 1 : i32
        %dma_start3A_445 = arith.constant 0 : i32
        %dma_start3A_446 = arith.constant 0 : i32
        %dma_start3A_447 = tpu.memref_slice %arg13[%dma_start3A_444, %dma_start3A_445, %dma_start3A_446] : memref<2x6x128xi32, #tpu.memory_space<vmem>> -> memref<1x6x128xi32, #tpu.memory_space<vmem>>
        %dma_start3A_448 = tpu.memref_squeeze %dma_start3A_447 : memref<1x6x128xi32, #tpu.memory_space<vmem>> -> memref<6x128xi32, #tpu.memory_space<vmem>>
        %dma_start3A_449 = arith.constant 0 : i32
        %dma_start3A_450 = arith.constant 0 : i32
        %dma_start3A_451 = tpu.memref_slice %arg3[%arg1, %add3A_443, %dma_start3A_449, %dma_start3A_450] : memref<16x80x6x128xi32, #tpu.memory_space<hbm>> -> memref<1x1x6x128xi32, #tpu.memory_space<hbm>>
        %dma_start3A_452 = tpu.memref_squeeze %dma_start3A_451 : memref<1x1x6x128xi32, #tpu.memory_space<hbm>> -> memref<6x128xi32, #tpu.memory_space<hbm>>
        %dma_start3A_453 = arith.constant 0 : i32
        %dma_start3A_454 = arith.constant 0 : i32
        %dma_start3A_455 = tpu.memref_slice %arg13[%dma_start3A_444, %dma_start3A_453, %dma_start3A_454] : memref<2x6x128xi32, #tpu.memory_space<vmem>> -> memref<1x6x128xi32, #tpu.memory_space<vmem>>
        %dma_start3A_456 = tpu.memref_squeeze %dma_start3A_455 : memref<1x6x128xi32, #tpu.memory_space<vmem>> -> memref<6x128xi32, #tpu.memory_space<vmem>>
        %dma_start3A_457 = arith.constant 0 : i32
        %dma_start3A_458 = arith.constant 0 : i32
        %dma_start3A_459 = tpu.memref_slice %arg3[%arg1, %add3A_443, %dma_start3A_457, %dma_start3A_458] : memref<16x80x6x128xi32, #tpu.memory_space<hbm>> -> memref<1x1x6x128xi32, #tpu.memory_space<hbm>>
        %dma_start3A_460 = tpu.memref_squeeze %dma_start3A_459 : memref<1x1x6x128xi32, #tpu.memory_space<hbm>> -> memref<6x128xi32, #tpu.memory_space<hbm>>
        tpu.enqueue_dma source(%dma_start3A_460 : memref<6x128xi32, #tpu.memory_space<hbm>>) target(%dma_start3A_456 : memref<6x128xi32, #tpu.memory_space<vmem>>) target_semaphore(%arg16 : memref<!tpu.dma_semaphore, #tpu.memory_space<semaphore_mem>>)
        %scan3A_461 = arith.constant 0 : i32
        scf.yield %scan3A_461 : i32
      }
      %scan3A_177 = arith.constant 39 : i32
      %dma_wait3A_178 = arith.constant 0 : i32
      %dma_wait3A_179 = arith.constant 0 : i32
      %dma_wait3A_180 = arith.constant 0 : i32
      %dma_wait3A_181 = arith.constant 0 : i32
      %dma_wait3A_182 = tpu.memref_slice %arg13[%dma_wait3A_179, %dma_wait3A_180, %dma_wait3A_181] : memref<2x6x128xi32, #tpu.memory_space<vmem>> -> memref<1x6x128xi32, #tpu.memory_space<vmem>>
      %dma_wait3A_183 = tpu.memref_squeeze %dma_wait3A_182 : memref<1x6x128xi32, #tpu.memory_space<vmem>> -> memref<6x128xi32, #tpu.memory_space<vmem>>
      %dma_wait3A_184 = arith.constant 0 : i32
      %dma_wait3A_185 = arith.constant 0 : i32
      %dma_wait3A_186 = tpu.memref_slice %arg3[%arg1, %dma_wait3A_178, %dma_wait3A_184, %dma_wait3A_185] : memref<16x80x6x128xi32, #tpu.memory_space<hbm>> -> memref<1x1x6x128xi32, #tpu.memory_space<hbm>>
      %dma_wait3A_187 = tpu.memref_squeeze %dma_wait3A_186 : memref<1x1x6x128xi32, #tpu.memory_space<hbm>> -> memref<6x128xi32, #tpu.memory_space<hbm>>
      %dma_wait3A_188 = arith.constant 0 : i32
      %dma_wait3A_189 = arith.constant 0 : i32
      %dma_wait3A_190 = tpu.memref_slice %arg13[%dma_wait3A_179, %dma_wait3A_188, %dma_wait3A_189] : memref<2x6x128xi32, #tpu.memory_space<vmem>> -> memref<1x6x128xi32, #tpu.memory_space<vmem>>
      %dma_wait3A_191 = tpu.memref_squeeze %dma_wait3A_190 : memref<1x6x128xi32, #tpu.memory_space<vmem>> -> memref<6x128xi32, #tpu.memory_space<vmem>>
      %dma_wait3A_192 = arith.constant 0 : i32
      %dma_wait3A_193 = arith.constant 0 : i32
      %dma_wait3A_194 = tpu.memref_slice %arg3[%arg1, %dma_wait3A_178, %dma_wait3A_192, %dma_wait3A_193] : memref<16x80x6x128xi32, #tpu.memory_space<hbm>> -> memref<1x1x6x128xi32, #tpu.memory_space<hbm>>
      %dma_wait3A_195 = tpu.memref_squeeze %dma_wait3A_194 : memref<1x1x6x128xi32, #tpu.memory_space<hbm>> -> memref<6x128xi32, #tpu.memory_space<hbm>>
      tpu.wait_dma2 semaphore(%arg16 : memref<!tpu.dma_semaphore, #tpu.memory_space<semaphore_mem>>) src(%dma_wait3A_195 : memref<6x128xi32, #tpu.memory_space<hbm>>) dst(%dma_wait3A_191 : memref<6x128xi32, #tpu.memory_space<vmem>>)
      %dma_start3A_196 = arith.constant 1 : i32
      %dma_start3A_197 = arith.constant 1 : i32
      %dma_start3A_198 = arith.constant 0 : i32
      %dma_start3A_199 = tpu.memref_slice %arg13[%dma_start3A_196, %dma_start3A_197, %dma_start3A_198] : memref<2x6x128xi32, #tpu.memory_space<vmem>> -> memref<1x1x128xi32, #tpu.memory_space<vmem>>
      %dma_start3A_200 = tpu.memref_squeeze %dma_start3A_199 : memref<1x1x128xi32, #tpu.memory_space<vmem>> -> memref<128xi32, #tpu.memory_space<vmem>>
      %dma_start3A_201 = arith.constant 0 : i32
      %dma_start3A_202 = arith.constant 0 : i32
      %dma_start3A_203 = tpu.memref_slice %arg2[%dma_start3A_201, %dma_start3A_202] : memref<50000x128xf32, #tpu.memory_space<hbm>> -> memref<50000x128xf32, #tpu.memory_space<hbm>>
      tpu.enqueue_indirect_dma source(%dma_start3A_203 : memref<50000x128xf32, #tpu.memory_space<hbm>>) target(%arg12 : memref<128x128xf32, #tpu.memory_space<vmem>>) offsets(%dma_start3A_200 : memref<128xi32, #tpu.memory_space<vmem>>) semaphore(%arg15 : memref<!tpu.dma_semaphore, #tpu.memory_space<semaphore_mem>>)
      %dma_wait3A_204 = arith.constant 0 : i32
      %dma_wait3A_205 = arith.constant 1 : i32
      %dma_wait3A_206 = arith.constant 0 : i32
      %dma_wait3A_207 = tpu.memref_slice %arg13[%dma_wait3A_204, %dma_wait3A_205, %dma_wait3A_206] : memref<2x6x128xi32, #tpu.memory_space<vmem>> -> memref<1x1x128xi32, #tpu.memory_space<vmem>>
      %dma_wait3A_208 = tpu.memref_squeeze %dma_wait3A_207 : memref<1x1x128xi32, #tpu.memory_space<vmem>> -> memref<128xi32, #tpu.memory_space<vmem>>
      %dma_wait3A_209 = arith.constant 0 : i32
      %dma_wait3A_210 = arith.constant 0 : i32
      %dma_wait3A_211 = tpu.memref_slice %arg2[%dma_wait3A_209, %dma_wait3A_210] : memref<50000x128xf32, #tpu.memory_space<hbm>> -> memref<50000x128xf32, #tpu.memory_space<hbm>>
      tpu.wait_indirect_dma semaphore(%arg14 : memref<!tpu.dma_semaphore, #tpu.memory_space<semaphore_mem>>) src(%dma_wait3A_211 : memref<50000x128xf32, #tpu.memory_space<hbm>>) dst(%arg11 : memref<128x128xf32, #tpu.memory_space<vmem>>)
      %run_scoped3A_212 = arith.constant 0 : i32
      %run_scoped3A_213 = arith.constant 5 : i32
      "tpu.region"() ({
        %run_scoped3A_345 = tpu.sem_alloc : memref<!tpu.dma_semaphore, #tpu.memory_space<semaphore_mem>>
        %dma_start3A_346 = arith.constant 0 : i32
        %dma_start3A_347 = tpu.memref_slice %arg13[%run_scoped3A_212, %run_scoped3A_213, %dma_start3A_346] : memref<2x6x128xi32, #tpu.memory_space<vmem>> -> memref<1x1x128xi32, #tpu.memory_space<vmem>>
        %dma_start3A_348 = tpu.memref_squeeze %dma_start3A_347 : memref<1x1x128xi32, #tpu.memory_space<vmem>> -> memref<128xi32, #tpu.memory_space<vmem>>
        %dma_start3A_349 = arith.constant 0 : i32
        %dma_start3A_350 = arith.constant 0 : i32
        %dma_start3A_351 = tpu.memref_slice %arg10[%dma_start3A_349, %dma_start3A_350] : memref<10240x128xf32, #tpu.memory_space<vmem_shared>> -> memref<10240x128xf32, #tpu.memory_space<vmem_shared>>
        tpu.enqueue_indirect_dma source(%arg11 : memref<128x128xf32, #tpu.memory_space<vmem>>) target(%dma_start3A_351 : memref<10240x128xf32, #tpu.memory_space<vmem_shared>>) offsets(%dma_start3A_348 : memref<128xi32, #tpu.memory_space<vmem>>) semaphore(%run_scoped3A_345 : memref<!tpu.dma_semaphore, #tpu.memory_space<semaphore_mem>>) {add = true}
        %dma_wait3A_352 = arith.constant 0 : i32
        %dma_wait3A_353 = tpu.memref_slice %arg13[%run_scoped3A_212, %run_scoped3A_213, %dma_wait3A_352] : memref<2x6x128xi32, #tpu.memory_space<vmem>> -> memref<1x1x128xi32, #tpu.memory_space<vmem>>
        %dma_wait3A_354 = tpu.memref_squeeze %dma_wait3A_353 : memref<1x1x128xi32, #tpu.memory_space<vmem>> -> memref<128xi32, #tpu.memory_space<vmem>>
        %dma_wait3A_355 = arith.constant 0 : i32
        %dma_wait3A_356 = arith.constant 0 : i32
        %dma_wait3A_357 = tpu.memref_slice %arg10[%dma_wait3A_355, %dma_wait3A_356] : memref<10240x128xf32, #tpu.memory_space<vmem_shared>> -> memref<10240x128xf32, #tpu.memory_space<vmem_shared>>
        tpu.wait_indirect_dma semaphore(%run_scoped3A_345 : memref<!tpu.dma_semaphore, #tpu.memory_space<semaphore_mem>>) src(%arg11 : memref<128x128xf32, #tpu.memory_space<vmem>>) dst(%dma_wait3A_357 : memref<10240x128xf32, #tpu.memory_space<vmem_shared>>)
        tpu.yield
      }) : () -> ()
      %dma_wait3A_214 = arith.constant 0 : i32
      %dma_wait3A_215 = arith.constant 1 : i32
      %dma_wait3A_216 = arith.constant 0 : i32
      %dma_wait3A_217 = tpu.memref_slice %arg13[%dma_wait3A_214, %dma_wait3A_215, %dma_wait3A_216] : memref<2x6x128xi32, #tpu.memory_space<vmem>> -> memref<1x1x128xi32, #tpu.memory_space<vmem>>
      %dma_wait3A_218 = tpu.memref_squeeze %dma_wait3A_217 : memref<1x1x128xi32, #tpu.memory_space<vmem>> -> memref<128xi32, #tpu.memory_space<vmem>>
      %dma_wait3A_219 = arith.constant 0 : i32
      %dma_wait3A_220 = arith.constant 0 : i32
      %dma_wait3A_221 = tpu.memref_slice %arg2[%dma_wait3A_219, %dma_wait3A_220] : memref<50000x128xf32, #tpu.memory_space<hbm>> -> memref<50000x128xf32, #tpu.memory_space<hbm>>
      tpu.wait_indirect_dma semaphore(%arg15 : memref<!tpu.dma_semaphore, #tpu.memory_space<semaphore_mem>>) src(%dma_wait3A_221 : memref<50000x128xf32, #tpu.memory_space<hbm>>) dst(%arg12 : memref<128x128xf32, #tpu.memory_space<vmem>>)
      %run_scoped3A_222 = arith.constant 1 : i32
      %run_scoped3A_223 = arith.constant 5 : i32
      "tpu.region"() ({
        %run_scoped3A_345 = tpu.sem_alloc : memref<!tpu.dma_semaphore, #tpu.memory_space<semaphore_mem>>
        %dma_start3A_346 = arith.constant 0 : i32
        %dma_start3A_347 = tpu.memref_slice %arg13[%run_scoped3A_222, %run_scoped3A_223, %dma_start3A_346] : memref<2x6x128xi32, #tpu.memory_space<vmem>> -> memref<1x1x128xi32, #tpu.memory_space<vmem>>
        %dma_start3A_348 = tpu.memref_squeeze %dma_start3A_347 : memref<1x1x128xi32, #tpu.memory_space<vmem>> -> memref<128xi32, #tpu.memory_space<vmem>>
        %dma_start3A_349 = arith.constant 0 : i32
        %dma_start3A_350 = arith.constant 0 : i32
        %dma_start3A_351 = tpu.memref_slice %arg10[%dma_start3A_349, %dma_start3A_350] : memref<10240x128xf32, #tpu.memory_space<vmem_shared>> -> memref<10240x128xf32, #tpu.memory_space<vmem_shared>>
        tpu.enqueue_indirect_dma source(%arg12 : memref<128x128xf32, #tpu.memory_space<vmem>>) target(%dma_start3A_351 : memref<10240x128xf32, #tpu.memory_space<vmem_shared>>) offsets(%dma_start3A_348 : memref<128xi32, #tpu.memory_space<vmem>>) semaphore(%run_scoped3A_345 : memref<!tpu.dma_semaphore, #tpu.memory_space<semaphore_mem>>) {add = true}
        %dma_wait3A_352 = arith.constant 0 : i32
        %dma_wait3A_353 = tpu.memref_slice %arg13[%run_scoped3A_222, %run_scoped3A_223, %dma_wait3A_352] : memref<2x6x128xi32, #tpu.memory_space<vmem>> -> memref<1x1x128xi32, #tpu.memory_space<vmem>>
        %dma_wait3A_354 = tpu.memref_squeeze %dma_wait3A_353 : memref<1x1x128xi32, #tpu.memory_space<vmem>> -> memref<128xi32, #tpu.memory_space<vmem>>
        %dma_wait3A_355 = arith.constant 0 : i32
        %dma_wait3A_356 = arith.constant 0 : i32
        %dma_wait3A_357 = tpu.memref_slice %arg10[%dma_wait3A_355, %dma_wait3A_356] : memref<10240x128xf32, #tpu.memory_space<vmem_shared>> -> memref<10240x128xf32, #tpu.memory_space<vmem_shared>>
        tpu.wait_indirect_dma semaphore(%run_scoped3A_345 : memref<!tpu.dma_semaphore, #tpu.memory_space<semaphore_mem>>) src(%arg12 : memref<128x128xf32, #tpu.memory_space<vmem>>) dst(%dma_wait3A_357 : memref<10240x128xf32, #tpu.memory_space<vmem_shared>>)
        tpu.yield
      }) : () -> ()
      %barrier3A_224 = arith.constant 0 : index
      tpu.barrier barrier_id(%barrier3A_224)
      %mul3A_225 = arith.constant 640 : i32
      %mul3A_226 = arith.muli %arg1, %mul3A_225 : i32
      %mul3A_227 = arith.constant 640 : i32
      %mul3A_228 = arith.muli %arg1, %mul3A_227 : i32
      "tpu.region"() ({
        %run_scoped3A_345 = tpu.sem_alloc : memref<!tpu.dma_semaphore, #tpu.memory_space<semaphore_mem>>
        %dma_start3A_346 = arith.constant 0 : i32
        %dma_start3A_347 = tpu.memref_slice %arg5[%mul3A_228, %dma_start3A_346] : memref<10240x128xf32, #tpu.memory_space<hbm>> -> memref<640x128xf32, #tpu.memory_space<hbm>>
        %dma_start3A_348 = arith.constant 0 : i32
        %dma_start3A_349 = tpu.memref_slice %arg10[%mul3A_226, %dma_start3A_348] : memref<10240x128xf32, #tpu.memory_space<vmem_shared>> -> memref<640x128xf32, #tpu.memory_space<vmem_shared>>
        tpu.enqueue_dma source(%dma_start3A_349 : memref<640x128xf32, #tpu.memory_space<vmem_shared>>) target(%dma_start3A_347 : memref<640x128xf32, #tpu.memory_space<hbm>>) target_semaphore(%run_scoped3A_345 : memref<!tpu.dma_semaphore, #tpu.memory_space<semaphore_mem>>)
        %dma_wait3A_350 = arith.constant 0 : i32
        %dma_wait3A_351 = tpu.memref_slice %arg5[%mul3A_228, %dma_wait3A_350] : memref<10240x128xf32, #tpu.memory_space<hbm>> -> memref<640x128xf32, #tpu.memory_space<hbm>>
        %dma_wait3A_352 = arith.constant 0 : i32
        %dma_wait3A_353 = tpu.memref_slice %arg10[%mul3A_226, %dma_wait3A_352] : memref<10240x128xf32, #tpu.memory_space<vmem_shared>> -> memref<640x128xf32, #tpu.memory_space<vmem_shared>>
        tpu.wait_dma2 semaphore(%run_scoped3A_345 : memref<!tpu.dma_semaphore, #tpu.memory_space<semaphore_mem>>) src(%dma_wait3A_353 : memref<640x128xf32, #tpu.memory_space<vmem_shared>>) dst(%dma_wait3A_351 : memref<640x128xf32, #tpu.memory_space<hbm>>)
        tpu.yield
      }) : () -> ()
      %barrier3A_229 = arith.constant 0 : index
      tpu.barrier barrier_id(%barrier3A_229)
      %scan3A_230 = arith.constant 0 : i32
      %scan3A_231 = arith.constant 0 : i32
      %scan3A_232 = arith.constant 128 : i32
      %scan3A_233 = arith.addi %scan3A_231, %scan3A_232 : i32
      %scan3A_234 = arith.constant 1 : i32
      %scan3A_235 = scf.for %scan3A_345 = %scan3A_231 to %scan3A_233 step %scan3A_234 iter_args(%scan3A_346 = %scan3A_230) -> (i32)  : i32 {
        %scan3A_347 = arith.constant 0 : i32
        %scan3A_348 = arith.constant 0 : i32
        %scan3A_349 = arith.constant 8 : i32
        %scan3A_350 = arith.addi %scan3A_348, %scan3A_349 : i32
        %scan3A_351 = arith.constant 1 : i32
        %scan3A_352 = scf.for %scan3A_354 = %scan3A_348 to %scan3A_350 step %scan3A_351 iter_args(%scan3A_355 = %scan3A_347) -> (i32)  : i32 {
          %broadcast_in_dim3A = arith.constant 0.000000e+00 : f32
          %broadcast_in_dim3A_356 = vector.broadcast %broadcast_in_dim3A : f32 to vector<16xf32>
          %mul3A_357 = arith.constant 16 : i32
          %mul3A_358 = arith.muli %scan3A_354, %mul3A_357 : i32
          %swap3A = arith.index_cast %scan3A_345 : i32 to index
          %swap3A_359 = arith.index_cast %mul3A_358 : i32 to index
          %swap3A_360 = tpu.vector_load %arg11[%swap3A, %swap3A_359] {strides = array<i32>} : memref<128x128xf32, #tpu.memory_space<vmem>>, vector<1x16xf32>,
          %swap3A_361 = vector.shape_cast %swap3A_360 : vector<1x16xf32> to vector<16xf32>
          %swap3A_362 = vector.shape_cast %broadcast_in_dim3A_356 : vector<16xf32> to vector<1x16xf32>
          tpu.vector_store %arg11[%swap3A, %swap3A_359], %swap3A_362 {strides = array<i32>} : memref<128x128xf32, #tpu.memory_space<vmem>>, vector<1x16xf32>,
          %scan3A_363 = arith.constant 0 : i32
          scf.yield %scan3A_363 : i32
        }
        %scan3A_353 = arith.constant 8 : i32
        scf.yield %scan3A_352 : i32
      }
      %scan3A_236 = arith.constant 128 : i32
      %mul3A_237 = arith.constant 640 : i32
      %mul3A_238 = arith.muli %arg1, %mul3A_237 : i32
      %add3A_239 = arith.constant 0 : i32
      %add3A_240 = arith.addi %mul3A_238, %add3A_239 : i32
      "tpu.region"() ({
        %run_scoped3A_345 = tpu.sem_alloc : memref<!tpu.dma_semaphore, #tpu.memory_space<semaphore_mem>>
        %dma_start3A_346 = arith.constant 0 : i32
        %dma_start3A_347 = tpu.memref_slice %arg10[%add3A_240, %dma_start3A_346] : memref<10240x128xf32, #tpu.memory_space<vmem_shared>> -> memref<128x128xf32, #tpu.memory_space<vmem_shared>>
        %dma_start3A_348 = arith.constant 0 : i32
        %dma_start3A_349 = tpu.memref_slice %arg10[%add3A_240, %dma_start3A_348] : memref<10240x128xf32, #tpu.memory_space<vmem_shared>> -> memref<128x128xf32, #tpu.memory_space<vmem_shared>>
        tpu.enqueue_dma source(%arg11 : memref<128x128xf32, #tpu.memory_space<vmem>>) target(%dma_start3A_349 : memref<128x128xf32, #tpu.memory_space<vmem_shared>>) target_semaphore(%run_scoped3A_345 : memref<!tpu.dma_semaphore, #tpu.memory_space<semaphore_mem>>)
        %dma_wait3A_350 = arith.constant 0 : i32
        %dma_wait3A_351 = tpu.memref_slice %arg10[%add3A_240, %dma_wait3A_350] : memref<10240x128xf32, #tpu.memory_space<vmem_shared>> -> memref<128x128xf32, #tpu.memory_space<vmem_shared>>
        %dma_wait3A_352 = arith.constant 0 : i32
        %dma_wait3A_353 = tpu.memref_slice %arg10[%add3A_240, %dma_wait3A_352] : memref<10240x128xf32, #tpu.memory_space<vmem_shared>> -> memref<128x128xf32, #tpu.memory_space<vmem_shared>>
        tpu.wait_dma2 semaphore(%run_scoped3A_345 : memref<!tpu.dma_semaphore, #tpu.memory_space<semaphore_mem>>) src(%arg11 : memref<128x128xf32, #tpu.memory_space<vmem>>) dst(%dma_wait3A_353 : memref<128x128xf32, #tpu.memory_space<vmem_shared>>)
        tpu.yield
      }) : () -> ()
      %mul3A_241 = arith.constant 640 : i32
      %mul3A_242 = arith.muli %arg1, %mul3A_241 : i32
      %add3A_243 = arith.constant 128 : i32
      %add3A_244 = arith.addi %mul3A_242, %add3A_243 : i32
      "tpu.region"() ({
        %run_scoped3A_345 = tpu.sem_alloc : memref<!tpu.dma_semaphore, #tpu.memory_space<semaphore_mem>>
        %dma_start3A_346 = arith.constant 0 : i32
        %dma_start3A_347 = tpu.memref_slice %arg10[%add3A_244, %dma_start3A_346] : memref<10240x128xf32, #tpu.memory_space<vmem_shared>> -> memref<128x128xf32, #tpu.memory_space<vmem_shared>>
        %dma_start3A_348 = arith.constant 0 : i32
        %dma_start3A_349 = tpu.memref_slice %arg10[%add3A_244, %dma_start3A_348] : memref<10240x128xf32, #tpu.memory_space<vmem_shared>> -> memref<128x128xf32, #tpu.memory_space<vmem_shared>>
        tpu.enqueue_dma source(%arg11 : memref<128x128xf32, #tpu.memory_space<vmem>>) target(%dma_start3A_349 : memref<128x128xf32, #tpu.memory_space<vmem_shared>>) target_semaphore(%run_scoped3A_345 : memref<!tpu.dma_semaphore, #tpu.memory_space<semaphore_mem>>)
        %dma_wait3A_350 = arith.constant 0 : i32
        %dma_wait3A_351 = tpu.memref_slice %arg10[%add3A_244, %dma_wait3A_350] : memref<10240x128xf32, #tpu.memory_space<vmem_shared>> -> memref<128x128xf32, #tpu.memory_space<vmem_shared>>
        %dma_wait3A_352 = arith.constant 0 : i32
        %dma_wait3A_353 = tpu.memref_slice %arg10[%add3A_244, %dma_wait3A_352] : memref<10240x128xf32, #tpu.memory_space<vmem_shared>> -> memref<128x128xf32, #tpu.memory_space<vmem_shared>>
        tpu.wait_dma2 semaphore(%run_scoped3A_345 : memref<!tpu.dma_semaphore, #tpu.memory_space<semaphore_mem>>) src(%arg11 : memref<128x128xf32, #tpu.memory_space<vmem>>) dst(%dma_wait3A_353 : memref<128x128xf32, #tpu.memory_space<vmem_shared>>)
        tpu.yield
      }) : () -> ()
      %mul3A_245 = arith.constant 640 : i32
      %mul3A_246 = arith.muli %arg1, %mul3A_245 : i32
      %add3A_247 = arith.constant 256 : i32
      %add3A_248 = arith.addi %mul3A_246, %add3A_247 : i32
      "tpu.region"() ({
        %run_scoped3A_345 = tpu.sem_alloc : memref<!tpu.dma_semaphore, #tpu.memory_space<semaphore_mem>>
        %dma_start3A_346 = arith.constant 0 : i32
        %dma_start3A_347 = tpu.memref_slice %arg10[%add3A_248, %dma_start3A_346] : memref<10240x128xf32, #tpu.memory_space<vmem_shared>> -> memref<128x128xf32, #tpu.memory_space<vmem_shared>>
        %dma_start3A_348 = arith.constant 0 : i32
        %dma_start3A_349 = tpu.memref_slice %arg10[%add3A_248, %dma_start3A_348] : memref<10240x128xf32, #tpu.memory_space<vmem_shared>> -> memref<128x128xf32, #tpu.memory_space<vmem_shared>>
        tpu.enqueue_dma source(%arg11 : memref<128x128xf32, #tpu.memory_space<vmem>>) target(%dma_start3A_349 : memref<128x128xf32, #tpu.memory_space<vmem_shared>>) target_semaphore(%run_scoped3A_345 : memref<!tpu.dma_semaphore, #tpu.memory_space<semaphore_mem>>)
        %dma_wait3A_350 = arith.constant 0 : i32
        %dma_wait3A_351 = tpu.memref_slice %arg10[%add3A_248, %dma_wait3A_350] : memref<10240x128xf32, #tpu.memory_space<vmem_shared>> -> memref<128x128xf32, #tpu.memory_space<vmem_shared>>
        %dma_wait3A_352 = arith.constant 0 : i32
        %dma_wait3A_353 = tpu.memref_slice %arg10[%add3A_248, %dma_wait3A_352] : memref<10240x128xf32, #tpu.memory_space<vmem_shared>> -> memref<128x128xf32, #tpu.memory_space<vmem_shared>>
        tpu.wait_dma2 semaphore(%run_scoped3A_345 : memref<!tpu.dma_semaphore, #tpu.memory_space<semaphore_mem>>) src(%arg11 : memref<128x128xf32, #tpu.memory_space<vmem>>) dst(%dma_wait3A_353 : memref<128x128xf32, #tpu.memory_space<vmem_shared>>)
        tpu.yield
      }) : () -> ()
      %mul3A_249 = arith.constant 640 : i32
      %mul3A_250 = arith.muli %arg1, %mul3A_249 : i32
      %add3A_251 = arith.constant 384 : i32
      %add3A_252 = arith.addi %mul3A_250, %add3A_251 : i32
      "tpu.region"() ({
        %run_scoped3A_345 = tpu.sem_alloc : memref<!tpu.dma_semaphore, #tpu.memory_space<semaphore_mem>>
        %dma_start3A_346 = arith.constant 0 : i32
        %dma_start3A_347 = tpu.memref_slice %arg10[%add3A_252, %dma_start3A_346] : memref<10240x128xf32, #tpu.memory_space<vmem_shared>> -> memref<128x128xf32, #tpu.memory_space<vmem_shared>>
        %dma_start3A_348 = arith.constant 0 : i32
        %dma_start3A_349 = tpu.memref_slice %arg10[%add3A_252, %dma_start3A_348] : memref<10240x128xf32, #tpu.memory_space<vmem_shared>> -> memref<128x128xf32, #tpu.memory_space<vmem_shared>>
        tpu.enqueue_dma source(%arg11 : memref<128x128xf32, #tpu.memory_space<vmem>>) target(%dma_start3A_349 : memref<128x128xf32, #tpu.memory_space<vmem_shared>>) target_semaphore(%run_scoped3A_345 : memref<!tpu.dma_semaphore, #tpu.memory_space<semaphore_mem>>)
        %dma_wait3A_350 = arith.constant 0 : i32
        %dma_wait3A_351 = tpu.memref_slice %arg10[%add3A_252, %dma_wait3A_350] : memref<10240x128xf32, #tpu.memory_space<vmem_shared>> -> memref<128x128xf32, #tpu.memory_space<vmem_shared>>
        %dma_wait3A_352 = arith.constant 0 : i32
        %dma_wait3A_353 = tpu.memref_slice %arg10[%add3A_252, %dma_wait3A_352] : memref<10240x128xf32, #tpu.memory_space<vmem_shared>> -> memref<128x128xf32, #tpu.memory_space<vmem_shared>>
        tpu.wait_dma2 semaphore(%run_scoped3A_345 : memref<!tpu.dma_semaphore, #tpu.memory_space<semaphore_mem>>) src(%arg11 : memref<128x128xf32, #tpu.memory_space<vmem>>) dst(%dma_wait3A_353 : memref<128x128xf32, #tpu.memory_space<vmem_shared>>)
        tpu.yield
      }) : () -> ()
      %mul3A_253 = arith.constant 640 : i32
      %mul3A_254 = arith.muli %arg1, %mul3A_253 : i32
      %add3A_255 = arith.constant 512 : i32
      %add3A_256 = arith.addi %mul3A_254, %add3A_255 : i32
      "tpu.region"() ({
        %run_scoped3A_345 = tpu.sem_alloc : memref<!tpu.dma_semaphore, #tpu.memory_space<semaphore_mem>>
        %dma_start3A_346 = arith.constant 0 : i32
        %dma_start3A_347 = tpu.memref_slice %arg10[%add3A_256, %dma_start3A_346] : memref<10240x128xf32, #tpu.memory_space<vmem_shared>> -> memref<128x128xf32, #tpu.memory_space<vmem_shared>>
        %dma_start3A_348 = arith.constant 0 : i32
        %dma_start3A_349 = tpu.memref_slice %arg10[%add3A_256, %dma_start3A_348] : memref<10240x128xf32, #tpu.memory_space<vmem_shared>> -> memref<128x128xf32, #tpu.memory_space<vmem_shared>>
        tpu.enqueue_dma source(%arg11 : memref<128x128xf32, #tpu.memory_space<vmem>>) target(%dma_start3A_349 : memref<128x128xf32, #tpu.memory_space<vmem_shared>>) target_semaphore(%run_scoped3A_345 : memref<!tpu.dma_semaphore, #tpu.memory_space<semaphore_mem>>)
        %dma_wait3A_350 = arith.constant 0 : i32
        %dma_wait3A_351 = tpu.memref_slice %arg10[%add3A_256, %dma_wait3A_350] : memref<10240x128xf32, #tpu.memory_space<vmem_shared>> -> memref<128x128xf32, #tpu.memory_space<vmem_shared>>
        %dma_wait3A_352 = arith.constant 0 : i32
        %dma_wait3A_353 = tpu.memref_slice %arg10[%add3A_256, %dma_wait3A_352] : memref<10240x128xf32, #tpu.memory_space<vmem_shared>> -> memref<128x128xf32, #tpu.memory_space<vmem_shared>>
        tpu.wait_dma2 semaphore(%run_scoped3A_345 : memref<!tpu.dma_semaphore, #tpu.memory_space<semaphore_mem>>) src(%arg11 : memref<128x128xf32, #tpu.memory_space<vmem>>) dst(%dma_wait3A_353 : memref<128x128xf32, #tpu.memory_space<vmem_shared>>)
        tpu.yield
      }) : () -> ()
      %barrier3A_257 = arith.constant 0 : index
      tpu.barrier barrier_id(%barrier3A_257)
      %run_scoped3A_258 = arith.constant 0 : i32
      %run_scoped3A_259 = arith.constant 0 : i32
      "tpu.region"() ({
        %run_scoped3A_345 = tpu.sem_alloc : memref<!tpu.dma_semaphore, #tpu.memory_space<semaphore_mem>>
        %dma_start3A_346 = arith.constant 0 : i32
        %dma_start3A_347 = arith.constant 0 : i32
        %dma_start3A_348 = tpu.memref_slice %arg13[%run_scoped3A_259, %dma_start3A_346, %dma_start3A_347] : memref<2x6x128xi32, #tpu.memory_space<vmem>> -> memref<1x6x128xi32, #tpu.memory_space<vmem>>
        %dma_start3A_349 = tpu.memref_squeeze %dma_start3A_348 : memref<1x6x128xi32, #tpu.memory_space<vmem>> -> memref<6x128xi32, #tpu.memory_space<vmem>>
        %dma_start3A_350 = arith.constant 0 : i32
        %dma_start3A_351 = arith.constant 0 : i32
        %dma_start3A_352 = tpu.memref_slice %arg3[%arg1, %run_scoped3A_258, %dma_start3A_350, %dma_start3A_351] : memref<16x80x6x128xi32, #tpu.memory_space<hbm>> -> memref<1x1x6x128xi32, #tpu.memory_space<hbm>>
        %dma_start3A_353 = tpu.memref_squeeze %dma_start3A_352 : memref<1x1x6x128xi32, #tpu.memory_space<hbm>> -> memref<6x128xi32, #tpu.memory_space<hbm>>
        %dma_start3A_354 = arith.constant 0 : i32
        %dma_start3A_355 = arith.constant 0 : i32
        %dma_start3A_356 = tpu.memref_slice %arg13[%run_scoped3A_259, %dma_start3A_354, %dma_start3A_355] : memref<2x6x128xi32, #tpu.memory_space<vmem>> -> memref<1x6x128xi32, #tpu.memory_space<vmem>>
        %dma_start3A_357 = tpu.memref_squeeze %dma_start3A_356 : memref<1x6x128xi32, #tpu.memory_space<vmem>> -> memref<6x128xi32, #tpu.memory_space<vmem>>
        %dma_start3A_358 = arith.constant 0 : i32
        %dma_start3A_359 = arith.constant 0 : i32
        %dma_start3A_360 = tpu.memref_slice %arg3[%arg1, %run_scoped3A_258, %dma_start3A_358, %dma_start3A_359] : memref<16x80x6x128xi32, #tpu.memory_space<hbm>> -> memref<1x1x6x128xi32, #tpu.memory_space<hbm>>
        %dma_start3A_361 = tpu.memref_squeeze %dma_start3A_360 : memref<1x1x6x128xi32, #tpu.memory_space<hbm>> -> memref<6x128xi32, #tpu.memory_space<hbm>>
        tpu.enqueue_dma source(%dma_start3A_361 : memref<6x128xi32, #tpu.memory_space<hbm>>) target(%dma_start3A_357 : memref<6x128xi32, #tpu.memory_space<vmem>>) target_semaphore(%run_scoped3A_345 : memref<!tpu.dma_semaphore, #tpu.memory_space<semaphore_mem>>)
        %dma_wait3A_362 = arith.constant 0 : i32
        %dma_wait3A_363 = arith.constant 0 : i32
        %dma_wait3A_364 = tpu.memref_slice %arg13[%run_scoped3A_259, %dma_wait3A_362, %dma_wait3A_363] : memref<2x6x128xi32, #tpu.memory_space<vmem>> -> memref<1x6x128xi32, #tpu.memory_space<vmem>>
        %dma_wait3A_365 = tpu.memref_squeeze %dma_wait3A_364 : memref<1x6x128xi32, #tpu.memory_space<vmem>> -> memref<6x128xi32, #tpu.memory_space<vmem>>
        %dma_wait3A_366 = arith.constant 0 : i32
        %dma_wait3A_367 = arith.constant 0 : i32
        %dma_wait3A_368 = tpu.memref_slice %arg3[%arg1, %run_scoped3A_258, %dma_wait3A_366, %dma_wait3A_367] : memref<16x80x6x128xi32, #tpu.memory_space<hbm>> -> memref<1x1x6x128xi32, #tpu.memory_space<hbm>>
        %dma_wait3A_369 = tpu.memref_squeeze %dma_wait3A_368 : memref<1x1x6x128xi32, #tpu.memory_space<hbm>> -> memref<6x128xi32, #tpu.memory_space<hbm>>
        %dma_wait3A_370 = arith.constant 0 : i32
        %dma_wait3A_371 = arith.constant 0 : i32
        %dma_wait3A_372 = tpu.memref_slice %arg13[%run_scoped3A_259, %dma_wait3A_370, %dma_wait3A_371] : memref<2x6x128xi32, #tpu.memory_space<vmem>> -> memref<1x6x128xi32, #tpu.memory_space<vmem>>
        %dma_wait3A_373 = tpu.memref_squeeze %dma_wait3A_372 : memref<1x6x128xi32, #tpu.memory_space<vmem>> -> memref<6x128xi32, #tpu.memory_space<vmem>>
        %dma_wait3A_374 = arith.constant 0 : i32
        %dma_wait3A_375 = arith.constant 0 : i32
        %dma_wait3A_376 = tpu.memref_slice %arg3[%arg1, %run_scoped3A_258, %dma_wait3A_374, %dma_wait3A_375] : memref<16x80x6x128xi32, #tpu.memory_space<hbm>> -> memref<1x1x6x128xi32, #tpu.memory_space<hbm>>
        %dma_wait3A_377 = tpu.memref_squeeze %dma_wait3A_376 : memref<1x1x6x128xi32, #tpu.memory_space<hbm>> -> memref<6x128xi32, #tpu.memory_space<hbm>>
        tpu.wait_dma2 semaphore(%run_scoped3A_345 : memref<!tpu.dma_semaphore, #tpu.memory_space<semaphore_mem>>) src(%dma_wait3A_377 : memref<6x128xi32, #tpu.memory_space<hbm>>) dst(%dma_wait3A_373 : memref<6x128xi32, #tpu.memory_space<vmem>>)
        tpu.yield
      }) : () -> ()
      %dma_start3A_260 = arith.constant 0 : i32
      %dma_start3A_261 = arith.constant 4 : i32
      %dma_start3A_262 = arith.constant 0 : i32
      %dma_start3A_263 = tpu.memref_slice %arg13[%dma_start3A_260, %dma_start3A_261, %dma_start3A_262] : memref<2x6x128xi32, #tpu.memory_space<vmem>> -> memref<1x1x128xi32, #tpu.memory_space<vmem>>
      %dma_start3A_264 = tpu.memref_squeeze %dma_start3A_263 : memref<1x1x128xi32, #tpu.memory_space<vmem>> -> memref<128xi32, #tpu.memory_space<vmem>>
      %dma_start3A_265 = arith.constant 0 : i32
      %dma_start3A_266 = arith.constant 0 : i32
      %dma_start3A_267 = tpu.memref_slice %arg2[%dma_start3A_265, %dma_start3A_266] : memref<50000x128xf32, #tpu.memory_space<hbm>> -> memref<50000x128xf32, #tpu.memory_space<hbm>>
      tpu.enqueue_indirect_dma source(%dma_start3A_267 : memref<50000x128xf32, #tpu.memory_space<hbm>>) target(%arg11 : memref<128x128xf32, #tpu.memory_space<vmem>>) offsets(%dma_start3A_264 : memref<128xi32, #tpu.memory_space<vmem>>) semaphore(%arg14 : memref<!tpu.dma_semaphore, #tpu.memory_space<semaphore_mem>>)
      %dma_start3A_268 = arith.constant 1 : i32
      %dma_start3A_269 = arith.constant 1 : i32
      %dma_start3A_270 = arith.constant 0 : i32
      %dma_start3A_271 = arith.constant 0 : i32
      %dma_start3A_272 = tpu.memref_slice %arg13[%dma_start3A_269, %dma_start3A_270, %dma_start3A_271] : memref<2x6x128xi32, #tpu.memory_space<vmem>> -> memref<1x6x128xi32, #tpu.memory_space<vmem>>
      %dma_start3A_273 = tpu.memref_squeeze %dma_start3A_272 : memref<1x6x128xi32, #tpu.memory_space<vmem>> -> memref<6x128xi32, #tpu.memory_space<vmem>>
      %dma_start3A_274 = arith.constant 0 : i32
      %dma_start3A_275 = arith.constant 0 : i32
      %dma_start3A_276 = tpu.memref_slice %arg3[%arg1, %dma_start3A_268, %dma_start3A_274, %dma_start3A_275] : memref<16x80x6x128xi32, #tpu.memory_space<hbm>> -> memref<1x1x6x128xi32, #tpu.memory_space<hbm>>
      %dma_start3A_277 = tpu.memref_squeeze %dma_start3A_276 : memref<1x1x6x128xi32, #tpu.memory_space<hbm>> -> memref<6x128xi32, #tpu.memory_space<hbm>>
      %dma_start3A_278 = arith.constant 0 : i32
      %dma_start3A_279 = arith.constant 0 : i32
      %dma_start3A_280 = tpu.memref_slice %arg13[%dma_start3A_269, %dma_start3A_278, %dma_start3A_279] : memref<2x6x128xi32, #tpu.memory_space<vmem>> -> memref<1x6x128xi32, #tpu.memory_space<vmem>>
      %dma_start3A_281 = tpu.memref_squeeze %dma_start3A_280 : memref<1x6x128xi32, #tpu.memory_space<vmem>> -> memref<6x128xi32, #tpu.memory_space<vmem>>
      %dma_start3A_282 = arith.constant 0 : i32
      %dma_start3A_283 = arith.constant 0 : i32
      %dma_start3A_284 = tpu.memref_slice %arg3[%arg1, %dma_start3A_268, %dma_start3A_282, %dma_start3A_283] : memref<16x80x6x128xi32, #tpu.memory_space<hbm>> -> memref<1x1x6x128xi32, #tpu.memory_space<hbm>>
      %dma_start3A_285 = tpu.memref_squeeze %dma_start3A_284 : memref<1x1x6x128xi32, #tpu.memory_space<hbm>> -> memref<6x128xi32, #tpu.memory_space<hbm>>
      tpu.enqueue_dma source(%dma_start3A_285 : memref<6x128xi32, #tpu.memory_space<hbm>>) target(%dma_start3A_281 : memref<6x128xi32, #tpu.memory_space<vmem>>) target_semaphore(%arg16 : memref<!tpu.dma_semaphore, #tpu.memory_space<semaphore_mem>>)
      %scan3A_286 = arith.constant 0 : i32
      %scan3A_287 = arith.constant 0 : i32
      %scan3A_288 = arith.constant 19 : i32
      %scan3A_289 = arith.addi %scan3A_287, %scan3A_288 : i32
      %scan3A_290 = arith.constant 1 : i32
      %scan3A_291 = scf.for %scan3A_345 = %scan3A_287 to %scan3A_289 step %scan3A_290 iter_args(%scan3A_346 = %scan3A_286) -> (i32)  : i32 {
        %mul3A_347 = arith.constant 2 : i32
        %mul3A_348 = arith.muli %mul3A_347, %scan3A_345 : i32
        %add3A_349 = arith.constant 0 : i32
        %add3A_350 = arith.addi %add3A_349, %mul3A_348 : i32
        %add3A_351 = arith.constant 2 : i32
        %add3A_352 = arith.addi %add3A_350, %add3A_351 : i32
        %dma_wait3A_353 = arith.constant 0 : i32
        %dma_wait3A_354 = arith.constant 0 : i32
        %dma_wait3A_355 = arith.constant 0 : i32
        %dma_wait3A_356 = arith.constant 0 : i32
        %dma_wait3A_357 = tpu.memref_slice %arg13[%dma_wait3A_354, %dma_wait3A_355, %dma_wait3A_356] : memref<2x6x128xi32, #tpu.memory_space<vmem>> -> memref<1x6x128xi32, #tpu.memory_space<vmem>>
        %dma_wait3A_358 = tpu.memref_squeeze %dma_wait3A_357 : memref<1x6x128xi32, #tpu.memory_space<vmem>> -> memref<6x128xi32, #tpu.memory_space<vmem>>
        %dma_wait3A_359 = arith.constant 0 : i32
        %dma_wait3A_360 = arith.constant 0 : i32
        %dma_wait3A_361 = tpu.memref_slice %arg3[%arg1, %dma_wait3A_353, %dma_wait3A_359, %dma_wait3A_360] : memref<16x80x6x128xi32, #tpu.memory_space<hbm>> -> memref<1x1x6x128xi32, #tpu.memory_space<hbm>>
        %dma_wait3A_362 = tpu.memref_squeeze %dma_wait3A_361 : memref<1x1x6x128xi32, #tpu.memory_space<hbm>> -> memref<6x128xi32, #tpu.memory_space<hbm>>
        %dma_wait3A_363 = arith.constant 0 : i32
        %dma_wait3A_364 = arith.constant 0 : i32
        %dma_wait3A_365 = tpu.memref_slice %arg13[%dma_wait3A_354, %dma_wait3A_363, %dma_wait3A_364] : memref<2x6x128xi32, #tpu.memory_space<vmem>> -> memref<1x6x128xi32, #tpu.memory_space<vmem>>
        %dma_wait3A_366 = tpu.memref_squeeze %dma_wait3A_365 : memref<1x6x128xi32, #tpu.memory_space<vmem>> -> memref<6x128xi32, #tpu.memory_space<vmem>>
        %dma_wait3A_367 = arith.constant 0 : i32
        %dma_wait3A_368 = arith.constant 0 : i32
        %dma_wait3A_369 = tpu.memref_slice %arg3[%arg1, %dma_wait3A_353, %dma_wait3A_367, %dma_wait3A_368] : memref<16x80x6x128xi32, #tpu.memory_space<hbm>> -> memref<1x1x6x128xi32, #tpu.memory_space<hbm>>
        %dma_wait3A_370 = tpu.memref_squeeze %dma_wait3A_369 : memref<1x1x6x128xi32, #tpu.memory_space<hbm>> -> memref<6x128xi32, #tpu.memory_space<hbm>>
        tpu.wait_dma2 semaphore(%arg16 : memref<!tpu.dma_semaphore, #tpu.memory_space<semaphore_mem>>) src(%dma_wait3A_370 : memref<6x128xi32, #tpu.memory_space<hbm>>) dst(%dma_wait3A_366 : memref<6x128xi32, #tpu.memory_space<vmem>>)
        %dma_start3A_371 = arith.constant 1 : i32
        %dma_start3A_372 = arith.constant 4 : i32
        %dma_start3A_373 = arith.constant 0 : i32
        %dma_start3A_374 = tpu.memref_slice %arg13[%dma_start3A_371, %dma_start3A_372, %dma_start3A_373] : memref<2x6x128xi32, #tpu.memory_space<vmem>> -> memref<1x1x128xi32, #tpu.memory_space<vmem>>
        %dma_start3A_375 = tpu.memref_squeeze %dma_start3A_374 : memref<1x1x128xi32, #tpu.memory_space<vmem>> -> memref<128xi32, #tpu.memory_space<vmem>>
        %dma_start3A_376 = arith.constant 0 : i32
        %dma_start3A_377 = arith.constant 0 : i32
        %dma_start3A_378 = tpu.memref_slice %arg2[%dma_start3A_376, %dma_start3A_377] : memref<50000x128xf32, #tpu.memory_space<hbm>> -> memref<50000x128xf32, #tpu.memory_space<hbm>>
        tpu.enqueue_indirect_dma source(%dma_start3A_378 : memref<50000x128xf32, #tpu.memory_space<hbm>>) target(%arg12 : memref<128x128xf32, #tpu.memory_space<vmem>>) offsets(%dma_start3A_375 : memref<128xi32, #tpu.memory_space<vmem>>) semaphore(%arg15 : memref<!tpu.dma_semaphore, #tpu.memory_space<semaphore_mem>>)
        %dma_wait3A_379 = arith.constant 0 : i32
        %dma_wait3A_380 = arith.constant 4 : i32
        %dma_wait3A_381 = arith.constant 0 : i32
        %dma_wait3A_382 = tpu.memref_slice %arg13[%dma_wait3A_379, %dma_wait3A_380, %dma_wait3A_381] : memref<2x6x128xi32, #tpu.memory_space<vmem>> -> memref<1x1x128xi32, #tpu.memory_space<vmem>>
        %dma_wait3A_383 = tpu.memref_squeeze %dma_wait3A_382 : memref<1x1x128xi32, #tpu.memory_space<vmem>> -> memref<128xi32, #tpu.memory_space<vmem>>
        %dma_wait3A_384 = arith.constant 0 : i32
        %dma_wait3A_385 = arith.constant 0 : i32
        %dma_wait3A_386 = tpu.memref_slice %arg2[%dma_wait3A_384, %dma_wait3A_385] : memref<50000x128xf32, #tpu.memory_space<hbm>> -> memref<50000x128xf32, #tpu.memory_space<hbm>>
        tpu.wait_indirect_dma semaphore(%arg14 : memref<!tpu.dma_semaphore, #tpu.memory_space<semaphore_mem>>) src(%dma_wait3A_386 : memref<50000x128xf32, #tpu.memory_space<hbm>>) dst(%arg11 : memref<128x128xf32, #tpu.memory_space<vmem>>)
        %run_scoped3A_387 = arith.constant 0 : i32
        %run_scoped3A_388 = arith.constant 5 : i32
        "tpu.region"() ({
          %run_scoped3A_462 = tpu.sem_alloc : memref<!tpu.dma_semaphore, #tpu.memory_space<semaphore_mem>>
          %dma_start3A_463 = arith.constant 0 : i32
          %dma_start3A_464 = tpu.memref_slice %arg13[%run_scoped3A_387, %run_scoped3A_388, %dma_start3A_463] : memref<2x6x128xi32, #tpu.memory_space<vmem>> -> memref<1x1x128xi32, #tpu.memory_space<vmem>>
          %dma_start3A_465 = tpu.memref_squeeze %dma_start3A_464 : memref<1x1x128xi32, #tpu.memory_space<vmem>> -> memref<128xi32, #tpu.memory_space<vmem>>
          %dma_start3A_466 = arith.constant 0 : i32
          %dma_start3A_467 = arith.constant 0 : i32
          %dma_start3A_468 = tpu.memref_slice %arg10[%dma_start3A_466, %dma_start3A_467] : memref<10240x128xf32, #tpu.memory_space<vmem_shared>> -> memref<10240x128xf32, #tpu.memory_space<vmem_shared>>
          tpu.enqueue_indirect_dma source(%arg11 : memref<128x128xf32, #tpu.memory_space<vmem>>) target(%dma_start3A_468 : memref<10240x128xf32, #tpu.memory_space<vmem_shared>>) offsets(%dma_start3A_465 : memref<128xi32, #tpu.memory_space<vmem>>) semaphore(%run_scoped3A_462 : memref<!tpu.dma_semaphore, #tpu.memory_space<semaphore_mem>>) {add = true}
          %dma_wait3A_469 = arith.constant 0 : i32
          %dma_wait3A_470 = tpu.memref_slice %arg13[%run_scoped3A_387, %run_scoped3A_388, %dma_wait3A_469] : memref<2x6x128xi32, #tpu.memory_space<vmem>> -> memref<1x1x128xi32, #tpu.memory_space<vmem>>
          %dma_wait3A_471 = tpu.memref_squeeze %dma_wait3A_470 : memref<1x1x128xi32, #tpu.memory_space<vmem>> -> memref<128xi32, #tpu.memory_space<vmem>>
          %dma_wait3A_472 = arith.constant 0 : i32
          %dma_wait3A_473 = arith.constant 0 : i32
          %dma_wait3A_474 = tpu.memref_slice %arg10[%dma_wait3A_472, %dma_wait3A_473] : memref<10240x128xf32, #tpu.memory_space<vmem_shared>> -> memref<10240x128xf32, #tpu.memory_space<vmem_shared>>
          tpu.wait_indirect_dma semaphore(%run_scoped3A_462 : memref<!tpu.dma_semaphore, #tpu.memory_space<semaphore_mem>>) src(%arg11 : memref<128x128xf32, #tpu.memory_space<vmem>>) dst(%dma_wait3A_474 : memref<10240x128xf32, #tpu.memory_space<vmem_shared>>)
          tpu.yield
        }) : () -> ()
        %dma_start3A_389 = arith.constant 0 : i32
        %dma_start3A_390 = arith.constant 0 : i32
        %dma_start3A_391 = arith.constant 0 : i32
        %dma_start3A_392 = tpu.memref_slice %arg13[%dma_start3A_389, %dma_start3A_390, %dma_start3A_391] : memref<2x6x128xi32, #tpu.memory_space<vmem>> -> memref<1x6x128xi32, #tpu.memory_space<vmem>>
        %dma_start3A_393 = tpu.memref_squeeze %dma_start3A_392 : memref<1x6x128xi32, #tpu.memory_space<vmem>> -> memref<6x128xi32, #tpu.memory_space<vmem>>
        %dma_start3A_394 = arith.constant 0 : i32
        %dma_start3A_395 = arith.constant 0 : i32
        %dma_start3A_396 = tpu.memref_slice %arg3[%arg1, %add3A_352, %dma_start3A_394, %dma_start3A_395] : memref<16x80x6x128xi32, #tpu.memory_space<hbm>> -> memref<1x1x6x128xi32, #tpu.memory_space<hbm>>
        %dma_start3A_397 = tpu.memref_squeeze %dma_start3A_396 : memref<1x1x6x128xi32, #tpu.memory_space<hbm>> -> memref<6x128xi32, #tpu.memory_space<hbm>>
        %dma_start3A_398 = arith.constant 0 : i32
        %dma_start3A_399 = arith.constant 0 : i32
        %dma_start3A_400 = tpu.memref_slice %arg13[%dma_start3A_389, %dma_start3A_398, %dma_start3A_399] : memref<2x6x128xi32, #tpu.memory_space<vmem>> -> memref<1x6x128xi32, #tpu.memory_space<vmem>>
        %dma_start3A_401 = tpu.memref_squeeze %dma_start3A_400 : memref<1x6x128xi32, #tpu.memory_space<vmem>> -> memref<6x128xi32, #tpu.memory_space<vmem>>
        %dma_start3A_402 = arith.constant 0 : i32
        %dma_start3A_403 = arith.constant 0 : i32
        %dma_start3A_404 = tpu.memref_slice %arg3[%arg1, %add3A_352, %dma_start3A_402, %dma_start3A_403] : memref<16x80x6x128xi32, #tpu.memory_space<hbm>> -> memref<1x1x6x128xi32, #tpu.memory_space<hbm>>
        %dma_start3A_405 = tpu.memref_squeeze %dma_start3A_404 : memref<1x1x6x128xi32, #tpu.memory_space<hbm>> -> memref<6x128xi32, #tpu.memory_space<hbm>>
        tpu.enqueue_dma source(%dma_start3A_405 : memref<6x128xi32, #tpu.memory_space<hbm>>) target(%dma_start3A_401 : memref<6x128xi32, #tpu.memory_space<vmem>>) target_semaphore(%arg16 : memref<!tpu.dma_semaphore, #tpu.memory_space<semaphore_mem>>)
        %dma_wait3A_406 = arith.constant 0 : i32
        %dma_wait3A_407 = arith.constant 0 : i32
        %dma_wait3A_408 = arith.constant 0 : i32
        %dma_wait3A_409 = arith.constant 0 : i32
        %dma_wait3A_410 = tpu.memref_slice %arg13[%dma_wait3A_407, %dma_wait3A_408, %dma_wait3A_409] : memref<2x6x128xi32, #tpu.memory_space<vmem>> -> memref<1x6x128xi32, #tpu.memory_space<vmem>>
        %dma_wait3A_411 = tpu.memref_squeeze %dma_wait3A_410 : memref<1x6x128xi32, #tpu.memory_space<vmem>> -> memref<6x128xi32, #tpu.memory_space<vmem>>
        %dma_wait3A_412 = arith.constant 0 : i32
        %dma_wait3A_413 = arith.constant 0 : i32
        %dma_wait3A_414 = tpu.memref_slice %arg3[%arg1, %dma_wait3A_406, %dma_wait3A_412, %dma_wait3A_413] : memref<16x80x6x128xi32, #tpu.memory_space<hbm>> -> memref<1x1x6x128xi32, #tpu.memory_space<hbm>>
        %dma_wait3A_415 = tpu.memref_squeeze %dma_wait3A_414 : memref<1x1x6x128xi32, #tpu.memory_space<hbm>> -> memref<6x128xi32, #tpu.memory_space<hbm>>
        %dma_wait3A_416 = arith.constant 0 : i32
        %dma_wait3A_417 = arith.constant 0 : i32
        %dma_wait3A_418 = tpu.memref_slice %arg13[%dma_wait3A_407, %dma_wait3A_416, %dma_wait3A_417] : memref<2x6x128xi32, #tpu.memory_space<vmem>> -> memref<1x6x128xi32, #tpu.memory_space<vmem>>
        %dma_wait3A_419 = tpu.memref_squeeze %dma_wait3A_418 : memref<1x6x128xi32, #tpu.memory_space<vmem>> -> memref<6x128xi32, #tpu.memory_space<vmem>>
        %dma_wait3A_420 = arith.constant 0 : i32
        %dma_wait3A_421 = arith.constant 0 : i32
        %dma_wait3A_422 = tpu.memref_slice %arg3[%arg1, %dma_wait3A_406, %dma_wait3A_420, %dma_wait3A_421] : memref<16x80x6x128xi32, #tpu.memory_space<hbm>> -> memref<1x1x6x128xi32, #tpu.memory_space<hbm>>
        %dma_wait3A_423 = tpu.memref_squeeze %dma_wait3A_422 : memref<1x1x6x128xi32, #tpu.memory_space<hbm>> -> memref<6x128xi32, #tpu.memory_space<hbm>>
        tpu.wait_dma2 semaphore(%arg16 : memref<!tpu.dma_semaphore, #tpu.memory_space<semaphore_mem>>) src(%dma_wait3A_423 : memref<6x128xi32, #tpu.memory_space<hbm>>) dst(%dma_wait3A_419 : memref<6x128xi32, #tpu.memory_space<vmem>>)
        %dma_start3A_424 = arith.constant 0 : i32
        %dma_start3A_425 = arith.constant 4 : i32
        %dma_start3A_426 = arith.constant 0 : i32
        %dma_start3A_427 = tpu.memref_slice %arg13[%dma_start3A_424, %dma_start3A_425, %dma_start3A_426] : memref<2x6x128xi32, #tpu.memory_space<vmem>> -> memref<1x1x128xi32, #tpu.memory_space<vmem>>
        %dma_start3A_428 = tpu.memref_squeeze %dma_start3A_427 : memref<1x1x128xi32, #tpu.memory_space<vmem>> -> memref<128xi32, #tpu.memory_space<vmem>>
        %dma_start3A_429 = arith.constant 0 : i32
        %dma_start3A_430 = arith.constant 0 : i32
        %dma_start3A_431 = tpu.memref_slice %arg2[%dma_start3A_429, %dma_start3A_430] : memref<50000x128xf32, #tpu.memory_space<hbm>> -> memref<50000x128xf32, #tpu.memory_space<hbm>>
        tpu.enqueue_indirect_dma source(%dma_start3A_431 : memref<50000x128xf32, #tpu.memory_space<hbm>>) target(%arg11 : memref<128x128xf32, #tpu.memory_space<vmem>>) offsets(%dma_start3A_428 : memref<128xi32, #tpu.memory_space<vmem>>) semaphore(%arg14 : memref<!tpu.dma_semaphore, #tpu.memory_space<semaphore_mem>>)
        %dma_wait3A_432 = arith.constant 0 : i32
        %dma_wait3A_433 = arith.constant 4 : i32
        %dma_wait3A_434 = arith.constant 0 : i32
        %dma_wait3A_435 = tpu.memref_slice %arg13[%dma_wait3A_432, %dma_wait3A_433, %dma_wait3A_434] : memref<2x6x128xi32, #tpu.memory_space<vmem>> -> memref<1x1x128xi32, #tpu.memory_space<vmem>>
        %dma_wait3A_436 = tpu.memref_squeeze %dma_wait3A_435 : memref<1x1x128xi32, #tpu.memory_space<vmem>> -> memref<128xi32, #tpu.memory_space<vmem>>
        %dma_wait3A_437 = arith.constant 0 : i32
        %dma_wait3A_438 = arith.constant 0 : i32
        %dma_wait3A_439 = tpu.memref_slice %arg2[%dma_wait3A_437, %dma_wait3A_438] : memref<50000x128xf32, #tpu.memory_space<hbm>> -> memref<50000x128xf32, #tpu.memory_space<hbm>>
        tpu.wait_indirect_dma semaphore(%arg15 : memref<!tpu.dma_semaphore, #tpu.memory_space<semaphore_mem>>) src(%dma_wait3A_439 : memref<50000x128xf32, #tpu.memory_space<hbm>>) dst(%arg12 : memref<128x128xf32, #tpu.memory_space<vmem>>)
        %run_scoped3A_440 = arith.constant 1 : i32
        %run_scoped3A_441 = arith.constant 5 : i32
        "tpu.region"() ({
          %run_scoped3A_462 = tpu.sem_alloc : memref<!tpu.dma_semaphore, #tpu.memory_space<semaphore_mem>>
          %dma_start3A_463 = arith.constant 0 : i32
          %dma_start3A_464 = tpu.memref_slice %arg13[%run_scoped3A_440, %run_scoped3A_441, %dma_start3A_463] : memref<2x6x128xi32, #tpu.memory_space<vmem>> -> memref<1x1x128xi32, #tpu.memory_space<vmem>>
          %dma_start3A_465 = tpu.memref_squeeze %dma_start3A_464 : memref<1x1x128xi32, #tpu.memory_space<vmem>> -> memref<128xi32, #tpu.memory_space<vmem>>
          %dma_start3A_466 = arith.constant 0 : i32
          %dma_start3A_467 = arith.constant 0 : i32
          %dma_start3A_468 = tpu.memref_slice %arg10[%dma_start3A_466, %dma_start3A_467] : memref<10240x128xf32, #tpu.memory_space<vmem_shared>> -> memref<10240x128xf32, #tpu.memory_space<vmem_shared>>
          tpu.enqueue_indirect_dma source(%arg12 : memref<128x128xf32, #tpu.memory_space<vmem>>) target(%dma_start3A_468 : memref<10240x128xf32, #tpu.memory_space<vmem_shared>>) offsets(%dma_start3A_465 : memref<128xi32, #tpu.memory_space<vmem>>) semaphore(%run_scoped3A_462 : memref<!tpu.dma_semaphore, #tpu.memory_space<semaphore_mem>>) {add = true}
          %dma_wait3A_469 = arith.constant 0 : i32
          %dma_wait3A_470 = tpu.memref_slice %arg13[%run_scoped3A_440, %run_scoped3A_441, %dma_wait3A_469] : memref<2x6x128xi32, #tpu.memory_space<vmem>> -> memref<1x1x128xi32, #tpu.memory_space<vmem>>
          %dma_wait3A_471 = tpu.memref_squeeze %dma_wait3A_470 : memref<1x1x128xi32, #tpu.memory_space<vmem>> -> memref<128xi32, #tpu.memory_space<vmem>>
          %dma_wait3A_472 = arith.constant 0 : i32
          %dma_wait3A_473 = arith.constant 0 : i32
          %dma_wait3A_474 = tpu.memref_slice %arg10[%dma_wait3A_472, %dma_wait3A_473] : memref<10240x128xf32, #tpu.memory_space<vmem_shared>> -> memref<10240x128xf32, #tpu.memory_space<vmem_shared>>
          tpu.wait_indirect_dma semaphore(%run_scoped3A_462 : memref<!tpu.dma_semaphore, #tpu.memory_space<semaphore_mem>>) src(%arg12 : memref<128x128xf32, #tpu.memory_space<vmem>>) dst(%dma_wait3A_474 : memref<10240x128xf32, #tpu.memory_space<vmem_shared>>)
          tpu.yield
        }) : () -> ()
        %add3A_442 = arith.constant 1 : i32
        %add3A_443 = arith.addi %add3A_352, %add3A_442 : i32
        %dma_start3A_444 = arith.constant 1 : i32
        %dma_start3A_445 = arith.constant 0 : i32
        %dma_start3A_446 = arith.constant 0 : i32
        %dma_start3A_447 = tpu.memref_slice %arg13[%dma_start3A_444, %dma_start3A_445, %dma_start3A_446] : memref<2x6x128xi32, #tpu.memory_space<vmem>> -> memref<1x6x128xi32, #tpu.memory_space<vmem>>
        %dma_start3A_448 = tpu.memref_squeeze %dma_start3A_447 : memref<1x6x128xi32, #tpu.memory_space<vmem>> -> memref<6x128xi32, #tpu.memory_space<vmem>>
        %dma_start3A_449 = arith.constant 0 : i32
        %dma_start3A_450 = arith.constant 0 : i32
        %dma_start3A_451 = tpu.memref_slice %arg3[%arg1, %add3A_443, %dma_start3A_449, %dma_start3A_450] : memref<16x80x6x128xi32, #tpu.memory_space<hbm>> -> memref<1x1x6x128xi32, #tpu.memory_space<hbm>>
        %dma_start3A_452 = tpu.memref_squeeze %dma_start3A_451 : memref<1x1x6x128xi32, #tpu.memory_space<hbm>> -> memref<6x128xi32, #tpu.memory_space<hbm>>
        %dma_start3A_453 = arith.constant 0 : i32
        %dma_start3A_454 = arith.constant 0 : i32
        %dma_start3A_455 = tpu.memref_slice %arg13[%dma_start3A_444, %dma_start3A_453, %dma_start3A_454] : memref<2x6x128xi32, #tpu.memory_space<vmem>> -> memref<1x6x128xi32, #tpu.memory_space<vmem>>
        %dma_start3A_456 = tpu.memref_squeeze %dma_start3A_455 : memref<1x6x128xi32, #tpu.memory_space<vmem>> -> memref<6x128xi32, #tpu.memory_space<vmem>>
        %dma_start3A_457 = arith.constant 0 : i32
        %dma_start3A_458 = arith.constant 0 : i32
        %dma_start3A_459 = tpu.memref_slice %arg3[%arg1, %add3A_443, %dma_start3A_457, %dma_start3A_458] : memref<16x80x6x128xi32, #tpu.memory_space<hbm>> -> memref<1x1x6x128xi32, #tpu.memory_space<hbm>>
        %dma_start3A_460 = tpu.memref_squeeze %dma_start3A_459 : memref<1x1x6x128xi32, #tpu.memory_space<hbm>> -> memref<6x128xi32, #tpu.memory_space<hbm>>
        tpu.enqueue_dma source(%dma_start3A_460 : memref<6x128xi32, #tpu.memory_space<hbm>>) target(%dma_start3A_456 : memref<6x128xi32, #tpu.memory_space<vmem>>) target_semaphore(%arg16 : memref<!tpu.dma_semaphore, #tpu.memory_space<semaphore_mem>>)
        %scan3A_461 = arith.constant 0 : i32
        scf.yield %scan3A_461 : i32
      }
      %scan3A_292 = arith.constant 19 : i32
      %dma_wait3A_293 = arith.constant 0 : i32
      %dma_wait3A_294 = arith.constant 0 : i32
      %dma_wait3A_295 = arith.constant 0 : i32
      %dma_wait3A_296 = arith.constant 0 : i32
      %dma_wait3A_297 = tpu.memref_slice %arg13[%dma_wait3A_294, %dma_wait3A_295, %dma_wait3A_296] : memref<2x6x128xi32, #tpu.memory_space<vmem>> -> memref<1x6x128xi32, #tpu.memory_space<vmem>>
      %dma_wait3A_298 = tpu.memref_squeeze %dma_wait3A_297 : memref<1x6x128xi32, #tpu.memory_space<vmem>> -> memref<6x128xi32, #tpu.memory_space<vmem>>
      %dma_wait3A_299 = arith.constant 0 : i32
      %dma_wait3A_300 = arith.constant 0 : i32
      %dma_wait3A_301 = tpu.memref_slice %arg3[%arg1, %dma_wait3A_293, %dma_wait3A_299, %dma_wait3A_300] : memref<16x80x6x128xi32, #tpu.memory_space<hbm>> -> memref<1x1x6x128xi32, #tpu.memory_space<hbm>>
      %dma_wait3A_302 = tpu.memref_squeeze %dma_wait3A_301 : memref<1x1x6x128xi32, #tpu.memory_space<hbm>> -> memref<6x128xi32, #tpu.memory_space<hbm>>
      %dma_wait3A_303 = arith.constant 0 : i32
      %dma_wait3A_304 = arith.constant 0 : i32
      %dma_wait3A_305 = tpu.memref_slice %arg13[%dma_wait3A_294, %dma_wait3A_303, %dma_wait3A_304] : memref<2x6x128xi32, #tpu.memory_space<vmem>> -> memref<1x6x128xi32, #tpu.memory_space<vmem>>
      %dma_wait3A_306 = tpu.memref_squeeze %dma_wait3A_305 : memref<1x6x128xi32, #tpu.memory_space<vmem>> -> memref<6x128xi32, #tpu.memory_space<vmem>>
      %dma_wait3A_307 = arith.constant 0 : i32
      %dma_wait3A_308 = arith.constant 0 : i32
      %dma_wait3A_309 = tpu.memref_slice %arg3[%arg1, %dma_wait3A_293, %dma_wait3A_307, %dma_wait3A_308] : memref<16x80x6x128xi32, #tpu.memory_space<hbm>> -> memref<1x1x6x128xi32, #tpu.memory_space<hbm>>
      %dma_wait3A_310 = tpu.memref_squeeze %dma_wait3A_309 : memref<1x1x6x128xi32, #tpu.memory_space<hbm>> -> memref<6x128xi32, #tpu.memory_space<hbm>>
      tpu.wait_dma2 semaphore(%arg16 : memref<!tpu.dma_semaphore, #tpu.memory_space<semaphore_mem>>) src(%dma_wait3A_310 : memref<6x128xi32, #tpu.memory_space<hbm>>) dst(%dma_wait3A_306 : memref<6x128xi32, #tpu.memory_space<vmem>>)
      %dma_start3A_311 = arith.constant 1 : i32
      %dma_start3A_312 = arith.constant 4 : i32
      %dma_start3A_313 = arith.constant 0 : i32
      %dma_start3A_314 = tpu.memref_slice %arg13[%dma_start3A_311, %dma_start3A_312, %dma_start3A_313] : memref<2x6x128xi32, #tpu.memory_space<vmem>> -> memref<1x1x128xi32, #tpu.memory_space<vmem>>
      %dma_start3A_315 = tpu.memref_squeeze %dma_start3A_314 : memref<1x1x128xi32, #tpu.memory_space<vmem>> -> memref<128xi32, #tpu.memory_space<vmem>>
      %dma_start3A_316 = arith.constant 0 : i32
      %dma_start3A_317 = arith.constant 0 : i32
      %dma_start3A_318 = tpu.memref_slice %arg2[%dma_start3A_316, %dma_start3A_317] : memref<50000x128xf32, #tpu.memory_space<hbm>> -> memref<50000x128xf32, #tpu.memory_space<hbm>>
      tpu.enqueue_indirect_dma source(%dma_start3A_318 : memref<50000x128xf32, #tpu.memory_space<hbm>>) target(%arg12 : memref<128x128xf32, #tpu.memory_space<vmem>>) offsets(%dma_start3A_315 : memref<128xi32, #tpu.memory_space<vmem>>) semaphore(%arg15 : memref<!tpu.dma_semaphore, #tpu.memory_space<semaphore_mem>>)
      %dma_wait3A_319 = arith.constant 0 : i32
      %dma_wait3A_320 = arith.constant 4 : i32
      %dma_wait3A_321 = arith.constant 0 : i32
      %dma_wait3A_322 = tpu.memref_slice %arg13[%dma_wait3A_319, %dma_wait3A_320, %dma_wait3A_321] : memref<2x6x128xi32, #tpu.memory_space<vmem>> -> memref<1x1x128xi32, #tpu.memory_space<vmem>>
      %dma_wait3A_323 = tpu.memref_squeeze %dma_wait3A_322 : memref<1x1x128xi32, #tpu.memory_space<vmem>> -> memref<128xi32, #tpu.memory_space<vmem>>
      %dma_wait3A_324 = arith.constant 0 : i32
      %dma_wait3A_325 = arith.constant 0 : i32
      %dma_wait3A_326 = tpu.memref_slice %arg2[%dma_wait3A_324, %dma_wait3A_325] : memref<50000x128xf32, #tpu.memory_space<hbm>> -> memref<50000x128xf32, #tpu.memory_space<hbm>>
      tpu.wait_indirect_dma semaphore(%arg14 : memref<!tpu.dma_semaphore, #tpu.memory_space<semaphore_mem>>) src(%dma_wait3A_326 : memref<50000x128xf32, #tpu.memory_space<hbm>>) dst(%arg11 : memref<128x128xf32, #tpu.memory_space<vmem>>)
      %run_scoped3A_327 = arith.constant 0 : i32
      %run_scoped3A_328 = arith.constant 5 : i32
      "tpu.region"() ({
        %run_scoped3A_345 = tpu.sem_alloc : memref<!tpu.dma_semaphore, #tpu.memory_space<semaphore_mem>>
        %dma_start3A_346 = arith.constant 0 : i32
        %dma_start3A_347 = tpu.memref_slice %arg13[%run_scoped3A_327, %run_scoped3A_328, %dma_start3A_346] : memref<2x6x128xi32, #tpu.memory_space<vmem>> -> memref<1x1x128xi32, #tpu.memory_space<vmem>>
        %dma_start3A_348 = tpu.memref_squeeze %dma_start3A_347 : memref<1x1x128xi32, #tpu.memory_space<vmem>> -> memref<128xi32, #tpu.memory_space<vmem>>
        %dma_start3A_349 = arith.constant 0 : i32
        %dma_start3A_350 = arith.constant 0 : i32
        %dma_start3A_351 = tpu.memref_slice %arg10[%dma_start3A_349, %dma_start3A_350] : memref<10240x128xf32, #tpu.memory_space<vmem_shared>> -> memref<10240x128xf32, #tpu.memory_space<vmem_shared>>
        tpu.enqueue_indirect_dma source(%arg11 : memref<128x128xf32, #tpu.memory_space<vmem>>) target(%dma_start3A_351 : memref<10240x128xf32, #tpu.memory_space<vmem_shared>>) offsets(%dma_start3A_348 : memref<128xi32, #tpu.memory_space<vmem>>) semaphore(%run_scoped3A_345 : memref<!tpu.dma_semaphore, #tpu.memory_space<semaphore_mem>>) {add = true}
        %dma_wait3A_352 = arith.constant 0 : i32
        %dma_wait3A_353 = tpu.memref_slice %arg13[%run_scoped3A_327, %run_scoped3A_328, %dma_wait3A_352] : memref<2x6x128xi32, #tpu.memory_space<vmem>> -> memref<1x1x128xi32, #tpu.memory_space<vmem>>
        %dma_wait3A_354 = tpu.memref_squeeze %dma_wait3A_353 : memref<1x1x128xi32, #tpu.memory_space<vmem>> -> memref<128xi32, #tpu.memory_space<vmem>>
        %dma_wait3A_355 = arith.constant 0 : i32
        %dma_wait3A_356 = arith.constant 0 : i32
        %dma_wait3A_357 = tpu.memref_slice %arg10[%dma_wait3A_355, %dma_wait3A_356] : memref<10240x128xf32, #tpu.memory_space<vmem_shared>> -> memref<10240x128xf32, #tpu.memory_space<vmem_shared>>
        tpu.wait_indirect_dma semaphore(%run_scoped3A_345 : memref<!tpu.dma_semaphore, #tpu.memory_space<semaphore_mem>>) src(%arg11 : memref<128x128xf32, #tpu.memory_space<vmem>>) dst(%dma_wait3A_357 : memref<10240x128xf32, #tpu.memory_space<vmem_shared>>)
        tpu.yield
      }) : () -> ()
      %dma_wait3A_329 = arith.constant 0 : i32
      %dma_wait3A_330 = arith.constant 4 : i32
      %dma_wait3A_331 = arith.constant 0 : i32
      %dma_wait3A_332 = tpu.memref_slice %arg13[%dma_wait3A_329, %dma_wait3A_330, %dma_wait3A_331] : memref<2x6x128xi32, #tpu.memory_space<vmem>> -> memref<1x1x128xi32, #tpu.memory_space<vmem>>
      %dma_wait3A_333 = tpu.memref_squeeze %dma_wait3A_332 : memref<1x1x128xi32, #tpu.memory_space<vmem>> -> memref<128xi32, #tpu.memory_space<vmem>>
      %dma_wait3A_334 = arith.constant 0 : i32
      %dma_wait3A_335 = arith.constant 0 : i32
      %dma_wait3A_336 = tpu.memref_slice %arg2[%dma_wait3A_334, %dma_wait3A_335] : memref<50000x128xf32, #tpu.memory_space<hbm>> -> memref<50000x128xf32, #tpu.memory_space<hbm>>
      tpu.wait_indirect_dma semaphore(%arg15 : memref<!tpu.dma_semaphore, #tpu.memory_space<semaphore_mem>>) src(%dma_wait3A_336 : memref<50000x128xf32, #tpu.memory_space<hbm>>) dst(%arg12 : memref<128x128xf32, #tpu.memory_space<vmem>>)
      %run_scoped3A_337 = arith.constant 1 : i32
      %run_scoped3A_338 = arith.constant 5 : i32
      "tpu.region"() ({
        %run_scoped3A_345 = tpu.sem_alloc : memref<!tpu.dma_semaphore, #tpu.memory_space<semaphore_mem>>
        %dma_start3A_346 = arith.constant 0 : i32
        %dma_start3A_347 = tpu.memref_slice %arg13[%run_scoped3A_337, %run_scoped3A_338, %dma_start3A_346] : memref<2x6x128xi32, #tpu.memory_space<vmem>> -> memref<1x1x128xi32, #tpu.memory_space<vmem>>
        %dma_start3A_348 = tpu.memref_squeeze %dma_start3A_347 : memref<1x1x128xi32, #tpu.memory_space<vmem>> -> memref<128xi32, #tpu.memory_space<vmem>>
        %dma_start3A_349 = arith.constant 0 : i32
        %dma_start3A_350 = arith.constant 0 : i32
        %dma_start3A_351 = tpu.memref_slice %arg10[%dma_start3A_349, %dma_start3A_350] : memref<10240x128xf32, #tpu.memory_space<vmem_shared>> -> memref<10240x128xf32, #tpu.memory_space<vmem_shared>>
        tpu.enqueue_indirect_dma source(%arg12 : memref<128x128xf32, #tpu.memory_space<vmem>>) target(%dma_start3A_351 : memref<10240x128xf32, #tpu.memory_space<vmem_shared>>) offsets(%dma_start3A_348 : memref<128xi32, #tpu.memory_space<vmem>>) semaphore(%run_scoped3A_345 : memref<!tpu.dma_semaphore, #tpu.memory_space<semaphore_mem>>) {add = true}
        %dma_wait3A_352 = arith.constant 0 : i32
        %dma_wait3A_353 = tpu.memref_slice %arg13[%run_scoped3A_337, %run_scoped3A_338, %dma_wait3A_352] : memref<2x6x128xi32, #tpu.memory_space<vmem>> -> memref<1x1x128xi32, #tpu.memory_space<vmem>>
        %dma_wait3A_354 = tpu.memref_squeeze %dma_wait3A_353 : memref<1x1x128xi32, #tpu.memory_space<vmem>> -> memref<128xi32, #tpu.memory_space<vmem>>
        %dma_wait3A_355 = arith.constant 0 : i32
        %dma_wait3A_356 = arith.constant 0 : i32
        %dma_wait3A_357 = tpu.memref_slice %arg10[%dma_wait3A_355, %dma_wait3A_356] : memref<10240x128xf32, #tpu.memory_space<vmem_shared>> -> memref<10240x128xf32, #tpu.memory_space<vmem_shared>>
        tpu.wait_indirect_dma semaphore(%run_scoped3A_345 : memref<!tpu.dma_semaphore, #tpu.memory_space<semaphore_mem>>) src(%arg12 : memref<128x128xf32, #tpu.memory_space<vmem>>) dst(%dma_wait3A_357 : memref<10240x128xf32, #tpu.memory_space<vmem_shared>>)
        tpu.yield
      }) : () -> ()
      %barrier3A_339 = arith.constant 0 : index
      tpu.barrier barrier_id(%barrier3A_339)
      %mul3A_340 = arith.constant 640 : i32
      %mul3A_341 = arith.muli %arg1, %mul3A_340 : i32
      %mul3A_342 = arith.constant 640 : i32
      %mul3A_343 = arith.muli %arg1, %mul3A_342 : i32
      "tpu.region"() ({
        %run_scoped3A_345 = tpu.sem_alloc : memref<!tpu.dma_semaphore, #tpu.memory_space<semaphore_mem>>
        %dma_start3A_346 = arith.constant 0 : i32
        %dma_start3A_347 = tpu.memref_slice %arg8[%mul3A_343, %dma_start3A_346] : memref<10240x128xf32, #tpu.memory_space<hbm>> -> memref<640x128xf32, #tpu.memory_space<hbm>>
        %dma_start3A_348 = arith.constant 0 : i32
        %dma_start3A_349 = tpu.memref_slice %arg10[%mul3A_341, %dma_start3A_348] : memref<10240x128xf32, #tpu.memory_space<vmem_shared>> -> memref<640x128xf32, #tpu.memory_space<vmem_shared>>
        tpu.enqueue_dma source(%dma_start3A_349 : memref<640x128xf32, #tpu.memory_space<vmem_shared>>) target(%dma_start3A_347 : memref<640x128xf32, #tpu.memory_space<hbm>>) target_semaphore(%run_scoped3A_345 : memref<!tpu.dma_semaphore, #tpu.memory_space<semaphore_mem>>)
        %dma_wait3A_350 = arith.constant 0 : i32
        %dma_wait3A_351 = tpu.memref_slice %arg8[%mul3A_343, %dma_wait3A_350] : memref<10240x128xf32, #tpu.memory_space<hbm>> -> memref<640x128xf32, #tpu.memory_space<hbm>>
        %dma_wait3A_352 = arith.constant 0 : i32
        %dma_wait3A_353 = tpu.memref_slice %arg10[%mul3A_341, %dma_wait3A_352] : memref<10240x128xf32, #tpu.memory_space<vmem_shared>> -> memref<640x128xf32, #tpu.memory_space<vmem_shared>>
        tpu.wait_dma2 semaphore(%run_scoped3A_345 : memref<!tpu.dma_semaphore, #tpu.memory_space<semaphore_mem>>) src(%dma_wait3A_353 : memref<640x128xf32, #tpu.memory_space<vmem_shared>>) dst(%dma_wait3A_351 : memref<640x128xf32, #tpu.memory_space<hbm>>)
        tpu.yield
      }) : () -> ()
      %barrier3A_344 = arith.constant 0 : index
      tpu.barrier barrier_id(%barrier3A_344)
    } else {
    }
    %eq3A_2 = arith.constant 1 : i32
    %eq3A_3 = arith.cmpi eq, %arg0, %eq3A_2 : i32
    %convert_element_type3A_4 = arith.extui %eq3A_3 : i1 to i32
    %cond3A_5 = arith.constant 0 : i32
    %cond3A_6 = arith.cmpi ne, %convert_element_type3A_4, %cond3A_5 : i32
    scf.if %cond3A_6 {
      %scan3A = arith.constant 0 : i32
      %scan3A_7 = arith.constant 0 : i32
      %scan3A_8 = arith.constant 128 : i32
      %scan3A_9 = arith.addi %scan3A_7, %scan3A_8 : i32
      %scan3A_10 = arith.constant 1 : i32
      %scan3A_11 = scf.for %scan3A_345 = %scan3A_7 to %scan3A_9 step %scan3A_10 iter_args(%scan3A_346 = %scan3A) -> (i32)  : i32 {
        %scan3A_347 = arith.constant 0 : i32
        %scan3A_348 = arith.constant 0 : i32
        %scan3A_349 = arith.constant 8 : i32
        %scan3A_350 = arith.addi %scan3A_348, %scan3A_349 : i32
        %scan3A_351 = arith.constant 1 : i32
        %scan3A_352 = scf.for %scan3A_354 = %scan3A_348 to %scan3A_350 step %scan3A_351 iter_args(%scan3A_355 = %scan3A_347) -> (i32)  : i32 {
          %broadcast_in_dim3A = arith.constant 0.000000e+00 : f32
          %broadcast_in_dim3A_356 = vector.broadcast %broadcast_in_dim3A : f32 to vector<16xf32>
          %mul3A_357 = arith.constant 16 : i32
          %mul3A_358 = arith.muli %scan3A_354, %mul3A_357 : i32
          %swap3A = arith.index_cast %scan3A_345 : i32 to index
          %swap3A_359 = arith.index_cast %mul3A_358 : i32 to index
          %swap3A_360 = tpu.vector_load %arg11[%swap3A, %swap3A_359] {strides = array<i32>} : memref<128x128xf32, #tpu.memory_space<vmem>>, vector<1x16xf32>,
          %swap3A_361 = vector.shape_cast %swap3A_360 : vector<1x16xf32> to vector<16xf32>
          %swap3A_362 = vector.shape_cast %broadcast_in_dim3A_356 : vector<16xf32> to vector<1x16xf32>
          tpu.vector_store %arg11[%swap3A, %swap3A_359], %swap3A_362 {strides = array<i32>} : memref<128x128xf32, #tpu.memory_space<vmem>>, vector<1x16xf32>,
          %scan3A_363 = arith.constant 0 : i32
          scf.yield %scan3A_363 : i32
        }
        %scan3A_353 = arith.constant 8 : i32
        scf.yield %scan3A_352 : i32
      }
      %scan3A_12 = arith.constant 128 : i32
      %mul3A = arith.constant 640 : i32
      %mul3A_13 = arith.muli %arg1, %mul3A : i32
      %add3A = arith.constant 0 : i32
      %add3A_14 = arith.addi %mul3A_13, %add3A : i32
      "tpu.region"() ({
        %run_scoped3A_345 = tpu.sem_alloc : memref<!tpu.dma_semaphore, #tpu.memory_space<semaphore_mem>>
        %dma_start3A_346 = arith.constant 0 : i32
        %dma_start3A_347 = tpu.memref_slice %arg10[%add3A_14, %dma_start3A_346] : memref<10240x128xf32, #tpu.memory_space<vmem_shared>> -> memref<128x128xf32, #tpu.memory_space<vmem_shared>>
        %dma_start3A_348 = arith.constant 0 : i32
        %dma_start3A_349 = tpu.memref_slice %arg10[%add3A_14, %dma_start3A_348] : memref<10240x128xf32, #tpu.memory_space<vmem_shared>> -> memref<128x128xf32, #tpu.memory_space<vmem_shared>>
        tpu.enqueue_dma source(%arg11 : memref<128x128xf32, #tpu.memory_space<vmem>>) target(%dma_start3A_349 : memref<128x128xf32, #tpu.memory_space<vmem_shared>>) target_semaphore(%run_scoped3A_345 : memref<!tpu.dma_semaphore, #tpu.memory_space<semaphore_mem>>)
        %dma_wait3A_350 = arith.constant 0 : i32
        %dma_wait3A_351 = tpu.memref_slice %arg10[%add3A_14, %dma_wait3A_350] : memref<10240x128xf32, #tpu.memory_space<vmem_shared>> -> memref<128x128xf32, #tpu.memory_space<vmem_shared>>
        %dma_wait3A_352 = arith.constant 0 : i32
        %dma_wait3A_353 = tpu.memref_slice %arg10[%add3A_14, %dma_wait3A_352] : memref<10240x128xf32, #tpu.memory_space<vmem_shared>> -> memref<128x128xf32, #tpu.memory_space<vmem_shared>>
        tpu.wait_dma2 semaphore(%run_scoped3A_345 : memref<!tpu.dma_semaphore, #tpu.memory_space<semaphore_mem>>) src(%arg11 : memref<128x128xf32, #tpu.memory_space<vmem>>) dst(%dma_wait3A_353 : memref<128x128xf32, #tpu.memory_space<vmem_shared>>)
        tpu.yield
      }) : () -> ()
      %mul3A_15 = arith.constant 640 : i32
      %mul3A_16 = arith.muli %arg1, %mul3A_15 : i32
      %add3A_17 = arith.constant 128 : i32
      %add3A_18 = arith.addi %mul3A_16, %add3A_17 : i32
      "tpu.region"() ({
        %run_scoped3A_345 = tpu.sem_alloc : memref<!tpu.dma_semaphore, #tpu.memory_space<semaphore_mem>>
        %dma_start3A_346 = arith.constant 0 : i32
        %dma_start3A_347 = tpu.memref_slice %arg10[%add3A_18, %dma_start3A_346] : memref<10240x128xf32, #tpu.memory_space<vmem_shared>> -> memref<128x128xf32, #tpu.memory_space<vmem_shared>>
        %dma_start3A_348 = arith.constant 0 : i32
        %dma_start3A_349 = tpu.memref_slice %arg10[%add3A_18, %dma_start3A_348] : memref<10240x128xf32, #tpu.memory_space<vmem_shared>> -> memref<128x128xf32, #tpu.memory_space<vmem_shared>>
        tpu.enqueue_dma source(%arg11 : memref<128x128xf32, #tpu.memory_space<vmem>>) target(%dma_start3A_349 : memref<128x128xf32, #tpu.memory_space<vmem_shared>>) target_semaphore(%run_scoped3A_345 : memref<!tpu.dma_semaphore, #tpu.memory_space<semaphore_mem>>)
        %dma_wait3A_350 = arith.constant 0 : i32
        %dma_wait3A_351 = tpu.memref_slice %arg10[%add3A_18, %dma_wait3A_350] : memref<10240x128xf32, #tpu.memory_space<vmem_shared>> -> memref<128x128xf32, #tpu.memory_space<vmem_shared>>
        %dma_wait3A_352 = arith.constant 0 : i32
        %dma_wait3A_353 = tpu.memref_slice %arg10[%add3A_18, %dma_wait3A_352] : memref<10240x128xf32, #tpu.memory_space<vmem_shared>> -> memref<128x128xf32, #tpu.memory_space<vmem_shared>>
        tpu.wait_dma2 semaphore(%run_scoped3A_345 : memref<!tpu.dma_semaphore, #tpu.memory_space<semaphore_mem>>) src(%arg11 : memref<128x128xf32, #tpu.memory_space<vmem>>) dst(%dma_wait3A_353 : memref<128x128xf32, #tpu.memory_space<vmem_shared>>)
        tpu.yield
      }) : () -> ()
      %mul3A_19 = arith.constant 640 : i32
      %mul3A_20 = arith.muli %arg1, %mul3A_19 : i32
      %add3A_21 = arith.constant 256 : i32
      %add3A_22 = arith.addi %mul3A_20, %add3A_21 : i32
      "tpu.region"() ({
        %run_scoped3A_345 = tpu.sem_alloc : memref<!tpu.dma_semaphore, #tpu.memory_space<semaphore_mem>>
        %dma_start3A_346 = arith.constant 0 : i32
        %dma_start3A_347 = tpu.memref_slice %arg10[%add3A_22, %dma_start3A_346] : memref<10240x128xf32, #tpu.memory_space<vmem_shared>> -> memref<128x128xf32, #tpu.memory_space<vmem_shared>>
        %dma_start3A_348 = arith.constant 0 : i32
        %dma_start3A_349 = tpu.memref_slice %arg10[%add3A_22, %dma_start3A_348] : memref<10240x128xf32, #tpu.memory_space<vmem_shared>> -> memref<128x128xf32, #tpu.memory_space<vmem_shared>>
        tpu.enqueue_dma source(%arg11 : memref<128x128xf32, #tpu.memory_space<vmem>>) target(%dma_start3A_349 : memref<128x128xf32, #tpu.memory_space<vmem_shared>>) target_semaphore(%run_scoped3A_345 : memref<!tpu.dma_semaphore, #tpu.memory_space<semaphore_mem>>)
        %dma_wait3A_350 = arith.constant 0 : i32
        %dma_wait3A_351 = tpu.memref_slice %arg10[%add3A_22, %dma_wait3A_350] : memref<10240x128xf32, #tpu.memory_space<vmem_shared>> -> memref<128x128xf32, #tpu.memory_space<vmem_shared>>
        %dma_wait3A_352 = arith.constant 0 : i32
        %dma_wait3A_353 = tpu.memref_slice %arg10[%add3A_22, %dma_wait3A_352] : memref<10240x128xf32, #tpu.memory_space<vmem_shared>> -> memref<128x128xf32, #tpu.memory_space<vmem_shared>>
        tpu.wait_dma2 semaphore(%run_scoped3A_345 : memref<!tpu.dma_semaphore, #tpu.memory_space<semaphore_mem>>) src(%arg11 : memref<128x128xf32, #tpu.memory_space<vmem>>) dst(%dma_wait3A_353 : memref<128x128xf32, #tpu.memory_space<vmem_shared>>)
        tpu.yield
      }) : () -> ()
      %mul3A_23 = arith.constant 640 : i32
      %mul3A_24 = arith.muli %arg1, %mul3A_23 : i32
      %add3A_25 = arith.constant 384 : i32
      %add3A_26 = arith.addi %mul3A_24, %add3A_25 : i32
      "tpu.region"() ({
        %run_scoped3A_345 = tpu.sem_alloc : memref<!tpu.dma_semaphore, #tpu.memory_space<semaphore_mem>>
        %dma_start3A_346 = arith.constant 0 : i32
        %dma_start3A_347 = tpu.memref_slice %arg10[%add3A_26, %dma_start3A_346] : memref<10240x128xf32, #tpu.memory_space<vmem_shared>> -> memref<128x128xf32, #tpu.memory_space<vmem_shared>>
        %dma_start3A_348 = arith.constant 0 : i32
        %dma_start3A_349 = tpu.memref_slice %arg10[%add3A_26, %dma_start3A_348] : memref<10240x128xf32, #tpu.memory_space<vmem_shared>> -> memref<128x128xf32, #tpu.memory_space<vmem_shared>>
        tpu.enqueue_dma source(%arg11 : memref<128x128xf32, #tpu.memory_space<vmem>>) target(%dma_start3A_349 : memref<128x128xf32, #tpu.memory_space<vmem_shared>>) target_semaphore(%run_scoped3A_345 : memref<!tpu.dma_semaphore, #tpu.memory_space<semaphore_mem>>)
        %dma_wait3A_350 = arith.constant 0 : i32
        %dma_wait3A_351 = tpu.memref_slice %arg10[%add3A_26, %dma_wait3A_350] : memref<10240x128xf32, #tpu.memory_space<vmem_shared>> -> memref<128x128xf32, #tpu.memory_space<vmem_shared>>
        %dma_wait3A_352 = arith.constant 0 : i32
        %dma_wait3A_353 = tpu.memref_slice %arg10[%add3A_26, %dma_wait3A_352] : memref<10240x128xf32, #tpu.memory_space<vmem_shared>> -> memref<128x128xf32, #tpu.memory_space<vmem_shared>>
        tpu.wait_dma2 semaphore(%run_scoped3A_345 : memref<!tpu.dma_semaphore, #tpu.memory_space<semaphore_mem>>) src(%arg11 : memref<128x128xf32, #tpu.memory_space<vmem>>) dst(%dma_wait3A_353 : memref<128x128xf32, #tpu.memory_space<vmem_shared>>)
        tpu.yield
      }) : () -> ()
      %mul3A_27 = arith.constant 640 : i32
      %mul3A_28 = arith.muli %arg1, %mul3A_27 : i32
      %add3A_29 = arith.constant 512 : i32
      %add3A_30 = arith.addi %mul3A_28, %add3A_29 : i32
      "tpu.region"() ({
        %run_scoped3A_345 = tpu.sem_alloc : memref<!tpu.dma_semaphore, #tpu.memory_space<semaphore_mem>>
        %dma_start3A_346 = arith.constant 0 : i32
        %dma_start3A_347 = tpu.memref_slice %arg10[%add3A_30, %dma_start3A_346] : memref<10240x128xf32, #tpu.memory_space<vmem_shared>> -> memref<128x128xf32, #tpu.memory_space<vmem_shared>>
        %dma_start3A_348 = arith.constant 0 : i32
        %dma_start3A_349 = tpu.memref_slice %arg10[%add3A_30, %dma_start3A_348] : memref<10240x128xf32, #tpu.memory_space<vmem_shared>> -> memref<128x128xf32, #tpu.memory_space<vmem_shared>>
        tpu.enqueue_dma source(%arg11 : memref<128x128xf32, #tpu.memory_space<vmem>>) target(%dma_start3A_349 : memref<128x128xf32, #tpu.memory_space<vmem_shared>>) target_semaphore(%run_scoped3A_345 : memref<!tpu.dma_semaphore, #tpu.memory_space<semaphore_mem>>)
        %dma_wait3A_350 = arith.constant 0 : i32
        %dma_wait3A_351 = tpu.memref_slice %arg10[%add3A_30, %dma_wait3A_350] : memref<10240x128xf32, #tpu.memory_space<vmem_shared>> -> memref<128x128xf32, #tpu.memory_space<vmem_shared>>
        %dma_wait3A_352 = arith.constant 0 : i32
        %dma_wait3A_353 = tpu.memref_slice %arg10[%add3A_30, %dma_wait3A_352] : memref<10240x128xf32, #tpu.memory_space<vmem_shared>> -> memref<128x128xf32, #tpu.memory_space<vmem_shared>>
        tpu.wait_dma2 semaphore(%run_scoped3A_345 : memref<!tpu.dma_semaphore, #tpu.memory_space<semaphore_mem>>) src(%arg11 : memref<128x128xf32, #tpu.memory_space<vmem>>) dst(%dma_wait3A_353 : memref<128x128xf32, #tpu.memory_space<vmem_shared>>)
        tpu.yield
      }) : () -> ()
      %barrier3A = arith.constant 0 : index
      tpu.barrier barrier_id(%barrier3A)
      %run_scoped3A = arith.constant 0 : i32
      %run_scoped3A_31 = arith.constant 0 : i32
      "tpu.region"() ({
        %run_scoped3A_345 = tpu.sem_alloc : memref<!tpu.dma_semaphore, #tpu.memory_space<semaphore_mem>>
        %dma_start3A_346 = arith.constant 0 : i32
        %dma_start3A_347 = arith.constant 0 : i32
        %dma_start3A_348 = tpu.memref_slice %arg13[%run_scoped3A_31, %dma_start3A_346, %dma_start3A_347] : memref<2x6x128xi32, #tpu.memory_space<vmem>> -> memref<1x6x128xi32, #tpu.memory_space<vmem>>
        %dma_start3A_349 = tpu.memref_squeeze %dma_start3A_348 : memref<1x6x128xi32, #tpu.memory_space<vmem>> -> memref<6x128xi32, #tpu.memory_space<vmem>>
        %dma_start3A_350 = arith.constant 0 : i32
        %dma_start3A_351 = arith.constant 0 : i32
        %dma_start3A_352 = tpu.memref_slice %arg3[%arg1, %run_scoped3A, %dma_start3A_350, %dma_start3A_351] : memref<16x80x6x128xi32, #tpu.memory_space<hbm>> -> memref<1x1x6x128xi32, #tpu.memory_space<hbm>>
        %dma_start3A_353 = tpu.memref_squeeze %dma_start3A_352 : memref<1x1x6x128xi32, #tpu.memory_space<hbm>> -> memref<6x128xi32, #tpu.memory_space<hbm>>
        %dma_start3A_354 = arith.constant 0 : i32
        %dma_start3A_355 = arith.constant 0 : i32
        %dma_start3A_356 = tpu.memref_slice %arg13[%run_scoped3A_31, %dma_start3A_354, %dma_start3A_355] : memref<2x6x128xi32, #tpu.memory_space<vmem>> -> memref<1x6x128xi32, #tpu.memory_space<vmem>>
        %dma_start3A_357 = tpu.memref_squeeze %dma_start3A_356 : memref<1x6x128xi32, #tpu.memory_space<vmem>> -> memref<6x128xi32, #tpu.memory_space<vmem>>
        %dma_start3A_358 = arith.constant 0 : i32
        %dma_start3A_359 = arith.constant 0 : i32
        %dma_start3A_360 = tpu.memref_slice %arg3[%arg1, %run_scoped3A, %dma_start3A_358, %dma_start3A_359] : memref<16x80x6x128xi32, #tpu.memory_space<hbm>> -> memref<1x1x6x128xi32, #tpu.memory_space<hbm>>
        %dma_start3A_361 = tpu.memref_squeeze %dma_start3A_360 : memref<1x1x6x128xi32, #tpu.memory_space<hbm>> -> memref<6x128xi32, #tpu.memory_space<hbm>>
        tpu.enqueue_dma source(%dma_start3A_361 : memref<6x128xi32, #tpu.memory_space<hbm>>) target(%dma_start3A_357 : memref<6x128xi32, #tpu.memory_space<vmem>>) target_semaphore(%run_scoped3A_345 : memref<!tpu.dma_semaphore, #tpu.memory_space<semaphore_mem>>)
        %dma_wait3A_362 = arith.constant 0 : i32
        %dma_wait3A_363 = arith.constant 0 : i32
        %dma_wait3A_364 = tpu.memref_slice %arg13[%run_scoped3A_31, %dma_wait3A_362, %dma_wait3A_363] : memref<2x6x128xi32, #tpu.memory_space<vmem>> -> memref<1x6x128xi32, #tpu.memory_space<vmem>>
        %dma_wait3A_365 = tpu.memref_squeeze %dma_wait3A_364 : memref<1x6x128xi32, #tpu.memory_space<vmem>> -> memref<6x128xi32, #tpu.memory_space<vmem>>
        %dma_wait3A_366 = arith.constant 0 : i32
        %dma_wait3A_367 = arith.constant 0 : i32
        %dma_wait3A_368 = tpu.memref_slice %arg3[%arg1, %run_scoped3A, %dma_wait3A_366, %dma_wait3A_367] : memref<16x80x6x128xi32, #tpu.memory_space<hbm>> -> memref<1x1x6x128xi32, #tpu.memory_space<hbm>>
        %dma_wait3A_369 = tpu.memref_squeeze %dma_wait3A_368 : memref<1x1x6x128xi32, #tpu.memory_space<hbm>> -> memref<6x128xi32, #tpu.memory_space<hbm>>
        %dma_wait3A_370 = arith.constant 0 : i32
        %dma_wait3A_371 = arith.constant 0 : i32
        %dma_wait3A_372 = tpu.memref_slice %arg13[%run_scoped3A_31, %dma_wait3A_370, %dma_wait3A_371] : memref<2x6x128xi32, #tpu.memory_space<vmem>> -> memref<1x6x128xi32, #tpu.memory_space<vmem>>
        %dma_wait3A_373 = tpu.memref_squeeze %dma_wait3A_372 : memref<1x6x128xi32, #tpu.memory_space<vmem>> -> memref<6x128xi32, #tpu.memory_space<vmem>>
        %dma_wait3A_374 = arith.constant 0 : i32
        %dma_wait3A_375 = arith.constant 0 : i32
        %dma_wait3A_376 = tpu.memref_slice %arg3[%arg1, %run_scoped3A, %dma_wait3A_374, %dma_wait3A_375] : memref<16x80x6x128xi32, #tpu.memory_space<hbm>> -> memref<1x1x6x128xi32, #tpu.memory_space<hbm>>
        %dma_wait3A_377 = tpu.memref_squeeze %dma_wait3A_376 : memref<1x1x6x128xi32, #tpu.memory_space<hbm>> -> memref<6x128xi32, #tpu.memory_space<hbm>>
        tpu.wait_dma2 semaphore(%run_scoped3A_345 : memref<!tpu.dma_semaphore, #tpu.memory_space<semaphore_mem>>) src(%dma_wait3A_377 : memref<6x128xi32, #tpu.memory_space<hbm>>) dst(%dma_wait3A_373 : memref<6x128xi32, #tpu.memory_space<vmem>>)
        tpu.yield
      }) : () -> ()
      %dma_start3A = arith.constant 0 : i32
      %dma_start3A_32 = arith.constant 2 : i32
      %dma_start3A_33 = arith.constant 0 : i32
      %dma_start3A_34 = tpu.memref_slice %arg13[%dma_start3A, %dma_start3A_32, %dma_start3A_33] : memref<2x6x128xi32, #tpu.memory_space<vmem>> -> memref<1x1x128xi32, #tpu.memory_space<vmem>>
      %dma_start3A_35 = tpu.memref_squeeze %dma_start3A_34 : memref<1x1x128xi32, #tpu.memory_space<vmem>> -> memref<128xi32, #tpu.memory_space<vmem>>
      %dma_start3A_36 = arith.constant 0 : i32
      %dma_start3A_37 = arith.constant 0 : i32
      %dma_start3A_38 = tpu.memref_slice %arg2[%dma_start3A_36, %dma_start3A_37] : memref<50000x128xf32, #tpu.memory_space<hbm>> -> memref<50000x128xf32, #tpu.memory_space<hbm>>
      tpu.enqueue_indirect_dma source(%dma_start3A_38 : memref<50000x128xf32, #tpu.memory_space<hbm>>) target(%arg11 : memref<128x128xf32, #tpu.memory_space<vmem>>) offsets(%dma_start3A_35 : memref<128xi32, #tpu.memory_space<vmem>>) semaphore(%arg14 : memref<!tpu.dma_semaphore, #tpu.memory_space<semaphore_mem>>)
      %dma_start3A_39 = arith.constant 1 : i32
      %dma_start3A_40 = arith.constant 1 : i32
      %dma_start3A_41 = arith.constant 0 : i32
      %dma_start3A_42 = arith.constant 0 : i32
      %dma_start3A_43 = tpu.memref_slice %arg13[%dma_start3A_40, %dma_start3A_41, %dma_start3A_42] : memref<2x6x128xi32, #tpu.memory_space<vmem>> -> memref<1x6x128xi32, #tpu.memory_space<vmem>>
      %dma_start3A_44 = tpu.memref_squeeze %dma_start3A_43 : memref<1x6x128xi32, #tpu.memory_space<vmem>> -> memref<6x128xi32, #tpu.memory_space<vmem>>
      %dma_start3A_45 = arith.constant 0 : i32
      %dma_start3A_46 = arith.constant 0 : i32
      %dma_start3A_47 = tpu.memref_slice %arg3[%arg1, %dma_start3A_39, %dma_start3A_45, %dma_start3A_46] : memref<16x80x6x128xi32, #tpu.memory_space<hbm>> -> memref<1x1x6x128xi32, #tpu.memory_space<hbm>>
      %dma_start3A_48 = tpu.memref_squeeze %dma_start3A_47 : memref<1x1x6x128xi32, #tpu.memory_space<hbm>> -> memref<6x128xi32, #tpu.memory_space<hbm>>
      %dma_start3A_49 = arith.constant 0 : i32
      %dma_start3A_50 = arith.constant 0 : i32
      %dma_start3A_51 = tpu.memref_slice %arg13[%dma_start3A_40, %dma_start3A_49, %dma_start3A_50] : memref<2x6x128xi32, #tpu.memory_space<vmem>> -> memref<1x6x128xi32, #tpu.memory_space<vmem>>
      %dma_start3A_52 = tpu.memref_squeeze %dma_start3A_51 : memref<1x6x128xi32, #tpu.memory_space<vmem>> -> memref<6x128xi32, #tpu.memory_space<vmem>>
      %dma_start3A_53 = arith.constant 0 : i32
      %dma_start3A_54 = arith.constant 0 : i32
      %dma_start3A_55 = tpu.memref_slice %arg3[%arg1, %dma_start3A_39, %dma_start3A_53, %dma_start3A_54] : memref<16x80x6x128xi32, #tpu.memory_space<hbm>> -> memref<1x1x6x128xi32, #tpu.memory_space<hbm>>
      %dma_start3A_56 = tpu.memref_squeeze %dma_start3A_55 : memref<1x1x6x128xi32, #tpu.memory_space<hbm>> -> memref<6x128xi32, #tpu.memory_space<hbm>>
      tpu.enqueue_dma source(%dma_start3A_56 : memref<6x128xi32, #tpu.memory_space<hbm>>) target(%dma_start3A_52 : memref<6x128xi32, #tpu.memory_space<vmem>>) target_semaphore(%arg16 : memref<!tpu.dma_semaphore, #tpu.memory_space<semaphore_mem>>)
      %scan3A_57 = arith.constant 0 : i32
      %scan3A_58 = arith.constant 0 : i32
      %scan3A_59 = arith.constant 39 : i32
      %scan3A_60 = arith.addi %scan3A_58, %scan3A_59 : i32
      %scan3A_61 = arith.constant 1 : i32
      %scan3A_62 = scf.for %scan3A_345 = %scan3A_58 to %scan3A_60 step %scan3A_61 iter_args(%scan3A_346 = %scan3A_57) -> (i32)  : i32 {
        %mul3A_347 = arith.constant 2 : i32
        %mul3A_348 = arith.muli %mul3A_347, %scan3A_345 : i32
        %add3A_349 = arith.constant 0 : i32
        %add3A_350 = arith.addi %add3A_349, %mul3A_348 : i32
        %add3A_351 = arith.constant 2 : i32
        %add3A_352 = arith.addi %add3A_350, %add3A_351 : i32
        %dma_wait3A_353 = arith.constant 0 : i32
        %dma_wait3A_354 = arith.constant 0 : i32
        %dma_wait3A_355 = arith.constant 0 : i32
        %dma_wait3A_356 = arith.constant 0 : i32
        %dma_wait3A_357 = tpu.memref_slice %arg13[%dma_wait3A_354, %dma_wait3A_355, %dma_wait3A_356] : memref<2x6x128xi32, #tpu.memory_space<vmem>> -> memref<1x6x128xi32, #tpu.memory_space<vmem>>
        %dma_wait3A_358 = tpu.memref_squeeze %dma_wait3A_357 : memref<1x6x128xi32, #tpu.memory_space<vmem>> -> memref<6x128xi32, #tpu.memory_space<vmem>>
        %dma_wait3A_359 = arith.constant 0 : i32
        %dma_wait3A_360 = arith.constant 0 : i32
        %dma_wait3A_361 = tpu.memref_slice %arg3[%arg1, %dma_wait3A_353, %dma_wait3A_359, %dma_wait3A_360] : memref<16x80x6x128xi32, #tpu.memory_space<hbm>> -> memref<1x1x6x128xi32, #tpu.memory_space<hbm>>
        %dma_wait3A_362 = tpu.memref_squeeze %dma_wait3A_361 : memref<1x1x6x128xi32, #tpu.memory_space<hbm>> -> memref<6x128xi32, #tpu.memory_space<hbm>>
        %dma_wait3A_363 = arith.constant 0 : i32
        %dma_wait3A_364 = arith.constant 0 : i32
        %dma_wait3A_365 = tpu.memref_slice %arg13[%dma_wait3A_354, %dma_wait3A_363, %dma_wait3A_364] : memref<2x6x128xi32, #tpu.memory_space<vmem>> -> memref<1x6x128xi32, #tpu.memory_space<vmem>>
        %dma_wait3A_366 = tpu.memref_squeeze %dma_wait3A_365 : memref<1x6x128xi32, #tpu.memory_space<vmem>> -> memref<6x128xi32, #tpu.memory_space<vmem>>
        %dma_wait3A_367 = arith.constant 0 : i32
        %dma_wait3A_368 = arith.constant 0 : i32
        %dma_wait3A_369 = tpu.memref_slice %arg3[%arg1, %dma_wait3A_353, %dma_wait3A_367, %dma_wait3A_368] : memref<16x80x6x128xi32, #tpu.memory_space<hbm>> -> memref<1x1x6x128xi32, #tpu.memory_space<hbm>>
        %dma_wait3A_370 = tpu.memref_squeeze %dma_wait3A_369 : memref<1x1x6x128xi32, #tpu.memory_space<hbm>> -> memref<6x128xi32, #tpu.memory_space<hbm>>
        tpu.wait_dma2 semaphore(%arg16 : memref<!tpu.dma_semaphore, #tpu.memory_space<semaphore_mem>>) src(%dma_wait3A_370 : memref<6x128xi32, #tpu.memory_space<hbm>>) dst(%dma_wait3A_366 : memref<6x128xi32, #tpu.memory_space<vmem>>)
        %dma_start3A_371 = arith.constant 1 : i32
        %dma_start3A_372 = arith.constant 2 : i32
        %dma_start3A_373 = arith.constant 0 : i32
        %dma_start3A_374 = tpu.memref_slice %arg13[%dma_start3A_371, %dma_start3A_372, %dma_start3A_373] : memref<2x6x128xi32, #tpu.memory_space<vmem>> -> memref<1x1x128xi32, #tpu.memory_space<vmem>>
        %dma_start3A_375 = tpu.memref_squeeze %dma_start3A_374 : memref<1x1x128xi32, #tpu.memory_space<vmem>> -> memref<128xi32, #tpu.memory_space<vmem>>
        %dma_start3A_376 = arith.constant 0 : i32
        %dma_start3A_377 = arith.constant 0 : i32
        %dma_start3A_378 = tpu.memref_slice %arg2[%dma_start3A_376, %dma_start3A_377] : memref<50000x128xf32, #tpu.memory_space<hbm>> -> memref<50000x128xf32, #tpu.memory_space<hbm>>
        tpu.enqueue_indirect_dma source(%dma_start3A_378 : memref<50000x128xf32, #tpu.memory_space<hbm>>) target(%arg12 : memref<128x128xf32, #tpu.memory_space<vmem>>) offsets(%dma_start3A_375 : memref<128xi32, #tpu.memory_space<vmem>>) semaphore(%arg15 : memref<!tpu.dma_semaphore, #tpu.memory_space<semaphore_mem>>)
        %dma_wait3A_379 = arith.constant 0 : i32
        %dma_wait3A_380 = arith.constant 2 : i32
        %dma_wait3A_381 = arith.constant 0 : i32
        %dma_wait3A_382 = tpu.memref_slice %arg13[%dma_wait3A_379, %dma_wait3A_380, %dma_wait3A_381] : memref<2x6x128xi32, #tpu.memory_space<vmem>> -> memref<1x1x128xi32, #tpu.memory_space<vmem>>
        %dma_wait3A_383 = tpu.memref_squeeze %dma_wait3A_382 : memref<1x1x128xi32, #tpu.memory_space<vmem>> -> memref<128xi32, #tpu.memory_space<vmem>>
        %dma_wait3A_384 = arith.constant 0 : i32
        %dma_wait3A_385 = arith.constant 0 : i32
        %dma_wait3A_386 = tpu.memref_slice %arg2[%dma_wait3A_384, %dma_wait3A_385] : memref<50000x128xf32, #tpu.memory_space<hbm>> -> memref<50000x128xf32, #tpu.memory_space<hbm>>
        tpu.wait_indirect_dma semaphore(%arg14 : memref<!tpu.dma_semaphore, #tpu.memory_space<semaphore_mem>>) src(%dma_wait3A_386 : memref<50000x128xf32, #tpu.memory_space<hbm>>) dst(%arg11 : memref<128x128xf32, #tpu.memory_space<vmem>>)
        %run_scoped3A_387 = arith.constant 0 : i32
        %run_scoped3A_388 = arith.constant 5 : i32
        "tpu.region"() ({
          %run_scoped3A_462 = tpu.sem_alloc : memref<!tpu.dma_semaphore, #tpu.memory_space<semaphore_mem>>
          %dma_start3A_463 = arith.constant 0 : i32
          %dma_start3A_464 = tpu.memref_slice %arg13[%run_scoped3A_387, %run_scoped3A_388, %dma_start3A_463] : memref<2x6x128xi32, #tpu.memory_space<vmem>> -> memref<1x1x128xi32, #tpu.memory_space<vmem>>
          %dma_start3A_465 = tpu.memref_squeeze %dma_start3A_464 : memref<1x1x128xi32, #tpu.memory_space<vmem>> -> memref<128xi32, #tpu.memory_space<vmem>>
          %dma_start3A_466 = arith.constant 0 : i32
          %dma_start3A_467 = arith.constant 0 : i32
          %dma_start3A_468 = tpu.memref_slice %arg10[%dma_start3A_466, %dma_start3A_467] : memref<10240x128xf32, #tpu.memory_space<vmem_shared>> -> memref<10240x128xf32, #tpu.memory_space<vmem_shared>>
          tpu.enqueue_indirect_dma source(%arg11 : memref<128x128xf32, #tpu.memory_space<vmem>>) target(%dma_start3A_468 : memref<10240x128xf32, #tpu.memory_space<vmem_shared>>) offsets(%dma_start3A_465 : memref<128xi32, #tpu.memory_space<vmem>>) semaphore(%run_scoped3A_462 : memref<!tpu.dma_semaphore, #tpu.memory_space<semaphore_mem>>) {add = true}
          %dma_wait3A_469 = arith.constant 0 : i32
          %dma_wait3A_470 = tpu.memref_slice %arg13[%run_scoped3A_387, %run_scoped3A_388, %dma_wait3A_469] : memref<2x6x128xi32, #tpu.memory_space<vmem>> -> memref<1x1x128xi32, #tpu.memory_space<vmem>>
          %dma_wait3A_471 = tpu.memref_squeeze %dma_wait3A_470 : memref<1x1x128xi32, #tpu.memory_space<vmem>> -> memref<128xi32, #tpu.memory_space<vmem>>
          %dma_wait3A_472 = arith.constant 0 : i32
          %dma_wait3A_473 = arith.constant 0 : i32
          %dma_wait3A_474 = tpu.memref_slice %arg10[%dma_wait3A_472, %dma_wait3A_473] : memref<10240x128xf32, #tpu.memory_space<vmem_shared>> -> memref<10240x128xf32, #tpu.memory_space<vmem_shared>>
          tpu.wait_indirect_dma semaphore(%run_scoped3A_462 : memref<!tpu.dma_semaphore, #tpu.memory_space<semaphore_mem>>) src(%arg11 : memref<128x128xf32, #tpu.memory_space<vmem>>) dst(%dma_wait3A_474 : memref<10240x128xf32, #tpu.memory_space<vmem_shared>>)
          tpu.yield
        }) : () -> ()
        %dma_start3A_389 = arith.constant 0 : i32
        %dma_start3A_390 = arith.constant 0 : i32
        %dma_start3A_391 = arith.constant 0 : i32
        %dma_start3A_392 = tpu.memref_slice %arg13[%dma_start3A_389, %dma_start3A_390, %dma_start3A_391] : memref<2x6x128xi32, #tpu.memory_space<vmem>> -> memref<1x6x128xi32, #tpu.memory_space<vmem>>
        %dma_start3A_393 = tpu.memref_squeeze %dma_start3A_392 : memref<1x6x128xi32, #tpu.memory_space<vmem>> -> memref<6x128xi32, #tpu.memory_space<vmem>>
        %dma_start3A_394 = arith.constant 0 : i32
        %dma_start3A_395 = arith.constant 0 : i32
        %dma_start3A_396 = tpu.memref_slice %arg3[%arg1, %add3A_352, %dma_start3A_394, %dma_start3A_395] : memref<16x80x6x128xi32, #tpu.memory_space<hbm>> -> memref<1x1x6x128xi32, #tpu.memory_space<hbm>>
        %dma_start3A_397 = tpu.memref_squeeze %dma_start3A_396 : memref<1x1x6x128xi32, #tpu.memory_space<hbm>> -> memref<6x128xi32, #tpu.memory_space<hbm>>
        %dma_start3A_398 = arith.constant 0 : i32
        %dma_start3A_399 = arith.constant 0 : i32
        %dma_start3A_400 = tpu.memref_slice %arg13[%dma_start3A_389, %dma_start3A_398, %dma_start3A_399] : memref<2x6x128xi32, #tpu.memory_space<vmem>> -> memref<1x6x128xi32, #tpu.memory_space<vmem>>
        %dma_start3A_401 = tpu.memref_squeeze %dma_start3A_400 : memref<1x6x128xi32, #tpu.memory_space<vmem>> -> memref<6x128xi32, #tpu.memory_space<vmem>>
        %dma_start3A_402 = arith.constant 0 : i32
        %dma_start3A_403 = arith.constant 0 : i32
        %dma_start3A_404 = tpu.memref_slice %arg3[%arg1, %add3A_352, %dma_start3A_402, %dma_start3A_403] : memref<16x80x6x128xi32, #tpu.memory_space<hbm>> -> memref<1x1x6x128xi32, #tpu.memory_space<hbm>>
        %dma_start3A_405 = tpu.memref_squeeze %dma_start3A_404 : memref<1x1x6x128xi32, #tpu.memory_space<hbm>> -> memref<6x128xi32, #tpu.memory_space<hbm>>
        tpu.enqueue_dma source(%dma_start3A_405 : memref<6x128xi32, #tpu.memory_space<hbm>>) target(%dma_start3A_401 : memref<6x128xi32, #tpu.memory_space<vmem>>) target_semaphore(%arg16 : memref<!tpu.dma_semaphore, #tpu.memory_space<semaphore_mem>>)
        %dma_wait3A_406 = arith.constant 0 : i32
        %dma_wait3A_407 = arith.constant 0 : i32
        %dma_wait3A_408 = arith.constant 0 : i32
        %dma_wait3A_409 = arith.constant 0 : i32
        %dma_wait3A_410 = tpu.memref_slice %arg13[%dma_wait3A_407, %dma_wait3A_408, %dma_wait3A_409] : memref<2x6x128xi32, #tpu.memory_space<vmem>> -> memref<1x6x128xi32, #tpu.memory_space<vmem>>
        %dma_wait3A_411 = tpu.memref_squeeze %dma_wait3A_410 : memref<1x6x128xi32, #tpu.memory_space<vmem>> -> memref<6x128xi32, #tpu.memory_space<vmem>>
        %dma_wait3A_412 = arith.constant 0 : i32
        %dma_wait3A_413 = arith.constant 0 : i32
        %dma_wait3A_414 = tpu.memref_slice %arg3[%arg1, %dma_wait3A_406, %dma_wait3A_412, %dma_wait3A_413] : memref<16x80x6x128xi32, #tpu.memory_space<hbm>> -> memref<1x1x6x128xi32, #tpu.memory_space<hbm>>
        %dma_wait3A_415 = tpu.memref_squeeze %dma_wait3A_414 : memref<1x1x6x128xi32, #tpu.memory_space<hbm>> -> memref<6x128xi32, #tpu.memory_space<hbm>>
        %dma_wait3A_416 = arith.constant 0 : i32
        %dma_wait3A_417 = arith.constant 0 : i32
        %dma_wait3A_418 = tpu.memref_slice %arg13[%dma_wait3A_407, %dma_wait3A_416, %dma_wait3A_417] : memref<2x6x128xi32, #tpu.memory_space<vmem>> -> memref<1x6x128xi32, #tpu.memory_space<vmem>>
        %dma_wait3A_419 = tpu.memref_squeeze %dma_wait3A_418 : memref<1x6x128xi32, #tpu.memory_space<vmem>> -> memref<6x128xi32, #tpu.memory_space<vmem>>
        %dma_wait3A_420 = arith.constant 0 : i32
        %dma_wait3A_421 = arith.constant 0 : i32
        %dma_wait3A_422 = tpu.memref_slice %arg3[%arg1, %dma_wait3A_406, %dma_wait3A_420, %dma_wait3A_421] : memref<16x80x6x128xi32, #tpu.memory_space<hbm>> -> memref<1x1x6x128xi32, #tpu.memory_space<hbm>>
        %dma_wait3A_423 = tpu.memref_squeeze %dma_wait3A_422 : memref<1x1x6x128xi32, #tpu.memory_space<hbm>> -> memref<6x128xi32, #tpu.memory_space<hbm>>
        tpu.wait_dma2 semaphore(%arg16 : memref<!tpu.dma_semaphore, #tpu.memory_space<semaphore_mem>>) src(%dma_wait3A_423 : memref<6x128xi32, #tpu.memory_space<hbm>>) dst(%dma_wait3A_419 : memref<6x128xi32, #tpu.memory_space<vmem>>)
        %dma_start3A_424 = arith.constant 0 : i32
        %dma_start3A_425 = arith.constant 2 : i32
        %dma_start3A_426 = arith.constant 0 : i32
        %dma_start3A_427 = tpu.memref_slice %arg13[%dma_start3A_424, %dma_start3A_425, %dma_start3A_426] : memref<2x6x128xi32, #tpu.memory_space<vmem>> -> memref<1x1x128xi32, #tpu.memory_space<vmem>>
        %dma_start3A_428 = tpu.memref_squeeze %dma_start3A_427 : memref<1x1x128xi32, #tpu.memory_space<vmem>> -> memref<128xi32, #tpu.memory_space<vmem>>
        %dma_start3A_429 = arith.constant 0 : i32
        %dma_start3A_430 = arith.constant 0 : i32
        %dma_start3A_431 = tpu.memref_slice %arg2[%dma_start3A_429, %dma_start3A_430] : memref<50000x128xf32, #tpu.memory_space<hbm>> -> memref<50000x128xf32, #tpu.memory_space<hbm>>
        tpu.enqueue_indirect_dma source(%dma_start3A_431 : memref<50000x128xf32, #tpu.memory_space<hbm>>) target(%arg11 : memref<128x128xf32, #tpu.memory_space<vmem>>) offsets(%dma_start3A_428 : memref<128xi32, #tpu.memory_space<vmem>>) semaphore(%arg14 : memref<!tpu.dma_semaphore, #tpu.memory_space<semaphore_mem>>)
        %dma_wait3A_432 = arith.constant 0 : i32
        %dma_wait3A_433 = arith.constant 2 : i32
        %dma_wait3A_434 = arith.constant 0 : i32
        %dma_wait3A_435 = tpu.memref_slice %arg13[%dma_wait3A_432, %dma_wait3A_433, %dma_wait3A_434] : memref<2x6x128xi32, #tpu.memory_space<vmem>> -> memref<1x1x128xi32, #tpu.memory_space<vmem>>
        %dma_wait3A_436 = tpu.memref_squeeze %dma_wait3A_435 : memref<1x1x128xi32, #tpu.memory_space<vmem>> -> memref<128xi32, #tpu.memory_space<vmem>>
        %dma_wait3A_437 = arith.constant 0 : i32
        %dma_wait3A_438 = arith.constant 0 : i32
        %dma_wait3A_439 = tpu.memref_slice %arg2[%dma_wait3A_437, %dma_wait3A_438] : memref<50000x128xf32, #tpu.memory_space<hbm>> -> memref<50000x128xf32, #tpu.memory_space<hbm>>
        tpu.wait_indirect_dma semaphore(%arg15 : memref<!tpu.dma_semaphore, #tpu.memory_space<semaphore_mem>>) src(%dma_wait3A_439 : memref<50000x128xf32, #tpu.memory_space<hbm>>) dst(%arg12 : memref<128x128xf32, #tpu.memory_space<vmem>>)
        %run_scoped3A_440 = arith.constant 1 : i32
        %run_scoped3A_441 = arith.constant 5 : i32
        "tpu.region"() ({
          %run_scoped3A_462 = tpu.sem_alloc : memref<!tpu.dma_semaphore, #tpu.memory_space<semaphore_mem>>
          %dma_start3A_463 = arith.constant 0 : i32
          %dma_start3A_464 = tpu.memref_slice %arg13[%run_scoped3A_440, %run_scoped3A_441, %dma_start3A_463] : memref<2x6x128xi32, #tpu.memory_space<vmem>> -> memref<1x1x128xi32, #tpu.memory_space<vmem>>
          %dma_start3A_465 = tpu.memref_squeeze %dma_start3A_464 : memref<1x1x128xi32, #tpu.memory_space<vmem>> -> memref<128xi32, #tpu.memory_space<vmem>>
          %dma_start3A_466 = arith.constant 0 : i32
          %dma_start3A_467 = arith.constant 0 : i32
          %dma_start3A_468 = tpu.memref_slice %arg10[%dma_start3A_466, %dma_start3A_467] : memref<10240x128xf32, #tpu.memory_space<vmem_shared>> -> memref<10240x128xf32, #tpu.memory_space<vmem_shared>>
          tpu.enqueue_indirect_dma source(%arg12 : memref<128x128xf32, #tpu.memory_space<vmem>>) target(%dma_start3A_468 : memref<10240x128xf32, #tpu.memory_space<vmem_shared>>) offsets(%dma_start3A_465 : memref<128xi32, #tpu.memory_space<vmem>>) semaphore(%run_scoped3A_462 : memref<!tpu.dma_semaphore, #tpu.memory_space<semaphore_mem>>) {add = true}
          %dma_wait3A_469 = arith.constant 0 : i32
          %dma_wait3A_470 = tpu.memref_slice %arg13[%run_scoped3A_440, %run_scoped3A_441, %dma_wait3A_469] : memref<2x6x128xi32, #tpu.memory_space<vmem>> -> memref<1x1x128xi32, #tpu.memory_space<vmem>>
          %dma_wait3A_471 = tpu.memref_squeeze %dma_wait3A_470 : memref<1x1x128xi32, #tpu.memory_space<vmem>> -> memref<128xi32, #tpu.memory_space<vmem>>
          %dma_wait3A_472 = arith.constant 0 : i32
          %dma_wait3A_473 = arith.constant 0 : i32
          %dma_wait3A_474 = tpu.memref_slice %arg10[%dma_wait3A_472, %dma_wait3A_473] : memref<10240x128xf32, #tpu.memory_space<vmem_shared>> -> memref<10240x128xf32, #tpu.memory_space<vmem_shared>>
          tpu.wait_indirect_dma semaphore(%run_scoped3A_462 : memref<!tpu.dma_semaphore, #tpu.memory_space<semaphore_mem>>) src(%arg12 : memref<128x128xf32, #tpu.memory_space<vmem>>) dst(%dma_wait3A_474 : memref<10240x128xf32, #tpu.memory_space<vmem_shared>>)
          tpu.yield
        }) : () -> ()
        %add3A_442 = arith.constant 1 : i32
        %add3A_443 = arith.addi %add3A_352, %add3A_442 : i32
        %dma_start3A_444 = arith.constant 1 : i32
        %dma_start3A_445 = arith.constant 0 : i32
        %dma_start3A_446 = arith.constant 0 : i32
        %dma_start3A_447 = tpu.memref_slice %arg13[%dma_start3A_444, %dma_start3A_445, %dma_start3A_446] : memref<2x6x128xi32, #tpu.memory_space<vmem>> -> memref<1x6x128xi32, #tpu.memory_space<vmem>>
        %dma_start3A_448 = tpu.memref_squeeze %dma_start3A_447 : memref<1x6x128xi32, #tpu.memory_space<vmem>> -> memref<6x128xi32, #tpu.memory_space<vmem>>
        %dma_start3A_449 = arith.constant 0 : i32
        %dma_start3A_450 = arith.constant 0 : i32
        %dma_start3A_451 = tpu.memref_slice %arg3[%arg1, %add3A_443, %dma_start3A_449, %dma_start3A_450] : memref<16x80x6x128xi32, #tpu.memory_space<hbm>> -> memref<1x1x6x128xi32, #tpu.memory_space<hbm>>
        %dma_start3A_452 = tpu.memref_squeeze %dma_start3A_451 : memref<1x1x6x128xi32, #tpu.memory_space<hbm>> -> memref<6x128xi32, #tpu.memory_space<hbm>>
        %dma_start3A_453 = arith.constant 0 : i32
        %dma_start3A_454 = arith.constant 0 : i32
        %dma_start3A_455 = tpu.memref_slice %arg13[%dma_start3A_444, %dma_start3A_453, %dma_start3A_454] : memref<2x6x128xi32, #tpu.memory_space<vmem>> -> memref<1x6x128xi32, #tpu.memory_space<vmem>>
        %dma_start3A_456 = tpu.memref_squeeze %dma_start3A_455 : memref<1x6x128xi32, #tpu.memory_space<vmem>> -> memref<6x128xi32, #tpu.memory_space<vmem>>
        %dma_start3A_457 = arith.constant 0 : i32
        %dma_start3A_458 = arith.constant 0 : i32
        %dma_start3A_459 = tpu.memref_slice %arg3[%arg1, %add3A_443, %dma_start3A_457, %dma_start3A_458] : memref<16x80x6x128xi32, #tpu.memory_space<hbm>> -> memref<1x1x6x128xi32, #tpu.memory_space<hbm>>
        %dma_start3A_460 = tpu.memref_squeeze %dma_start3A_459 : memref<1x1x6x128xi32, #tpu.memory_space<hbm>> -> memref<6x128xi32, #tpu.memory_space<hbm>>
        tpu.enqueue_dma source(%dma_start3A_460 : memref<6x128xi32, #tpu.memory_space<hbm>>) target(%dma_start3A_456 : memref<6x128xi32, #tpu.memory_space<vmem>>) target_semaphore(%arg16 : memref<!tpu.dma_semaphore, #tpu.memory_space<semaphore_mem>>)
        %scan3A_461 = arith.constant 0 : i32
        scf.yield %scan3A_461 : i32
      }
      %scan3A_63 = arith.constant 39 : i32
      %dma_wait3A = arith.constant 0 : i32
      %dma_wait3A_64 = arith.constant 0 : i32
      %dma_wait3A_65 = arith.constant 0 : i32
      %dma_wait3A_66 = arith.constant 0 : i32
      %dma_wait3A_67 = tpu.memref_slice %arg13[%dma_wait3A_64, %dma_wait3A_65, %dma_wait3A_66] : memref<2x6x128xi32, #tpu.memory_space<vmem>> -> memref<1x6x128xi32, #tpu.memory_space<vmem>>
      %dma_wait3A_68 = tpu.memref_squeeze %dma_wait3A_67 : memref<1x6x128xi32, #tpu.memory_space<vmem>> -> memref<6x128xi32, #tpu.memory_space<vmem>>
      %dma_wait3A_69 = arith.constant 0 : i32
      %dma_wait3A_70 = arith.constant 0 : i32
      %dma_wait3A_71 = tpu.memref_slice %arg3[%arg1, %dma_wait3A, %dma_wait3A_69, %dma_wait3A_70] : memref<16x80x6x128xi32, #tpu.memory_space<hbm>> -> memref<1x1x6x128xi32, #tpu.memory_space<hbm>>
      %dma_wait3A_72 = tpu.memref_squeeze %dma_wait3A_71 : memref<1x1x6x128xi32, #tpu.memory_space<hbm>> -> memref<6x128xi32, #tpu.memory_space<hbm>>
      %dma_wait3A_73 = arith.constant 0 : i32
      %dma_wait3A_74 = arith.constant 0 : i32
      %dma_wait3A_75 = tpu.memref_slice %arg13[%dma_wait3A_64, %dma_wait3A_73, %dma_wait3A_74] : memref<2x6x128xi32, #tpu.memory_space<vmem>> -> memref<1x6x128xi32, #tpu.memory_space<vmem>>
      %dma_wait3A_76 = tpu.memref_squeeze %dma_wait3A_75 : memref<1x6x128xi32, #tpu.memory_space<vmem>> -> memref<6x128xi32, #tpu.memory_space<vmem>>
      %dma_wait3A_77 = arith.constant 0 : i32
      %dma_wait3A_78 = arith.constant 0 : i32
      %dma_wait3A_79 = tpu.memref_slice %arg3[%arg1, %dma_wait3A, %dma_wait3A_77, %dma_wait3A_78] : memref<16x80x6x128xi32, #tpu.memory_space<hbm>> -> memref<1x1x6x128xi32, #tpu.memory_space<hbm>>
      %dma_wait3A_80 = tpu.memref_squeeze %dma_wait3A_79 : memref<1x1x6x128xi32, #tpu.memory_space<hbm>> -> memref<6x128xi32, #tpu.memory_space<hbm>>
      tpu.wait_dma2 semaphore(%arg16 : memref<!tpu.dma_semaphore, #tpu.memory_space<semaphore_mem>>) src(%dma_wait3A_80 : memref<6x128xi32, #tpu.memory_space<hbm>>) dst(%dma_wait3A_76 : memref<6x128xi32, #tpu.memory_space<vmem>>)
      %dma_start3A_81 = arith.constant 1 : i32
      %dma_start3A_82 = arith.constant 2 : i32
      %dma_start3A_83 = arith.constant 0 : i32
      %dma_start3A_84 = tpu.memref_slice %arg13[%dma_start3A_81, %dma_start3A_82, %dma_start3A_83] : memref<2x6x128xi32, #tpu.memory_space<vmem>> -> memref<1x1x128xi32, #tpu.memory_space<vmem>>
      %dma_start3A_85 = tpu.memref_squeeze %dma_start3A_84 : memref<1x1x128xi32, #tpu.memory_space<vmem>> -> memref<128xi32, #tpu.memory_space<vmem>>
      %dma_start3A_86 = arith.constant 0 : i32
      %dma_start3A_87 = arith.constant 0 : i32
      %dma_start3A_88 = tpu.memref_slice %arg2[%dma_start3A_86, %dma_start3A_87] : memref<50000x128xf32, #tpu.memory_space<hbm>> -> memref<50000x128xf32, #tpu.memory_space<hbm>>
      tpu.enqueue_indirect_dma source(%dma_start3A_88 : memref<50000x128xf32, #tpu.memory_space<hbm>>) target(%arg12 : memref<128x128xf32, #tpu.memory_space<vmem>>) offsets(%dma_start3A_85 : memref<128xi32, #tpu.memory_space<vmem>>) semaphore(%arg15 : memref<!tpu.dma_semaphore, #tpu.memory_space<semaphore_mem>>)
      %dma_wait3A_89 = arith.constant 0 : i32
      %dma_wait3A_90 = arith.constant 2 : i32
      %dma_wait3A_91 = arith.constant 0 : i32
      %dma_wait3A_92 = tpu.memref_slice %arg13[%dma_wait3A_89, %dma_wait3A_90, %dma_wait3A_91] : memref<2x6x128xi32, #tpu.memory_space<vmem>> -> memref<1x1x128xi32, #tpu.memory_space<vmem>>
      %dma_wait3A_93 = tpu.memref_squeeze %dma_wait3A_92 : memref<1x1x128xi32, #tpu.memory_space<vmem>> -> memref<128xi32, #tpu.memory_space<vmem>>
      %dma_wait3A_94 = arith.constant 0 : i32
      %dma_wait3A_95 = arith.constant 0 : i32
      %dma_wait3A_96 = tpu.memref_slice %arg2[%dma_wait3A_94, %dma_wait3A_95] : memref<50000x128xf32, #tpu.memory_space<hbm>> -> memref<50000x128xf32, #tpu.memory_space<hbm>>
      tpu.wait_indirect_dma semaphore(%arg14 : memref<!tpu.dma_semaphore, #tpu.memory_space<semaphore_mem>>) src(%dma_wait3A_96 : memref<50000x128xf32, #tpu.memory_space<hbm>>) dst(%arg11 : memref<128x128xf32, #tpu.memory_space<vmem>>)
      %run_scoped3A_97 = arith.constant 0 : i32
      %run_scoped3A_98 = arith.constant 5 : i32
      "tpu.region"() ({
        %run_scoped3A_345 = tpu.sem_alloc : memref<!tpu.dma_semaphore, #tpu.memory_space<semaphore_mem>>
        %dma_start3A_346 = arith.constant 0 : i32
        %dma_start3A_347 = tpu.memref_slice %arg13[%run_scoped3A_97, %run_scoped3A_98, %dma_start3A_346] : memref<2x6x128xi32, #tpu.memory_space<vmem>> -> memref<1x1x128xi32, #tpu.memory_space<vmem>>
        %dma_start3A_348 = tpu.memref_squeeze %dma_start3A_347 : memref<1x1x128xi32, #tpu.memory_space<vmem>> -> memref<128xi32, #tpu.memory_space<vmem>>
        %dma_start3A_349 = arith.constant 0 : i32
        %dma_start3A_350 = arith.constant 0 : i32
        %dma_start3A_351 = tpu.memref_slice %arg10[%dma_start3A_349, %dma_start3A_350] : memref<10240x128xf32, #tpu.memory_space<vmem_shared>> -> memref<10240x128xf32, #tpu.memory_space<vmem_shared>>
        tpu.enqueue_indirect_dma source(%arg11 : memref<128x128xf32, #tpu.memory_space<vmem>>) target(%dma_start3A_351 : memref<10240x128xf32, #tpu.memory_space<vmem_shared>>) offsets(%dma_start3A_348 : memref<128xi32, #tpu.memory_space<vmem>>) semaphore(%run_scoped3A_345 : memref<!tpu.dma_semaphore, #tpu.memory_space<semaphore_mem>>) {add = true}
        %dma_wait3A_352 = arith.constant 0 : i32
        %dma_wait3A_353 = tpu.memref_slice %arg13[%run_scoped3A_97, %run_scoped3A_98, %dma_wait3A_352] : memref<2x6x128xi32, #tpu.memory_space<vmem>> -> memref<1x1x128xi32, #tpu.memory_space<vmem>>
        %dma_wait3A_354 = tpu.memref_squeeze %dma_wait3A_353 : memref<1x1x128xi32, #tpu.memory_space<vmem>> -> memref<128xi32, #tpu.memory_space<vmem>>
        %dma_wait3A_355 = arith.constant 0 : i32
        %dma_wait3A_356 = arith.constant 0 : i32
        %dma_wait3A_357 = tpu.memref_slice %arg10[%dma_wait3A_355, %dma_wait3A_356] : memref<10240x128xf32, #tpu.memory_space<vmem_shared>> -> memref<10240x128xf32, #tpu.memory_space<vmem_shared>>
        tpu.wait_indirect_dma semaphore(%run_scoped3A_345 : memref<!tpu.dma_semaphore, #tpu.memory_space<semaphore_mem>>) src(%arg11 : memref<128x128xf32, #tpu.memory_space<vmem>>) dst(%dma_wait3A_357 : memref<10240x128xf32, #tpu.memory_space<vmem_shared>>)
        tpu.yield
      }) : () -> ()
      %dma_wait3A_99 = arith.constant 0 : i32
      %dma_wait3A_100 = arith.constant 2 : i32
      %dma_wait3A_101 = arith.constant 0 : i32
      %dma_wait3A_102 = tpu.memref_slice %arg13[%dma_wait3A_99, %dma_wait3A_100, %dma_wait3A_101] : memref<2x6x128xi32, #tpu.memory_space<vmem>> -> memref<1x1x128xi32, #tpu.memory_space<vmem>>
      %dma_wait3A_103 = tpu.memref_squeeze %dma_wait3A_102 : memref<1x1x128xi32, #tpu.memory_space<vmem>> -> memref<128xi32, #tpu.memory_space<vmem>>
      %dma_wait3A_104 = arith.constant 0 : i32
      %dma_wait3A_105 = arith.constant 0 : i32
      %dma_wait3A_106 = tpu.memref_slice %arg2[%dma_wait3A_104, %dma_wait3A_105] : memref<50000x128xf32, #tpu.memory_space<hbm>> -> memref<50000x128xf32, #tpu.memory_space<hbm>>
      tpu.wait_indirect_dma semaphore(%arg15 : memref<!tpu.dma_semaphore, #tpu.memory_space<semaphore_mem>>) src(%dma_wait3A_106 : memref<50000x128xf32, #tpu.memory_space<hbm>>) dst(%arg12 : memref<128x128xf32, #tpu.memory_space<vmem>>)
      %run_scoped3A_107 = arith.constant 1 : i32
      %run_scoped3A_108 = arith.constant 5 : i32
      "tpu.region"() ({
        %run_scoped3A_345 = tpu.sem_alloc : memref<!tpu.dma_semaphore, #tpu.memory_space<semaphore_mem>>
        %dma_start3A_346 = arith.constant 0 : i32
        %dma_start3A_347 = tpu.memref_slice %arg13[%run_scoped3A_107, %run_scoped3A_108, %dma_start3A_346] : memref<2x6x128xi32, #tpu.memory_space<vmem>> -> memref<1x1x128xi32, #tpu.memory_space<vmem>>
        %dma_start3A_348 = tpu.memref_squeeze %dma_start3A_347 : memref<1x1x128xi32, #tpu.memory_space<vmem>> -> memref<128xi32, #tpu.memory_space<vmem>>
        %dma_start3A_349 = arith.constant 0 : i32
        %dma_start3A_350 = arith.constant 0 : i32
        %dma_start3A_351 = tpu.memref_slice %arg10[%dma_start3A_349, %dma_start3A_350] : memref<10240x128xf32, #tpu.memory_space<vmem_shared>> -> memref<10240x128xf32, #tpu.memory_space<vmem_shared>>
        tpu.enqueue_indirect_dma source(%arg12 : memref<128x128xf32, #tpu.memory_space<vmem>>) target(%dma_start3A_351 : memref<10240x128xf32, #tpu.memory_space<vmem_shared>>) offsets(%dma_start3A_348 : memref<128xi32, #tpu.memory_space<vmem>>) semaphore(%run_scoped3A_345 : memref<!tpu.dma_semaphore, #tpu.memory_space<semaphore_mem>>) {add = true}
        %dma_wait3A_352 = arith.constant 0 : i32
        %dma_wait3A_353 = tpu.memref_slice %arg13[%run_scoped3A_107, %run_scoped3A_108, %dma_wait3A_352] : memref<2x6x128xi32, #tpu.memory_space<vmem>> -> memref<1x1x128xi32, #tpu.memory_space<vmem>>
        %dma_wait3A_354 = tpu.memref_squeeze %dma_wait3A_353 : memref<1x1x128xi32, #tpu.memory_space<vmem>> -> memref<128xi32, #tpu.memory_space<vmem>>
        %dma_wait3A_355 = arith.constant 0 : i32
        %dma_wait3A_356 = arith.constant 0 : i32
        %dma_wait3A_357 = tpu.memref_slice %arg10[%dma_wait3A_355, %dma_wait3A_356] : memref<10240x128xf32, #tpu.memory_space<vmem_shared>> -> memref<10240x128xf32, #tpu.memory_space<vmem_shared>>
        tpu.wait_indirect_dma semaphore(%run_scoped3A_345 : memref<!tpu.dma_semaphore, #tpu.memory_space<semaphore_mem>>) src(%arg12 : memref<128x128xf32, #tpu.memory_space<vmem>>) dst(%dma_wait3A_357 : memref<10240x128xf32, #tpu.memory_space<vmem_shared>>)
        tpu.yield
      }) : () -> ()
      %barrier3A_109 = arith.constant 0 : index
      tpu.barrier barrier_id(%barrier3A_109)
      %mul3A_110 = arith.constant 640 : i32
      %mul3A_111 = arith.muli %arg1, %mul3A_110 : i32
      %mul3A_112 = arith.constant 640 : i32
      %mul3A_113 = arith.muli %arg1, %mul3A_112 : i32
      "tpu.region"() ({
        %run_scoped3A_345 = tpu.sem_alloc : memref<!tpu.dma_semaphore, #tpu.memory_space<semaphore_mem>>
        %dma_start3A_346 = arith.constant 0 : i32
        %dma_start3A_347 = tpu.memref_slice %arg6[%mul3A_113, %dma_start3A_346] : memref<10240x128xf32, #tpu.memory_space<hbm>> -> memref<640x128xf32, #tpu.memory_space<hbm>>
        %dma_start3A_348 = arith.constant 0 : i32
        %dma_start3A_349 = tpu.memref_slice %arg10[%mul3A_111, %dma_start3A_348] : memref<10240x128xf32, #tpu.memory_space<vmem_shared>> -> memref<640x128xf32, #tpu.memory_space<vmem_shared>>
        tpu.enqueue_dma source(%dma_start3A_349 : memref<640x128xf32, #tpu.memory_space<vmem_shared>>) target(%dma_start3A_347 : memref<640x128xf32, #tpu.memory_space<hbm>>) target_semaphore(%run_scoped3A_345 : memref<!tpu.dma_semaphore, #tpu.memory_space<semaphore_mem>>)
        %dma_wait3A_350 = arith.constant 0 : i32
        %dma_wait3A_351 = tpu.memref_slice %arg6[%mul3A_113, %dma_wait3A_350] : memref<10240x128xf32, #tpu.memory_space<hbm>> -> memref<640x128xf32, #tpu.memory_space<hbm>>
        %dma_wait3A_352 = arith.constant 0 : i32
        %dma_wait3A_353 = tpu.memref_slice %arg10[%mul3A_111, %dma_wait3A_352] : memref<10240x128xf32, #tpu.memory_space<vmem_shared>> -> memref<640x128xf32, #tpu.memory_space<vmem_shared>>
        tpu.wait_dma2 semaphore(%run_scoped3A_345 : memref<!tpu.dma_semaphore, #tpu.memory_space<semaphore_mem>>) src(%dma_wait3A_353 : memref<640x128xf32, #tpu.memory_space<vmem_shared>>) dst(%dma_wait3A_351 : memref<640x128xf32, #tpu.memory_space<hbm>>)
        tpu.yield
      }) : () -> ()
      %barrier3A_114 = arith.constant 0 : index
      tpu.barrier barrier_id(%barrier3A_114)
      %scan3A_115 = arith.constant 0 : i32
      %scan3A_116 = arith.constant 0 : i32
      %scan3A_117 = arith.constant 128 : i32
      %scan3A_118 = arith.addi %scan3A_116, %scan3A_117 : i32
      %scan3A_119 = arith.constant 1 : i32
      %scan3A_120 = scf.for %scan3A_345 = %scan3A_116 to %scan3A_118 step %scan3A_119 iter_args(%scan3A_346 = %scan3A_115) -> (i32)  : i32 {
        %scan3A_347 = arith.constant 0 : i32
        %scan3A_348 = arith.constant 0 : i32
        %scan3A_349 = arith.constant 8 : i32
        %scan3A_350 = arith.addi %scan3A_348, %scan3A_349 : i32
        %scan3A_351 = arith.constant 1 : i32
        %scan3A_352 = scf.for %scan3A_354 = %scan3A_348 to %scan3A_350 step %scan3A_351 iter_args(%scan3A_355 = %scan3A_347) -> (i32)  : i32 {
          %broadcast_in_dim3A = arith.constant 0.000000e+00 : f32
          %broadcast_in_dim3A_356 = vector.broadcast %broadcast_in_dim3A : f32 to vector<16xf32>
          %mul3A_357 = arith.constant 16 : i32
          %mul3A_358 = arith.muli %scan3A_354, %mul3A_357 : i32
          %swap3A = arith.index_cast %scan3A_345 : i32 to index
          %swap3A_359 = arith.index_cast %mul3A_358 : i32 to index
          %swap3A_360 = tpu.vector_load %arg11[%swap3A, %swap3A_359] {strides = array<i32>} : memref<128x128xf32, #tpu.memory_space<vmem>>, vector<1x16xf32>,
          %swap3A_361 = vector.shape_cast %swap3A_360 : vector<1x16xf32> to vector<16xf32>
          %swap3A_362 = vector.shape_cast %broadcast_in_dim3A_356 : vector<16xf32> to vector<1x16xf32>
          tpu.vector_store %arg11[%swap3A, %swap3A_359], %swap3A_362 {strides = array<i32>} : memref<128x128xf32, #tpu.memory_space<vmem>>, vector<1x16xf32>,
          %scan3A_363 = arith.constant 0 : i32
          scf.yield %scan3A_363 : i32
        }
        %scan3A_353 = arith.constant 8 : i32
        scf.yield %scan3A_352 : i32
      }
      %scan3A_121 = arith.constant 128 : i32
      %mul3A_122 = arith.constant 640 : i32
      %mul3A_123 = arith.muli %arg1, %mul3A_122 : i32
      %add3A_124 = arith.constant 0 : i32
      %add3A_125 = arith.addi %mul3A_123, %add3A_124 : i32
      "tpu.region"() ({
        %run_scoped3A_345 = tpu.sem_alloc : memref<!tpu.dma_semaphore, #tpu.memory_space<semaphore_mem>>
        %dma_start3A_346 = arith.constant 0 : i32
        %dma_start3A_347 = tpu.memref_slice %arg10[%add3A_125, %dma_start3A_346] : memref<10240x128xf32, #tpu.memory_space<vmem_shared>> -> memref<128x128xf32, #tpu.memory_space<vmem_shared>>
        %dma_start3A_348 = arith.constant 0 : i32
        %dma_start3A_349 = tpu.memref_slice %arg10[%add3A_125, %dma_start3A_348] : memref<10240x128xf32, #tpu.memory_space<vmem_shared>> -> memref<128x128xf32, #tpu.memory_space<vmem_shared>>
        tpu.enqueue_dma source(%arg11 : memref<128x128xf32, #tpu.memory_space<vmem>>) target(%dma_start3A_349 : memref<128x128xf32, #tpu.memory_space<vmem_shared>>) target_semaphore(%run_scoped3A_345 : memref<!tpu.dma_semaphore, #tpu.memory_space<semaphore_mem>>)
        %dma_wait3A_350 = arith.constant 0 : i32
        %dma_wait3A_351 = tpu.memref_slice %arg10[%add3A_125, %dma_wait3A_350] : memref<10240x128xf32, #tpu.memory_space<vmem_shared>> -> memref<128x128xf32, #tpu.memory_space<vmem_shared>>
        %dma_wait3A_352 = arith.constant 0 : i32
        %dma_wait3A_353 = tpu.memref_slice %arg10[%add3A_125, %dma_wait3A_352] : memref<10240x128xf32, #tpu.memory_space<vmem_shared>> -> memref<128x128xf32, #tpu.memory_space<vmem_shared>>
        tpu.wait_dma2 semaphore(%run_scoped3A_345 : memref<!tpu.dma_semaphore, #tpu.memory_space<semaphore_mem>>) src(%arg11 : memref<128x128xf32, #tpu.memory_space<vmem>>) dst(%dma_wait3A_353 : memref<128x128xf32, #tpu.memory_space<vmem_shared>>)
        tpu.yield
      }) : () -> ()
      %mul3A_126 = arith.constant 640 : i32
      %mul3A_127 = arith.muli %arg1, %mul3A_126 : i32
      %add3A_128 = arith.constant 128 : i32
      %add3A_129 = arith.addi %mul3A_127, %add3A_128 : i32
      "tpu.region"() ({
        %run_scoped3A_345 = tpu.sem_alloc : memref<!tpu.dma_semaphore, #tpu.memory_space<semaphore_mem>>
        %dma_start3A_346 = arith.constant 0 : i32
        %dma_start3A_347 = tpu.memref_slice %arg10[%add3A_129, %dma_start3A_346] : memref<10240x128xf32, #tpu.memory_space<vmem_shared>> -> memref<128x128xf32, #tpu.memory_space<vmem_shared>>
        %dma_start3A_348 = arith.constant 0 : i32
        %dma_start3A_349 = tpu.memref_slice %arg10[%add3A_129, %dma_start3A_348] : memref<10240x128xf32, #tpu.memory_space<vmem_shared>> -> memref<128x128xf32, #tpu.memory_space<vmem_shared>>
        tpu.enqueue_dma source(%arg11 : memref<128x128xf32, #tpu.memory_space<vmem>>) target(%dma_start3A_349 : memref<128x128xf32, #tpu.memory_space<vmem_shared>>) target_semaphore(%run_scoped3A_345 : memref<!tpu.dma_semaphore, #tpu.memory_space<semaphore_mem>>)
        %dma_wait3A_350 = arith.constant 0 : i32
        %dma_wait3A_351 = tpu.memref_slice %arg10[%add3A_129, %dma_wait3A_350] : memref<10240x128xf32, #tpu.memory_space<vmem_shared>> -> memref<128x128xf32, #tpu.memory_space<vmem_shared>>
        %dma_wait3A_352 = arith.constant 0 : i32
        %dma_wait3A_353 = tpu.memref_slice %arg10[%add3A_129, %dma_wait3A_352] : memref<10240x128xf32, #tpu.memory_space<vmem_shared>> -> memref<128x128xf32, #tpu.memory_space<vmem_shared>>
        tpu.wait_dma2 semaphore(%run_scoped3A_345 : memref<!tpu.dma_semaphore, #tpu.memory_space<semaphore_mem>>) src(%arg11 : memref<128x128xf32, #tpu.memory_space<vmem>>) dst(%dma_wait3A_353 : memref<128x128xf32, #tpu.memory_space<vmem_shared>>)
        tpu.yield
      }) : () -> ()
      %mul3A_130 = arith.constant 640 : i32
      %mul3A_131 = arith.muli %arg1, %mul3A_130 : i32
      %add3A_132 = arith.constant 256 : i32
      %add3A_133 = arith.addi %mul3A_131, %add3A_132 : i32
      "tpu.region"() ({
        %run_scoped3A_345 = tpu.sem_alloc : memref<!tpu.dma_semaphore, #tpu.memory_space<semaphore_mem>>
        %dma_start3A_346 = arith.constant 0 : i32
        %dma_start3A_347 = tpu.memref_slice %arg10[%add3A_133, %dma_start3A_346] : memref<10240x128xf32, #tpu.memory_space<vmem_shared>> -> memref<128x128xf32, #tpu.memory_space<vmem_shared>>
        %dma_start3A_348 = arith.constant 0 : i32
        %dma_start3A_349 = tpu.memref_slice %arg10[%add3A_133, %dma_start3A_348] : memref<10240x128xf32, #tpu.memory_space<vmem_shared>> -> memref<128x128xf32, #tpu.memory_space<vmem_shared>>
        tpu.enqueue_dma source(%arg11 : memref<128x128xf32, #tpu.memory_space<vmem>>) target(%dma_start3A_349 : memref<128x128xf32, #tpu.memory_space<vmem_shared>>) target_semaphore(%run_scoped3A_345 : memref<!tpu.dma_semaphore, #tpu.memory_space<semaphore_mem>>)
        %dma_wait3A_350 = arith.constant 0 : i32
        %dma_wait3A_351 = tpu.memref_slice %arg10[%add3A_133, %dma_wait3A_350] : memref<10240x128xf32, #tpu.memory_space<vmem_shared>> -> memref<128x128xf32, #tpu.memory_space<vmem_shared>>
        %dma_wait3A_352 = arith.constant 0 : i32
        %dma_wait3A_353 = tpu.memref_slice %arg10[%add3A_133, %dma_wait3A_352] : memref<10240x128xf32, #tpu.memory_space<vmem_shared>> -> memref<128x128xf32, #tpu.memory_space<vmem_shared>>
        tpu.wait_dma2 semaphore(%run_scoped3A_345 : memref<!tpu.dma_semaphore, #tpu.memory_space<semaphore_mem>>) src(%arg11 : memref<128x128xf32, #tpu.memory_space<vmem>>) dst(%dma_wait3A_353 : memref<128x128xf32, #tpu.memory_space<vmem_shared>>)
        tpu.yield
      }) : () -> ()
      %mul3A_134 = arith.constant 640 : i32
      %mul3A_135 = arith.muli %arg1, %mul3A_134 : i32
      %add3A_136 = arith.constant 384 : i32
      %add3A_137 = arith.addi %mul3A_135, %add3A_136 : i32
      "tpu.region"() ({
        %run_scoped3A_345 = tpu.sem_alloc : memref<!tpu.dma_semaphore, #tpu.memory_space<semaphore_mem>>
        %dma_start3A_346 = arith.constant 0 : i32
        %dma_start3A_347 = tpu.memref_slice %arg10[%add3A_137, %dma_start3A_346] : memref<10240x128xf32, #tpu.memory_space<vmem_shared>> -> memref<128x128xf32, #tpu.memory_space<vmem_shared>>
        %dma_start3A_348 = arith.constant 0 : i32
        %dma_start3A_349 = tpu.memref_slice %arg10[%add3A_137, %dma_start3A_348] : memref<10240x128xf32, #tpu.memory_space<vmem_shared>> -> memref<128x128xf32, #tpu.memory_space<vmem_shared>>
        tpu.enqueue_dma source(%arg11 : memref<128x128xf32, #tpu.memory_space<vmem>>) target(%dma_start3A_349 : memref<128x128xf32, #tpu.memory_space<vmem_shared>>) target_semaphore(%run_scoped3A_345 : memref<!tpu.dma_semaphore, #tpu.memory_space<semaphore_mem>>)
        %dma_wait3A_350 = arith.constant 0 : i32
        %dma_wait3A_351 = tpu.memref_slice %arg10[%add3A_137, %dma_wait3A_350] : memref<10240x128xf32, #tpu.memory_space<vmem_shared>> -> memref<128x128xf32, #tpu.memory_space<vmem_shared>>
        %dma_wait3A_352 = arith.constant 0 : i32
        %dma_wait3A_353 = tpu.memref_slice %arg10[%add3A_137, %dma_wait3A_352] : memref<10240x128xf32, #tpu.memory_space<vmem_shared>> -> memref<128x128xf32, #tpu.memory_space<vmem_shared>>
        tpu.wait_dma2 semaphore(%run_scoped3A_345 : memref<!tpu.dma_semaphore, #tpu.memory_space<semaphore_mem>>) src(%arg11 : memref<128x128xf32, #tpu.memory_space<vmem>>) dst(%dma_wait3A_353 : memref<128x128xf32, #tpu.memory_space<vmem_shared>>)
        tpu.yield
      }) : () -> ()
      %mul3A_138 = arith.constant 640 : i32
      %mul3A_139 = arith.muli %arg1, %mul3A_138 : i32
      %add3A_140 = arith.constant 512 : i32
      %add3A_141 = arith.addi %mul3A_139, %add3A_140 : i32
      "tpu.region"() ({
        %run_scoped3A_345 = tpu.sem_alloc : memref<!tpu.dma_semaphore, #tpu.memory_space<semaphore_mem>>
        %dma_start3A_346 = arith.constant 0 : i32
        %dma_start3A_347 = tpu.memref_slice %arg10[%add3A_141, %dma_start3A_346] : memref<10240x128xf32, #tpu.memory_space<vmem_shared>> -> memref<128x128xf32, #tpu.memory_space<vmem_shared>>
        %dma_start3A_348 = arith.constant 0 : i32
        %dma_start3A_349 = tpu.memref_slice %arg10[%add3A_141, %dma_start3A_348] : memref<10240x128xf32, #tpu.memory_space<vmem_shared>> -> memref<128x128xf32, #tpu.memory_space<vmem_shared>>
        tpu.enqueue_dma source(%arg11 : memref<128x128xf32, #tpu.memory_space<vmem>>) target(%dma_start3A_349 : memref<128x128xf32, #tpu.memory_space<vmem_shared>>) target_semaphore(%run_scoped3A_345 : memref<!tpu.dma_semaphore, #tpu.memory_space<semaphore_mem>>)
        %dma_wait3A_350 = arith.constant 0 : i32
        %dma_wait3A_351 = tpu.memref_slice %arg10[%add3A_141, %dma_wait3A_350] : memref<10240x128xf32, #tpu.memory_space<vmem_shared>> -> memref<128x128xf32, #tpu.memory_space<vmem_shared>>
        %dma_wait3A_352 = arith.constant 0 : i32
        %dma_wait3A_353 = tpu.memref_slice %arg10[%add3A_141, %dma_wait3A_352] : memref<10240x128xf32, #tpu.memory_space<vmem_shared>> -> memref<128x128xf32, #tpu.memory_space<vmem_shared>>
        tpu.wait_dma2 semaphore(%run_scoped3A_345 : memref<!tpu.dma_semaphore, #tpu.memory_space<semaphore_mem>>) src(%arg11 : memref<128x128xf32, #tpu.memory_space<vmem>>) dst(%dma_wait3A_353 : memref<128x128xf32, #tpu.memory_space<vmem_shared>>)
        tpu.yield
      }) : () -> ()
      %barrier3A_142 = arith.constant 0 : index
      tpu.barrier barrier_id(%barrier3A_142)
      %run_scoped3A_143 = arith.constant 0 : i32
      %run_scoped3A_144 = arith.constant 0 : i32
      "tpu.region"() ({
        %run_scoped3A_345 = tpu.sem_alloc : memref<!tpu.dma_semaphore, #tpu.memory_space<semaphore_mem>>
        %dma_start3A_346 = arith.constant 0 : i32
        %dma_start3A_347 = arith.constant 0 : i32
        %dma_start3A_348 = tpu.memref_slice %arg13[%run_scoped3A_144, %dma_start3A_346, %dma_start3A_347] : memref<2x6x128xi32, #tpu.memory_space<vmem>> -> memref<1x6x128xi32, #tpu.memory_space<vmem>>
        %dma_start3A_349 = tpu.memref_squeeze %dma_start3A_348 : memref<1x6x128xi32, #tpu.memory_space<vmem>> -> memref<6x128xi32, #tpu.memory_space<vmem>>
        %dma_start3A_350 = arith.constant 0 : i32
        %dma_start3A_351 = arith.constant 0 : i32
        %dma_start3A_352 = tpu.memref_slice %arg3[%arg1, %run_scoped3A_143, %dma_start3A_350, %dma_start3A_351] : memref<16x80x6x128xi32, #tpu.memory_space<hbm>> -> memref<1x1x6x128xi32, #tpu.memory_space<hbm>>
        %dma_start3A_353 = tpu.memref_squeeze %dma_start3A_352 : memref<1x1x6x128xi32, #tpu.memory_space<hbm>> -> memref<6x128xi32, #tpu.memory_space<hbm>>
        %dma_start3A_354 = arith.constant 0 : i32
        %dma_start3A_355 = arith.constant 0 : i32
        %dma_start3A_356 = tpu.memref_slice %arg13[%run_scoped3A_144, %dma_start3A_354, %dma_start3A_355] : memref<2x6x128xi32, #tpu.memory_space<vmem>> -> memref<1x6x128xi32, #tpu.memory_space<vmem>>
        %dma_start3A_357 = tpu.memref_squeeze %dma_start3A_356 : memref<1x6x128xi32, #tpu.memory_space<vmem>> -> memref<6x128xi32, #tpu.memory_space<vmem>>
        %dma_start3A_358 = arith.constant 0 : i32
        %dma_start3A_359 = arith.constant 0 : i32
        %dma_start3A_360 = tpu.memref_slice %arg3[%arg1, %run_scoped3A_143, %dma_start3A_358, %dma_start3A_359] : memref<16x80x6x128xi32, #tpu.memory_space<hbm>> -> memref<1x1x6x128xi32, #tpu.memory_space<hbm>>
        %dma_start3A_361 = tpu.memref_squeeze %dma_start3A_360 : memref<1x1x6x128xi32, #tpu.memory_space<hbm>> -> memref<6x128xi32, #tpu.memory_space<hbm>>
        tpu.enqueue_dma source(%dma_start3A_361 : memref<6x128xi32, #tpu.memory_space<hbm>>) target(%dma_start3A_357 : memref<6x128xi32, #tpu.memory_space<vmem>>) target_semaphore(%run_scoped3A_345 : memref<!tpu.dma_semaphore, #tpu.memory_space<semaphore_mem>>)
        %dma_wait3A_362 = arith.constant 0 : i32
        %dma_wait3A_363 = arith.constant 0 : i32
        %dma_wait3A_364 = tpu.memref_slice %arg13[%run_scoped3A_144, %dma_wait3A_362, %dma_wait3A_363] : memref<2x6x128xi32, #tpu.memory_space<vmem>> -> memref<1x6x128xi32, #tpu.memory_space<vmem>>
        %dma_wait3A_365 = tpu.memref_squeeze %dma_wait3A_364 : memref<1x6x128xi32, #tpu.memory_space<vmem>> -> memref<6x128xi32, #tpu.memory_space<vmem>>
        %dma_wait3A_366 = arith.constant 0 : i32
        %dma_wait3A_367 = arith.constant 0 : i32
        %dma_wait3A_368 = tpu.memref_slice %arg3[%arg1, %run_scoped3A_143, %dma_wait3A_366, %dma_wait3A_367] : memref<16x80x6x128xi32, #tpu.memory_space<hbm>> -> memref<1x1x6x128xi32, #tpu.memory_space<hbm>>
        %dma_wait3A_369 = tpu.memref_squeeze %dma_wait3A_368 : memref<1x1x6x128xi32, #tpu.memory_space<hbm>> -> memref<6x128xi32, #tpu.memory_space<hbm>>
        %dma_wait3A_370 = arith.constant 0 : i32
        %dma_wait3A_371 = arith.constant 0 : i32
        %dma_wait3A_372 = tpu.memref_slice %arg13[%run_scoped3A_144, %dma_wait3A_370, %dma_wait3A_371] : memref<2x6x128xi32, #tpu.memory_space<vmem>> -> memref<1x6x128xi32, #tpu.memory_space<vmem>>
        %dma_wait3A_373 = tpu.memref_squeeze %dma_wait3A_372 : memref<1x6x128xi32, #tpu.memory_space<vmem>> -> memref<6x128xi32, #tpu.memory_space<vmem>>
        %dma_wait3A_374 = arith.constant 0 : i32
        %dma_wait3A_375 = arith.constant 0 : i32
        %dma_wait3A_376 = tpu.memref_slice %arg3[%arg1, %run_scoped3A_143, %dma_wait3A_374, %dma_wait3A_375] : memref<16x80x6x128xi32, #tpu.memory_space<hbm>> -> memref<1x1x6x128xi32, #tpu.memory_space<hbm>>
        %dma_wait3A_377 = tpu.memref_squeeze %dma_wait3A_376 : memref<1x1x6x128xi32, #tpu.memory_space<hbm>> -> memref<6x128xi32, #tpu.memory_space<hbm>>
        tpu.wait_dma2 semaphore(%run_scoped3A_345 : memref<!tpu.dma_semaphore, #tpu.memory_space<semaphore_mem>>) src(%dma_wait3A_377 : memref<6x128xi32, #tpu.memory_space<hbm>>) dst(%dma_wait3A_373 : memref<6x128xi32, #tpu.memory_space<vmem>>)
        tpu.yield
      }) : () -> ()
      %dma_start3A_145 = arith.constant 0 : i32
      %dma_start3A_146 = arith.constant 3 : i32
      %dma_start3A_147 = arith.constant 0 : i32
      %dma_start3A_148 = tpu.memref_slice %arg13[%dma_start3A_145, %dma_start3A_146, %dma_start3A_147] : memref<2x6x128xi32, #tpu.memory_space<vmem>> -> memref<1x1x128xi32, #tpu.memory_space<vmem>>
      %dma_start3A_149 = tpu.memref_squeeze %dma_start3A_148 : memref<1x1x128xi32, #tpu.memory_space<vmem>> -> memref<128xi32, #tpu.memory_space<vmem>>
      %dma_start3A_150 = arith.constant 0 : i32
      %dma_start3A_151 = arith.constant 0 : i32
      %dma_start3A_152 = tpu.memref_slice %arg2[%dma_start3A_150, %dma_start3A_151] : memref<50000x128xf32, #tpu.memory_space<hbm>> -> memref<50000x128xf32, #tpu.memory_space<hbm>>
      tpu.enqueue_indirect_dma source(%dma_start3A_152 : memref<50000x128xf32, #tpu.memory_space<hbm>>) target(%arg11 : memref<128x128xf32, #tpu.memory_space<vmem>>) offsets(%dma_start3A_149 : memref<128xi32, #tpu.memory_space<vmem>>) semaphore(%arg14 : memref<!tpu.dma_semaphore, #tpu.memory_space<semaphore_mem>>)
      %dma_start3A_153 = arith.constant 1 : i32
      %dma_start3A_154 = arith.constant 1 : i32
      %dma_start3A_155 = arith.constant 0 : i32
      %dma_start3A_156 = arith.constant 0 : i32
      %dma_start3A_157 = tpu.memref_slice %arg13[%dma_start3A_154, %dma_start3A_155, %dma_start3A_156] : memref<2x6x128xi32, #tpu.memory_space<vmem>> -> memref<1x6x128xi32, #tpu.memory_space<vmem>>
      %dma_start3A_158 = tpu.memref_squeeze %dma_start3A_157 : memref<1x6x128xi32, #tpu.memory_space<vmem>> -> memref<6x128xi32, #tpu.memory_space<vmem>>
      %dma_start3A_159 = arith.constant 0 : i32
      %dma_start3A_160 = arith.constant 0 : i32
      %dma_start3A_161 = tpu.memref_slice %arg3[%arg1, %dma_start3A_153, %dma_start3A_159, %dma_start3A_160] : memref<16x80x6x128xi32, #tpu.memory_space<hbm>> -> memref<1x1x6x128xi32, #tpu.memory_space<hbm>>
      %dma_start3A_162 = tpu.memref_squeeze %dma_start3A_161 : memref<1x1x6x128xi32, #tpu.memory_space<hbm>> -> memref<6x128xi32, #tpu.memory_space<hbm>>
      %dma_start3A_163 = arith.constant 0 : i32
      %dma_start3A_164 = arith.constant 0 : i32
      %dma_start3A_165 = tpu.memref_slice %arg13[%dma_start3A_154, %dma_start3A_163, %dma_start3A_164] : memref<2x6x128xi32, #tpu.memory_space<vmem>> -> memref<1x6x128xi32, #tpu.memory_space<vmem>>
      %dma_start3A_166 = tpu.memref_squeeze %dma_start3A_165 : memref<1x6x128xi32, #tpu.memory_space<vmem>> -> memref<6x128xi32, #tpu.memory_space<vmem>>
      %dma_start3A_167 = arith.constant 0 : i32
      %dma_start3A_168 = arith.constant 0 : i32
      %dma_start3A_169 = tpu.memref_slice %arg3[%arg1, %dma_start3A_153, %dma_start3A_167, %dma_start3A_168] : memref<16x80x6x128xi32, #tpu.memory_space<hbm>> -> memref<1x1x6x128xi32, #tpu.memory_space<hbm>>
      %dma_start3A_170 = tpu.memref_squeeze %dma_start3A_169 : memref<1x1x6x128xi32, #tpu.memory_space<hbm>> -> memref<6x128xi32, #tpu.memory_space<hbm>>
      tpu.enqueue_dma source(%dma_start3A_170 : memref<6x128xi32, #tpu.memory_space<hbm>>) target(%dma_start3A_166 : memref<6x128xi32, #tpu.memory_space<vmem>>) target_semaphore(%arg16 : memref<!tpu.dma_semaphore, #tpu.memory_space<semaphore_mem>>)
      %scan3A_171 = arith.constant 0 : i32
      %scan3A_172 = arith.constant 0 : i32
      %scan3A_173 = arith.constant 39 : i32
      %scan3A_174 = arith.addi %scan3A_172, %scan3A_173 : i32
      %scan3A_175 = arith.constant 1 : i32
      %scan3A_176 = scf.for %scan3A_345 = %scan3A_172 to %scan3A_174 step %scan3A_175 iter_args(%scan3A_346 = %scan3A_171) -> (i32)  : i32 {
        %mul3A_347 = arith.constant 2 : i32
        %mul3A_348 = arith.muli %mul3A_347, %scan3A_345 : i32
        %add3A_349 = arith.constant 0 : i32
        %add3A_350 = arith.addi %add3A_349, %mul3A_348 : i32
        %add3A_351 = arith.constant 2 : i32
        %add3A_352 = arith.addi %add3A_350, %add3A_351 : i32
        %dma_wait3A_353 = arith.constant 0 : i32
        %dma_wait3A_354 = arith.constant 0 : i32
        %dma_wait3A_355 = arith.constant 0 : i32
        %dma_wait3A_356 = arith.constant 0 : i32
        %dma_wait3A_357 = tpu.memref_slice %arg13[%dma_wait3A_354, %dma_wait3A_355, %dma_wait3A_356] : memref<2x6x128xi32, #tpu.memory_space<vmem>> -> memref<1x6x128xi32, #tpu.memory_space<vmem>>
        %dma_wait3A_358 = tpu.memref_squeeze %dma_wait3A_357 : memref<1x6x128xi32, #tpu.memory_space<vmem>> -> memref<6x128xi32, #tpu.memory_space<vmem>>
        %dma_wait3A_359 = arith.constant 0 : i32
        %dma_wait3A_360 = arith.constant 0 : i32
        %dma_wait3A_361 = tpu.memref_slice %arg3[%arg1, %dma_wait3A_353, %dma_wait3A_359, %dma_wait3A_360] : memref<16x80x6x128xi32, #tpu.memory_space<hbm>> -> memref<1x1x6x128xi32, #tpu.memory_space<hbm>>
        %dma_wait3A_362 = tpu.memref_squeeze %dma_wait3A_361 : memref<1x1x6x128xi32, #tpu.memory_space<hbm>> -> memref<6x128xi32, #tpu.memory_space<hbm>>
        %dma_wait3A_363 = arith.constant 0 : i32
        %dma_wait3A_364 = arith.constant 0 : i32
        %dma_wait3A_365 = tpu.memref_slice %arg13[%dma_wait3A_354, %dma_wait3A_363, %dma_wait3A_364] : memref<2x6x128xi32, #tpu.memory_space<vmem>> -> memref<1x6x128xi32, #tpu.memory_space<vmem>>
        %dma_wait3A_366 = tpu.memref_squeeze %dma_wait3A_365 : memref<1x6x128xi32, #tpu.memory_space<vmem>> -> memref<6x128xi32, #tpu.memory_space<vmem>>
        %dma_wait3A_367 = arith.constant 0 : i32
        %dma_wait3A_368 = arith.constant 0 : i32
        %dma_wait3A_369 = tpu.memref_slice %arg3[%arg1, %dma_wait3A_353, %dma_wait3A_367, %dma_wait3A_368] : memref<16x80x6x128xi32, #tpu.memory_space<hbm>> -> memref<1x1x6x128xi32, #tpu.memory_space<hbm>>
        %dma_wait3A_370 = tpu.memref_squeeze %dma_wait3A_369 : memref<1x1x6x128xi32, #tpu.memory_space<hbm>> -> memref<6x128xi32, #tpu.memory_space<hbm>>
        tpu.wait_dma2 semaphore(%arg16 : memref<!tpu.dma_semaphore, #tpu.memory_space<semaphore_mem>>) src(%dma_wait3A_370 : memref<6x128xi32, #tpu.memory_space<hbm>>) dst(%dma_wait3A_366 : memref<6x128xi32, #tpu.memory_space<vmem>>)
        %dma_start3A_371 = arith.constant 1 : i32
        %dma_start3A_372 = arith.constant 3 : i32
        %dma_start3A_373 = arith.constant 0 : i32
        %dma_start3A_374 = tpu.memref_slice %arg13[%dma_start3A_371, %dma_start3A_372, %dma_start3A_373] : memref<2x6x128xi32, #tpu.memory_space<vmem>> -> memref<1x1x128xi32, #tpu.memory_space<vmem>>
        %dma_start3A_375 = tpu.memref_squeeze %dma_start3A_374 : memref<1x1x128xi32, #tpu.memory_space<vmem>> -> memref<128xi32, #tpu.memory_space<vmem>>
        %dma_start3A_376 = arith.constant 0 : i32
        %dma_start3A_377 = arith.constant 0 : i32
        %dma_start3A_378 = tpu.memref_slice %arg2[%dma_start3A_376, %dma_start3A_377] : memref<50000x128xf32, #tpu.memory_space<hbm>> -> memref<50000x128xf32, #tpu.memory_space<hbm>>
        tpu.enqueue_indirect_dma source(%dma_start3A_378 : memref<50000x128xf32, #tpu.memory_space<hbm>>) target(%arg12 : memref<128x128xf32, #tpu.memory_space<vmem>>) offsets(%dma_start3A_375 : memref<128xi32, #tpu.memory_space<vmem>>) semaphore(%arg15 : memref<!tpu.dma_semaphore, #tpu.memory_space<semaphore_mem>>)
        %dma_wait3A_379 = arith.constant 0 : i32
        %dma_wait3A_380 = arith.constant 3 : i32
        %dma_wait3A_381 = arith.constant 0 : i32
        %dma_wait3A_382 = tpu.memref_slice %arg13[%dma_wait3A_379, %dma_wait3A_380, %dma_wait3A_381] : memref<2x6x128xi32, #tpu.memory_space<vmem>> -> memref<1x1x128xi32, #tpu.memory_space<vmem>>
        %dma_wait3A_383 = tpu.memref_squeeze %dma_wait3A_382 : memref<1x1x128xi32, #tpu.memory_space<vmem>> -> memref<128xi32, #tpu.memory_space<vmem>>
        %dma_wait3A_384 = arith.constant 0 : i32
        %dma_wait3A_385 = arith.constant 0 : i32
        %dma_wait3A_386 = tpu.memref_slice %arg2[%dma_wait3A_384, %dma_wait3A_385] : memref<50000x128xf32, #tpu.memory_space<hbm>> -> memref<50000x128xf32, #tpu.memory_space<hbm>>
        tpu.wait_indirect_dma semaphore(%arg14 : memref<!tpu.dma_semaphore, #tpu.memory_space<semaphore_mem>>) src(%dma_wait3A_386 : memref<50000x128xf32, #tpu.memory_space<hbm>>) dst(%arg11 : memref<128x128xf32, #tpu.memory_space<vmem>>)
        %run_scoped3A_387 = arith.constant 0 : i32
        %run_scoped3A_388 = arith.constant 5 : i32
        "tpu.region"() ({
          %run_scoped3A_462 = tpu.sem_alloc : memref<!tpu.dma_semaphore, #tpu.memory_space<semaphore_mem>>
          %dma_start3A_463 = arith.constant 0 : i32
          %dma_start3A_464 = tpu.memref_slice %arg13[%run_scoped3A_387, %run_scoped3A_388, %dma_start3A_463] : memref<2x6x128xi32, #tpu.memory_space<vmem>> -> memref<1x1x128xi32, #tpu.memory_space<vmem>>
          %dma_start3A_465 = tpu.memref_squeeze %dma_start3A_464 : memref<1x1x128xi32, #tpu.memory_space<vmem>> -> memref<128xi32, #tpu.memory_space<vmem>>
          %dma_start3A_466 = arith.constant 0 : i32
          %dma_start3A_467 = arith.constant 0 : i32
          %dma_start3A_468 = tpu.memref_slice %arg10[%dma_start3A_466, %dma_start3A_467] : memref<10240x128xf32, #tpu.memory_space<vmem_shared>> -> memref<10240x128xf32, #tpu.memory_space<vmem_shared>>
          tpu.enqueue_indirect_dma source(%arg11 : memref<128x128xf32, #tpu.memory_space<vmem>>) target(%dma_start3A_468 : memref<10240x128xf32, #tpu.memory_space<vmem_shared>>) offsets(%dma_start3A_465 : memref<128xi32, #tpu.memory_space<vmem>>) semaphore(%run_scoped3A_462 : memref<!tpu.dma_semaphore, #tpu.memory_space<semaphore_mem>>) {add = true}
          %dma_wait3A_469 = arith.constant 0 : i32
          %dma_wait3A_470 = tpu.memref_slice %arg13[%run_scoped3A_387, %run_scoped3A_388, %dma_wait3A_469] : memref<2x6x128xi32, #tpu.memory_space<vmem>> -> memref<1x1x128xi32, #tpu.memory_space<vmem>>
          %dma_wait3A_471 = tpu.memref_squeeze %dma_wait3A_470 : memref<1x1x128xi32, #tpu.memory_space<vmem>> -> memref<128xi32, #tpu.memory_space<vmem>>
          %dma_wait3A_472 = arith.constant 0 : i32
          %dma_wait3A_473 = arith.constant 0 : i32
          %dma_wait3A_474 = tpu.memref_slice %arg10[%dma_wait3A_472, %dma_wait3A_473] : memref<10240x128xf32, #tpu.memory_space<vmem_shared>> -> memref<10240x128xf32, #tpu.memory_space<vmem_shared>>
          tpu.wait_indirect_dma semaphore(%run_scoped3A_462 : memref<!tpu.dma_semaphore, #tpu.memory_space<semaphore_mem>>) src(%arg11 : memref<128x128xf32, #tpu.memory_space<vmem>>) dst(%dma_wait3A_474 : memref<10240x128xf32, #tpu.memory_space<vmem_shared>>)
          tpu.yield
        }) : () -> ()
        %dma_start3A_389 = arith.constant 0 : i32
        %dma_start3A_390 = arith.constant 0 : i32
        %dma_start3A_391 = arith.constant 0 : i32
        %dma_start3A_392 = tpu.memref_slice %arg13[%dma_start3A_389, %dma_start3A_390, %dma_start3A_391] : memref<2x6x128xi32, #tpu.memory_space<vmem>> -> memref<1x6x128xi32, #tpu.memory_space<vmem>>
        %dma_start3A_393 = tpu.memref_squeeze %dma_start3A_392 : memref<1x6x128xi32, #tpu.memory_space<vmem>> -> memref<6x128xi32, #tpu.memory_space<vmem>>
        %dma_start3A_394 = arith.constant 0 : i32
        %dma_start3A_395 = arith.constant 0 : i32
        %dma_start3A_396 = tpu.memref_slice %arg3[%arg1, %add3A_352, %dma_start3A_394, %dma_start3A_395] : memref<16x80x6x128xi32, #tpu.memory_space<hbm>> -> memref<1x1x6x128xi32, #tpu.memory_space<hbm>>
        %dma_start3A_397 = tpu.memref_squeeze %dma_start3A_396 : memref<1x1x6x128xi32, #tpu.memory_space<hbm>> -> memref<6x128xi32, #tpu.memory_space<hbm>>
        %dma_start3A_398 = arith.constant 0 : i32
        %dma_start3A_399 = arith.constant 0 : i32
        %dma_start3A_400 = tpu.memref_slice %arg13[%dma_start3A_389, %dma_start3A_398, %dma_start3A_399] : memref<2x6x128xi32, #tpu.memory_space<vmem>> -> memref<1x6x128xi32, #tpu.memory_space<vmem>>
        %dma_start3A_401 = tpu.memref_squeeze %dma_start3A_400 : memref<1x6x128xi32, #tpu.memory_space<vmem>> -> memref<6x128xi32, #tpu.memory_space<vmem>>
        %dma_start3A_402 = arith.constant 0 : i32
        %dma_start3A_403 = arith.constant 0 : i32
        %dma_start3A_404 = tpu.memref_slice %arg3[%arg1, %add3A_352, %dma_start3A_402, %dma_start3A_403] : memref<16x80x6x128xi32, #tpu.memory_space<hbm>> -> memref<1x1x6x128xi32, #tpu.memory_space<hbm>>
        %dma_start3A_405 = tpu.memref_squeeze %dma_start3A_404 : memref<1x1x6x128xi32, #tpu.memory_space<hbm>> -> memref<6x128xi32, #tpu.memory_space<hbm>>
        tpu.enqueue_dma source(%dma_start3A_405 : memref<6x128xi32, #tpu.memory_space<hbm>>) target(%dma_start3A_401 : memref<6x128xi32, #tpu.memory_space<vmem>>) target_semaphore(%arg16 : memref<!tpu.dma_semaphore, #tpu.memory_space<semaphore_mem>>)
        %dma_wait3A_406 = arith.constant 0 : i32
        %dma_wait3A_407 = arith.constant 0 : i32
        %dma_wait3A_408 = arith.constant 0 : i32
        %dma_wait3A_409 = arith.constant 0 : i32
        %dma_wait3A_410 = tpu.memref_slice %arg13[%dma_wait3A_407, %dma_wait3A_408, %dma_wait3A_409] : memref<2x6x128xi32, #tpu.memory_space<vmem>> -> memref<1x6x128xi32, #tpu.memory_space<vmem>>
        %dma_wait3A_411 = tpu.memref_squeeze %dma_wait3A_410 : memref<1x6x128xi32, #tpu.memory_space<vmem>> -> memref<6x128xi32, #tpu.memory_space<vmem>>
        %dma_wait3A_412 = arith.constant 0 : i32
        %dma_wait3A_413 = arith.constant 0 : i32
        %dma_wait3A_414 = tpu.memref_slice %arg3[%arg1, %dma_wait3A_406, %dma_wait3A_412, %dma_wait3A_413] : memref<16x80x6x128xi32, #tpu.memory_space<hbm>> -> memref<1x1x6x128xi32, #tpu.memory_space<hbm>>
        %dma_wait3A_415 = tpu.memref_squeeze %dma_wait3A_414 : memref<1x1x6x128xi32, #tpu.memory_space<hbm>> -> memref<6x128xi32, #tpu.memory_space<hbm>>
        %dma_wait3A_416 = arith.constant 0 : i32
        %dma_wait3A_417 = arith.constant 0 : i32
        %dma_wait3A_418 = tpu.memref_slice %arg13[%dma_wait3A_407, %dma_wait3A_416, %dma_wait3A_417] : memref<2x6x128xi32, #tpu.memory_space<vmem>> -> memref<1x6x128xi32, #tpu.memory_space<vmem>>
        %dma_wait3A_419 = tpu.memref_squeeze %dma_wait3A_418 : memref<1x6x128xi32, #tpu.memory_space<vmem>> -> memref<6x128xi32, #tpu.memory_space<vmem>>
        %dma_wait3A_420 = arith.constant 0 : i32
        %dma_wait3A_421 = arith.constant 0 : i32
        %dma_wait3A_422 = tpu.memref_slice %arg3[%arg1, %dma_wait3A_406, %dma_wait3A_420, %dma_wait3A_421] : memref<16x80x6x128xi32, #tpu.memory_space<hbm>> -> memref<1x1x6x128xi32, #tpu.memory_space<hbm>>
        %dma_wait3A_423 = tpu.memref_squeeze %dma_wait3A_422 : memref<1x1x6x128xi32, #tpu.memory_space<hbm>> -> memref<6x128xi32, #tpu.memory_space<hbm>>
        tpu.wait_dma2 semaphore(%arg16 : memref<!tpu.dma_semaphore, #tpu.memory_space<semaphore_mem>>) src(%dma_wait3A_423 : memref<6x128xi32, #tpu.memory_space<hbm>>) dst(%dma_wait3A_419 : memref<6x128xi32, #tpu.memory_space<vmem>>)
        %dma_start3A_424 = arith.constant 0 : i32
        %dma_start3A_425 = arith.constant 3 : i32
        %dma_start3A_426 = arith.constant 0 : i32
        %dma_start3A_427 = tpu.memref_slice %arg13[%dma_start3A_424, %dma_start3A_425, %dma_start3A_426] : memref<2x6x128xi32, #tpu.memory_space<vmem>> -> memref<1x1x128xi32, #tpu.memory_space<vmem>>
        %dma_start3A_428 = tpu.memref_squeeze %dma_start3A_427 : memref<1x1x128xi32, #tpu.memory_space<vmem>> -> memref<128xi32, #tpu.memory_space<vmem>>
        %dma_start3A_429 = arith.constant 0 : i32
        %dma_start3A_430 = arith.constant 0 : i32
        %dma_start3A_431 = tpu.memref_slice %arg2[%dma_start3A_429, %dma_start3A_430] : memref<50000x128xf32, #tpu.memory_space<hbm>> -> memref<50000x128xf32, #tpu.memory_space<hbm>>
        tpu.enqueue_indirect_dma source(%dma_start3A_431 : memref<50000x128xf32, #tpu.memory_space<hbm>>) target(%arg11 : memref<128x128xf32, #tpu.memory_space<vmem>>) offsets(%dma_start3A_428 : memref<128xi32, #tpu.memory_space<vmem>>) semaphore(%arg14 : memref<!tpu.dma_semaphore, #tpu.memory_space<semaphore_mem>>)
        %dma_wait3A_432 = arith.constant 0 : i32
        %dma_wait3A_433 = arith.constant 3 : i32
        %dma_wait3A_434 = arith.constant 0 : i32
        %dma_wait3A_435 = tpu.memref_slice %arg13[%dma_wait3A_432, %dma_wait3A_433, %dma_wait3A_434] : memref<2x6x128xi32, #tpu.memory_space<vmem>> -> memref<1x1x128xi32, #tpu.memory_space<vmem>>
        %dma_wait3A_436 = tpu.memref_squeeze %dma_wait3A_435 : memref<1x1x128xi32, #tpu.memory_space<vmem>> -> memref<128xi32, #tpu.memory_space<vmem>>
        %dma_wait3A_437 = arith.constant 0 : i32
        %dma_wait3A_438 = arith.constant 0 : i32
        %dma_wait3A_439 = tpu.memref_slice %arg2[%dma_wait3A_437, %dma_wait3A_438] : memref<50000x128xf32, #tpu.memory_space<hbm>> -> memref<50000x128xf32, #tpu.memory_space<hbm>>
        tpu.wait_indirect_dma semaphore(%arg15 : memref<!tpu.dma_semaphore, #tpu.memory_space<semaphore_mem>>) src(%dma_wait3A_439 : memref<50000x128xf32, #tpu.memory_space<hbm>>) dst(%arg12 : memref<128x128xf32, #tpu.memory_space<vmem>>)
        %run_scoped3A_440 = arith.constant 1 : i32
        %run_scoped3A_441 = arith.constant 5 : i32
        "tpu.region"() ({
          %run_scoped3A_462 = tpu.sem_alloc : memref<!tpu.dma_semaphore, #tpu.memory_space<semaphore_mem>>
          %dma_start3A_463 = arith.constant 0 : i32
          %dma_start3A_464 = tpu.memref_slice %arg13[%run_scoped3A_440, %run_scoped3A_441, %dma_start3A_463] : memref<2x6x128xi32, #tpu.memory_space<vmem>> -> memref<1x1x128xi32, #tpu.memory_space<vmem>>
          %dma_start3A_465 = tpu.memref_squeeze %dma_start3A_464 : memref<1x1x128xi32, #tpu.memory_space<vmem>> -> memref<128xi32, #tpu.memory_space<vmem>>
          %dma_start3A_466 = arith.constant 0 : i32
          %dma_start3A_467 = arith.constant 0 : i32
          %dma_start3A_468 = tpu.memref_slice %arg10[%dma_start3A_466, %dma_start3A_467] : memref<10240x128xf32, #tpu.memory_space<vmem_shared>> -> memref<10240x128xf32, #tpu.memory_space<vmem_shared>>
          tpu.enqueue_indirect_dma source(%arg12 : memref<128x128xf32, #tpu.memory_space<vmem>>) target(%dma_start3A_468 : memref<10240x128xf32, #tpu.memory_space<vmem_shared>>) offsets(%dma_start3A_465 : memref<128xi32, #tpu.memory_space<vmem>>) semaphore(%run_scoped3A_462 : memref<!tpu.dma_semaphore, #tpu.memory_space<semaphore_mem>>) {add = true}
          %dma_wait3A_469 = arith.constant 0 : i32
          %dma_wait3A_470 = tpu.memref_slice %arg13[%run_scoped3A_440, %run_scoped3A_441, %dma_wait3A_469] : memref<2x6x128xi32, #tpu.memory_space<vmem>> -> memref<1x1x128xi32, #tpu.memory_space<vmem>>
          %dma_wait3A_471 = tpu.memref_squeeze %dma_wait3A_470 : memref<1x1x128xi32, #tpu.memory_space<vmem>> -> memref<128xi32, #tpu.memory_space<vmem>>
          %dma_wait3A_472 = arith.constant 0 : i32
          %dma_wait3A_473 = arith.constant 0 : i32
          %dma_wait3A_474 = tpu.memref_slice %arg10[%dma_wait3A_472, %dma_wait3A_473] : memref<10240x128xf32, #tpu.memory_space<vmem_shared>> -> memref<10240x128xf32, #tpu.memory_space<vmem_shared>>
          tpu.wait_indirect_dma semaphore(%run_scoped3A_462 : memref<!tpu.dma_semaphore, #tpu.memory_space<semaphore_mem>>) src(%arg12 : memref<128x128xf32, #tpu.memory_space<vmem>>) dst(%dma_wait3A_474 : memref<10240x128xf32, #tpu.memory_space<vmem_shared>>)
          tpu.yield
        }) : () -> ()
        %add3A_442 = arith.constant 1 : i32
        %add3A_443 = arith.addi %add3A_352, %add3A_442 : i32
        %dma_start3A_444 = arith.constant 1 : i32
        %dma_start3A_445 = arith.constant 0 : i32
        %dma_start3A_446 = arith.constant 0 : i32
        %dma_start3A_447 = tpu.memref_slice %arg13[%dma_start3A_444, %dma_start3A_445, %dma_start3A_446] : memref<2x6x128xi32, #tpu.memory_space<vmem>> -> memref<1x6x128xi32, #tpu.memory_space<vmem>>
        %dma_start3A_448 = tpu.memref_squeeze %dma_start3A_447 : memref<1x6x128xi32, #tpu.memory_space<vmem>> -> memref<6x128xi32, #tpu.memory_space<vmem>>
        %dma_start3A_449 = arith.constant 0 : i32
        %dma_start3A_450 = arith.constant 0 : i32
        %dma_start3A_451 = tpu.memref_slice %arg3[%arg1, %add3A_443, %dma_start3A_449, %dma_start3A_450] : memref<16x80x6x128xi32, #tpu.memory_space<hbm>> -> memref<1x1x6x128xi32, #tpu.memory_space<hbm>>
        %dma_start3A_452 = tpu.memref_squeeze %dma_start3A_451 : memref<1x1x6x128xi32, #tpu.memory_space<hbm>> -> memref<6x128xi32, #tpu.memory_space<hbm>>
        %dma_start3A_453 = arith.constant 0 : i32
        %dma_start3A_454 = arith.constant 0 : i32
        %dma_start3A_455 = tpu.memref_slice %arg13[%dma_start3A_444, %dma_start3A_453, %dma_start3A_454] : memref<2x6x128xi32, #tpu.memory_space<vmem>> -> memref<1x6x128xi32, #tpu.memory_space<vmem>>
        %dma_start3A_456 = tpu.memref_squeeze %dma_start3A_455 : memref<1x6x128xi32, #tpu.memory_space<vmem>> -> memref<6x128xi32, #tpu.memory_space<vmem>>
        %dma_start3A_457 = arith.constant 0 : i32
        %dma_start3A_458 = arith.constant 0 : i32
        %dma_start3A_459 = tpu.memref_slice %arg3[%arg1, %add3A_443, %dma_start3A_457, %dma_start3A_458] : memref<16x80x6x128xi32, #tpu.memory_space<hbm>> -> memref<1x1x6x128xi32, #tpu.memory_space<hbm>>
        %dma_start3A_460 = tpu.memref_squeeze %dma_start3A_459 : memref<1x1x6x128xi32, #tpu.memory_space<hbm>> -> memref<6x128xi32, #tpu.memory_space<hbm>>
        tpu.enqueue_dma source(%dma_start3A_460 : memref<6x128xi32, #tpu.memory_space<hbm>>) target(%dma_start3A_456 : memref<6x128xi32, #tpu.memory_space<vmem>>) target_semaphore(%arg16 : memref<!tpu.dma_semaphore, #tpu.memory_space<semaphore_mem>>)
        %scan3A_461 = arith.constant 0 : i32
        scf.yield %scan3A_461 : i32
      }
      %scan3A_177 = arith.constant 39 : i32
      %dma_wait3A_178 = arith.constant 0 : i32
      %dma_wait3A_179 = arith.constant 0 : i32
      %dma_wait3A_180 = arith.constant 0 : i32
      %dma_wait3A_181 = arith.constant 0 : i32
      %dma_wait3A_182 = tpu.memref_slice %arg13[%dma_wait3A_179, %dma_wait3A_180, %dma_wait3A_181] : memref<2x6x128xi32, #tpu.memory_space<vmem>> -> memref<1x6x128xi32, #tpu.memory_space<vmem>>
      %dma_wait3A_183 = tpu.memref_squeeze %dma_wait3A_182 : memref<1x6x128xi32, #tpu.memory_space<vmem>> -> memref<6x128xi32, #tpu.memory_space<vmem>>
      %dma_wait3A_184 = arith.constant 0 : i32
      %dma_wait3A_185 = arith.constant 0 : i32
      %dma_wait3A_186 = tpu.memref_slice %arg3[%arg1, %dma_wait3A_178, %dma_wait3A_184, %dma_wait3A_185] : memref<16x80x6x128xi32, #tpu.memory_space<hbm>> -> memref<1x1x6x128xi32, #tpu.memory_space<hbm>>
      %dma_wait3A_187 = tpu.memref_squeeze %dma_wait3A_186 : memref<1x1x6x128xi32, #tpu.memory_space<hbm>> -> memref<6x128xi32, #tpu.memory_space<hbm>>
      %dma_wait3A_188 = arith.constant 0 : i32
      %dma_wait3A_189 = arith.constant 0 : i32
      %dma_wait3A_190 = tpu.memref_slice %arg13[%dma_wait3A_179, %dma_wait3A_188, %dma_wait3A_189] : memref<2x6x128xi32, #tpu.memory_space<vmem>> -> memref<1x6x128xi32, #tpu.memory_space<vmem>>
      %dma_wait3A_191 = tpu.memref_squeeze %dma_wait3A_190 : memref<1x6x128xi32, #tpu.memory_space<vmem>> -> memref<6x128xi32, #tpu.memory_space<vmem>>
      %dma_wait3A_192 = arith.constant 0 : i32
      %dma_wait3A_193 = arith.constant 0 : i32
      %dma_wait3A_194 = tpu.memref_slice %arg3[%arg1, %dma_wait3A_178, %dma_wait3A_192, %dma_wait3A_193] : memref<16x80x6x128xi32, #tpu.memory_space<hbm>> -> memref<1x1x6x128xi32, #tpu.memory_space<hbm>>
      %dma_wait3A_195 = tpu.memref_squeeze %dma_wait3A_194 : memref<1x1x6x128xi32, #tpu.memory_space<hbm>> -> memref<6x128xi32, #tpu.memory_space<hbm>>
      tpu.wait_dma2 semaphore(%arg16 : memref<!tpu.dma_semaphore, #tpu.memory_space<semaphore_mem>>) src(%dma_wait3A_195 : memref<6x128xi32, #tpu.memory_space<hbm>>) dst(%dma_wait3A_191 : memref<6x128xi32, #tpu.memory_space<vmem>>)
      %dma_start3A_196 = arith.constant 1 : i32
      %dma_start3A_197 = arith.constant 3 : i32
      %dma_start3A_198 = arith.constant 0 : i32
      %dma_start3A_199 = tpu.memref_slice %arg13[%dma_start3A_196, %dma_start3A_197, %dma_start3A_198] : memref<2x6x128xi32, #tpu.memory_space<vmem>> -> memref<1x1x128xi32, #tpu.memory_space<vmem>>
      %dma_start3A_200 = tpu.memref_squeeze %dma_start3A_199 : memref<1x1x128xi32, #tpu.memory_space<vmem>> -> memref<128xi32, #tpu.memory_space<vmem>>
      %dma_start3A_201 = arith.constant 0 : i32
      %dma_start3A_202 = arith.constant 0 : i32
      %dma_start3A_203 = tpu.memref_slice %arg2[%dma_start3A_201, %dma_start3A_202] : memref<50000x128xf32, #tpu.memory_space<hbm>> -> memref<50000x128xf32, #tpu.memory_space<hbm>>
      tpu.enqueue_indirect_dma source(%dma_start3A_203 : memref<50000x128xf32, #tpu.memory_space<hbm>>) target(%arg12 : memref<128x128xf32, #tpu.memory_space<vmem>>) offsets(%dma_start3A_200 : memref<128xi32, #tpu.memory_space<vmem>>) semaphore(%arg15 : memref<!tpu.dma_semaphore, #tpu.memory_space<semaphore_mem>>)
      %dma_wait3A_204 = arith.constant 0 : i32
      %dma_wait3A_205 = arith.constant 3 : i32
      %dma_wait3A_206 = arith.constant 0 : i32
      %dma_wait3A_207 = tpu.memref_slice %arg13[%dma_wait3A_204, %dma_wait3A_205, %dma_wait3A_206] : memref<2x6x128xi32, #tpu.memory_space<vmem>> -> memref<1x1x128xi32, #tpu.memory_space<vmem>>
      %dma_wait3A_208 = tpu.memref_squeeze %dma_wait3A_207 : memref<1x1x128xi32, #tpu.memory_space<vmem>> -> memref<128xi32, #tpu.memory_space<vmem>>
      %dma_wait3A_209 = arith.constant 0 : i32
      %dma_wait3A_210 = arith.constant 0 : i32
      %dma_wait3A_211 = tpu.memref_slice %arg2[%dma_wait3A_209, %dma_wait3A_210] : memref<50000x128xf32, #tpu.memory_space<hbm>> -> memref<50000x128xf32, #tpu.memory_space<hbm>>
      tpu.wait_indirect_dma semaphore(%arg14 : memref<!tpu.dma_semaphore, #tpu.memory_space<semaphore_mem>>) src(%dma_wait3A_211 : memref<50000x128xf32, #tpu.memory_space<hbm>>) dst(%arg11 : memref<128x128xf32, #tpu.memory_space<vmem>>)
      %run_scoped3A_212 = arith.constant 0 : i32
      %run_scoped3A_213 = arith.constant 5 : i32
      "tpu.region"() ({
        %run_scoped3A_345 = tpu.sem_alloc : memref<!tpu.dma_semaphore, #tpu.memory_space<semaphore_mem>>
        %dma_start3A_346 = arith.constant 0 : i32
        %dma_start3A_347 = tpu.memref_slice %arg13[%run_scoped3A_212, %run_scoped3A_213, %dma_start3A_346] : memref<2x6x128xi32, #tpu.memory_space<vmem>> -> memref<1x1x128xi32, #tpu.memory_space<vmem>>
        %dma_start3A_348 = tpu.memref_squeeze %dma_start3A_347 : memref<1x1x128xi32, #tpu.memory_space<vmem>> -> memref<128xi32, #tpu.memory_space<vmem>>
        %dma_start3A_349 = arith.constant 0 : i32
        %dma_start3A_350 = arith.constant 0 : i32
        %dma_start3A_351 = tpu.memref_slice %arg10[%dma_start3A_349, %dma_start3A_350] : memref<10240x128xf32, #tpu.memory_space<vmem_shared>> -> memref<10240x128xf32, #tpu.memory_space<vmem_shared>>
        tpu.enqueue_indirect_dma source(%arg11 : memref<128x128xf32, #tpu.memory_space<vmem>>) target(%dma_start3A_351 : memref<10240x128xf32, #tpu.memory_space<vmem_shared>>) offsets(%dma_start3A_348 : memref<128xi32, #tpu.memory_space<vmem>>) semaphore(%run_scoped3A_345 : memref<!tpu.dma_semaphore, #tpu.memory_space<semaphore_mem>>) {add = true}
        %dma_wait3A_352 = arith.constant 0 : i32
        %dma_wait3A_353 = tpu.memref_slice %arg13[%run_scoped3A_212, %run_scoped3A_213, %dma_wait3A_352] : memref<2x6x128xi32, #tpu.memory_space<vmem>> -> memref<1x1x128xi32, #tpu.memory_space<vmem>>
        %dma_wait3A_354 = tpu.memref_squeeze %dma_wait3A_353 : memref<1x1x128xi32, #tpu.memory_space<vmem>> -> memref<128xi32, #tpu.memory_space<vmem>>
        %dma_wait3A_355 = arith.constant 0 : i32
        %dma_wait3A_356 = arith.constant 0 : i32
        %dma_wait3A_357 = tpu.memref_slice %arg10[%dma_wait3A_355, %dma_wait3A_356] : memref<10240x128xf32, #tpu.memory_space<vmem_shared>> -> memref<10240x128xf32, #tpu.memory_space<vmem_shared>>
        tpu.wait_indirect_dma semaphore(%run_scoped3A_345 : memref<!tpu.dma_semaphore, #tpu.memory_space<semaphore_mem>>) src(%arg11 : memref<128x128xf32, #tpu.memory_space<vmem>>) dst(%dma_wait3A_357 : memref<10240x128xf32, #tpu.memory_space<vmem_shared>>)
        tpu.yield
      }) : () -> ()
      %dma_wait3A_214 = arith.constant 0 : i32
      %dma_wait3A_215 = arith.constant 3 : i32
      %dma_wait3A_216 = arith.constant 0 : i32
      %dma_wait3A_217 = tpu.memref_slice %arg13[%dma_wait3A_214, %dma_wait3A_215, %dma_wait3A_216] : memref<2x6x128xi32, #tpu.memory_space<vmem>> -> memref<1x1x128xi32, #tpu.memory_space<vmem>>
      %dma_wait3A_218 = tpu.memref_squeeze %dma_wait3A_217 : memref<1x1x128xi32, #tpu.memory_space<vmem>> -> memref<128xi32, #tpu.memory_space<vmem>>
      %dma_wait3A_219 = arith.constant 0 : i32
      %dma_wait3A_220 = arith.constant 0 : i32
      %dma_wait3A_221 = tpu.memref_slice %arg2[%dma_wait3A_219, %dma_wait3A_220] : memref<50000x128xf32, #tpu.memory_space<hbm>> -> memref<50000x128xf32, #tpu.memory_space<hbm>>
      tpu.wait_indirect_dma semaphore(%arg15 : memref<!tpu.dma_semaphore, #tpu.memory_space<semaphore_mem>>) src(%dma_wait3A_221 : memref<50000x128xf32, #tpu.memory_space<hbm>>) dst(%arg12 : memref<128x128xf32, #tpu.memory_space<vmem>>)
      %run_scoped3A_222 = arith.constant 1 : i32
      %run_scoped3A_223 = arith.constant 5 : i32
      "tpu.region"() ({
        %run_scoped3A_345 = tpu.sem_alloc : memref<!tpu.dma_semaphore, #tpu.memory_space<semaphore_mem>>
        %dma_start3A_346 = arith.constant 0 : i32
        %dma_start3A_347 = tpu.memref_slice %arg13[%run_scoped3A_222, %run_scoped3A_223, %dma_start3A_346] : memref<2x6x128xi32, #tpu.memory_space<vmem>> -> memref<1x1x128xi32, #tpu.memory_space<vmem>>
        %dma_start3A_348 = tpu.memref_squeeze %dma_start3A_347 : memref<1x1x128xi32, #tpu.memory_space<vmem>> -> memref<128xi32, #tpu.memory_space<vmem>>
        %dma_start3A_349 = arith.constant 0 : i32
        %dma_start3A_350 = arith.constant 0 : i32
        %dma_start3A_351 = tpu.memref_slice %arg10[%dma_start3A_349, %dma_start3A_350] : memref<10240x128xf32, #tpu.memory_space<vmem_shared>> -> memref<10240x128xf32, #tpu.memory_space<vmem_shared>>
        tpu.enqueue_indirect_dma source(%arg12 : memref<128x128xf32, #tpu.memory_space<vmem>>) target(%dma_start3A_351 : memref<10240x128xf32, #tpu.memory_space<vmem_shared>>) offsets(%dma_start3A_348 : memref<128xi32, #tpu.memory_space<vmem>>) semaphore(%run_scoped3A_345 : memref<!tpu.dma_semaphore, #tpu.memory_space<semaphore_mem>>) {add = true}
        %dma_wait3A_352 = arith.constant 0 : i32
        %dma_wait3A_353 = tpu.memref_slice %arg13[%run_scoped3A_222, %run_scoped3A_223, %dma_wait3A_352] : memref<2x6x128xi32, #tpu.memory_space<vmem>> -> memref<1x1x128xi32, #tpu.memory_space<vmem>>
        %dma_wait3A_354 = tpu.memref_squeeze %dma_wait3A_353 : memref<1x1x128xi32, #tpu.memory_space<vmem>> -> memref<128xi32, #tpu.memory_space<vmem>>
        %dma_wait3A_355 = arith.constant 0 : i32
        %dma_wait3A_356 = arith.constant 0 : i32
        %dma_wait3A_357 = tpu.memref_slice %arg10[%dma_wait3A_355, %dma_wait3A_356] : memref<10240x128xf32, #tpu.memory_space<vmem_shared>> -> memref<10240x128xf32, #tpu.memory_space<vmem_shared>>
        tpu.wait_indirect_dma semaphore(%run_scoped3A_345 : memref<!tpu.dma_semaphore, #tpu.memory_space<semaphore_mem>>) src(%arg12 : memref<128x128xf32, #tpu.memory_space<vmem>>) dst(%dma_wait3A_357 : memref<10240x128xf32, #tpu.memory_space<vmem_shared>>)
        tpu.yield
      }) : () -> ()
      %barrier3A_224 = arith.constant 0 : index
      tpu.barrier barrier_id(%barrier3A_224)
      %mul3A_225 = arith.constant 640 : i32
      %mul3A_226 = arith.muli %arg1, %mul3A_225 : i32
      %mul3A_227 = arith.constant 640 : i32
      %mul3A_228 = arith.muli %arg1, %mul3A_227 : i32
      "tpu.region"() ({
        %run_scoped3A_345 = tpu.sem_alloc : memref<!tpu.dma_semaphore, #tpu.memory_space<semaphore_mem>>
        %dma_start3A_346 = arith.constant 0 : i32
        %dma_start3A_347 = tpu.memref_slice %arg7[%mul3A_228, %dma_start3A_346] : memref<10240x128xf32, #tpu.memory_space<hbm>> -> memref<640x128xf32, #tpu.memory_space<hbm>>
        %dma_start3A_348 = arith.constant 0 : i32
        %dma_start3A_349 = tpu.memref_slice %arg10[%mul3A_226, %dma_start3A_348] : memref<10240x128xf32, #tpu.memory_space<vmem_shared>> -> memref<640x128xf32, #tpu.memory_space<vmem_shared>>
        tpu.enqueue_dma source(%dma_start3A_349 : memref<640x128xf32, #tpu.memory_space<vmem_shared>>) target(%dma_start3A_347 : memref<640x128xf32, #tpu.memory_space<hbm>>) target_semaphore(%run_scoped3A_345 : memref<!tpu.dma_semaphore, #tpu.memory_space<semaphore_mem>>)
        %dma_wait3A_350 = arith.constant 0 : i32
        %dma_wait3A_351 = tpu.memref_slice %arg7[%mul3A_228, %dma_wait3A_350] : memref<10240x128xf32, #tpu.memory_space<hbm>> -> memref<640x128xf32, #tpu.memory_space<hbm>>
        %dma_wait3A_352 = arith.constant 0 : i32
        %dma_wait3A_353 = tpu.memref_slice %arg10[%mul3A_226, %dma_wait3A_352] : memref<10240x128xf32, #tpu.memory_space<vmem_shared>> -> memref<640x128xf32, #tpu.memory_space<vmem_shared>>
        tpu.wait_dma2 semaphore(%run_scoped3A_345 : memref<!tpu.dma_semaphore, #tpu.memory_space<semaphore_mem>>) src(%dma_wait3A_353 : memref<640x128xf32, #tpu.memory_space<vmem_shared>>) dst(%dma_wait3A_351 : memref<640x128xf32, #tpu.memory_space<hbm>>)
        tpu.yield
      }) : () -> ()
      %barrier3A_229 = arith.constant 0 : index
      tpu.barrier barrier_id(%barrier3A_229)
      %scan3A_230 = arith.constant 0 : i32
      %scan3A_231 = arith.constant 0 : i32
      %scan3A_232 = arith.constant 128 : i32
      %scan3A_233 = arith.addi %scan3A_231, %scan3A_232 : i32
      %scan3A_234 = arith.constant 1 : i32
      %scan3A_235 = scf.for %scan3A_345 = %scan3A_231 to %scan3A_233 step %scan3A_234 iter_args(%scan3A_346 = %scan3A_230) -> (i32)  : i32 {
        %scan3A_347 = arith.constant 0 : i32
        %scan3A_348 = arith.constant 0 : i32
        %scan3A_349 = arith.constant 8 : i32
        %scan3A_350 = arith.addi %scan3A_348, %scan3A_349 : i32
        %scan3A_351 = arith.constant 1 : i32
        %scan3A_352 = scf.for %scan3A_354 = %scan3A_348 to %scan3A_350 step %scan3A_351 iter_args(%scan3A_355 = %scan3A_347) -> (i32)  : i32 {
          %broadcast_in_dim3A = arith.constant 0.000000e+00 : f32
          %broadcast_in_dim3A_356 = vector.broadcast %broadcast_in_dim3A : f32 to vector<16xf32>
          %mul3A_357 = arith.constant 16 : i32
          %mul3A_358 = arith.muli %scan3A_354, %mul3A_357 : i32
          %swap3A = arith.index_cast %scan3A_345 : i32 to index
          %swap3A_359 = arith.index_cast %mul3A_358 : i32 to index
          %swap3A_360 = tpu.vector_load %arg11[%swap3A, %swap3A_359] {strides = array<i32>} : memref<128x128xf32, #tpu.memory_space<vmem>>, vector<1x16xf32>,
          %swap3A_361 = vector.shape_cast %swap3A_360 : vector<1x16xf32> to vector<16xf32>
          %swap3A_362 = vector.shape_cast %broadcast_in_dim3A_356 : vector<16xf32> to vector<1x16xf32>
          tpu.vector_store %arg11[%swap3A, %swap3A_359], %swap3A_362 {strides = array<i32>} : memref<128x128xf32, #tpu.memory_space<vmem>>, vector<1x16xf32>,
          %scan3A_363 = arith.constant 0 : i32
          scf.yield %scan3A_363 : i32
        }
        %scan3A_353 = arith.constant 8 : i32
        scf.yield %scan3A_352 : i32
      }
      %scan3A_236 = arith.constant 128 : i32
      %mul3A_237 = arith.constant 640 : i32
      %mul3A_238 = arith.muli %arg1, %mul3A_237 : i32
      %add3A_239 = arith.constant 0 : i32
      %add3A_240 = arith.addi %mul3A_238, %add3A_239 : i32
      "tpu.region"() ({
        %run_scoped3A_345 = tpu.sem_alloc : memref<!tpu.dma_semaphore, #tpu.memory_space<semaphore_mem>>
        %dma_start3A_346 = arith.constant 0 : i32
        %dma_start3A_347 = tpu.memref_slice %arg10[%add3A_240, %dma_start3A_346] : memref<10240x128xf32, #tpu.memory_space<vmem_shared>> -> memref<128x128xf32, #tpu.memory_space<vmem_shared>>
        %dma_start3A_348 = arith.constant 0 : i32
        %dma_start3A_349 = tpu.memref_slice %arg10[%add3A_240, %dma_start3A_348] : memref<10240x128xf32, #tpu.memory_space<vmem_shared>> -> memref<128x128xf32, #tpu.memory_space<vmem_shared>>
        tpu.enqueue_dma source(%arg11 : memref<128x128xf32, #tpu.memory_space<vmem>>) target(%dma_start3A_349 : memref<128x128xf32, #tpu.memory_space<vmem_shared>>) target_semaphore(%run_scoped3A_345 : memref<!tpu.dma_semaphore, #tpu.memory_space<semaphore_mem>>)
        %dma_wait3A_350 = arith.constant 0 : i32
        %dma_wait3A_351 = tpu.memref_slice %arg10[%add3A_240, %dma_wait3A_350] : memref<10240x128xf32, #tpu.memory_space<vmem_shared>> -> memref<128x128xf32, #tpu.memory_space<vmem_shared>>
        %dma_wait3A_352 = arith.constant 0 : i32
        %dma_wait3A_353 = tpu.memref_slice %arg10[%add3A_240, %dma_wait3A_352] : memref<10240x128xf32, #tpu.memory_space<vmem_shared>> -> memref<128x128xf32, #tpu.memory_space<vmem_shared>>
        tpu.wait_dma2 semaphore(%run_scoped3A_345 : memref<!tpu.dma_semaphore, #tpu.memory_space<semaphore_mem>>) src(%arg11 : memref<128x128xf32, #tpu.memory_space<vmem>>) dst(%dma_wait3A_353 : memref<128x128xf32, #tpu.memory_space<vmem_shared>>)
        tpu.yield
      }) : () -> ()
      %mul3A_241 = arith.constant 640 : i32
      %mul3A_242 = arith.muli %arg1, %mul3A_241 : i32
      %add3A_243 = arith.constant 128 : i32
      %add3A_244 = arith.addi %mul3A_242, %add3A_243 : i32
      "tpu.region"() ({
        %run_scoped3A_345 = tpu.sem_alloc : memref<!tpu.dma_semaphore, #tpu.memory_space<semaphore_mem>>
        %dma_start3A_346 = arith.constant 0 : i32
        %dma_start3A_347 = tpu.memref_slice %arg10[%add3A_244, %dma_start3A_346] : memref<10240x128xf32, #tpu.memory_space<vmem_shared>> -> memref<128x128xf32, #tpu.memory_space<vmem_shared>>
        %dma_start3A_348 = arith.constant 0 : i32
        %dma_start3A_349 = tpu.memref_slice %arg10[%add3A_244, %dma_start3A_348] : memref<10240x128xf32, #tpu.memory_space<vmem_shared>> -> memref<128x128xf32, #tpu.memory_space<vmem_shared>>
        tpu.enqueue_dma source(%arg11 : memref<128x128xf32, #tpu.memory_space<vmem>>) target(%dma_start3A_349 : memref<128x128xf32, #tpu.memory_space<vmem_shared>>) target_semaphore(%run_scoped3A_345 : memref<!tpu.dma_semaphore, #tpu.memory_space<semaphore_mem>>)
        %dma_wait3A_350 = arith.constant 0 : i32
        %dma_wait3A_351 = tpu.memref_slice %arg10[%add3A_244, %dma_wait3A_350] : memref<10240x128xf32, #tpu.memory_space<vmem_shared>> -> memref<128x128xf32, #tpu.memory_space<vmem_shared>>
        %dma_wait3A_352 = arith.constant 0 : i32
        %dma_wait3A_353 = tpu.memref_slice %arg10[%add3A_244, %dma_wait3A_352] : memref<10240x128xf32, #tpu.memory_space<vmem_shared>> -> memref<128x128xf32, #tpu.memory_space<vmem_shared>>
        tpu.wait_dma2 semaphore(%run_scoped3A_345 : memref<!tpu.dma_semaphore, #tpu.memory_space<semaphore_mem>>) src(%arg11 : memref<128x128xf32, #tpu.memory_space<vmem>>) dst(%dma_wait3A_353 : memref<128x128xf32, #tpu.memory_space<vmem_shared>>)
        tpu.yield
      }) : () -> ()
      %mul3A_245 = arith.constant 640 : i32
      %mul3A_246 = arith.muli %arg1, %mul3A_245 : i32
      %add3A_247 = arith.constant 256 : i32
      %add3A_248 = arith.addi %mul3A_246, %add3A_247 : i32
      "tpu.region"() ({
        %run_scoped3A_345 = tpu.sem_alloc : memref<!tpu.dma_semaphore, #tpu.memory_space<semaphore_mem>>
        %dma_start3A_346 = arith.constant 0 : i32
        %dma_start3A_347 = tpu.memref_slice %arg10[%add3A_248, %dma_start3A_346] : memref<10240x128xf32, #tpu.memory_space<vmem_shared>> -> memref<128x128xf32, #tpu.memory_space<vmem_shared>>
        %dma_start3A_348 = arith.constant 0 : i32
        %dma_start3A_349 = tpu.memref_slice %arg10[%add3A_248, %dma_start3A_348] : memref<10240x128xf32, #tpu.memory_space<vmem_shared>> -> memref<128x128xf32, #tpu.memory_space<vmem_shared>>
        tpu.enqueue_dma source(%arg11 : memref<128x128xf32, #tpu.memory_space<vmem>>) target(%dma_start3A_349 : memref<128x128xf32, #tpu.memory_space<vmem_shared>>) target_semaphore(%run_scoped3A_345 : memref<!tpu.dma_semaphore, #tpu.memory_space<semaphore_mem>>)
        %dma_wait3A_350 = arith.constant 0 : i32
        %dma_wait3A_351 = tpu.memref_slice %arg10[%add3A_248, %dma_wait3A_350] : memref<10240x128xf32, #tpu.memory_space<vmem_shared>> -> memref<128x128xf32, #tpu.memory_space<vmem_shared>>
        %dma_wait3A_352 = arith.constant 0 : i32
        %dma_wait3A_353 = tpu.memref_slice %arg10[%add3A_248, %dma_wait3A_352] : memref<10240x128xf32, #tpu.memory_space<vmem_shared>> -> memref<128x128xf32, #tpu.memory_space<vmem_shared>>
        tpu.wait_dma2 semaphore(%run_scoped3A_345 : memref<!tpu.dma_semaphore, #tpu.memory_space<semaphore_mem>>) src(%arg11 : memref<128x128xf32, #tpu.memory_space<vmem>>) dst(%dma_wait3A_353 : memref<128x128xf32, #tpu.memory_space<vmem_shared>>)
        tpu.yield
      }) : () -> ()
      %mul3A_249 = arith.constant 640 : i32
      %mul3A_250 = arith.muli %arg1, %mul3A_249 : i32
      %add3A_251 = arith.constant 384 : i32
      %add3A_252 = arith.addi %mul3A_250, %add3A_251 : i32
      "tpu.region"() ({
        %run_scoped3A_345 = tpu.sem_alloc : memref<!tpu.dma_semaphore, #tpu.memory_space<semaphore_mem>>
        %dma_start3A_346 = arith.constant 0 : i32
        %dma_start3A_347 = tpu.memref_slice %arg10[%add3A_252, %dma_start3A_346] : memref<10240x128xf32, #tpu.memory_space<vmem_shared>> -> memref<128x128xf32, #tpu.memory_space<vmem_shared>>
        %dma_start3A_348 = arith.constant 0 : i32
        %dma_start3A_349 = tpu.memref_slice %arg10[%add3A_252, %dma_start3A_348] : memref<10240x128xf32, #tpu.memory_space<vmem_shared>> -> memref<128x128xf32, #tpu.memory_space<vmem_shared>>
        tpu.enqueue_dma source(%arg11 : memref<128x128xf32, #tpu.memory_space<vmem>>) target(%dma_start3A_349 : memref<128x128xf32, #tpu.memory_space<vmem_shared>>) target_semaphore(%run_scoped3A_345 : memref<!tpu.dma_semaphore, #tpu.memory_space<semaphore_mem>>)
        %dma_wait3A_350 = arith.constant 0 : i32
        %dma_wait3A_351 = tpu.memref_slice %arg10[%add3A_252, %dma_wait3A_350] : memref<10240x128xf32, #tpu.memory_space<vmem_shared>> -> memref<128x128xf32, #tpu.memory_space<vmem_shared>>
        %dma_wait3A_352 = arith.constant 0 : i32
        %dma_wait3A_353 = tpu.memref_slice %arg10[%add3A_252, %dma_wait3A_352] : memref<10240x128xf32, #tpu.memory_space<vmem_shared>> -> memref<128x128xf32, #tpu.memory_space<vmem_shared>>
        tpu.wait_dma2 semaphore(%run_scoped3A_345 : memref<!tpu.dma_semaphore, #tpu.memory_space<semaphore_mem>>) src(%arg11 : memref<128x128xf32, #tpu.memory_space<vmem>>) dst(%dma_wait3A_353 : memref<128x128xf32, #tpu.memory_space<vmem_shared>>)
        tpu.yield
      }) : () -> ()
      %mul3A_253 = arith.constant 640 : i32
      %mul3A_254 = arith.muli %arg1, %mul3A_253 : i32
      %add3A_255 = arith.constant 512 : i32
      %add3A_256 = arith.addi %mul3A_254, %add3A_255 : i32
      "tpu.region"() ({
        %run_scoped3A_345 = tpu.sem_alloc : memref<!tpu.dma_semaphore, #tpu.memory_space<semaphore_mem>>
        %dma_start3A_346 = arith.constant 0 : i32
        %dma_start3A_347 = tpu.memref_slice %arg10[%add3A_256, %dma_start3A_346] : memref<10240x128xf32, #tpu.memory_space<vmem_shared>> -> memref<128x128xf32, #tpu.memory_space<vmem_shared>>
        %dma_start3A_348 = arith.constant 0 : i32
        %dma_start3A_349 = tpu.memref_slice %arg10[%add3A_256, %dma_start3A_348] : memref<10240x128xf32, #tpu.memory_space<vmem_shared>> -> memref<128x128xf32, #tpu.memory_space<vmem_shared>>
        tpu.enqueue_dma source(%arg11 : memref<128x128xf32, #tpu.memory_space<vmem>>) target(%dma_start3A_349 : memref<128x128xf32, #tpu.memory_space<vmem_shared>>) target_semaphore(%run_scoped3A_345 : memref<!tpu.dma_semaphore, #tpu.memory_space<semaphore_mem>>)
        %dma_wait3A_350 = arith.constant 0 : i32
        %dma_wait3A_351 = tpu.memref_slice %arg10[%add3A_256, %dma_wait3A_350] : memref<10240x128xf32, #tpu.memory_space<vmem_shared>> -> memref<128x128xf32, #tpu.memory_space<vmem_shared>>
        %dma_wait3A_352 = arith.constant 0 : i32
        %dma_wait3A_353 = tpu.memref_slice %arg10[%add3A_256, %dma_wait3A_352] : memref<10240x128xf32, #tpu.memory_space<vmem_shared>> -> memref<128x128xf32, #tpu.memory_space<vmem_shared>>
        tpu.wait_dma2 semaphore(%run_scoped3A_345 : memref<!tpu.dma_semaphore, #tpu.memory_space<semaphore_mem>>) src(%arg11 : memref<128x128xf32, #tpu.memory_space<vmem>>) dst(%dma_wait3A_353 : memref<128x128xf32, #tpu.memory_space<vmem_shared>>)
        tpu.yield
      }) : () -> ()
      %barrier3A_257 = arith.constant 0 : index
      tpu.barrier barrier_id(%barrier3A_257)
      %run_scoped3A_258 = arith.constant 40 : i32
      %run_scoped3A_259 = arith.constant 0 : i32
      "tpu.region"() ({
        %run_scoped3A_345 = tpu.sem_alloc : memref<!tpu.dma_semaphore, #tpu.memory_space<semaphore_mem>>
        %dma_start3A_346 = arith.constant 0 : i32
        %dma_start3A_347 = arith.constant 0 : i32
        %dma_start3A_348 = tpu.memref_slice %arg13[%run_scoped3A_259, %dma_start3A_346, %dma_start3A_347] : memref<2x6x128xi32, #tpu.memory_space<vmem>> -> memref<1x6x128xi32, #tpu.memory_space<vmem>>
        %dma_start3A_349 = tpu.memref_squeeze %dma_start3A_348 : memref<1x6x128xi32, #tpu.memory_space<vmem>> -> memref<6x128xi32, #tpu.memory_space<vmem>>
        %dma_start3A_350 = arith.constant 0 : i32
        %dma_start3A_351 = arith.constant 0 : i32
        %dma_start3A_352 = tpu.memref_slice %arg3[%arg1, %run_scoped3A_258, %dma_start3A_350, %dma_start3A_351] : memref<16x80x6x128xi32, #tpu.memory_space<hbm>> -> memref<1x1x6x128xi32, #tpu.memory_space<hbm>>
        %dma_start3A_353 = tpu.memref_squeeze %dma_start3A_352 : memref<1x1x6x128xi32, #tpu.memory_space<hbm>> -> memref<6x128xi32, #tpu.memory_space<hbm>>
        %dma_start3A_354 = arith.constant 0 : i32
        %dma_start3A_355 = arith.constant 0 : i32
        %dma_start3A_356 = tpu.memref_slice %arg13[%run_scoped3A_259, %dma_start3A_354, %dma_start3A_355] : memref<2x6x128xi32, #tpu.memory_space<vmem>> -> memref<1x6x128xi32, #tpu.memory_space<vmem>>
        %dma_start3A_357 = tpu.memref_squeeze %dma_start3A_356 : memref<1x6x128xi32, #tpu.memory_space<vmem>> -> memref<6x128xi32, #tpu.memory_space<vmem>>
        %dma_start3A_358 = arith.constant 0 : i32
        %dma_start3A_359 = arith.constant 0 : i32
        %dma_start3A_360 = tpu.memref_slice %arg3[%arg1, %run_scoped3A_258, %dma_start3A_358, %dma_start3A_359] : memref<16x80x6x128xi32, #tpu.memory_space<hbm>> -> memref<1x1x6x128xi32, #tpu.memory_space<hbm>>
        %dma_start3A_361 = tpu.memref_squeeze %dma_start3A_360 : memref<1x1x6x128xi32, #tpu.memory_space<hbm>> -> memref<6x128xi32, #tpu.memory_space<hbm>>
        tpu.enqueue_dma source(%dma_start3A_361 : memref<6x128xi32, #tpu.memory_space<hbm>>) target(%dma_start3A_357 : memref<6x128xi32, #tpu.memory_space<vmem>>) target_semaphore(%run_scoped3A_345 : memref<!tpu.dma_semaphore, #tpu.memory_space<semaphore_mem>>)
        %dma_wait3A_362 = arith.constant 0 : i32
        %dma_wait3A_363 = arith.constant 0 : i32
        %dma_wait3A_364 = tpu.memref_slice %arg13[%run_scoped3A_259, %dma_wait3A_362, %dma_wait3A_363] : memref<2x6x128xi32, #tpu.memory_space<vmem>> -> memref<1x6x128xi32, #tpu.memory_space<vmem>>
        %dma_wait3A_365 = tpu.memref_squeeze %dma_wait3A_364 : memref<1x6x128xi32, #tpu.memory_space<vmem>> -> memref<6x128xi32, #tpu.memory_space<vmem>>
        %dma_wait3A_366 = arith.constant 0 : i32
        %dma_wait3A_367 = arith.constant 0 : i32
        %dma_wait3A_368 = tpu.memref_slice %arg3[%arg1, %run_scoped3A_258, %dma_wait3A_366, %dma_wait3A_367] : memref<16x80x6x128xi32, #tpu.memory_space<hbm>> -> memref<1x1x6x128xi32, #tpu.memory_space<hbm>>
        %dma_wait3A_369 = tpu.memref_squeeze %dma_wait3A_368 : memref<1x1x6x128xi32, #tpu.memory_space<hbm>> -> memref<6x128xi32, #tpu.memory_space<hbm>>
        %dma_wait3A_370 = arith.constant 0 : i32
        %dma_wait3A_371 = arith.constant 0 : i32
        %dma_wait3A_372 = tpu.memref_slice %arg13[%run_scoped3A_259, %dma_wait3A_370, %dma_wait3A_371] : memref<2x6x128xi32, #tpu.memory_space<vmem>> -> memref<1x6x128xi32, #tpu.memory_space<vmem>>
        %dma_wait3A_373 = tpu.memref_squeeze %dma_wait3A_372 : memref<1x6x128xi32, #tpu.memory_space<vmem>> -> memref<6x128xi32, #tpu.memory_space<vmem>>
        %dma_wait3A_374 = arith.constant 0 : i32
        %dma_wait3A_375 = arith.constant 0 : i32
        %dma_wait3A_376 = tpu.memref_slice %arg3[%arg1, %run_scoped3A_258, %dma_wait3A_374, %dma_wait3A_375] : memref<16x80x6x128xi32, #tpu.memory_space<hbm>> -> memref<1x1x6x128xi32, #tpu.memory_space<hbm>>
        %dma_wait3A_377 = tpu.memref_squeeze %dma_wait3A_376 : memref<1x1x6x128xi32, #tpu.memory_space<hbm>> -> memref<6x128xi32, #tpu.memory_space<hbm>>
        tpu.wait_dma2 semaphore(%run_scoped3A_345 : memref<!tpu.dma_semaphore, #tpu.memory_space<semaphore_mem>>) src(%dma_wait3A_377 : memref<6x128xi32, #tpu.memory_space<hbm>>) dst(%dma_wait3A_373 : memref<6x128xi32, #tpu.memory_space<vmem>>)
        tpu.yield
      }) : () -> ()
      %dma_start3A_260 = arith.constant 0 : i32
      %dma_start3A_261 = arith.constant 4 : i32
      %dma_start3A_262 = arith.constant 0 : i32
      %dma_start3A_263 = tpu.memref_slice %arg13[%dma_start3A_260, %dma_start3A_261, %dma_start3A_262] : memref<2x6x128xi32, #tpu.memory_space<vmem>> -> memref<1x1x128xi32, #tpu.memory_space<vmem>>
      %dma_start3A_264 = tpu.memref_squeeze %dma_start3A_263 : memref<1x1x128xi32, #tpu.memory_space<vmem>> -> memref<128xi32, #tpu.memory_space<vmem>>
      %dma_start3A_265 = arith.constant 0 : i32
      %dma_start3A_266 = arith.constant 0 : i32
      %dma_start3A_267 = tpu.memref_slice %arg2[%dma_start3A_265, %dma_start3A_266] : memref<50000x128xf32, #tpu.memory_space<hbm>> -> memref<50000x128xf32, #tpu.memory_space<hbm>>
      tpu.enqueue_indirect_dma source(%dma_start3A_267 : memref<50000x128xf32, #tpu.memory_space<hbm>>) target(%arg11 : memref<128x128xf32, #tpu.memory_space<vmem>>) offsets(%dma_start3A_264 : memref<128xi32, #tpu.memory_space<vmem>>) semaphore(%arg14 : memref<!tpu.dma_semaphore, #tpu.memory_space<semaphore_mem>>)
      %dma_start3A_268 = arith.constant 41 : i32
      %dma_start3A_269 = arith.constant 1 : i32
      %dma_start3A_270 = arith.constant 0 : i32
      %dma_start3A_271 = arith.constant 0 : i32
      %dma_start3A_272 = tpu.memref_slice %arg13[%dma_start3A_269, %dma_start3A_270, %dma_start3A_271] : memref<2x6x128xi32, #tpu.memory_space<vmem>> -> memref<1x6x128xi32, #tpu.memory_space<vmem>>
      %dma_start3A_273 = tpu.memref_squeeze %dma_start3A_272 : memref<1x6x128xi32, #tpu.memory_space<vmem>> -> memref<6x128xi32, #tpu.memory_space<vmem>>
      %dma_start3A_274 = arith.constant 0 : i32
      %dma_start3A_275 = arith.constant 0 : i32
      %dma_start3A_276 = tpu.memref_slice %arg3[%arg1, %dma_start3A_268, %dma_start3A_274, %dma_start3A_275] : memref<16x80x6x128xi32, #tpu.memory_space<hbm>> -> memref<1x1x6x128xi32, #tpu.memory_space<hbm>>
      %dma_start3A_277 = tpu.memref_squeeze %dma_start3A_276 : memref<1x1x6x128xi32, #tpu.memory_space<hbm>> -> memref<6x128xi32, #tpu.memory_space<hbm>>
      %dma_start3A_278 = arith.constant 0 : i32
      %dma_start3A_279 = arith.constant 0 : i32
      %dma_start3A_280 = tpu.memref_slice %arg13[%dma_start3A_269, %dma_start3A_278, %dma_start3A_279] : memref<2x6x128xi32, #tpu.memory_space<vmem>> -> memref<1x6x128xi32, #tpu.memory_space<vmem>>
      %dma_start3A_281 = tpu.memref_squeeze %dma_start3A_280 : memref<1x6x128xi32, #tpu.memory_space<vmem>> -> memref<6x128xi32, #tpu.memory_space<vmem>>
      %dma_start3A_282 = arith.constant 0 : i32
      %dma_start3A_283 = arith.constant 0 : i32
      %dma_start3A_284 = tpu.memref_slice %arg3[%arg1, %dma_start3A_268, %dma_start3A_282, %dma_start3A_283] : memref<16x80x6x128xi32, #tpu.memory_space<hbm>> -> memref<1x1x6x128xi32, #tpu.memory_space<hbm>>
      %dma_start3A_285 = tpu.memref_squeeze %dma_start3A_284 : memref<1x1x6x128xi32, #tpu.memory_space<hbm>> -> memref<6x128xi32, #tpu.memory_space<hbm>>
      tpu.enqueue_dma source(%dma_start3A_285 : memref<6x128xi32, #tpu.memory_space<hbm>>) target(%dma_start3A_281 : memref<6x128xi32, #tpu.memory_space<vmem>>) target_semaphore(%arg16 : memref<!tpu.dma_semaphore, #tpu.memory_space<semaphore_mem>>)
      %scan3A_286 = arith.constant 0 : i32
      %scan3A_287 = arith.constant 0 : i32
      %scan3A_288 = arith.constant 19 : i32
      %scan3A_289 = arith.addi %scan3A_287, %scan3A_288 : i32
      %scan3A_290 = arith.constant 1 : i32
      %scan3A_291 = scf.for %scan3A_345 = %scan3A_287 to %scan3A_289 step %scan3A_290 iter_args(%scan3A_346 = %scan3A_286) -> (i32)  : i32 {
        %mul3A_347 = arith.constant 2 : i32
        %mul3A_348 = arith.muli %mul3A_347, %scan3A_345 : i32
        %add3A_349 = arith.constant 40 : i32
        %add3A_350 = arith.addi %add3A_349, %mul3A_348 : i32
        %add3A_351 = arith.constant 2 : i32
        %add3A_352 = arith.addi %add3A_350, %add3A_351 : i32
        %dma_wait3A_353 = arith.constant 0 : i32
        %dma_wait3A_354 = arith.constant 0 : i32
        %dma_wait3A_355 = arith.constant 0 : i32
        %dma_wait3A_356 = arith.constant 0 : i32
        %dma_wait3A_357 = tpu.memref_slice %arg13[%dma_wait3A_354, %dma_wait3A_355, %dma_wait3A_356] : memref<2x6x128xi32, #tpu.memory_space<vmem>> -> memref<1x6x128xi32, #tpu.memory_space<vmem>>
        %dma_wait3A_358 = tpu.memref_squeeze %dma_wait3A_357 : memref<1x6x128xi32, #tpu.memory_space<vmem>> -> memref<6x128xi32, #tpu.memory_space<vmem>>
        %dma_wait3A_359 = arith.constant 0 : i32
        %dma_wait3A_360 = arith.constant 0 : i32
        %dma_wait3A_361 = tpu.memref_slice %arg3[%arg1, %dma_wait3A_353, %dma_wait3A_359, %dma_wait3A_360] : memref<16x80x6x128xi32, #tpu.memory_space<hbm>> -> memref<1x1x6x128xi32, #tpu.memory_space<hbm>>
        %dma_wait3A_362 = tpu.memref_squeeze %dma_wait3A_361 : memref<1x1x6x128xi32, #tpu.memory_space<hbm>> -> memref<6x128xi32, #tpu.memory_space<hbm>>
        %dma_wait3A_363 = arith.constant 0 : i32
        %dma_wait3A_364 = arith.constant 0 : i32
        %dma_wait3A_365 = tpu.memref_slice %arg13[%dma_wait3A_354, %dma_wait3A_363, %dma_wait3A_364] : memref<2x6x128xi32, #tpu.memory_space<vmem>> -> memref<1x6x128xi32, #tpu.memory_space<vmem>>
        %dma_wait3A_366 = tpu.memref_squeeze %dma_wait3A_365 : memref<1x6x128xi32, #tpu.memory_space<vmem>> -> memref<6x128xi32, #tpu.memory_space<vmem>>
        %dma_wait3A_367 = arith.constant 0 : i32
        %dma_wait3A_368 = arith.constant 0 : i32
        %dma_wait3A_369 = tpu.memref_slice %arg3[%arg1, %dma_wait3A_353, %dma_wait3A_367, %dma_wait3A_368] : memref<16x80x6x128xi32, #tpu.memory_space<hbm>> -> memref<1x1x6x128xi32, #tpu.memory_space<hbm>>
        %dma_wait3A_370 = tpu.memref_squeeze %dma_wait3A_369 : memref<1x1x6x128xi32, #tpu.memory_space<hbm>> -> memref<6x128xi32, #tpu.memory_space<hbm>>
        tpu.wait_dma2 semaphore(%arg16 : memref<!tpu.dma_semaphore, #tpu.memory_space<semaphore_mem>>) src(%dma_wait3A_370 : memref<6x128xi32, #tpu.memory_space<hbm>>) dst(%dma_wait3A_366 : memref<6x128xi32, #tpu.memory_space<vmem>>)
        %dma_start3A_371 = arith.constant 1 : i32
        %dma_start3A_372 = arith.constant 4 : i32
        %dma_start3A_373 = arith.constant 0 : i32
        %dma_start3A_374 = tpu.memref_slice %arg13[%dma_start3A_371, %dma_start3A_372, %dma_start3A_373] : memref<2x6x128xi32, #tpu.memory_space<vmem>> -> memref<1x1x128xi32, #tpu.memory_space<vmem>>
        %dma_start3A_375 = tpu.memref_squeeze %dma_start3A_374 : memref<1x1x128xi32, #tpu.memory_space<vmem>> -> memref<128xi32, #tpu.memory_space<vmem>>
        %dma_start3A_376 = arith.constant 0 : i32
        %dma_start3A_377 = arith.constant 0 : i32
        %dma_start3A_378 = tpu.memref_slice %arg2[%dma_start3A_376, %dma_start3A_377] : memref<50000x128xf32, #tpu.memory_space<hbm>> -> memref<50000x128xf32, #tpu.memory_space<hbm>>
        tpu.enqueue_indirect_dma source(%dma_start3A_378 : memref<50000x128xf32, #tpu.memory_space<hbm>>) target(%arg12 : memref<128x128xf32, #tpu.memory_space<vmem>>) offsets(%dma_start3A_375 : memref<128xi32, #tpu.memory_space<vmem>>) semaphore(%arg15 : memref<!tpu.dma_semaphore, #tpu.memory_space<semaphore_mem>>)
        %dma_wait3A_379 = arith.constant 0 : i32
        %dma_wait3A_380 = arith.constant 4 : i32
        %dma_wait3A_381 = arith.constant 0 : i32
        %dma_wait3A_382 = tpu.memref_slice %arg13[%dma_wait3A_379, %dma_wait3A_380, %dma_wait3A_381] : memref<2x6x128xi32, #tpu.memory_space<vmem>> -> memref<1x1x128xi32, #tpu.memory_space<vmem>>
        %dma_wait3A_383 = tpu.memref_squeeze %dma_wait3A_382 : memref<1x1x128xi32, #tpu.memory_space<vmem>> -> memref<128xi32, #tpu.memory_space<vmem>>
        %dma_wait3A_384 = arith.constant 0 : i32
        %dma_wait3A_385 = arith.constant 0 : i32
        %dma_wait3A_386 = tpu.memref_slice %arg2[%dma_wait3A_384, %dma_wait3A_385] : memref<50000x128xf32, #tpu.memory_space<hbm>> -> memref<50000x128xf32, #tpu.memory_space<hbm>>
        tpu.wait_indirect_dma semaphore(%arg14 : memref<!tpu.dma_semaphore, #tpu.memory_space<semaphore_mem>>) src(%dma_wait3A_386 : memref<50000x128xf32, #tpu.memory_space<hbm>>) dst(%arg11 : memref<128x128xf32, #tpu.memory_space<vmem>>)
        %run_scoped3A_387 = arith.constant 0 : i32
        %run_scoped3A_388 = arith.constant 5 : i32
        "tpu.region"() ({
          %run_scoped3A_462 = tpu.sem_alloc : memref<!tpu.dma_semaphore, #tpu.memory_space<semaphore_mem>>
          %dma_start3A_463 = arith.constant 0 : i32
          %dma_start3A_464 = tpu.memref_slice %arg13[%run_scoped3A_387, %run_scoped3A_388, %dma_start3A_463] : memref<2x6x128xi32, #tpu.memory_space<vmem>> -> memref<1x1x128xi32, #tpu.memory_space<vmem>>
          %dma_start3A_465 = tpu.memref_squeeze %dma_start3A_464 : memref<1x1x128xi32, #tpu.memory_space<vmem>> -> memref<128xi32, #tpu.memory_space<vmem>>
          %dma_start3A_466 = arith.constant 0 : i32
          %dma_start3A_467 = arith.constant 0 : i32
          %dma_start3A_468 = tpu.memref_slice %arg10[%dma_start3A_466, %dma_start3A_467] : memref<10240x128xf32, #tpu.memory_space<vmem_shared>> -> memref<10240x128xf32, #tpu.memory_space<vmem_shared>>
          tpu.enqueue_indirect_dma source(%arg11 : memref<128x128xf32, #tpu.memory_space<vmem>>) target(%dma_start3A_468 : memref<10240x128xf32, #tpu.memory_space<vmem_shared>>) offsets(%dma_start3A_465 : memref<128xi32, #tpu.memory_space<vmem>>) semaphore(%run_scoped3A_462 : memref<!tpu.dma_semaphore, #tpu.memory_space<semaphore_mem>>) {add = true}
          %dma_wait3A_469 = arith.constant 0 : i32
          %dma_wait3A_470 = tpu.memref_slice %arg13[%run_scoped3A_387, %run_scoped3A_388, %dma_wait3A_469] : memref<2x6x128xi32, #tpu.memory_space<vmem>> -> memref<1x1x128xi32, #tpu.memory_space<vmem>>
          %dma_wait3A_471 = tpu.memref_squeeze %dma_wait3A_470 : memref<1x1x128xi32, #tpu.memory_space<vmem>> -> memref<128xi32, #tpu.memory_space<vmem>>
          %dma_wait3A_472 = arith.constant 0 : i32
          %dma_wait3A_473 = arith.constant 0 : i32
          %dma_wait3A_474 = tpu.memref_slice %arg10[%dma_wait3A_472, %dma_wait3A_473] : memref<10240x128xf32, #tpu.memory_space<vmem_shared>> -> memref<10240x128xf32, #tpu.memory_space<vmem_shared>>
          tpu.wait_indirect_dma semaphore(%run_scoped3A_462 : memref<!tpu.dma_semaphore, #tpu.memory_space<semaphore_mem>>) src(%arg11 : memref<128x128xf32, #tpu.memory_space<vmem>>) dst(%dma_wait3A_474 : memref<10240x128xf32, #tpu.memory_space<vmem_shared>>)
          tpu.yield
        }) : () -> ()
        %dma_start3A_389 = arith.constant 0 : i32
        %dma_start3A_390 = arith.constant 0 : i32
        %dma_start3A_391 = arith.constant 0 : i32
        %dma_start3A_392 = tpu.memref_slice %arg13[%dma_start3A_389, %dma_start3A_390, %dma_start3A_391] : memref<2x6x128xi32, #tpu.memory_space<vmem>> -> memref<1x6x128xi32, #tpu.memory_space<vmem>>
        %dma_start3A_393 = tpu.memref_squeeze %dma_start3A_392 : memref<1x6x128xi32, #tpu.memory_space<vmem>> -> memref<6x128xi32, #tpu.memory_space<vmem>>
        %dma_start3A_394 = arith.constant 0 : i32
        %dma_start3A_395 = arith.constant 0 : i32
        %dma_start3A_396 = tpu.memref_slice %arg3[%arg1, %add3A_352, %dma_start3A_394, %dma_start3A_395] : memref<16x80x6x128xi32, #tpu.memory_space<hbm>> -> memref<1x1x6x128xi32, #tpu.memory_space<hbm>>
        %dma_start3A_397 = tpu.memref_squeeze %dma_start3A_396 : memref<1x1x6x128xi32, #tpu.memory_space<hbm>> -> memref<6x128xi32, #tpu.memory_space<hbm>>
        %dma_start3A_398 = arith.constant 0 : i32
        %dma_start3A_399 = arith.constant 0 : i32
        %dma_start3A_400 = tpu.memref_slice %arg13[%dma_start3A_389, %dma_start3A_398, %dma_start3A_399] : memref<2x6x128xi32, #tpu.memory_space<vmem>> -> memref<1x6x128xi32, #tpu.memory_space<vmem>>
        %dma_start3A_401 = tpu.memref_squeeze %dma_start3A_400 : memref<1x6x128xi32, #tpu.memory_space<vmem>> -> memref<6x128xi32, #tpu.memory_space<vmem>>
        %dma_start3A_402 = arith.constant 0 : i32
        %dma_start3A_403 = arith.constant 0 : i32
        %dma_start3A_404 = tpu.memref_slice %arg3[%arg1, %add3A_352, %dma_start3A_402, %dma_start3A_403] : memref<16x80x6x128xi32, #tpu.memory_space<hbm>> -> memref<1x1x6x128xi32, #tpu.memory_space<hbm>>
        %dma_start3A_405 = tpu.memref_squeeze %dma_start3A_404 : memref<1x1x6x128xi32, #tpu.memory_space<hbm>> -> memref<6x128xi32, #tpu.memory_space<hbm>>
        tpu.enqueue_dma source(%dma_start3A_405 : memref<6x128xi32, #tpu.memory_space<hbm>>) target(%dma_start3A_401 : memref<6x128xi32, #tpu.memory_space<vmem>>) target_semaphore(%arg16 : memref<!tpu.dma_semaphore, #tpu.memory_space<semaphore_mem>>)
        %dma_wait3A_406 = arith.constant 0 : i32
        %dma_wait3A_407 = arith.constant 0 : i32
        %dma_wait3A_408 = arith.constant 0 : i32
        %dma_wait3A_409 = arith.constant 0 : i32
        %dma_wait3A_410 = tpu.memref_slice %arg13[%dma_wait3A_407, %dma_wait3A_408, %dma_wait3A_409] : memref<2x6x128xi32, #tpu.memory_space<vmem>> -> memref<1x6x128xi32, #tpu.memory_space<vmem>>
        %dma_wait3A_411 = tpu.memref_squeeze %dma_wait3A_410 : memref<1x6x128xi32, #tpu.memory_space<vmem>> -> memref<6x128xi32, #tpu.memory_space<vmem>>
        %dma_wait3A_412 = arith.constant 0 : i32
        %dma_wait3A_413 = arith.constant 0 : i32
        %dma_wait3A_414 = tpu.memref_slice %arg3[%arg1, %dma_wait3A_406, %dma_wait3A_412, %dma_wait3A_413] : memref<16x80x6x128xi32, #tpu.memory_space<hbm>> -> memref<1x1x6x128xi32, #tpu.memory_space<hbm>>
        %dma_wait3A_415 = tpu.memref_squeeze %dma_wait3A_414 : memref<1x1x6x128xi32, #tpu.memory_space<hbm>> -> memref<6x128xi32, #tpu.memory_space<hbm>>
        %dma_wait3A_416 = arith.constant 0 : i32
        %dma_wait3A_417 = arith.constant 0 : i32
        %dma_wait3A_418 = tpu.memref_slice %arg13[%dma_wait3A_407, %dma_wait3A_416, %dma_wait3A_417] : memref<2x6x128xi32, #tpu.memory_space<vmem>> -> memref<1x6x128xi32, #tpu.memory_space<vmem>>
        %dma_wait3A_419 = tpu.memref_squeeze %dma_wait3A_418 : memref<1x6x128xi32, #tpu.memory_space<vmem>> -> memref<6x128xi32, #tpu.memory_space<vmem>>
        %dma_wait3A_420 = arith.constant 0 : i32
        %dma_wait3A_421 = arith.constant 0 : i32
        %dma_wait3A_422 = tpu.memref_slice %arg3[%arg1, %dma_wait3A_406, %dma_wait3A_420, %dma_wait3A_421] : memref<16x80x6x128xi32, #tpu.memory_space<hbm>> -> memref<1x1x6x128xi32, #tpu.memory_space<hbm>>
        %dma_wait3A_423 = tpu.memref_squeeze %dma_wait3A_422 : memref<1x1x6x128xi32, #tpu.memory_space<hbm>> -> memref<6x128xi32, #tpu.memory_space<hbm>>
        tpu.wait_dma2 semaphore(%arg16 : memref<!tpu.dma_semaphore, #tpu.memory_space<semaphore_mem>>) src(%dma_wait3A_423 : memref<6x128xi32, #tpu.memory_space<hbm>>) dst(%dma_wait3A_419 : memref<6x128xi32, #tpu.memory_space<vmem>>)
        %dma_start3A_424 = arith.constant 0 : i32
        %dma_start3A_425 = arith.constant 4 : i32
        %dma_start3A_426 = arith.constant 0 : i32
        %dma_start3A_427 = tpu.memref_slice %arg13[%dma_start3A_424, %dma_start3A_425, %dma_start3A_426] : memref<2x6x128xi32, #tpu.memory_space<vmem>> -> memref<1x1x128xi32, #tpu.memory_space<vmem>>
        %dma_start3A_428 = tpu.memref_squeeze %dma_start3A_427 : memref<1x1x128xi32, #tpu.memory_space<vmem>> -> memref<128xi32, #tpu.memory_space<vmem>>
        %dma_start3A_429 = arith.constant 0 : i32
        %dma_start3A_430 = arith.constant 0 : i32
        %dma_start3A_431 = tpu.memref_slice %arg2[%dma_start3A_429, %dma_start3A_430] : memref<50000x128xf32, #tpu.memory_space<hbm>> -> memref<50000x128xf32, #tpu.memory_space<hbm>>
        tpu.enqueue_indirect_dma source(%dma_start3A_431 : memref<50000x128xf32, #tpu.memory_space<hbm>>) target(%arg11 : memref<128x128xf32, #tpu.memory_space<vmem>>) offsets(%dma_start3A_428 : memref<128xi32, #tpu.memory_space<vmem>>) semaphore(%arg14 : memref<!tpu.dma_semaphore, #tpu.memory_space<semaphore_mem>>)
        %dma_wait3A_432 = arith.constant 0 : i32
        %dma_wait3A_433 = arith.constant 4 : i32
        %dma_wait3A_434 = arith.constant 0 : i32
        %dma_wait3A_435 = tpu.memref_slice %arg13[%dma_wait3A_432, %dma_wait3A_433, %dma_wait3A_434] : memref<2x6x128xi32, #tpu.memory_space<vmem>> -> memref<1x1x128xi32, #tpu.memory_space<vmem>>
        %dma_wait3A_436 = tpu.memref_squeeze %dma_wait3A_435 : memref<1x1x128xi32, #tpu.memory_space<vmem>> -> memref<128xi32, #tpu.memory_space<vmem>>
        %dma_wait3A_437 = arith.constant 0 : i32
        %dma_wait3A_438 = arith.constant 0 : i32
        %dma_wait3A_439 = tpu.memref_slice %arg2[%dma_wait3A_437, %dma_wait3A_438] : memref<50000x128xf32, #tpu.memory_space<hbm>> -> memref<50000x128xf32, #tpu.memory_space<hbm>>
        tpu.wait_indirect_dma semaphore(%arg15 : memref<!tpu.dma_semaphore, #tpu.memory_space<semaphore_mem>>) src(%dma_wait3A_439 : memref<50000x128xf32, #tpu.memory_space<hbm>>) dst(%arg12 : memref<128x128xf32, #tpu.memory_space<vmem>>)
        %run_scoped3A_440 = arith.constant 1 : i32
        %run_scoped3A_441 = arith.constant 5 : i32
        "tpu.region"() ({
          %run_scoped3A_462 = tpu.sem_alloc : memref<!tpu.dma_semaphore, #tpu.memory_space<semaphore_mem>>
          %dma_start3A_463 = arith.constant 0 : i32
          %dma_start3A_464 = tpu.memref_slice %arg13[%run_scoped3A_440, %run_scoped3A_441, %dma_start3A_463] : memref<2x6x128xi32, #tpu.memory_space<vmem>> -> memref<1x1x128xi32, #tpu.memory_space<vmem>>
          %dma_start3A_465 = tpu.memref_squeeze %dma_start3A_464 : memref<1x1x128xi32, #tpu.memory_space<vmem>> -> memref<128xi32, #tpu.memory_space<vmem>>
          %dma_start3A_466 = arith.constant 0 : i32
          %dma_start3A_467 = arith.constant 0 : i32
          %dma_start3A_468 = tpu.memref_slice %arg10[%dma_start3A_466, %dma_start3A_467] : memref<10240x128xf32, #tpu.memory_space<vmem_shared>> -> memref<10240x128xf32, #tpu.memory_space<vmem_shared>>
          tpu.enqueue_indirect_dma source(%arg12 : memref<128x128xf32, #tpu.memory_space<vmem>>) target(%dma_start3A_468 : memref<10240x128xf32, #tpu.memory_space<vmem_shared>>) offsets(%dma_start3A_465 : memref<128xi32, #tpu.memory_space<vmem>>) semaphore(%run_scoped3A_462 : memref<!tpu.dma_semaphore, #tpu.memory_space<semaphore_mem>>) {add = true}
          %dma_wait3A_469 = arith.constant 0 : i32
          %dma_wait3A_470 = tpu.memref_slice %arg13[%run_scoped3A_440, %run_scoped3A_441, %dma_wait3A_469] : memref<2x6x128xi32, #tpu.memory_space<vmem>> -> memref<1x1x128xi32, #tpu.memory_space<vmem>>
          %dma_wait3A_471 = tpu.memref_squeeze %dma_wait3A_470 : memref<1x1x128xi32, #tpu.memory_space<vmem>> -> memref<128xi32, #tpu.memory_space<vmem>>
          %dma_wait3A_472 = arith.constant 0 : i32
          %dma_wait3A_473 = arith.constant 0 : i32
          %dma_wait3A_474 = tpu.memref_slice %arg10[%dma_wait3A_472, %dma_wait3A_473] : memref<10240x128xf32, #tpu.memory_space<vmem_shared>> -> memref<10240x128xf32, #tpu.memory_space<vmem_shared>>
          tpu.wait_indirect_dma semaphore(%run_scoped3A_462 : memref<!tpu.dma_semaphore, #tpu.memory_space<semaphore_mem>>) src(%arg12 : memref<128x128xf32, #tpu.memory_space<vmem>>) dst(%dma_wait3A_474 : memref<10240x128xf32, #tpu.memory_space<vmem_shared>>)
          tpu.yield
        }) : () -> ()
        %add3A_442 = arith.constant 1 : i32
        %add3A_443 = arith.addi %add3A_352, %add3A_442 : i32
        %dma_start3A_444 = arith.constant 1 : i32
        %dma_start3A_445 = arith.constant 0 : i32
        %dma_start3A_446 = arith.constant 0 : i32
        %dma_start3A_447 = tpu.memref_slice %arg13[%dma_start3A_444, %dma_start3A_445, %dma_start3A_446] : memref<2x6x128xi32, #tpu.memory_space<vmem>> -> memref<1x6x128xi32, #tpu.memory_space<vmem>>
        %dma_start3A_448 = tpu.memref_squeeze %dma_start3A_447 : memref<1x6x128xi32, #tpu.memory_space<vmem>> -> memref<6x128xi32, #tpu.memory_space<vmem>>
        %dma_start3A_449 = arith.constant 0 : i32
        %dma_start3A_450 = arith.constant 0 : i32
        %dma_start3A_451 = tpu.memref_slice %arg3[%arg1, %add3A_443, %dma_start3A_449, %dma_start3A_450] : memref<16x80x6x128xi32, #tpu.memory_space<hbm>> -> memref<1x1x6x128xi32, #tpu.memory_space<hbm>>
        %dma_start3A_452 = tpu.memref_squeeze %dma_start3A_451 : memref<1x1x6x128xi32, #tpu.memory_space<hbm>> -> memref<6x128xi32, #tpu.memory_space<hbm>>
        %dma_start3A_453 = arith.constant 0 : i32
        %dma_start3A_454 = arith.constant 0 : i32
        %dma_start3A_455 = tpu.memref_slice %arg13[%dma_start3A_444, %dma_start3A_453, %dma_start3A_454] : memref<2x6x128xi32, #tpu.memory_space<vmem>> -> memref<1x6x128xi32, #tpu.memory_space<vmem>>
        %dma_start3A_456 = tpu.memref_squeeze %dma_start3A_455 : memref<1x6x128xi32, #tpu.memory_space<vmem>> -> memref<6x128xi32, #tpu.memory_space<vmem>>
        %dma_start3A_457 = arith.constant 0 : i32
        %dma_start3A_458 = arith.constant 0 : i32
        %dma_start3A_459 = tpu.memref_slice %arg3[%arg1, %add3A_443, %dma_start3A_457, %dma_start3A_458] : memref<16x80x6x128xi32, #tpu.memory_space<hbm>> -> memref<1x1x6x128xi32, #tpu.memory_space<hbm>>
        %dma_start3A_460 = tpu.memref_squeeze %dma_start3A_459 : memref<1x1x6x128xi32, #tpu.memory_space<hbm>> -> memref<6x128xi32, #tpu.memory_space<hbm>>
        tpu.enqueue_dma source(%dma_start3A_460 : memref<6x128xi32, #tpu.memory_space<hbm>>) target(%dma_start3A_456 : memref<6x128xi32, #tpu.memory_space<vmem>>) target_semaphore(%arg16 : memref<!tpu.dma_semaphore, #tpu.memory_space<semaphore_mem>>)
        %scan3A_461 = arith.constant 0 : i32
        scf.yield %scan3A_461 : i32
      }
      %scan3A_292 = arith.constant 19 : i32
      %dma_wait3A_293 = arith.constant 0 : i32
      %dma_wait3A_294 = arith.constant 0 : i32
      %dma_wait3A_295 = arith.constant 0 : i32
      %dma_wait3A_296 = arith.constant 0 : i32
      %dma_wait3A_297 = tpu.memref_slice %arg13[%dma_wait3A_294, %dma_wait3A_295, %dma_wait3A_296] : memref<2x6x128xi32, #tpu.memory_space<vmem>> -> memref<1x6x128xi32, #tpu.memory_space<vmem>>
      %dma_wait3A_298 = tpu.memref_squeeze %dma_wait3A_297 : memref<1x6x128xi32, #tpu.memory_space<vmem>> -> memref<6x128xi32, #tpu.memory_space<vmem>>
      %dma_wait3A_299 = arith.constant 0 : i32
      %dma_wait3A_300 = arith.constant 0 : i32
      %dma_wait3A_301 = tpu.memref_slice %arg3[%arg1, %dma_wait3A_293, %dma_wait3A_299, %dma_wait3A_300] : memref<16x80x6x128xi32, #tpu.memory_space<hbm>> -> memref<1x1x6x128xi32, #tpu.memory_space<hbm>>
      %dma_wait3A_302 = tpu.memref_squeeze %dma_wait3A_301 : memref<1x1x6x128xi32, #tpu.memory_space<hbm>> -> memref<6x128xi32, #tpu.memory_space<hbm>>
      %dma_wait3A_303 = arith.constant 0 : i32
      %dma_wait3A_304 = arith.constant 0 : i32
      %dma_wait3A_305 = tpu.memref_slice %arg13[%dma_wait3A_294, %dma_wait3A_303, %dma_wait3A_304] : memref<2x6x128xi32, #tpu.memory_space<vmem>> -> memref<1x6x128xi32, #tpu.memory_space<vmem>>
      %dma_wait3A_306 = tpu.memref_squeeze %dma_wait3A_305 : memref<1x6x128xi32, #tpu.memory_space<vmem>> -> memref<6x128xi32, #tpu.memory_space<vmem>>
      %dma_wait3A_307 = arith.constant 0 : i32
      %dma_wait3A_308 = arith.constant 0 : i32
      %dma_wait3A_309 = tpu.memref_slice %arg3[%arg1, %dma_wait3A_293, %dma_wait3A_307, %dma_wait3A_308] : memref<16x80x6x128xi32, #tpu.memory_space<hbm>> -> memref<1x1x6x128xi32, #tpu.memory_space<hbm>>
      %dma_wait3A_310 = tpu.memref_squeeze %dma_wait3A_309 : memref<1x1x6x128xi32, #tpu.memory_space<hbm>> -> memref<6x128xi32, #tpu.memory_space<hbm>>
      tpu.wait_dma2 semaphore(%arg16 : memref<!tpu.dma_semaphore, #tpu.memory_space<semaphore_mem>>) src(%dma_wait3A_310 : memref<6x128xi32, #tpu.memory_space<hbm>>) dst(%dma_wait3A_306 : memref<6x128xi32, #tpu.memory_space<vmem>>)
      %dma_start3A_311 = arith.constant 1 : i32
      %dma_start3A_312 = arith.constant 4 : i32
      %dma_start3A_313 = arith.constant 0 : i32
      %dma_start3A_314 = tpu.memref_slice %arg13[%dma_start3A_311, %dma_start3A_312, %dma_start3A_313] : memref<2x6x128xi32, #tpu.memory_space<vmem>> -> memref<1x1x128xi32, #tpu.memory_space<vmem>>
      %dma_start3A_315 = tpu.memref_squeeze %dma_start3A_314 : memref<1x1x128xi32, #tpu.memory_space<vmem>> -> memref<128xi32, #tpu.memory_space<vmem>>
      %dma_start3A_316 = arith.constant 0 : i32
      %dma_start3A_317 = arith.constant 0 : i32
      %dma_start3A_318 = tpu.memref_slice %arg2[%dma_start3A_316, %dma_start3A_317] : memref<50000x128xf32, #tpu.memory_space<hbm>> -> memref<50000x128xf32, #tpu.memory_space<hbm>>
      tpu.enqueue_indirect_dma source(%dma_start3A_318 : memref<50000x128xf32, #tpu.memory_space<hbm>>) target(%arg12 : memref<128x128xf32, #tpu.memory_space<vmem>>) offsets(%dma_start3A_315 : memref<128xi32, #tpu.memory_space<vmem>>) semaphore(%arg15 : memref<!tpu.dma_semaphore, #tpu.memory_space<semaphore_mem>>)
      %dma_wait3A_319 = arith.constant 0 : i32
      %dma_wait3A_320 = arith.constant 4 : i32
      %dma_wait3A_321 = arith.constant 0 : i32
      %dma_wait3A_322 = tpu.memref_slice %arg13[%dma_wait3A_319, %dma_wait3A_320, %dma_wait3A_321] : memref<2x6x128xi32, #tpu.memory_space<vmem>> -> memref<1x1x128xi32, #tpu.memory_space<vmem>>
      %dma_wait3A_323 = tpu.memref_squeeze %dma_wait3A_322 : memref<1x1x128xi32, #tpu.memory_space<vmem>> -> memref<128xi32, #tpu.memory_space<vmem>>
      %dma_wait3A_324 = arith.constant 0 : i32
      %dma_wait3A_325 = arith.constant 0 : i32
      %dma_wait3A_326 = tpu.memref_slice %arg2[%dma_wait3A_324, %dma_wait3A_325] : memref<50000x128xf32, #tpu.memory_space<hbm>> -> memref<50000x128xf32, #tpu.memory_space<hbm>>
      tpu.wait_indirect_dma semaphore(%arg14 : memref<!tpu.dma_semaphore, #tpu.memory_space<semaphore_mem>>) src(%dma_wait3A_326 : memref<50000x128xf32, #tpu.memory_space<hbm>>) dst(%arg11 : memref<128x128xf32, #tpu.memory_space<vmem>>)
      %run_scoped3A_327 = arith.constant 0 : i32
      %run_scoped3A_328 = arith.constant 5 : i32
      "tpu.region"() ({
        %run_scoped3A_345 = tpu.sem_alloc : memref<!tpu.dma_semaphore, #tpu.memory_space<semaphore_mem>>
        %dma_start3A_346 = arith.constant 0 : i32
        %dma_start3A_347 = tpu.memref_slice %arg13[%run_scoped3A_327, %run_scoped3A_328, %dma_start3A_346] : memref<2x6x128xi32, #tpu.memory_space<vmem>> -> memref<1x1x128xi32, #tpu.memory_space<vmem>>
        %dma_start3A_348 = tpu.memref_squeeze %dma_start3A_347 : memref<1x1x128xi32, #tpu.memory_space<vmem>> -> memref<128xi32, #tpu.memory_space<vmem>>
        %dma_start3A_349 = arith.constant 0 : i32
        %dma_start3A_350 = arith.constant 0 : i32
        %dma_start3A_351 = tpu.memref_slice %arg10[%dma_start3A_349, %dma_start3A_350] : memref<10240x128xf32, #tpu.memory_space<vmem_shared>> -> memref<10240x128xf32, #tpu.memory_space<vmem_shared>>
        tpu.enqueue_indirect_dma source(%arg11 : memref<128x128xf32, #tpu.memory_space<vmem>>) target(%dma_start3A_351 : memref<10240x128xf32, #tpu.memory_space<vmem_shared>>) offsets(%dma_start3A_348 : memref<128xi32, #tpu.memory_space<vmem>>) semaphore(%run_scoped3A_345 : memref<!tpu.dma_semaphore, #tpu.memory_space<semaphore_mem>>) {add = true}
        %dma_wait3A_352 = arith.constant 0 : i32
        %dma_wait3A_353 = tpu.memref_slice %arg13[%run_scoped3A_327, %run_scoped3A_328, %dma_wait3A_352] : memref<2x6x128xi32, #tpu.memory_space<vmem>> -> memref<1x1x128xi32, #tpu.memory_space<vmem>>
        %dma_wait3A_354 = tpu.memref_squeeze %dma_wait3A_353 : memref<1x1x128xi32, #tpu.memory_space<vmem>> -> memref<128xi32, #tpu.memory_space<vmem>>
        %dma_wait3A_355 = arith.constant 0 : i32
        %dma_wait3A_356 = arith.constant 0 : i32
        %dma_wait3A_357 = tpu.memref_slice %arg10[%dma_wait3A_355, %dma_wait3A_356] : memref<10240x128xf32, #tpu.memory_space<vmem_shared>> -> memref<10240x128xf32, #tpu.memory_space<vmem_shared>>
        tpu.wait_indirect_dma semaphore(%run_scoped3A_345 : memref<!tpu.dma_semaphore, #tpu.memory_space<semaphore_mem>>) src(%arg11 : memref<128x128xf32, #tpu.memory_space<vmem>>) dst(%dma_wait3A_357 : memref<10240x128xf32, #tpu.memory_space<vmem_shared>>)
        tpu.yield
      }) : () -> ()
      %dma_wait3A_329 = arith.constant 0 : i32
      %dma_wait3A_330 = arith.constant 4 : i32
      %dma_wait3A_331 = arith.constant 0 : i32
      %dma_wait3A_332 = tpu.memref_slice %arg13[%dma_wait3A_329, %dma_wait3A_330, %dma_wait3A_331] : memref<2x6x128xi32, #tpu.memory_space<vmem>> -> memref<1x1x128xi32, #tpu.memory_space<vmem>>
      %dma_wait3A_333 = tpu.memref_squeeze %dma_wait3A_332 : memref<1x1x128xi32, #tpu.memory_space<vmem>> -> memref<128xi32, #tpu.memory_space<vmem>>
      %dma_wait3A_334 = arith.constant 0 : i32
      %dma_wait3A_335 = arith.constant 0 : i32
      %dma_wait3A_336 = tpu.memref_slice %arg2[%dma_wait3A_334, %dma_wait3A_335] : memref<50000x128xf32, #tpu.memory_space<hbm>> -> memref<50000x128xf32, #tpu.memory_space<hbm>>
      tpu.wait_indirect_dma semaphore(%arg15 : memref<!tpu.dma_semaphore, #tpu.memory_space<semaphore_mem>>) src(%dma_wait3A_336 : memref<50000x128xf32, #tpu.memory_space<hbm>>) dst(%arg12 : memref<128x128xf32, #tpu.memory_space<vmem>>)
      %run_scoped3A_337 = arith.constant 1 : i32
      %run_scoped3A_338 = arith.constant 5 : i32
      "tpu.region"() ({
        %run_scoped3A_345 = tpu.sem_alloc : memref<!tpu.dma_semaphore, #tpu.memory_space<semaphore_mem>>
        %dma_start3A_346 = arith.constant 0 : i32
        %dma_start3A_347 = tpu.memref_slice %arg13[%run_scoped3A_337, %run_scoped3A_338, %dma_start3A_346] : memref<2x6x128xi32, #tpu.memory_space<vmem>> -> memref<1x1x128xi32, #tpu.memory_space<vmem>>
        %dma_start3A_348 = tpu.memref_squeeze %dma_start3A_347 : memref<1x1x128xi32, #tpu.memory_space<vmem>> -> memref<128xi32, #tpu.memory_space<vmem>>
        %dma_start3A_349 = arith.constant 0 : i32
        %dma_start3A_350 = arith.constant 0 : i32
        %dma_start3A_351 = tpu.memref_slice %arg10[%dma_start3A_349, %dma_start3A_350] : memref<10240x128xf32, #tpu.memory_space<vmem_shared>> -> memref<10240x128xf32, #tpu.memory_space<vmem_shared>>
        tpu.enqueue_indirect_dma source(%arg12 : memref<128x128xf32, #tpu.memory_space<vmem>>) target(%dma_start3A_351 : memref<10240x128xf32, #tpu.memory_space<vmem_shared>>) offsets(%dma_start3A_348 : memref<128xi32, #tpu.memory_space<vmem>>) semaphore(%run_scoped3A_345 : memref<!tpu.dma_semaphore, #tpu.memory_space<semaphore_mem>>) {add = true}
        %dma_wait3A_352 = arith.constant 0 : i32
        %dma_wait3A_353 = tpu.memref_slice %arg13[%run_scoped3A_337, %run_scoped3A_338, %dma_wait3A_352] : memref<2x6x128xi32, #tpu.memory_space<vmem>> -> memref<1x1x128xi32, #tpu.memory_space<vmem>>
        %dma_wait3A_354 = tpu.memref_squeeze %dma_wait3A_353 : memref<1x1x128xi32, #tpu.memory_space<vmem>> -> memref<128xi32, #tpu.memory_space<vmem>>
        %dma_wait3A_355 = arith.constant 0 : i32
        %dma_wait3A_356 = arith.constant 0 : i32
        %dma_wait3A_357 = tpu.memref_slice %arg10[%dma_wait3A_355, %dma_wait3A_356] : memref<10240x128xf32, #tpu.memory_space<vmem_shared>> -> memref<10240x128xf32, #tpu.memory_space<vmem_shared>>
        tpu.wait_indirect_dma semaphore(%run_scoped3A_345 : memref<!tpu.dma_semaphore, #tpu.memory_space<semaphore_mem>>) src(%arg12 : memref<128x128xf32, #tpu.memory_space<vmem>>) dst(%dma_wait3A_357 : memref<10240x128xf32, #tpu.memory_space<vmem_shared>>)
        tpu.yield
      }) : () -> ()
      %barrier3A_339 = arith.constant 0 : index
      tpu.barrier barrier_id(%barrier3A_339)
      %mul3A_340 = arith.constant 640 : i32
      %mul3A_341 = arith.muli %arg1, %mul3A_340 : i32
      %mul3A_342 = arith.constant 640 : i32
      %mul3A_343 = arith.muli %arg1, %mul3A_342 : i32
      "tpu.region"() ({
        %run_scoped3A_345 = tpu.sem_alloc : memref<!tpu.dma_semaphore, #tpu.memory_space<semaphore_mem>>
        %dma_start3A_346 = arith.constant 0 : i32
        %dma_start3A_347 = tpu.memref_slice %arg9[%mul3A_343, %dma_start3A_346] : memref<10240x128xf32, #tpu.memory_space<hbm>> -> memref<640x128xf32, #tpu.memory_space<hbm>>
        %dma_start3A_348 = arith.constant 0 : i32
        %dma_start3A_349 = tpu.memref_slice %arg10[%mul3A_341, %dma_start3A_348] : memref<10240x128xf32, #tpu.memory_space<vmem_shared>> -> memref<640x128xf32, #tpu.memory_space<vmem_shared>>
        tpu.enqueue_dma source(%dma_start3A_349 : memref<640x128xf32, #tpu.memory_space<vmem_shared>>) target(%dma_start3A_347 : memref<640x128xf32, #tpu.memory_space<hbm>>) target_semaphore(%run_scoped3A_345 : memref<!tpu.dma_semaphore, #tpu.memory_space<semaphore_mem>>)
        %dma_wait3A_350 = arith.constant 0 : i32
        %dma_wait3A_351 = tpu.memref_slice %arg9[%mul3A_343, %dma_wait3A_350] : memref<10240x128xf32, #tpu.memory_space<hbm>> -> memref<640x128xf32, #tpu.memory_space<hbm>>
        %dma_wait3A_352 = arith.constant 0 : i32
        %dma_wait3A_353 = tpu.memref_slice %arg10[%mul3A_341, %dma_wait3A_352] : memref<10240x128xf32, #tpu.memory_space<vmem_shared>> -> memref<640x128xf32, #tpu.memory_space<vmem_shared>>
        tpu.wait_dma2 semaphore(%run_scoped3A_345 : memref<!tpu.dma_semaphore, #tpu.memory_space<semaphore_mem>>) src(%dma_wait3A_353 : memref<640x128xf32, #tpu.memory_space<vmem_shared>>) dst(%dma_wait3A_351 : memref<640x128xf32, #tpu.memory_space<hbm>>)
        tpu.yield
      }) : () -> ()
      %barrier3A_344 = arith.constant 0 : index
      tpu.barrier barrier_id(%barrier3A_344)
    } else {
    }
    return
  }
}

module attributes {stable_mosaic.version = 14 : i64} {
  func.func @_xroot_body(%arg0: i32, %arg1: memref<2000x514xf32, #tpu.memory_space<vmem>>, %arg2: memref<514x514xf32, #tpu.memory_space<vmem>>, %arg3: memref<1x514xf32, #tpu.memory_space<vmem>>, %arg4: memref<2000x514xf32, #tpu.memory_space<vmem>>) attributes {dimension_semantics = [#tpu.dimension_semantics<arbitrary>], iteration_bounds = array<i64: 5>, scalar_prefetch = 0 : i64, scratch_operands = 0 : i64, tpu.core_type = #tpu.core_type<tc>, window_params = [{transform_indices = @transform_0, window_bounds = array<i64: 2000, 514>}, {pipeline_mode = #tpu.pipeline_mode<synchronous>, transform_indices = @transform_1, window_bounds = array<i64: 514, 514>}, {pipeline_mode = #tpu.pipeline_mode<synchronous>, transform_indices = @transform_2, window_bounds = array<i64: 1, 514>}, {transform_indices = @transform_3, window_bounds = array<i64: 2000, 514>}]} {
    %get3A = arith.constant 0 : index
    %get3A_0 = arith.constant 0 : index
    %get3A_1 = vector.load %arg1[%get3A, %get3A_0] : memref<2000x514xf32, #tpu.memory_space<vmem>>, vector<2000x514xf32>
    %get3A_2 = arith.constant 0 : index
    %get3A_3 = arith.constant 0 : index
    %get3A_4 = vector.load %arg2[%get3A_2, %get3A_3] : memref<514x514xf32, #tpu.memory_space<vmem>>, vector<514x514xf32>
    %dot_general3A = arith.constant dense<0.000000e+00> : vector<2000x514xf32>
    %dot_general3A_5 = tpu.matmul %get3A_1, %get3A_4, %dot_general3A {dimension_numbers = #tpu.dot_dimension_numbers<[1], [1], [0], [0], [0, 0, 1, 0], [], []>, transpose_lhs_hint = false} : vector<2000x514xf32>, vector<514x514xf32>, vector<2000x514xf32> -> vector<2000x514xf32>
    %get3A_6 = arith.constant 0 : index
    %get3A_7 = arith.constant 0 : index
    %get3A_8 = vector.load %arg3[%get3A_6, %get3A_7] : memref<1x514xf32, #tpu.memory_space<vmem>>, vector<1x514xf32>
    %add3A = vector.broadcast %get3A_8 : vector<1x514xf32> to vector<2000x514xf32>
    %add3A_9 = arith.addf %dot_general3A_5, %add3A : vector<2000x514xf32>
    %swap3A = arith.constant 0 : index
    %swap3A_10 = arith.constant 0 : index
    %swap3A_11 = vector.load %arg4[%swap3A, %swap3A_10] : memref<2000x514xf32, #tpu.memory_space<vmem>>, vector<2000x514xf32>
    tpu.vector_store %arg4[%swap3A, %swap3A_10], %add3A_9 {strides = array<i32>} : memref<2000x514xf32, #tpu.memory_space<vmem>>, vector<2000x514xf32>,
    return
  }
  func.func @transform_0(%arg0: i32) -> (i32, i32) {
    %c0_i32 = arith.constant 0 : i32
    %c0_i32_0 = arith.constant 0 : i32
    return %arg0, %c0_i32 : i32, i32
  }
  func.func @transform_1(%arg0: i32) -> (i32, i32) {
    %c0_i32 = arith.constant 0 : i32
    %c0_i32_0 = arith.constant 0 : i32
    %c0_i32_1 = arith.constant 0 : i32
    return %c0_i32, %c0_i32_0 : i32, i32
  }
  func.func @transform_2(%arg0: i32) -> (i32, i32) {
    %c0_i32 = arith.constant 0 : i32
    %c0_i32_0 = arith.constant 0 : i32
    %c0_i32_1 = arith.constant 0 : i32
    return %c0_i32, %c0_i32_0 : i32, i32
  }
  func.func @transform_3(%arg0: i32) -> (i32, i32) {
    %c0_i32 = arith.constant 0 : i32
    %c0_i32_0 = arith.constant 0 : i32
    return %arg0, %c0_i32 : i32, i32
  }
}

module attributes {stable_mosaic.version = 14 : i64} {
  func.func @_tc_body(%arg0: i32, %arg1: memref<2000x514xf32, #tpu.memory_space<vmem>>, %arg2: memref<2000x128xf32, #tpu.memory_space<vmem>>, %arg3: memref<2000x128xf32, #tpu.memory_space<vmem>>, %arg4: memref<2000x128xf32, #tpu.memory_space<vmem>>, %arg5: memref<2000x128xf32, #tpu.memory_space<vmem>>, %arg6: memref<2000x128xf32, #tpu.memory_space<vmem>>, %arg7: memref<2000x128xf32, #tpu.memory_space<vmem>>, %arg8: memref<514x514xf32, #tpu.memory_space<vmem>>, %arg9: memref<1x514xf32, #tpu.memory_space<vmem>>, %arg10: memref<1x514xf32, #tpu.memory_space<vmem>>, %arg11: memref<1x514xf32, #tpu.memory_space<vmem>>, %arg12: memref<1x514xf32, #tpu.memory_space<vmem>>, %arg13: memref<1x514xf32, #tpu.memory_space<vmem>>, %arg14: memref<256x514xf32, #tpu.memory_space<vmem>>, %arg15: memref<1x256xf32, #tpu.memory_space<vmem>>, %arg16: memref<1x256xf32, #tpu.memory_space<vmem>>, %arg17: memref<1x514xf32, #tpu.memory_space<vmem>>, %arg18: memref<1x514xf32, #tpu.memory_space<vmem>>, %arg19: memref<1x514xf32, #tpu.memory_space<vmem>>, %arg20: memref<1x514xf32, #tpu.memory_space<vmem>>) attributes {dimension_semantics = [#tpu.dimension_semantics<arbitrary>], iteration_bounds = array<i64: 5>, scalar_prefetch = 0 : i64, scratch_operands = 4 : i64, tpu.core_type = #tpu.core_type<tc>, window_params = [{transform_indices = @transform_0, window_bounds = array<i64: 2000, 514>}, {transform_indices = @transform_1, window_bounds = array<i64: 2000, 128>}, {transform_indices = @transform_2, window_bounds = array<i64: 2000, 128>}, {transform_indices = @transform_3, window_bounds = array<i64: 2000, 128>}, {transform_indices = @transform_4, window_bounds = array<i64: 2000, 128>}, {transform_indices = @transform_5, window_bounds = array<i64: 2000, 128>}, {transform_indices = @transform_6, window_bounds = array<i64: 2000, 128>}, {pipeline_mode = #tpu.pipeline_mode<synchronous>, transform_indices = @transform_7, window_bounds = array<i64: 514, 514>}, {pipeline_mode = #tpu.pipeline_mode<synchronous>, transform_indices = @transform_8, window_bounds = array<i64: 1, 514>}, {pipeline_mode = #tpu.pipeline_mode<synchronous>, transform_indices = @transform_9, window_bounds = array<i64: 1, 514>}, {pipeline_mode = #tpu.pipeline_mode<synchronous>, transform_indices = @transform_10, window_bounds = array<i64: 1, 514>}, {pipeline_mode = #tpu.pipeline_mode<synchronous>, transform_indices = @transform_11, window_bounds = array<i64: 1, 514>}, {pipeline_mode = #tpu.pipeline_mode<synchronous>, transform_indices = @transform_12, window_bounds = array<i64: 1, 514>}, {pipeline_mode = #tpu.pipeline_mode<synchronous>, transform_indices = @transform_13, window_bounds = array<i64: 256, 514>}, {pipeline_mode = #tpu.pipeline_mode<synchronous>, transform_indices = @transform_14, window_bounds = array<i64: 1, 256>}, {pipeline_mode = #tpu.pipeline_mode<synchronous>, transform_indices = @transform_15, window_bounds = array<i64: 1, 256>}]} {
    %get3A = arith.constant 0 : index
    %get3A_0 = arith.constant 0 : index
    %get3A_1 = vector.load %arg1[%get3A, %get3A_0] : memref<2000x514xf32, #tpu.memory_space<vmem>>, vector<2000x514xf32>
    %get3A_2 = arith.constant 0 : index
    %get3A_3 = arith.constant 0 : index
    %get3A_4 = vector.load %arg2[%get3A_2, %get3A_3] : memref<2000x128xf32, #tpu.memory_space<vmem>>, vector<2000x128xf32>
    %get3A_5 = arith.constant 0 : index
    %get3A_6 = arith.constant 0 : index
    %get3A_7 = vector.load %arg8[%get3A_5, %get3A_6] : memref<514x514xf32, #tpu.memory_space<vmem>>, vector<514x128xf32>
    %dot_general3A = arith.constant dense<0.000000e+00> : vector<2000x514xf32>
    %dot_general3A_8 = tpu.matmul %get3A_4, %get3A_7, %dot_general3A {dimension_numbers = #tpu.dot_dimension_numbers<[1], [1], [0], [0], [0, 0, 1, 0], [], []>, transpose_lhs_hint = false} : vector<2000x128xf32>, vector<514x128xf32>, vector<2000x514xf32> -> vector<2000x514xf32>
    %add3A = arith.addf %get3A_1, %dot_general3A_8 : vector<2000x514xf32>
    %get3A_9 = arith.constant 0 : index
    %get3A_10 = arith.constant 0 : index
    %get3A_11 = vector.load %arg3[%get3A_9, %get3A_10] : memref<2000x128xf32, #tpu.memory_space<vmem>>, vector<2000x128xf32>
    %get3A_12 = arith.constant 0 : index
    %get3A_13 = arith.constant 128 : index
    %get3A_14 = vector.load %arg8[%get3A_12, %get3A_13] : memref<514x514xf32, #tpu.memory_space<vmem>>, vector<514x128xf32>
    %dot_general3A_15 = arith.constant dense<0.000000e+00> : vector<2000x514xf32>
    %dot_general3A_16 = tpu.matmul %get3A_11, %get3A_14, %dot_general3A_15 {dimension_numbers = #tpu.dot_dimension_numbers<[1], [1], [0], [0], [0, 0, 1, 0], [], []>, transpose_lhs_hint = false} : vector<2000x128xf32>, vector<514x128xf32>, vector<2000x514xf32> -> vector<2000x514xf32>
    %add3A_17 = arith.addf %add3A, %dot_general3A_16 : vector<2000x514xf32>
    %get3A_18 = arith.constant 0 : index
    %get3A_19 = arith.constant 0 : index
    %get3A_20 = vector.load %arg4[%get3A_18, %get3A_19] : memref<2000x128xf32, #tpu.memory_space<vmem>>, vector<2000x128xf32>
    %get3A_21 = arith.constant 0 : index
    %get3A_22 = arith.constant 256 : index
    %get3A_23 = vector.load %arg8[%get3A_21, %get3A_22] : memref<514x514xf32, #tpu.memory_space<vmem>>, vector<514x128xf32>
    %dot_general3A_24 = arith.constant dense<0.000000e+00> : vector<2000x514xf32>
    %dot_general3A_25 = tpu.matmul %get3A_20, %get3A_23, %dot_general3A_24 {dimension_numbers = #tpu.dot_dimension_numbers<[1], [1], [0], [0], [0, 0, 1, 0], [], []>, transpose_lhs_hint = false} : vector<2000x128xf32>, vector<514x128xf32>, vector<2000x514xf32> -> vector<2000x514xf32>
    %add3A_26 = arith.addf %add3A_17, %dot_general3A_25 : vector<2000x514xf32>
    %get3A_27 = arith.constant 0 : index
    %get3A_28 = arith.constant 0 : index
    %get3A_29 = vector.load %arg5[%get3A_27, %get3A_28] : memref<2000x128xf32, #tpu.memory_space<vmem>>, vector<2000x128xf32>
    %get3A_30 = arith.constant 0 : index
    %get3A_31 = arith.constant 384 : index
    %get3A_32 = vector.load %arg8[%get3A_30, %get3A_31] : memref<514x514xf32, #tpu.memory_space<vmem>>, vector<514x128xf32>
    %dot_general3A_33 = arith.constant dense<0.000000e+00> : vector<2000x514xf32>
    %dot_general3A_34 = tpu.matmul %get3A_29, %get3A_32, %dot_general3A_33 {dimension_numbers = #tpu.dot_dimension_numbers<[1], [1], [0], [0], [0, 0, 1, 0], [], []>, transpose_lhs_hint = false} : vector<2000x128xf32>, vector<514x128xf32>, vector<2000x514xf32> -> vector<2000x514xf32>
    %add3A_35 = arith.addf %add3A_26, %dot_general3A_34 : vector<2000x514xf32>
    %get3A_36 = arith.constant 0 : index
    %get3A_37 = arith.constant 0 : index
    %get3A_38 = vector.load %arg6[%get3A_36, %get3A_37] : memref<2000x128xf32, #tpu.memory_space<vmem>>, vector<2000x2xf32>
    %get3A_39 = arith.constant 0 : index
    %get3A_40 = arith.constant 0 : index
    %get3A_41 = vector.load %arg7[%get3A_39, %get3A_40] : memref<2000x128xf32, #tpu.memory_space<vmem>>, vector<2000x2xf32>
    %add3A_42 = arith.addf %get3A_38, %get3A_41 : vector<2000x2xf32>
    %get3A_43 = arith.constant 0 : index
    %get3A_44 = arith.constant 512 : index
    %get3A_45 = vector.load %arg8[%get3A_43, %get3A_44] : memref<514x514xf32, #tpu.memory_space<vmem>>, vector<514x2xf32>
    %dot_general3A_46 = arith.constant dense<0.000000e+00> : vector<2000x514xf32>
    %dot_general3A_47 = tpu.matmul %add3A_42, %get3A_45, %dot_general3A_46 {dimension_numbers = #tpu.dot_dimension_numbers<[1], [1], [0], [0], [0, 0, 1, 0], [], []>, transpose_lhs_hint = false} : vector<2000x2xf32>, vector<514x2xf32>, vector<2000x514xf32> -> vector<2000x514xf32>
    %add3A_48 = arith.addf %add3A_35, %dot_general3A_47 : vector<2000x514xf32>
    %eq3A = arith.constant 0 : i32
    %eq3A_49 = arith.cmpi eq, %arg0, %eq3A : i32
    %convert_element_type3A = arith.extui %eq3A_49 : i1 to i32
    %cond3A = arith.constant 0 : i32
    %cond3A_50 = arith.cmpi ne, %convert_element_type3A, %cond3A : i32
    scf.if %cond3A_50 {
      %broadcast_in_dim3A_89 = arith.constant 0.000000e+00 : f32
      %broadcast_in_dim3A_90 = vector.broadcast %broadcast_in_dim3A_89 : f32 to vector<1x514xf32>
      %swap3A_91 = arith.constant 0 : index
      %swap3A_92 = arith.constant 0 : index
      %swap3A_93 = vector.load %arg17[%swap3A_91, %swap3A_92] : memref<1x514xf32, #tpu.memory_space<vmem>>, vector<1x514xf32>
      tpu.vector_store %arg17[%swap3A_91, %swap3A_92], %broadcast_in_dim3A_90 {strides = array<i32>} : memref<1x514xf32, #tpu.memory_space<vmem>>, vector<1x514xf32>,
      %broadcast_in_dim3A_94 = arith.constant 0.000000e+00 : f32
      %broadcast_in_dim3A_95 = vector.broadcast %broadcast_in_dim3A_94 : f32 to vector<1x514xf32>
      %swap3A_96 = arith.constant 0 : index
      %swap3A_97 = arith.constant 0 : index
      %swap3A_98 = vector.load %arg18[%swap3A_96, %swap3A_97] : memref<1x514xf32, #tpu.memory_space<vmem>>, vector<1x514xf32>
      tpu.vector_store %arg18[%swap3A_96, %swap3A_97], %broadcast_in_dim3A_95 {strides = array<i32>} : memref<1x514xf32, #tpu.memory_space<vmem>>, vector<1x514xf32>,
      %broadcast_in_dim3A_99 = arith.constant 0xFF800000 : f32
      %broadcast_in_dim3A_100 = vector.broadcast %broadcast_in_dim3A_99 : f32 to vector<1x514xf32>
      %swap3A_101 = arith.constant 0 : index
      %swap3A_102 = arith.constant 0 : index
      %swap3A_103 = vector.load %arg19[%swap3A_101, %swap3A_102] : memref<1x514xf32, #tpu.memory_space<vmem>>, vector<1x514xf32>
      tpu.vector_store %arg19[%swap3A_101, %swap3A_102], %broadcast_in_dim3A_100 {strides = array<i32>} : memref<1x514xf32, #tpu.memory_space<vmem>>, vector<1x514xf32>,
      %broadcast_in_dim3A_104 = arith.constant 0x7F800000 : f32
      %broadcast_in_dim3A_105 = vector.broadcast %broadcast_in_dim3A_104 : f32 to vector<1x514xf32>
      %swap3A_106 = arith.constant 0 : index
      %swap3A_107 = arith.constant 0 : index
      %swap3A_108 = vector.load %arg20[%swap3A_106, %swap3A_107] : memref<1x514xf32, #tpu.memory_space<vmem>>, vector<1x514xf32>
      tpu.vector_store %arg20[%swap3A_106, %swap3A_107], %broadcast_in_dim3A_105 {strides = array<i32>} : memref<1x514xf32, #tpu.memory_space<vmem>>, vector<1x514xf32>,
    } else {
    }
    %get3A_51 = arith.constant 0 : index
    %get3A_52 = arith.constant 0 : index
    %get3A_53 = vector.load %arg17[%get3A_51, %get3A_52] : memref<1x514xf32, #tpu.memory_space<vmem>>, vector<1x514xf32>
    %reduce_sum3A = arith.constant dense<0.000000e+00> : vector<514xf32>
    %reduce_sum3A_54 = vector.multi_reduction <add>, %add3A_48, %reduce_sum3A [0] : vector<2000x514xf32> to vector<514xf32>
    %broadcast_in_dim3A = vector.shape_cast %reduce_sum3A_54 : vector<514xf32> to vector<1x514xf32>
    %add3A_55 = arith.addf %get3A_53, %broadcast_in_dim3A : vector<1x514xf32>
    %swap3A = arith.constant 0 : index
    %swap3A_56 = arith.constant 0 : index
    %swap3A_57 = vector.load %arg17[%swap3A, %swap3A_56] : memref<1x514xf32, #tpu.memory_space<vmem>>, vector<1x514xf32>
    tpu.vector_store %arg17[%swap3A, %swap3A_56], %add3A_55 {strides = array<i32>} : memref<1x514xf32, #tpu.memory_space<vmem>>, vector<1x514xf32>,
    %get3A_58 = arith.constant 0 : index
    %get3A_59 = arith.constant 0 : index
    %get3A_60 = vector.load %arg18[%get3A_58, %get3A_59] : memref<1x514xf32, #tpu.memory_space<vmem>>, vector<1x514xf32>
    %mul3A = arith.mulf %add3A_48, %add3A_48 : vector<2000x514xf32>
    %reduce_sum3A_61 = arith.constant dense<0.000000e+00> : vector<514xf32>
    %reduce_sum3A_62 = vector.multi_reduction <add>, %mul3A, %reduce_sum3A_61 [0] : vector<2000x514xf32> to vector<514xf32>
    %broadcast_in_dim3A_63 = vector.shape_cast %reduce_sum3A_62 : vector<514xf32> to vector<1x514xf32>
    %add3A_64 = arith.addf %get3A_60, %broadcast_in_dim3A_63 : vector<1x514xf32>
    %swap3A_65 = arith.constant 0 : index
    %swap3A_66 = arith.constant 0 : index
    %swap3A_67 = vector.load %arg18[%swap3A_65, %swap3A_66] : memref<1x514xf32, #tpu.memory_space<vmem>>, vector<1x514xf32>
    tpu.vector_store %arg18[%swap3A_65, %swap3A_66], %add3A_64 {strides = array<i32>} : memref<1x514xf32, #tpu.memory_space<vmem>>, vector<1x514xf32>,
    %get3A_68 = arith.constant 0 : index
    %get3A_69 = arith.constant 0 : index
    %get3A_70 = vector.load %arg19[%get3A_68, %get3A_69] : memref<1x514xf32, #tpu.memory_space<vmem>>, vector<1x514xf32>
    %reduce_max3A = arith.constant dense<0xFF800000> : vector<514xf32>
    %reduce_max3A_71 = vector.multi_reduction <maximumf>, %add3A_48, %reduce_max3A [0] : vector<2000x514xf32> to vector<514xf32>
    %broadcast_in_dim3A_72 = vector.shape_cast %reduce_max3A_71 : vector<514xf32> to vector<1x514xf32>
    %max3A = arith.maximumf %get3A_70, %broadcast_in_dim3A_72 : vector<1x514xf32>
    %swap3A_73 = arith.constant 0 : index
    %swap3A_74 = arith.constant 0 : index
    %swap3A_75 = vector.load %arg19[%swap3A_73, %swap3A_74] : memref<1x514xf32, #tpu.memory_space<vmem>>, vector<1x514xf32>
    tpu.vector_store %arg19[%swap3A_73, %swap3A_74], %max3A {strides = array<i32>} : memref<1x514xf32, #tpu.memory_space<vmem>>, vector<1x514xf32>,
    %get3A_76 = arith.constant 0 : index
    %get3A_77 = arith.constant 0 : index
    %get3A_78 = vector.load %arg20[%get3A_76, %get3A_77] : memref<1x514xf32, #tpu.memory_space<vmem>>, vector<1x514xf32>
    %reduce_min3A = arith.constant dense<0x7F800000> : vector<514xf32>
    %reduce_min3A_79 = vector.multi_reduction <minimumf>, %add3A_48, %reduce_min3A [0] : vector<2000x514xf32> to vector<514xf32>
    %broadcast_in_dim3A_80 = vector.shape_cast %reduce_min3A_79 : vector<514xf32> to vector<1x514xf32>
    %min3A = arith.minimumf %get3A_78, %broadcast_in_dim3A_80 : vector<1x514xf32>
    %swap3A_81 = arith.constant 0 : index
    %swap3A_82 = arith.constant 0 : index
    %swap3A_83 = vector.load %arg20[%swap3A_81, %swap3A_82] : memref<1x514xf32, #tpu.memory_space<vmem>>, vector<1x514xf32>
    tpu.vector_store %arg20[%swap3A_81, %swap3A_82], %min3A {strides = array<i32>} : memref<1x514xf32, #tpu.memory_space<vmem>>, vector<1x514xf32>,
    %eq3A_84 = arith.constant 4 : i32
    %eq3A_85 = arith.cmpi eq, %arg0, %eq3A_84 : i32
    %convert_element_type3A_86 = arith.extui %eq3A_85 : i1 to i32
    %cond3A_87 = arith.constant 0 : i32
    %cond3A_88 = arith.cmpi ne, %convert_element_type3A_86, %cond3A_87 : i32
    scf.if %cond3A_88 {
      %get3A_89 = arith.constant 0 : index
      %get3A_90 = arith.constant 0 : index
      %get3A_91 = vector.load %arg17[%get3A_89, %get3A_90] : memref<1x514xf32, #tpu.memory_space<vmem>>, vector<1x514xf32>
      %mul3A_92 = arith.constant 9.99999974E-5 : f32
      %mul3A_93 = vector.broadcast %mul3A_92 : f32 to vector<1x514xf32>
      %mul3A_94 = arith.mulf %get3A_91, %mul3A_93 : vector<1x514xf32>
      %get3A_95 = arith.constant 0 : index
      %get3A_96 = arith.constant 0 : index
      %get3A_97 = vector.load %arg18[%get3A_95, %get3A_96] : memref<1x514xf32, #tpu.memory_space<vmem>>, vector<1x514xf32>
      %mul3A_98 = arith.constant 9.99999974E-5 : f32
      %mul3A_99 = vector.broadcast %mul3A_98 : f32 to vector<1x514xf32>
      %mul3A_100 = arith.mulf %get3A_97, %mul3A_99 : vector<1x514xf32>
      %get3A_101 = arith.constant 0 : index
      %get3A_102 = arith.constant 0 : index
      %get3A_103 = vector.load %arg11[%get3A_101, %get3A_102] : memref<1x514xf32, #tpu.memory_space<vmem>>, vector<1x514xf32>
      %mul3A_104 = arith.mulf %get3A_103, %mul3A_94 : vector<1x514xf32>
      %mul3A_105 = arith.constant 2.000000e+00 : f32
      %mul3A_106 = vector.broadcast %mul3A_105 : f32 to vector<1x514xf32>
      %mul3A_107 = arith.mulf %mul3A_106, %mul3A_104 : vector<1x514xf32>
      %mul3A_108 = arith.mulf %mul3A_107, %mul3A_94 : vector<1x514xf32>
      %sub3A = arith.subf %mul3A_100, %mul3A_108 : vector<1x514xf32>
      %mul3A_109 = arith.mulf %mul3A_104, %mul3A_104 : vector<1x514xf32>
      %add3A_110 = arith.addf %sub3A, %mul3A_109 : vector<1x514xf32>
      %get3A_111 = arith.constant 0 : index
      %get3A_112 = arith.constant 0 : index
      %get3A_113 = vector.load %arg9[%get3A_111, %get3A_112] : memref<1x514xf32, #tpu.memory_space<vmem>>, vector<1x514xf32>
      %add3A_114 = arith.constant 9.99999974E-6 : f32
      %add3A_115 = vector.broadcast %add3A_114 : f32 to vector<1x514xf32>
      %add3A_116 = arith.addf %add3A_110, %add3A_115 : vector<1x514xf32>
      %rsqrt3A = math.rsqrt %add3A_116 : vector<1x514xf32>
      %mul3A_117 = arith.mulf %get3A_113, %rsqrt3A : vector<1x514xf32>
      %get3A_118 = arith.constant 0 : index
      %get3A_119 = arith.constant 0 : index
      %get3A_120 = vector.load %arg10[%get3A_118, %get3A_119] : memref<1x514xf32, #tpu.memory_space<vmem>>, vector<1x514xf32>
      %mul3A_121 = arith.mulf %mul3A_117, %mul3A_104 : vector<1x514xf32>
      %sub3A_122 = arith.subf %get3A_120, %mul3A_121 : vector<1x514xf32>
      %mul3A_123 = arith.mulf %mul3A_94, %mul3A_94 : vector<1x514xf32>
      %sub3A_124 = arith.subf %mul3A_100, %mul3A_123 : vector<1x514xf32>
      %mul3A_125 = arith.mulf %mul3A_117, %mul3A_94 : vector<1x514xf32>
      %add3A_126 = arith.addf %mul3A_125, %sub3A_122 : vector<1x514xf32>
      %mul3A_127 = arith.mulf %mul3A_117, %mul3A_117 : vector<1x514xf32>
      %mul3A_128 = arith.mulf %mul3A_127, %sub3A_124 : vector<1x514xf32>
      %get3A_129 = arith.constant 0 : index
      %get3A_130 = arith.constant 0 : index
      %get3A_131 = vector.load %arg12[%get3A_129, %get3A_130] : memref<1x514xf32, #tpu.memory_space<vmem>>, vector<1x514xf32>
      %add3A_132 = arith.constant 9.99999974E-6 : f32
      %add3A_133 = vector.broadcast %add3A_132 : f32 to vector<1x514xf32>
      %add3A_134 = arith.addf %mul3A_128, %add3A_133 : vector<1x514xf32>
      %rsqrt3A_135 = math.rsqrt %add3A_134 : vector<1x514xf32>
      %mul3A_136 = arith.mulf %get3A_131, %rsqrt3A_135 : vector<1x514xf32>
      %get3A_137 = arith.constant 0 : index
      %get3A_138 = arith.constant 0 : index
      %get3A_139 = vector.load %arg13[%get3A_137, %get3A_138] : memref<1x514xf32, #tpu.memory_space<vmem>>, vector<1x514xf32>
      %mul3A_140 = arith.mulf %mul3A_136, %add3A_126 : vector<1x514xf32>
      %sub3A_141 = arith.subf %get3A_139, %mul3A_140 : vector<1x514xf32>
      %mul3A_142 = arith.mulf %mul3A_117, %mul3A_136 : vector<1x514xf32>
      %mul3A_143 = arith.mulf %mul3A_136, %sub3A_122 : vector<1x514xf32>
      %add3A_144 = arith.addf %mul3A_143, %sub3A_141 : vector<1x514xf32>
      %ge3A = arith.constant 0.000000e+00 : f32
      %ge3A_145 = vector.broadcast %ge3A : f32 to vector<1x514xf32>
      %ge3A_146 = arith.cmpf oge, %mul3A_142, %ge3A_145 : vector<1x514xf32>
      %get3A_147 = arith.constant 0 : index
      %get3A_148 = arith.constant 0 : index
      %get3A_149 = vector.load %arg19[%get3A_147, %get3A_148] : memref<1x514xf32, #tpu.memory_space<vmem>>, vector<1x514xf32>
      %mul3A_150 = arith.mulf %mul3A_142, %get3A_149 : vector<1x514xf32>
      %get3A_151 = arith.constant 0 : index
      %get3A_152 = arith.constant 0 : index
      %get3A_153 = vector.load %arg20[%get3A_151, %get3A_152] : memref<1x514xf32, #tpu.memory_space<vmem>>, vector<1x514xf32>
      %mul3A_154 = arith.mulf %mul3A_142, %get3A_153 : vector<1x514xf32>
      %select_n3A = arith.select %ge3A_146, %mul3A_150, %mul3A_154 : vector<1x514xi1>, vector<1x514xf32>
      %add3A_155 = arith.addf %select_n3A, %add3A_144 : vector<1x514xf32>
      %get3A_156 = arith.constant 0 : index
      %get3A_157 = arith.constant 0 : index
      %get3A_158 = vector.load %arg14[%get3A_156, %get3A_157] : memref<256x514xf32, #tpu.memory_space<vmem>>, vector<256x514xf32>
      %dot_general3A_159 = arith.constant dense<0.000000e+00> : vector<1x256xf32>
      %dot_general3A_160 = tpu.matmul %add3A_155, %get3A_158, %dot_general3A_159 {dimension_numbers = #tpu.dot_dimension_numbers<[1], [1], [0], [0], [0, 0, 1, 0], [], []>, transpose_lhs_hint = false} : vector<1x514xf32>, vector<256x514xf32>, vector<1x256xf32> -> vector<1x256xf32>
      %get3A_161 = arith.constant 0 : index
      %get3A_162 = arith.constant 0 : index
      %get3A_163 = vector.load %arg15[%get3A_161, %get3A_162] : memref<1x256xf32, #tpu.memory_space<vmem>>, vector<1x256xf32>
      %add3A_164 = arith.addf %dot_general3A_160, %get3A_163 : vector<1x256xf32>
      %swap3A_165 = arith.constant 0 : index
      %swap3A_166 = arith.constant 0 : index
      %swap3A_167 = vector.load %arg16[%swap3A_165, %swap3A_166] : memref<1x256xf32, #tpu.memory_space<vmem>>, vector<1x256xf32>
      tpu.vector_store %arg16[%swap3A_165, %swap3A_166], %add3A_164 {strides = array<i32>} : memref<1x256xf32, #tpu.memory_space<vmem>>, vector<1x256xf32>,
    } else {
    }
    return
  }
  func.func @transform_0(%arg0: i32) -> (i32, i32) {
    %c0_i32 = arith.constant 0 : i32
    %c0_i32_0 = arith.constant 0 : i32
    return %arg0, %c0_i32 : i32, i32
  }
  func.func @transform_1(%arg0: i32) -> (i32, i32) {
    %c0_i32 = arith.constant 0 : i32
    %c0_i32_0 = arith.constant 0 : i32
    return %arg0, %c0_i32 : i32, i32
  }
  func.func @transform_2(%arg0: i32) -> (i32, i32) {
    %c0_i32 = arith.constant 0 : i32
    %c0_i32_0 = arith.constant 0 : i32
    return %arg0, %c0_i32 : i32, i32
  }
  func.func @transform_3(%arg0: i32) -> (i32, i32) {
    %c0_i32 = arith.constant 0 : i32
    %c0_i32_0 = arith.constant 0 : i32
    return %arg0, %c0_i32 : i32, i32
  }
  func.func @transform_4(%arg0: i32) -> (i32, i32) {
    %c0_i32 = arith.constant 0 : i32
    %c0_i32_0 = arith.constant 0 : i32
    return %arg0, %c0_i32 : i32, i32
  }
  func.func @transform_5(%arg0: i32) -> (i32, i32) {
    %c0_i32 = arith.constant 0 : i32
    %c0_i32_0 = arith.constant 0 : i32
    return %arg0, %c0_i32 : i32, i32
  }
  func.func @transform_6(%arg0: i32) -> (i32, i32) {
    %c0_i32 = arith.constant 0 : i32
    %c0_i32_0 = arith.constant 0 : i32
    return %arg0, %c0_i32 : i32, i32
  }
  func.func @transform_7(%arg0: i32) -> (i32, i32) {
    %c0_i32 = arith.constant 0 : i32
    %c0_i32_0 = arith.constant 0 : i32
    %c0_i32_1 = arith.constant 0 : i32
    return %c0_i32, %c0_i32_0 : i32, i32
  }
  func.func @transform_8(%arg0: i32) -> (i32, i32) {
    %c0_i32 = arith.constant 0 : i32
    %c0_i32_0 = arith.constant 0 : i32
    %c0_i32_1 = arith.constant 0 : i32
    return %c0_i32, %c0_i32_0 : i32, i32
  }
  func.func @transform_9(%arg0: i32) -> (i32, i32) {
    %c0_i32 = arith.constant 0 : i32
    %c0_i32_0 = arith.constant 0 : i32
    %c0_i32_1 = arith.constant 0 : i32
    return %c0_i32, %c0_i32_0 : i32, i32
  }
  func.func @transform_10(%arg0: i32) -> (i32, i32) {
    %c0_i32 = arith.constant 0 : i32
    %c0_i32_0 = arith.constant 0 : i32
    %c0_i32_1 = arith.constant 0 : i32
    return %c0_i32, %c0_i32_0 : i32, i32
  }
  func.func @transform_11(%arg0: i32) -> (i32, i32) {
    %c0_i32 = arith.constant 0 : i32
    %c0_i32_0 = arith.constant 0 : i32
    %c0_i32_1 = arith.constant 0 : i32
    return %c0_i32, %c0_i32_0 : i32, i32
  }
  func.func @transform_12(%arg0: i32) -> (i32, i32) {
    %c0_i32 = arith.constant 0 : i32
    %c0_i32_0 = arith.constant 0 : i32
    %c0_i32_1 = arith.constant 0 : i32
    return %c0_i32, %c0_i32_0 : i32, i32
  }
  func.func @transform_13(%arg0: i32) -> (i32, i32) {
    %c0_i32 = arith.constant 0 : i32
    %c0_i32_0 = arith.constant 0 : i32
    %c0_i32_1 = arith.constant 0 : i32
    return %c0_i32, %c0_i32_0 : i32, i32
  }
  func.func @transform_14(%arg0: i32) -> (i32, i32) {
    %c0_i32 = arith.constant 0 : i32
    %c0_i32_0 = arith.constant 0 : i32
    %c0_i32_1 = arith.constant 0 : i32
    return %c0_i32, %c0_i32_0 : i32, i32
  }
  func.func @transform_15(%arg0: i32) -> (i32, i32) {
    %c0_i32 = arith.constant 0 : i32
    %c0_i32_0 = arith.constant 0 : i32
    %c0_i32_1 = arith.constant 0 : i32
    return %c0_i32, %c0_i32_0 : i32, i32
  }
}

</mosaic_0001>

<sc_bundles>
// kernel: kernel.5.cloned.1.call-start
scs
__scs_entry_jumppad:
0x0: {  	(pc) =	sbr.rel $0x88, $3  }
0x1: {  	(tag) =	ssettag $0x0;
	lr =	simm.s32 $0x1  }
0x2: {  	[smem:$0x3F95] =	sst lr;
	_ =	strace $0xD0000000  }
0x3: {  	_ = 	snop  }
0x4: {  	_ = 	snop  }
0x5: {  	_ = 	snop  }
0x6: {  	_ = 	snop  }
0x7: {  	_ = 	snop  }
__scs_overlays_trampoline_lowered:
0x8: {  	[smem:$0x3FA4] =	sst s0  }
0x9: {  	[smem:$0x3FA5] =	sst s1  }
0xa: {  	[smem:$0x3FA6] =	sst s2  }
0xb: {  	[smem:$0x3FA7] =	sst s3  }
0xc: {  	[smem:$0x3FA8] =	sst s4  }
0xd: {  	[smem:$0x3FA9] =	sst s5  }
0xe: {  	[smem:$0x3FAA] =	sst s6  }
0xf: {  	[smem:$0x3FAB] =	sst s7  }
0x10: {  	[smem:$0x3FAC] =	sst s8  }
0x11: {  	[smem:$0x3FAD] =	sst s9;
	s0 =	simm.s32 @!p0 $0x0  }
0x12: {  	s1 =	sld [smem:$0x3F93];
	s0 =	simm.s32 @p0 $0x1  }
0x13: {  	[smem:$0x3FAE] =	sst s0;
	s0 =	simm.s32 @!p1 $0x0  }
0x14: {  	s2 =	sld [smem:$0x3F92];
	s0 =	simm.s32 @p1 $0x1  }
0x15: {  	[smem:$0x3FAF] =	sst s0;
	s0 =	simm.s32 @!p2 $0x0  }
0x16: {  	s3 =	sld [smem:$0x3FDB];
	s0 =	simm.s32 @p2 $0x1  }
0x17: {  	s4 =	simm.s32 $0x1BF5;
	[smem:$0x3FB1] =	sst s0  }
0x18: {  	s0 =	sld [smem:$0x3F94];
	_ =	swait.ge [sflag:s4], $0x0  }
0x19: {  	s7 =	sld [smem:$0x3F95]  }
0x1a: {  	s8 =	sadd.s32 $0xFFFFE003, lr  }
0x1b: {  	s9 =	sadd.s32 $0xFFFFFEF7, lr;
	s5 =	simm.s32 $0xFFFFFFFF;
	p2 =	slt.u32 s8, $0xFFFFF086  }
0x1c: {  	p1 =	slt.u32 s9, $0xF7A;
	s5 =	simm.s32 @!p2 $0x0  }
0x1d: {  	s5 =	simm.s32 @p1 $0x1;
	p0 =	seq.s32 s7, s2  }
0x1e: {  	s7 =	smul.u32 @!p0 $0xF7A, s2;
	p2 =	seq.s32 @!p0 s5, $0x0  }
0x1f: {  	s9 =	smul.u32 $0xF7A, s1;
	s8 =	simm.s32 @!p0 $0x1BF5;
	p2 =	por !p2, p0  }
0x20: {  	[sflag:s8] =	ssyncset.s32 @!p0 $0xFFFFF086;
	s6 =	sadd.s32 @!p0 s3, s7;
	s7 =	simm.s32 @!p0 $0x108  }
0x21: {  	s3 =	sadd.s32 s3, s9;
	s6 =	sadd.s32 @!p0 $0x88, s6;
	s7 =	simm.s32 @p2 $0x1082  }
0x22: {  	[simem:s7], [sflag:s8] =	dma.local @!p0 [hbm:s6], $0xF7A  }
0x23: {  	s9 =	sor.u32 $0xD0000000, s2;
	s6 =	simm.s32 $0x108;
	_ =	swait.ge @!p0 [sflag:s8], $0x0  }
0x24: {  	s3 =	sadd.s32 $0x88, s3;
	s6 =	simm.s32 @!p1 $0x1082;
	[sflag:s4] =	ssyncset.s32 $0xFFFFF086  }
0x25: {  	[simem:s6], [sflag:s4] =	dma.local [hbm:s3], $0xF7A  }
0x26: {  	[smem:$0x3F95] =	sst s1;
	(tag) =	ssettag s2;
	_ =	strace s9  }
0x27: {  	s1 =	sld [smem:$0x3FA5]  }
0x28: {  	s2 =	sld [smem:$0x3FA6]  }
0x29: {  	s4 =	sld [smem:$0x3FA8]  }
0x2a: {  	p0 =	seq.s32 s5, $0x0;
	s5 =	sld [smem:$0x3FA9]  }
0x2b: {  	s6 =	sld [smem:$0x3FAA]  }
0x2c: {  	s7 =	sld [smem:$0x3FAB]  }
0x2d: {  	s3 =	simm.s32 $0x108;
	s8 =	sld [smem:$0x3FAC]  }
0x2e: {  	s3 =	simm.s32 @!p0 $0x1082;
	s9 =	sld [smem:$0x3FAD]  }
0x2f: {  	lr =	sadd.s32 s0, s3;
	s0 =	sld [smem:$0x3FA4]  }
0x30: {  	s3 =	sld [smem:$0x3FA7]  }
0x31: {  	[smem:$0x3FB0] =	sst s10  }
0x32: {  	s10 =	sld [smem:$0x3FAE];
	_ =	sdelay $0x3  }
0x33: {  	p0 =	seq.s32 s10, $0x1;
	s10 =	sld [smem:$0x3FB0];
	_ =	sdelay $0x3  }
0x34: {  	[smem:$0x3FB0] =	sst s10  }
0x35: {  	s10 =	sld [smem:$0x3FAF];
	_ =	sdelay $0x3  }
0x36: {  	p1 =	seq.s32 s10, $0x1;
	s10 =	sld [smem:$0x3FB0];
	_ =	sdelay $0x3  }
0x37: {  	[smem:$0x3FB0] =	sst s10  }
0x38: {  	s10 =	sld [smem:$0x3FB1]  }
0x39: {  	_ = 	snop;
	(pc) =	sbr.ind lr, $3  }
0x3a: {  	_ = 	snop  }
0x3b: {  	_ = 	snop  }
0x3c: {  	p2 =	seq.s32 s10, $0x1;
	s10 =	sld [smem:$0x3FB0]  }
0x3d: {  	_ =	shalt  }
0x3e: {  	_ =	shalt  }
0x3f: {  	_ =	shalt  }
0x40: {  	_ =	shalt  }
0x41: {  	_ =	shalt  }
0x42: {  	_ =	shalt  }
0x43: {  	_ =	shalt  }
0x44: {  	_ =	shalt  }
0x45: {  	_ =	shalt  }
0x46: {  	_ =	shalt  }
0x47: {  	_ =	shalt  }
0x48: {  	_ =	shalt  }
0x49: {  	_ =	shalt  }
0x4a: {  	_ =	shalt  }
0x4b: {  	_ =	shalt  }
0x4c: {  	_ =	shalt  }
0x4d: {  	_ =	shalt  }
0x4e: {  	_ =	shalt  }
0x4f: {  	_ =	shalt  }
0x50: {  	_ =	shalt  }
0x51: {  	_ =	shalt  }
0x52: {  	_ =	shalt  }
0x53: {  	_ =	shalt  }
0x54: {  	_ =	shalt  }
0x55: {  	_ =	shalt  }
0x56: {  	_ =	shalt  }
0x57: {  	_ =	shalt  }
0x58: {  	_ =	shalt  }
0x59: {  	_ =	shalt  }
0x5a: {  	_ =	shalt  }
0x5b: {  	_ =	shalt  }
0x5c: {  	_ =	shalt  }
0x5d: {  	_ =	shalt  }
0x5e: {  	_ =	shalt  }
0x5f: {  	_ =	shalt  }
0x60: {  	_ =	shalt  }
0x61: {  	_ =	shalt  }
0x62: {  	_ =	shalt  }
0x63: {  	_ =	shalt  }
0x64: {  	_ =	shalt  }
0x65: {  	_ =	shalt  }
0x66: {  	_ =	shalt  }
0x67: {  	_ =	shalt  }
0x68: {  	_ =	shalt  }
0x69: {  	_ =	shalt  }
0x6a: {  	_ =	shalt  }
0x6b: {  	_ =	shalt  }
0x6c: {  	_ =	shalt  }
0x6d: {  	_ =	shalt  }
0x6e: {  	_ =	shalt  }
0x6f: {  	_ =	shalt  }
0x70: {  	_ =	shalt  }
0x71: {  	_ =	shalt  }
0x72: {  	_ =	shalt  }
0x73: {  	_ =	shalt  }
0x74: {  	_ =	shalt  }
0x75: {  	_ =	shalt  }
0x76: {  	_ =	shalt  }
0x77: {  	_ =	shalt  }
0x78: {  	_ =	shalt  }
0x79: {  	_ =	shalt  }
0x7a: {  	_ =	shalt  }
0x7b: {  	_ =	shalt  }
0x7c: {  	_ =	shalt  }
0x7d: {  	_ =	shalt  }
0x7e: {  	_ =	shalt  }
0x7f: {  	_ =	shalt  }
0x80: {  	_ =	shalt  }
0x81: {  	_ =	shalt  }
0x82: {  	_ =	shalt  }
0x83: {  	_ =	shalt  }
0x84: {  	_ =	shalt  }
0x85: {  	_ =	shalt  }
0x86: {  	_ =	shalt  }
0x87: {  	_ =	shalt  }
.Lfunc_end0:
.L_simem_size_0:
called_computation_lowered:
.L_overlay_start_0:
0x88: {  	s2 =	sld [smem:$0x3FD9]  }
0x89: {  	s3 =	sld [smem:$0x3FFE];
	_ =	sdelay $0x1  }
0x8a: {  	s1 =	srdreg.scid  }
0x8b: {  	s0 =	sand.u32 $0x1, s1  }
0x8c: {  	s16 =	sshll.u32 s0, $0xA;
	s2 =	sadd.s32 s3, s2  }
0x8d: {  	s2 =	sadd.s32 s2, s16  }
0x8e: {  	[smem:$0x3FBC] =	sst s2  }
0x8f: {  	_ = 	snop  }
0x90: {  	(tm) =	ssettm $0x1  }
0x91: {  	s17 =	sld [smem:$0x3FFB];
	_ =	sdelay $0x3  }
0x92: {  	_ =	strace s17  }
0x93: {  	s2 =	sld [smem:$0x3FFC];
	_ =	sdelay $0x3  }
0x94: {  	_ =	strace s2  }
0x95: {  	s2 =	sld [smem:$0x3FFD];
	_ =	sdelay $0x3  }
0x96: {  	_ =	strace s2  }
0x97: {  	_ =	strace $0x8FFFFFFF  }
0x98: {  	s18 =	sld [smem:$0x3FDB];
	_ =	sdelay $0x1  }
0x99: {  	s19 =	simm.s32 $_scs_section_size  }
0x9a: {  	s4 =	simm.s32 $_size__tile_overlayer_lowered;
	s5 =	simm.s32 $_tile_overlayer_lowered  }
0x9b: {  	s22 =	simm.s32 $0x1BFF;
	s21 =	sshll.u32 s5, $0x1;
	s2 =	sadd.s32 s19, s18  }
0x9c: {  	s6 =	simm.s32 $0x0;
	s20 =	sshll.u32 s4, $0x1;
	s4 =	sadd.s32 s21, s2  }
0x9d: {  	[timem:s6], [sflag:s22] =	dma.local [hbm:s4], s20  }
0x9e: {  	_ =	swait.ge [sflag:s22], s20  }
0x9f: {  	s3 =	ssub.s32 $0x0, s20;
	[sflag:s22] =	ssyncset.done $0x0  }
0xa0: {  	[sflag:s22] =	ssyncadd.s32 s3;
	_ =	sdelay $0x1  }
0xa1: {  	s23 =	simm.s32 $0x1B8B  }
0xa2: {  	_ =	swait.ge [sflag:s23], $0x1  }
0xa3: {  	[sflag:s23] =	ssyncset.done $0x0  }
0xa4: {  	s25 =	simm.s32 $0x1B8E;
	s24 =	sld [smem:$0x3FFE];
	[sflag:s23] =	ssyncadd.s32 $0xFFFFFFFF  }
0xa5: {  	s26 =	simm.s32 $execute0_lowered;
	[smem:$0x3FD2] =	sst s25  }
0xa6: {  	s4 =	sshll.u32 s26, $0x1;
	_ =	strace $0x80000046;
	[dreg:$0x1] =	wrdreg $0xFFFFFFFF  }
0xa7: {  	s28 =	simm.s32 $_size_execute0_lowered;
	s2 =	sadd.s32 s2, s4;
	[dreg:$0x0] =	wrdreg $0x0  }
0xa8: {  	s4 =	sshll.u32 s28, $0x1;
	[dreg:$0x2] =	wrdreg s2  }
0xa9: {  	[dreg:$0x3] =	wrdreg s4  }
0xaa: {  	[dreg:$0x4] =	wrdreg $0xC0  }
0xab: {  	_ =	task [dreg:s6], $0x5FFFF  }
0xac: {  	[dreg:$0x1] =	wrdreg $0xFFFFFFFF  }
0xad: {  	[dreg:$0x0] =	wrdreg $0x60  }
0xae: {  	[dreg:$0x2] =	wrdreg s24  }
0xaf: {  	[dreg:$0x3] =	wrdreg $0x0  }
0xb0: {  	[dreg:$0x4] =	wrdreg $0x9  }
0xb1: {  	_ =	task.clear_ibuf [dreg:s6], $0x5FFFF;
	_ =	strace $0x90000046  }
0xb2: {  	s29 =	simm.s32 $0x9;
	_ =	strace $0x80000048  }
0xb3: {  	_ =	swait.ge [sflag:s29], $0x1  }
0xb4: {  	[sflag:s29] =	ssyncadd.s32 $0xFFFFFFFF  }
0xb5: {  	_ =	strace $0x90000048  }
0xb6: {  	_ =	sfence  }
0xb7: {  	s30 =	sld [smem:$0x0];
	_ =	sdelay $0x2  }
0xb8: {  	s31 =	sshll.u32 s1, $0xD;
	s1 =	sshrl.u32 s1, $0x2  }
0xb9: {  	s3 =	sand.u32 $0x4000, s31;
	s1 =	sadd.s32 s1, s30  }
0xba: {  	s0 =	sor.u32 s3, s0;
	s1 =	sshll.u32 s1, $0x11  }
0xbb: {  	s0 =	sor.u32 s1, s0  }
0xbc: {  	s0 =	sadd.s32 $0x8F2B, s0  }
0xbd: {  	[sflag:s0] =	ssyncadd.remote.s32 $0x1  }
0xbe: {  	_ =	sfence.sel $0xFFFF  }
0xbf: {  	[dreg:$0x0] =	wrdreg $0xFFFFFFFF;
	(pc) =	sbr.abs _section_cstart, $3  }
0xc0: {  	[dreg:$0x1] =	wrdreg $0xFFFFFFFF  }
0xc1: {  	_ =	task.clear_ibuf [dreg:s6], $0x2FFFF;
	_ =	strace $0x9FFFFFFF  }
0xc2: {  	(tm) =	ssettm $0x7FFFFFFF  }
0xc3: {  	_ =	shalt  }
tec
execute0_lowered:
.L_overlay_start_1:
0x0: {  	(tag) =	ssettag $0x1  }
0x1: {  	s0 =	rddreg [dreg:$0x0]  }
0x2: {  	s1 =	rddreg [dreg:$0x1];
	s3 =	simm.s32 $0x0;
	s10 =	stileid.u32  }
0x3: {  	s2 =	srdreg.scid;
	s28 =	simm.s32 $0x1C100;
	s29 =	simm.s32 $0x1C400  }
0x4: {  	s30 =	simm.s32 $0x3;
	s31 =	simm.s32 $0x1C500;
	s15 =	simm.s32 $0x2  }
0x5: {  	[smem:$0x7FF] =	sst s3;
	s4 =	sadd.s32 $0xC5A00, s0;
	s11 =	smul.u32 $0x2800, s10  }
0x6: {  	s5 =	sadd.s32 $0x189000, s0;
	s2 =	sand.u32 $0x1, s2;
	s6 =	smul.u32 $0x50000, s10  }
0x7: {  	s8 =	sadd.s32 $0x251000, s0;
	s10 =	smul.u32 $0x14000, s10;
	_ =	strace $0x80000047  }
0x8: {  	[dreg:$0x4] =	wrdreg s8;
	s16 =	ssub.s32 $0x2, s2;
	p0 =	seq.s32 s2, $0x1  }
0x9: {  	s7 =	sadd.s32 s11, s0;
	s9 =	sshrl.u32 s16, $0x1;
	s6 =	sshrl.u32 s6, $0x2  }
0xa: {  	s0 =	sadd.s32 $0x279000, s0;
	s19 =	sshrl.u32 s10, $0x3;
	[dreg:$0x3] =	wrdreg s11  }
0xb: {  	[dreg:$0x5] =	wrdreg s0;
	s17 =	ssub.s32 s16, s9;
	s22 =	sadd.s32 $0x1B1000, s7  }
0xc: {  	s8 =	sadd.s32 s6, s1;
	s23 =	sadd.s32 $0x1D9000, s7;
	[dreg:$0xb] =	wrdreg s22  }
0xd: {  	s2 =	sadd.s32 s5, s19;
	s24 =	sadd.s32 $0x201000, s7;
	[dreg:$0xc] =	wrdreg s23  }
0xe: {  	s25 =	sadd.s32 $0x229000, s7;
	s7 =	simm.s32 $0x1C280;
	[dreg:$0xd] =	wrdreg s24  }
0xf: {  	s16 =	simm.s32 $0x1C680;
	s19 =	simm.s32 $0x1C200;
	[dreg:$0xe] =	wrdreg s25  }
0x10: {  	s18 =	sadd.s32 $0x4000, s8;
	s6 =	sadd.s32 $0x8000, s8;
	[dreg:$0x9] =	wrdreg s2  }
0x11: {  	s20 =	sadd.s32 $0xC000, s8;
	s13 =	sadd.s32 $0x10000, s8;
	[dreg:$0x6] =	wrdreg s18  }
0x12: {  	s21 =	sadd.s32 $0x80, s2;
	s26 =	sadd.s32 $0x1400, s2;
	[dreg:$0x7] =	wrdreg s6  }
0x13: {  	s2 =	sadd.s32 $0x1480, s2;
	s0 =	smax.u32 s17, $0x1;
	[dreg:$0x8] =	wrdreg s20  }
0x14: {  	s22 =	sadd.s32 s11, s5;
	s23 =	simm.s32 $0x14000;
	[dreg:$0xa] =	wrdreg s21  }
.Ltmp0:
0x15: {  	s24 =	simm.s32 $0x4;
	[dreg:$0xf] =	wrdreg s26;
	(pc) =	sbr.rel .LBB2_1-.Ltmp0, $4  }
0x16: {  	s25 =	simm.s32 $0x1C000;
	s17 =	simm.s32 $0x1C180;
	[dreg:$0x10] =	wrdreg s2  }
0x17: {  	s5 =	simm.s32 $0x0;
	[dreg:$0x11] =	wrdreg s0;
	s26 =	simm.s32 $0x80  }
0x18: {  	s0 =	simm.s32 $0x18000;
	s6 =	simm.s32 $0x1;
	s18 =	simm.s32 $0x1C580  }
0x19: {  	v0 =	vimm.f32 $0.0e+00;
	s20 =	simm.s32 $0x1C600;
	s2 =	simm.s32 $0x1C080;
	s21 =	simm.s32 $0x1C480  }
.LBB2_27:
0x1a: {  	[tilespmem:s29], [sflag:$0x3] =	stream.linear.gather [hbm4b:s10+s3], $0x300, $0x38;
	[tilespmem:$0x1C800] =	vst v63  }
0x1b: {  	s9 =	rddreg [dreg:$0x5]  }
.LBB2_28:
0x1c: {  	_ =	swait.ge [sflag:s30], $0x300  }
0x1d: {  	[sflag:s30] =	ssyncset.done $0x0  }
0x1e: {  	[sflag:s30] =	ssyncadd.s32 $0xFFFFFD00  }
0x1f: {  	[tilespmem:s0], [sflag:$0x2] =	stream.indirect.gather [hbm4b:s4+s26], $0x80, s20, s26, $0xb8;
	[tilespmem:$0x1C800] =	vst v63  }
0x20: {  	_ =	swait.ge [sflag:s6], $0x4000  }
0x21: {  	[sflag:s6] =	ssyncset.done $0x0  }
0x22: {  	[sflag:s6] =	ssyncadd.s32 $0xFFFFC000  }
0x23: {  	[spmem:s1] =	stream.indirect.scatter.add.f32 [tilespmem:s23], [sflag:$0x4], $0x80, s7, s26, $0xb8;
	[tilespmem:$0x1C800] =	vst v63  }
0x24: {  	_ =	swait.ge [sflag:s24], $0x4000  }
0x25: {  	[sflag:s24] =	ssyncset.done $0x0  }
0x26: {  	[sflag:s24] =	ssyncadd.s32 $0xFFFFC000  }
0x27: {  	_ =	swait.ge [sflag:s15], $0x4000  }
0x28: {  	[sflag:s15] =	ssyncset.done $0x0  }
0x29: {  	[sflag:s15] =	ssyncadd.s32 $0xFFFFC000  }
0x2a: {  	[spmem:s1] =	stream.indirect.scatter.add.f32 [tilespmem:s0], [sflag:$0x4], $0x80, s16, s26, $0xb8;
	[tilespmem:$0x1C800] =	vst v63  }
0x2b: {  	_ =	swait.ge [sflag:s24], $0x4000  }
0x2c: {  	[sflag:s24] =	ssyncset.done $0x0  }
0x2d: {  	s10 =	rddreg [dreg:$0x3];
	[sflag:s24] =	ssyncadd.s32 $0xFFFFC000  }
0x2e: {  	s12 =	sshrl.u32 s8, $0x3;
	s9 =	sadd.s32 s9, s10;
	[bflag:$0x0] =	sbarrier.arrive $0xFFFF  }
0x2f: {  	[hbm:s9], [sflag:s14] =	dma.local [spmem:s12], $0x2800  }
0x30: {  	_ =	swait.ge [sflag:s24], $0x2800  }
0x31: {  	s5 =	sadd.s32 $0x1, s5;
	s14 =	rddreg [dreg:$0x11]  }
0x32: {  	p1 =	sne.s32 s5, s14  }
.Ltmp1:
0x33: {  	_ = 	snop;
	(pc) =	sbr.rel @!p1 .LBB2_29-.Ltmp1, $3  }
0x34: {  	[sflag:s24] =	ssyncset.done $0x0  }
0x35: {  	[sflag:s24] =	ssyncadd.s32 $0xFFFFD800  }
0x36: {  	[bflag:$0x0] =	sbarrier.arrive $0xFFFF;
	_ =	sdelay $0x1  }
.LBB2_1:
.Ltmp2:
0x37: {  	(pc) =	sbr.rel @!p0 .LBB2_2-.Ltmp2, $2  }
0x38: {  	_ =	sdelay $0x2  }
0x39: {  	s9 =	sshra.s32 s3, $0x2  }
0x3a: {  	s10 =	sadd.s32 $0x200, s3  }
.LBB2_16:
0x3b: {  	p1 =	sne.s32 s10, $0xFE00;
	[tilespmem:s9+$0x14070] =	vst v0  }
0x3c: {  	[tilespmem:s9+$0x14000] =	vst v0  }
0x3d: {  	[tilespmem:s9+$0x14010] =	vst v0  }
.Ltmp3:
0x3e: {  	[tilespmem:s9+$0x14020] =	vst v0;
	(pc) =	sbr.rel @p1 .LBB2_16-.Ltmp3, $4  }
0x3f: {  	[tilespmem:s9+$0x14030] =	vst v0  }
0x40: {  	[tilespmem:s9+$0x14040] =	vst v0  }
0x41: {  	[tilespmem:s9+$0x14050] =	vst v0  }
0x42: {  	[tilespmem:s9+$0x14060] =	vst v0;
	s9 =	sshra.s32 s10, $0x2;
	s10 =	sadd.s32 $0x200, s10  }
0x43: {  	[tilespmem:s9+$0x14070] =	vst v0  }
0x44: {  	[tilespmem:s9+$0x14000] =	vst v0  }
0x45: {  	[tilespmem:s9+$0x14010] =	vst v0  }
0x46: {  	[tilespmem:s9+$0x14020] =	vst v0  }
0x47: {  	[tilespmem:s9+$0x14030] =	vst v0  }
0x48: {  	[tilespmem:s9+$0x14040] =	vst v0  }
0x49: {  	[tilespmem:s9+$0x14050] =	vst v0  }
0x4a: {  	[tilespmem:s9+$0x14060] =	vst v0  }
0x4b: {  	[spmem:s8] =	stream.linear.scatter [tilespmem:s23], [sflag:$0x4], $0x4000, $0x38;
	[tilespmem:$0x1C800] =	vst v63  }
0x4c: {  	_ =	swait.ge [sflag:s24], $0x4000  }
0x4d: {  	[sflag:s24] =	ssyncset.done $0x0  }
0x4e: {  	s12 =	rddreg [dreg:$0x6];
	[sflag:s24] =	ssyncadd.s32 $0xFFFFC000  }
0x4f: {  	[spmem:s12] =	stream.linear.scatter [tilespmem:s23], [sflag:$0x4], $0x4000, $0x38;
	[tilespmem:$0x1C800] =	vst v63  }
0x50: {  	_ =	swait.ge [sflag:s24], $0x4000  }
0x51: {  	[sflag:s24] =	ssyncset.done $0x0  }
0x52: {  	s14 =	rddreg [dreg:$0x7];
	[sflag:s24] =	ssyncadd.s32 $0xFFFFC000  }
0x53: {  	[spmem:s14] =	stream.linear.scatter [tilespmem:s23], [sflag:$0x4], $0x4000, $0x38;
	[tilespmem:$0x1C800] =	vst v63  }
0x54: {  	_ =	swait.ge [sflag:s24], $0x4000  }
0x55: {  	[sflag:s24] =	ssyncset.done $0x0  }
0x56: {  	s10 =	rddreg [dreg:$0x8];
	[sflag:s24] =	ssyncadd.s32 $0xFFFFC000  }
0x57: {  	[spmem:s10] =	stream.linear.scatter [tilespmem:s23], [sflag:$0x4], $0x4000, $0x38;
	[tilespmem:$0x1C800] =	vst v63  }
0x58: {  	_ =	swait.ge [sflag:s24], $0x4000  }
0x59: {  	[sflag:s24] =	ssyncset.done $0x0  }
0x5a: {  	[sflag:s24] =	ssyncadd.s32 $0xFFFFC000  }
0x5b: {  	[spmem:s13] =	stream.linear.scatter [tilespmem:s23], [sflag:$0x4], $0x4000, $0x38;
	[tilespmem:$0x1C800] =	vst v63  }
0x5c: {  	_ =	swait.ge [sflag:s24], $0x4000  }
0x5d: {  	[sflag:s24] =	ssyncset.done $0x0  }
0x5e: {  	[sflag:s24] =	ssyncadd.s32 $0xFFFFC000  }
0x5f: {  	[bflag:$0x0] =	sbarrier.arrive $0xFFFF  }
0x60: {  	s11 =	rddreg [dreg:$0x9]  }
0x61: {  	[tilespmem:s25], [sflag:$0x4] =	stream.linear.gather [hbm4b:s11+s3], $0x300, $0x38;
	[tilespmem:$0x1C800] =	vst v63  }
0x62: {  	_ =	swait.ge [sflag:s24], $0x300  }
0x63: {  	[sflag:s24] =	ssyncset.done $0x0  }
0x64: {  	[sflag:s24] =	ssyncadd.s32 $0xFFFFFD00  }
0x65: {  	[tilespmem:s23], [sflag:$0x1] =	stream.indirect.gather [hbm4b:s4+s26], $0x80, s28, s26, $0xb8;
	[tilespmem:$0x1C800] =	vst v63  }
0x66: {  	s12 =	rddreg [dreg:$0xa]  }
0x67: {  	[tilespmem:s29], [sflag:$0x3] =	stream.linear.gather [hbm4b:s12+s3], $0x300, $0x38;
	[tilespmem:$0x1C800] =	vst v63  }
0x68: {  	_ =	swait.ge [sflag:s30], $0x300  }
0x69: {  	[sflag:s30] =	ssyncset.done $0x0  }
0x6a: {  	[sflag:s30] =	ssyncadd.s32 $0xFFFFFD00  }
0x6b: {  	[tilespmem:s0], [sflag:$0x2] =	stream.indirect.gather [hbm4b:s4+s26], $0x80, s31, s26, $0xb8;
	[tilespmem:$0x1C800] =	vst v63  }
0x6c: {  	_ =	swait.ge [sflag:s6], $0x4000  }
0x6d: {  	[sflag:s6] =	ssyncset.done $0x0  }
0x6e: {  	[sflag:s6] =	ssyncadd.s32 $0xFFFFC000  }
0x6f: {  	[spmem:s1] =	stream.indirect.scatter.add.f32 [tilespmem:s23], [sflag:$0x4], $0x80, s7, s26, $0xb8;
	[tilespmem:$0x1C800] =	vst v63  }
0x70: {  	_ =	swait.ge [sflag:s24], $0x4000  }
0x71: {  	s10 =	sadd.s32 $0xFFFFD900, s22;
	[sflag:s24] =	ssyncset.done $0x0  }
0x72: {  	s14 =	sadd.s32 $0x2800, s10;
	[sflag:s24] =	ssyncadd.s32 $0xFFFFC000  }
0x73: {  	[tilespmem:s25], [sflag:$0x3] =	stream.linear.gather [hbm4b:s14+s3], $0x300, $0x38;
	[tilespmem:$0x1C800] =	vst v63  }
0x74: {  	_ =	swait.ge [sflag:s30], $0x300  }
0x75: {  	[sflag:s30] =	ssyncset.done $0x0  }
0x76: {  	[sflag:s30] =	ssyncadd.s32 $0xFFFFFD00  }
0x77: {  	[tilespmem:s23], [sflag:$0x1] =	stream.indirect.gather [hbm4b:s4+s26], $0x80, s28, s26, $0xb8;
	[tilespmem:$0x1C800] =	vst v63  }
0x78: {  	_ =	swait.ge [sflag:s15], $0x4000  }
0x79: {  	[sflag:s15] =	ssyncset.done $0x0  }
0x7a: {  	[sflag:s15] =	ssyncadd.s32 $0xFFFFC000  }
0x7b: {  	[spmem:s1] =	stream.indirect.scatter.add.f32 [tilespmem:s0], [sflag:$0x4], $0x80, s16, s26, $0xb8;
	[tilespmem:$0x1C800] =	vst v63  }
0x7c: {  	_ =	swait.ge [sflag:s24], $0x4000  }
0x7d: {  	[sflag:s24] =	ssyncset.done $0x0  }
0x7e: {  	s9 =	simm.s32 $0xFFFFDA00;
	s10 =	sadd.s32 $0x2880, s10;
	[sflag:s24] =	ssyncadd.s32 $0xFFFFC000  }
.LBB2_18:
0x7f: {  	[tilespmem:s29], [sflag:$0x3] =	stream.linear.gather [hbm4b:s10+s3], $0x300, $0x38;
	[tilespmem:$0x1C800] =	vst v63  }
0x80: {  	s10 =	smov.u32 s9  }
0x81: {  	p1 =	sne.s32 s9, $0xFFFFFF00;
	s9 =	sadd.s32 $0x100, s9;
	_ =	swait.ge [sflag:s30], $0x300  }
0x82: {  	[sflag:s30] =	ssyncset.done $0x0  }
0x83: {  	[sflag:s30] =	ssyncadd.s32 $0xFFFFFD00  }
0x84: {  	[tilespmem:s0], [sflag:$0x2] =	stream.indirect.gather [hbm4b:s4+s26], $0x80, s31, s26, $0xb8;
	[tilespmem:$0x1C800] =	vst v63  }
0x85: {  	_ =	swait.ge [sflag:s6], $0x4000  }
0x86: {  	[sflag:s6] =	ssyncset.done $0x0  }
0x87: {  	[sflag:s6] =	ssyncadd.s32 $0xFFFFC000  }
0x88: {  	[spmem:s1] =	stream.indirect.scatter.add.f32 [tilespmem:s23], [sflag:$0x4], $0x80, s7, s26, $0xb8;
	[tilespmem:$0x1C800] =	vst v63  }
0x89: {  	_ =	swait.ge [sflag:s24], $0x4000  }
0x8a: {  	s10 =	sadd.s32 s10, s22;
	[sflag:s24] =	ssyncset.done $0x0  }
0x8b: {  	s11 =	sadd.s32 $0x2800, s10;
	[sflag:s24] =	ssyncadd.s32 $0xFFFFC000  }
0x8c: {  	[tilespmem:s25], [sflag:$0x3] =	stream.linear.gather [hbm4b:s11+s3], $0x300, $0x38;
	[tilespmem:$0x1C800] =	vst v63  }
0x8d: {  	_ =	swait.ge [sflag:s30], $0x300  }
0x8e: {  	[sflag:s30] =	ssyncset.done $0x0  }
0x8f: {  	[sflag:s30] =	ssyncadd.s32 $0xFFFFFD00  }
0x90: {  	[tilespmem:s23], [sflag:$0x1] =	stream.indirect.gather [hbm4b:s4+s26], $0x80, s28, s26, $0xb8;
	[tilespmem:$0x1C800] =	vst v63  }
0x91: {  	_ =	swait.ge [sflag:s15], $0x4000  }
0x92: {  	[sflag:s15] =	ssyncset.done $0x0  }
.Ltmp4:
0x93: {  	[sflag:s15] =	ssyncadd.s32 $0xFFFFC000;
	(pc) =	sbr.rel @p1 .LBB2_18-.Ltmp4, $4  }
0x94: {  	[spmem:s1] =	stream.indirect.scatter.add.f32 [tilespmem:s0], [sflag:$0x4], $0x80, s16, s26, $0xb8;
	[tilespmem:$0x1C800] =	vst v63  }
0x95: {  	_ =	swait.ge [sflag:s24], $0x4000  }
0x96: {  	[sflag:s24] =	ssyncset.done $0x0  }
0x97: {  	s10 =	sadd.s32 $0x2880, s10;
	[sflag:s24] =	ssyncadd.s32 $0xFFFFC000  }
0x98: {  	[tilespmem:s29], [sflag:$0x3] =	stream.linear.gather [hbm4b:s10+s3], $0x300, $0x38;
	[tilespmem:$0x1C800] =	vst v63  }
0x99: {  	_ =	swait.ge [sflag:s30], $0x300  }
0x9a: {  	[sflag:s30] =	ssyncset.done $0x0  }
0x9b: {  	[sflag:s30] =	ssyncadd.s32 $0xFFFFFD00  }
0x9c: {  	[tilespmem:s0], [sflag:$0x2] =	stream.indirect.gather [hbm4b:s4+s26], $0x80, s31, s26, $0xb8;
	[tilespmem:$0x1C800] =	vst v63  }
0x9d: {  	_ =	swait.ge [sflag:s6], $0x4000  }
0x9e: {  	[sflag:s6] =	ssyncset.done $0x0  }
0x9f: {  	[sflag:s6] =	ssyncadd.s32 $0xFFFFC000  }
0xa0: {  	[spmem:s1] =	stream.indirect.scatter.add.f32 [tilespmem:s23], [sflag:$0x4], $0x80, s7, s26, $0xb8;
	[tilespmem:$0x1C800] =	vst v63  }
0xa1: {  	_ =	swait.ge [sflag:s24], $0x4000  }
0xa2: {  	[sflag:s24] =	ssyncset.done $0x0  }
0xa3: {  	[sflag:s24] =	ssyncadd.s32 $0xFFFFC000  }
0xa4: {  	_ =	swait.ge [sflag:s15], $0x4000  }
0xa5: {  	[sflag:s15] =	ssyncset.done $0x0  }
0xa6: {  	[sflag:s15] =	ssyncadd.s32 $0xFFFFC000  }
0xa7: {  	[spmem:s1] =	stream.indirect.scatter.add.f32 [tilespmem:s0], [sflag:$0x4], $0x80, s16, s26, $0xb8;
	[tilespmem:$0x1C800] =	vst v63  }
0xa8: {  	_ =	swait.ge [sflag:s24], $0x4000  }
0xa9: {  	[sflag:s24] =	ssyncset.done $0x0  }
0xaa: {  	s9 =	stileid.u32;
	[sflag:s24] =	ssyncadd.s32 $0xFFFFC000  }
0xab: {  	s9 =	sshll.u32 s9, $0x6;
	[bflag:$0x0] =	sbarrier.arrive $0xFFFF  }
0xac: {  	s12 =	sshrl.u32 s8, $0x3;
	s14 =	sor.u32 $0x1C04, s9;
	s11 =	rddreg [dreg:$0xd]  }
0xad: {  	[hbm:s11], [sflag:s14] =	dma.local [spmem:s12], $0x2800  }
0xae: {  	_ =	swait.ge [sflag:s24], $0x2800  }
0xaf: {  	[sflag:s24] =	ssyncset.done $0x0  }
0xb0: {  	[sflag:s24] =	ssyncadd.s32 $0xFFFFD800  }
0xb1: {  	s10 =	simm.s32 $0x200;
	s9 =	simm.s32 $0x0;
	[bflag:$0x0] =	sbarrier.arrive $0xFFFF  }
.LBB2_20:
0xb2: {  	p1 =	sne.s32 s10, $0xFE00;
	[tilespmem:s9+$0x14070] =	vst v0  }
0xb3: {  	[tilespmem:s9+$0x14000] =	vst v0  }
0xb4: {  	[tilespmem:s9+$0x14010] =	vst v0  }
.Ltmp5:
0xb5: {  	[tilespmem:s9+$0x14020] =	vst v0;
	(pc) =	sbr.rel @p1 .LBB2_20-.Ltmp5, $4  }
0xb6: {  	[tilespmem:s9+$0x14030] =	vst v0  }
0xb7: {  	[tilespmem:s9+$0x14040] =	vst v0  }
0xb8: {  	[tilespmem:s9+$0x14050] =	vst v0  }
0xb9: {  	[tilespmem:s9+$0x14060] =	vst v0;
	s9 =	sshra.s32 s10, $0x2;
	s10 =	sadd.s32 $0x200, s10  }
0xba: {  	[tilespmem:s9+$0x14070] =	vst v0  }
0xbb: {  	[tilespmem:s9+$0x14000] =	vst v0  }
0xbc: {  	[tilespmem:s9+$0x14010] =	vst v0  }
0xbd: {  	[tilespmem:s9+$0x14020] =	vst v0  }
0xbe: {  	[tilespmem:s9+$0x14030] =	vst v0  }
0xbf: {  	[tilespmem:s9+$0x14040] =	vst v0  }
0xc0: {  	[tilespmem:s9+$0x14050] =	vst v0  }
0xc1: {  	[tilespmem:s9+$0x14060] =	vst v0  }
0xc2: {  	[spmem:s8] =	stream.linear.scatter [tilespmem:s23], [sflag:$0x4], $0x4000, $0x38;
	[tilespmem:$0x1C800] =	vst v63  }
0xc3: {  	_ =	swait.ge [sflag:s24], $0x4000  }
0xc4: {  	[sflag:s24] =	ssyncset.done $0x0  }
0xc5: {  	s10 =	rddreg [dreg:$0x6];
	[sflag:s24] =	ssyncadd.s32 $0xFFFFC000  }
0xc6: {  	[spmem:s10] =	stream.linear.scatter [tilespmem:s23], [sflag:$0x4], $0x4000, $0x38;
	[tilespmem:$0x1C800] =	vst v63  }
0xc7: {  	_ =	swait.ge [sflag:s24], $0x4000  }
0xc8: {  	[sflag:s24] =	ssyncset.done $0x0  }
0xc9: {  	s11 =	rddreg [dreg:$0x7];
	[sflag:s24] =	ssyncadd.s32 $0xFFFFC000  }
0xca: {  	[spmem:s11] =	stream.linear.scatter [tilespmem:s23], [sflag:$0x4], $0x4000, $0x38;
	[tilespmem:$0x1C800] =	vst v63  }
0xcb: {  	_ =	swait.ge [sflag:s24], $0x4000  }
0xcc: {  	[sflag:s24] =	ssyncset.done $0x0  }
0xcd: {  	s10 =	rddreg [dreg:$0x8];
	[sflag:s24] =	ssyncadd.s32 $0xFFFFC000  }
0xce: {  	[spmem:s10] =	stream.linear.scatter [tilespmem:s23], [sflag:$0x4], $0x4000, $0x38;
	[tilespmem:$0x1C800] =	vst v63  }
0xcf: {  	_ =	swait.ge [sflag:s24], $0x4000  }
0xd0: {  	[sflag:s24] =	ssyncset.done $0x0  }
0xd1: {  	[sflag:s24] =	ssyncadd.s32 $0xFFFFC000  }
0xd2: {  	[spmem:s13] =	stream.linear.scatter [tilespmem:s23], [sflag:$0x4], $0x4000, $0x38;
	[tilespmem:$0x1C800] =	vst v63  }
0xd3: {  	_ =	swait.ge [sflag:s24], $0x4000  }
0xd4: {  	[sflag:s24] =	ssyncset.done $0x0  }
0xd5: {  	[sflag:s24] =	ssyncadd.s32 $0xFFFFC000  }
0xd6: {  	[bflag:$0x0] =	sbarrier.arrive $0xFFFF  }
0xd7: {  	s11 =	rddreg [dreg:$0x9]  }
0xd8: {  	[tilespmem:s25], [sflag:$0x4] =	stream.linear.gather [hbm4b:s11+s3], $0x300, $0x38;
	[tilespmem:$0x1C800] =	vst v63  }
0xd9: {  	_ =	swait.ge [sflag:s24], $0x300  }
0xda: {  	[sflag:s24] =	ssyncset.done $0x0  }
0xdb: {  	[sflag:s24] =	ssyncadd.s32 $0xFFFFFD00  }
0xdc: {  	[tilespmem:s23], [sflag:$0x1] =	stream.indirect.gather [hbm4b:s4+s26], $0x80, s17, s26, $0xb8;
	[tilespmem:$0x1C800] =	vst v63  }
0xdd: {  	s10 =	rddreg [dreg:$0xa]  }
0xde: {  	[tilespmem:s29], [sflag:$0x3] =	stream.linear.gather [hbm4b:s10+s3], $0x300, $0x38;
	[tilespmem:$0x1C800] =	vst v63  }
0xdf: {  	_ =	swait.ge [sflag:s30], $0x300  }
0xe0: {  	[sflag:s30] =	ssyncset.done $0x0  }
0xe1: {  	[sflag:s30] =	ssyncadd.s32 $0xFFFFFD00  }
0xe2: {  	[tilespmem:s0], [sflag:$0x2] =	stream.indirect.gather [hbm4b:s4+s26], $0x80, s18, s26, $0xb8;
	[tilespmem:$0x1C800] =	vst v63  }
0xe3: {  	_ =	swait.ge [sflag:s6], $0x4000  }
0xe4: {  	[sflag:s6] =	ssyncset.done $0x0  }
0xe5: {  	[sflag:s6] =	ssyncadd.s32 $0xFFFFC000  }
0xe6: {  	[spmem:s1] =	stream.indirect.scatter.add.f32 [tilespmem:s23], [sflag:$0x4], $0x80, s7, s26, $0xb8;
	[tilespmem:$0x1C800] =	vst v63  }
0xe7: {  	_ =	swait.ge [sflag:s24], $0x4000  }
0xe8: {  	s10 =	sadd.s32 $0xFFFFD900, s22;
	[sflag:s24] =	ssyncset.done $0x0  }
0xe9: {  	s11 =	sadd.s32 $0x2800, s10;
	[sflag:s24] =	ssyncadd.s32 $0xFFFFC000  }
0xea: {  	[tilespmem:s25], [sflag:$0x3] =	stream.linear.gather [hbm4b:s11+s3], $0x300, $0x38;
	[tilespmem:$0x1C800] =	vst v63  }
0xeb: {  	_ =	swait.ge [sflag:s30], $0x300  }
0xec: {  	[sflag:s30] =	ssyncset.done $0x0  }
0xed: {  	[sflag:s30] =	ssyncadd.s32 $0xFFFFFD00  }
0xee: {  	[tilespmem:s23], [sflag:$0x1] =	stream.indirect.gather [hbm4b:s4+s26], $0x80, s17, s26, $0xb8;
	[tilespmem:$0x1C800] =	vst v63  }
0xef: {  	_ =	swait.ge [sflag:s15], $0x4000  }
0xf0: {  	[sflag:s15] =	ssyncset.done $0x0  }
0xf1: {  	[sflag:s15] =	ssyncadd.s32 $0xFFFFC000  }
0xf2: {  	[spmem:s1] =	stream.indirect.scatter.add.f32 [tilespmem:s0], [sflag:$0x4], $0x80, s16, s26, $0xb8;
	[tilespmem:$0x1C800] =	vst v63  }
0xf3: {  	_ =	swait.ge [sflag:s24], $0x4000  }
0xf4: {  	[sflag:s24] =	ssyncset.done $0x0  }
0xf5: {  	s9 =	simm.s32 $0xFFFFDA00;
	s10 =	sadd.s32 $0x2880, s10;
	[sflag:s24] =	ssyncadd.s32 $0xFFFFC000  }
.LBB2_22:
0xf6: {  	[tilespmem:s29], [sflag:$0x3] =	stream.linear.gather [hbm4b:s10+s3], $0x300, $0x38;
	[tilespmem:$0x1C800] =	vst v63  }
0xf7: {  	s10 =	smov.u32 s9  }
0xf8: {  	p1 =	sne.s32 s9, $0xFFFFFF00;
	s9 =	sadd.s32 $0x100, s9;
	_ =	swait.ge [sflag:s30], $0x300  }
0xf9: {  	[sflag:s30] =	ssyncset.done $0x0  }
0xfa: {  	[sflag:s30] =	ssyncadd.s32 $0xFFFFFD00  }
0xfb: {  	[tilespmem:s0], [sflag:$0x2] =	stream.indirect.gather [hbm4b:s4+s26], $0x80, s18, s26, $0xb8;
	[tilespmem:$0x1C800] =	vst v63  }
0xfc: {  	_ =	swait.ge [sflag:s6], $0x4000  }
0xfd: {  	[sflag:s6] =	ssyncset.done $0x0  }
0xfe: {  	[sflag:s6] =	ssyncadd.s32 $0xFFFFC000  }
0xff: {  	[spmem:s1] =	stream.indirect.scatter.add.f32 [tilespmem:s23], [sflag:$0x4], $0x80, s7, s26, $0xb8;
	[tilespmem:$0x1C800] =	vst v63  }
0x100: {  	_ =	swait.ge [sflag:s24], $0x4000  }
0x101: {  	s10 =	sadd.s32 s10, s22;
	[sflag:s24] =	ssyncset.done $0x0  }
0x102: {  	s11 =	sadd.s32 $0x2800, s10;
	[sflag:s24] =	ssyncadd.s32 $0xFFFFC000  }
0x103: {  	[tilespmem:s25], [sflag:$0x3] =	stream.linear.gather [hbm4b:s11+s3], $0x300, $0x38;
	[tilespmem:$0x1C800] =	vst v63  }
0x104: {  	_ =	swait.ge [sflag:s30], $0x300  }
0x105: {  	[sflag:s30] =	ssyncset.done $0x0  }
0x106: {  	[sflag:s30] =	ssyncadd.s32 $0xFFFFFD00  }
0x107: {  	[tilespmem:s23], [sflag:$0x1] =	stream.indirect.gather [hbm4b:s4+s26], $0x80, s17, s26, $0xb8;
	[tilespmem:$0x1C800] =	vst v63  }
0x108: {  	_ =	swait.ge [sflag:s15], $0x4000  }
0x109: {  	[sflag:s15] =	ssyncset.done $0x0  }
.Ltmp6:
0x10a: {  	[sflag:s15] =	ssyncadd.s32 $0xFFFFC000;
	(pc) =	sbr.rel @p1 .LBB2_22-.Ltmp6, $4  }
0x10b: {  	[spmem:s1] =	stream.indirect.scatter.add.f32 [tilespmem:s0], [sflag:$0x4], $0x80, s16, s26, $0xb8;
	[tilespmem:$0x1C800] =	vst v63  }
0x10c: {  	_ =	swait.ge [sflag:s24], $0x4000  }
0x10d: {  	[sflag:s24] =	ssyncset.done $0x0  }
0x10e: {  	s10 =	sadd.s32 $0x2880, s10;
	[sflag:s24] =	ssyncadd.s32 $0xFFFFC000  }
0x10f: {  	[tilespmem:s29], [sflag:$0x3] =	stream.linear.gather [hbm4b:s10+s3], $0x300, $0x38;
	[tilespmem:$0x1C800] =	vst v63  }
0x110: {  	_ =	swait.ge [sflag:s30], $0x300  }
0x111: {  	[sflag:s30] =	ssyncset.done $0x0  }
0x112: {  	[sflag:s30] =	ssyncadd.s32 $0xFFFFFD00  }
0x113: {  	[tilespmem:s0], [sflag:$0x2] =	stream.indirect.gather [hbm4b:s4+s26], $0x80, s18, s26, $0xb8;
	[tilespmem:$0x1C800] =	vst v63  }
0x114: {  	_ =	swait.ge [sflag:s6], $0x4000  }
0x115: {  	[sflag:s6] =	ssyncset.done $0x0  }
0x116: {  	[sflag:s6] =	ssyncadd.s32 $0xFFFFC000  }
0x117: {  	[spmem:s1] =	stream.indirect.scatter.add.f32 [tilespmem:s23], [sflag:$0x4], $0x80, s7, s26, $0xb8;
	[tilespmem:$0x1C800] =	vst v63  }
0x118: {  	_ =	swait.ge [sflag:s24], $0x4000  }
0x119: {  	[sflag:s24] =	ssyncset.done $0x0  }
0x11a: {  	[sflag:s24] =	ssyncadd.s32 $0xFFFFC000  }
0x11b: {  	_ =	swait.ge [sflag:s15], $0x4000  }
0x11c: {  	[sflag:s15] =	ssyncset.done $0x0  }
0x11d: {  	[sflag:s15] =	ssyncadd.s32 $0xFFFFC000  }
0x11e: {  	[spmem:s1] =	stream.indirect.scatter.add.f32 [tilespmem:s0], [sflag:$0x4], $0x80, s16, s26, $0xb8;
	[tilespmem:$0x1C800] =	vst v63  }
0x11f: {  	_ =	swait.ge [sflag:s24], $0x4000  }
0x120: {  	[sflag:s24] =	ssyncset.done $0x0  }
0x121: {  	[sflag:s24] =	ssyncadd.s32 $0xFFFFC000  }
0x122: {  	[bflag:$0x0] =	sbarrier.arrive $0xFFFF  }
0x123: {  	s9 =	rddreg [dreg:$0xe]  }
0x124: {  	[hbm:s9], [sflag:s14] =	dma.local [spmem:s12], $0x2800  }
0x125: {  	_ =	swait.ge [sflag:s24], $0x2800  }
0x126: {  	[sflag:s24] =	ssyncset.done $0x0  }
0x127: {  	[sflag:s24] =	ssyncadd.s32 $0xFFFFD800  }
0x128: {  	s10 =	simm.s32 $0x200;
	s9 =	simm.s32 $0x0;
	[bflag:$0x0] =	sbarrier.arrive $0xFFFF  }
.LBB2_24:
0x129: {  	p1 =	sne.s32 s10, $0xFE00;
	[tilespmem:s9+$0x14070] =	vst v0  }
0x12a: {  	[tilespmem:s9+$0x14000] =	vst v0  }
0x12b: {  	[tilespmem:s9+$0x14010] =	vst v0  }
.Ltmp7:
0x12c: {  	[tilespmem:s9+$0x14020] =	vst v0;
	(pc) =	sbr.rel @p1 .LBB2_24-.Ltmp7, $4  }
0x12d: {  	[tilespmem:s9+$0x14030] =	vst v0  }
0x12e: {  	[tilespmem:s9+$0x14040] =	vst v0  }
0x12f: {  	[tilespmem:s9+$0x14050] =	vst v0  }
0x130: {  	[tilespmem:s9+$0x14060] =	vst v0;
	s9 =	sshra.s32 s10, $0x2;
	s10 =	sadd.s32 $0x200, s10  }
0x131: {  	[tilespmem:s9+$0x14070] =	vst v0  }
0x132: {  	[tilespmem:s9+$0x14000] =	vst v0  }
0x133: {  	[tilespmem:s9+$0x14010] =	vst v0  }
0x134: {  	[tilespmem:s9+$0x14020] =	vst v0  }
0x135: {  	[tilespmem:s9+$0x14030] =	vst v0  }
0x136: {  	[tilespmem:s9+$0x14040] =	vst v0  }
0x137: {  	[tilespmem:s9+$0x14050] =	vst v0  }
0x138: {  	[tilespmem:s9+$0x14060] =	vst v0  }
0x139: {  	[spmem:s8] =	stream.linear.scatter [tilespmem:s23], [sflag:$0x4], $0x4000, $0x38;
	[tilespmem:$0x1C800] =	vst v63  }
0x13a: {  	_ =	swait.ge [sflag:s24], $0x4000  }
0x13b: {  	[sflag:s24] =	ssyncset.done $0x0  }
0x13c: {  	s10 =	rddreg [dreg:$0x6];
	[sflag:s24] =	ssyncadd.s32 $0xFFFFC000  }
0x13d: {  	[spmem:s10] =	stream.linear.scatter [tilespmem:s23], [sflag:$0x4], $0x4000, $0x38;
	[tilespmem:$0x1C800] =	vst v63  }
0x13e: {  	_ =	swait.ge [sflag:s24], $0x4000  }
0x13f: {  	[sflag:s24] =	ssyncset.done $0x0  }
0x140: {  	s11 =	rddreg [dreg:$0x7];
	[sflag:s24] =	ssyncadd.s32 $0xFFFFC000  }
0x141: {  	[spmem:s11] =	stream.linear.scatter [tilespmem:s23], [sflag:$0x4], $0x4000, $0x38;
	[tilespmem:$0x1C800] =	vst v63  }
0x142: {  	_ =	swait.ge [sflag:s24], $0x4000  }
0x143: {  	[sflag:s24] =	ssyncset.done $0x0  }
0x144: {  	s12 =	rddreg [dreg:$0x8];
	[sflag:s24] =	ssyncadd.s32 $0xFFFFC000  }
0x145: {  	[spmem:s12] =	stream.linear.scatter [tilespmem:s23], [sflag:$0x4], $0x4000, $0x38;
	[tilespmem:$0x1C800] =	vst v63  }
0x146: {  	_ =	swait.ge [sflag:s24], $0x4000  }
0x147: {  	[sflag:s24] =	ssyncset.done $0x0  }
0x148: {  	[sflag:s24] =	ssyncadd.s32 $0xFFFFC000  }
0x149: {  	[spmem:s13] =	stream.linear.scatter [tilespmem:s23], [sflag:$0x4], $0x4000, $0x38;
	[tilespmem:$0x1C800] =	vst v63  }
0x14a: {  	_ =	swait.ge [sflag:s24], $0x4000  }
0x14b: {  	[sflag:s24] =	ssyncset.done $0x0  }
0x14c: {  	[sflag:s24] =	ssyncadd.s32 $0xFFFFC000  }
0x14d: {  	[bflag:$0x0] =	sbarrier.arrive $0xFFFF  }
0x14e: {  	s10 =	rddreg [dreg:$0xf]  }
0x14f: {  	[tilespmem:s25], [sflag:$0x4] =	stream.linear.gather [hbm4b:s10+s3], $0x300, $0x38;
	[tilespmem:$0x1C800] =	vst v63  }
0x150: {  	_ =	swait.ge [sflag:s24], $0x300  }
0x151: {  	[sflag:s24] =	ssyncset.done $0x0  }
0x152: {  	[sflag:s24] =	ssyncadd.s32 $0xFFFFFD00  }
0x153: {  	[tilespmem:s23], [sflag:$0x1] =	stream.indirect.gather [hbm4b:s4+s26], $0x80, s19, s26, $0xb8;
	[tilespmem:$0x1C800] =	vst v63  }
0x154: {  	s11 =	rddreg [dreg:$0x10]  }
0x155: {  	[tilespmem:s29], [sflag:$0x3] =	stream.linear.gather [hbm4b:s11+s3], $0x300, $0x38;
	[tilespmem:$0x1C800] =	vst v63  }
0x156: {  	_ =	swait.ge [sflag:s30], $0x300  }
0x157: {  	[sflag:s30] =	ssyncset.done $0x0  }
0x158: {  	[sflag:s30] =	ssyncadd.s32 $0xFFFFFD00  }
0x159: {  	[tilespmem:s0], [sflag:$0x2] =	stream.indirect.gather [hbm4b:s4+s26], $0x80, s20, s26, $0xb8;
	[tilespmem:$0x1C800] =	vst v63  }
0x15a: {  	_ =	swait.ge [sflag:s6], $0x4000  }
0x15b: {  	[sflag:s6] =	ssyncset.done $0x0  }
0x15c: {  	[sflag:s6] =	ssyncadd.s32 $0xFFFFC000  }
0x15d: {  	[spmem:s1] =	stream.indirect.scatter.add.f32 [tilespmem:s23], [sflag:$0x4], $0x80, s7, s26, $0xb8;
	[tilespmem:$0x1C800] =	vst v63  }
0x15e: {  	_ =	swait.ge [sflag:s24], $0x4000  }
0x15f: {  	s10 =	sadd.s32 $0xFFFFED00, s22;
	[sflag:s24] =	ssyncset.done $0x0  }
0x160: {  	s12 =	sadd.s32 $0x2800, s10;
	[sflag:s24] =	ssyncadd.s32 $0xFFFFC000  }
0x161: {  	[tilespmem:s25], [sflag:$0x3] =	stream.linear.gather [hbm4b:s12+s3], $0x300, $0x38;
	[tilespmem:$0x1C800] =	vst v63  }
0x162: {  	_ =	swait.ge [sflag:s30], $0x300  }
0x163: {  	[sflag:s30] =	ssyncset.done $0x0  }
0x164: {  	[sflag:s30] =	ssyncadd.s32 $0xFFFFFD00  }
0x165: {  	[tilespmem:s23], [sflag:$0x1] =	stream.indirect.gather [hbm4b:s4+s26], $0x80, s19, s26, $0xb8;
	[tilespmem:$0x1C800] =	vst v63  }
0x166: {  	_ =	swait.ge [sflag:s15], $0x4000  }
0x167: {  	[sflag:s15] =	ssyncset.done $0x0  }
0x168: {  	[sflag:s15] =	ssyncadd.s32 $0xFFFFC000  }
0x169: {  	[spmem:s1] =	stream.indirect.scatter.add.f32 [tilespmem:s0], [sflag:$0x4], $0x80, s16, s26, $0xb8;
	[tilespmem:$0x1C800] =	vst v63  }
0x16a: {  	_ =	swait.ge [sflag:s24], $0x4000  }
0x16b: {  	[sflag:s24] =	ssyncset.done $0x0  }
0x16c: {  	s9 =	simm.s32 $0xFFFFEE00;
	s10 =	sadd.s32 $0x2880, s10;
	[sflag:s24] =	ssyncadd.s32 $0xFFFFC000  }
.LBB2_26:
0x16d: {  	[tilespmem:s29], [sflag:$0x3] =	stream.linear.gather [hbm4b:s10+s3], $0x300, $0x38;
	[tilespmem:$0x1C800] =	vst v63  }
0x16e: {  	s10 =	smov.u32 s9  }
0x16f: {  	p1 =	sne.s32 s9, $0xFFFFFF00;
	s9 =	sadd.s32 $0x100, s9;
	_ =	swait.ge [sflag:s30], $0x300  }
0x170: {  	[sflag:s30] =	ssyncset.done $0x0  }
0x171: {  	[sflag:s30] =	ssyncadd.s32 $0xFFFFFD00  }
0x172: {  	[tilespmem:s0], [sflag:$0x2] =	stream.indirect.gather [hbm4b:s4+s26], $0x80, s20, s26, $0xb8;
	[tilespmem:$0x1C800] =	vst v63  }
0x173: {  	_ =	swait.ge [sflag:s6], $0x4000  }
0x174: {  	[sflag:s6] =	ssyncset.done $0x0  }
0x175: {  	[sflag:s6] =	ssyncadd.s32 $0xFFFFC000  }
0x176: {  	[spmem:s1] =	stream.indirect.scatter.add.f32 [tilespmem:s23], [sflag:$0x4], $0x80, s7, s26, $0xb8;
	[tilespmem:$0x1C800] =	vst v63  }
0x177: {  	_ =	swait.ge [sflag:s24], $0x4000  }
0x178: {  	s10 =	sadd.s32 s10, s22;
	[sflag:s24] =	ssyncset.done $0x0  }
0x179: {  	s11 =	sadd.s32 $0x2800, s10;
	[sflag:s24] =	ssyncadd.s32 $0xFFFFC000  }
0x17a: {  	[tilespmem:s25], [sflag:$0x3] =	stream.linear.gather [hbm4b:s11+s3], $0x300, $0x38;
	[tilespmem:$0x1C800] =	vst v63  }
0x17b: {  	_ =	swait.ge [sflag:s30], $0x300  }
0x17c: {  	[sflag:s30] =	ssyncset.done $0x0  }
0x17d: {  	[sflag:s30] =	ssyncadd.s32 $0xFFFFFD00  }
0x17e: {  	[tilespmem:s23], [sflag:$0x1] =	stream.indirect.gather [hbm4b:s4+s26], $0x80, s19, s26, $0xb8;
	[tilespmem:$0x1C800] =	vst v63  }
0x17f: {  	_ =	swait.ge [sflag:s15], $0x4000  }
0x180: {  	[sflag:s15] =	ssyncset.done $0x0  }
.Ltmp8:
0x181: {  	[sflag:s15] =	ssyncadd.s32 $0xFFFFC000;
	(pc) =	sbr.rel @p1 .LBB2_26-.Ltmp8, $4  }
0x182: {  	[spmem:s1] =	stream.indirect.scatter.add.f32 [tilespmem:s0], [sflag:$0x4], $0x80, s16, s26, $0xb8;
	[tilespmem:$0x1C800] =	vst v63  }
0x183: {  	_ =	swait.ge [sflag:s24], $0x4000  }
0x184: {  	[sflag:s24] =	ssyncset.done $0x0  }
0x185: {  	s10 =	sadd.s32 $0x2880, s10;
	[sflag:s24] =	ssyncadd.s32 $0xFFFFC000  }
.Ltmp9:
0x186: {  	_ = 	snop;
	(pc) =	sbr.rel .LBB2_27-.Ltmp9, $1  }
0x187: {  	_ =	sdelay $0x3  }
.LBB2_2:
0x188: {  	s12 =	sadd.s32 $0x200, s3  }
.LBB2_3:
0x189: {  	p1 =	sne.s32 s12, $0xFE00;
	[tilespmem:s9+$0x14070] =	vst v0  }
0x18a: {  	[tilespmem:s9+$0x14000] =	vst v0  }
0x18b: {  	[tilespmem:s9+$0x14010] =	vst v0  }
.Ltmp10:
0x18c: {  	[tilespmem:s9+$0x14020] =	vst v0;
	(pc) =	sbr.rel @p1 .LBB2_3-.Ltmp10, $4  }
0x18d: {  	[tilespmem:s9+$0x14030] =	vst v0  }
0x18e: {  	[tilespmem:s9+$0x14040] =	vst v0  }
0x18f: {  	[tilespmem:s9+$0x14050] =	vst v0  }
0x190: {  	[tilespmem:s9+$0x14060] =	vst v0;
	s9 =	sshra.s32 s12, $0x2;
	s12 =	sadd.s32 $0x200, s12  }
0x191: {  	[tilespmem:s9+$0x14070] =	vst v0  }
0x192: {  	[tilespmem:s9+$0x14000] =	vst v0  }
0x193: {  	[tilespmem:s9+$0x14010] =	vst v0  }
0x194: {  	[tilespmem:s9+$0x14020] =	vst v0  }
0x195: {  	[tilespmem:s9+$0x14030] =	vst v0  }
0x196: {  	[tilespmem:s9+$0x14040] =	vst v0  }
0x197: {  	[tilespmem:s9+$0x14050] =	vst v0  }
0x198: {  	[tilespmem:s9+$0x14060] =	vst v0  }
0x199: {  	[spmem:s8] =	stream.linear.scatter [tilespmem:s23], [sflag:$0x4], $0x4000, $0x38;
	[tilespmem:$0x1C800] =	vst v63  }
0x19a: {  	_ =	swait.ge [sflag:s24], $0x4000  }
0x19b: {  	[sflag:s24] =	ssyncset.done $0x0  }
0x19c: {  	s12 =	rddreg [dreg:$0x6];
	[sflag:s24] =	ssyncadd.s32 $0xFFFFC000  }
0x19d: {  	[spmem:s12] =	stream.linear.scatter [tilespmem:s23], [sflag:$0x4], $0x4000, $0x38;
	[tilespmem:$0x1C800] =	vst v63  }
0x19e: {  	_ =	swait.ge [sflag:s24], $0x4000  }
0x19f: {  	[sflag:s24] =	ssyncset.done $0x0  }
0x1a0: {  	s14 =	rddreg [dreg:$0x7];
	[sflag:s24] =	ssyncadd.s32 $0xFFFFC000  }
0x1a1: {  	[spmem:s14] =	stream.linear.scatter [tilespmem:s23], [sflag:$0x4], $0x4000, $0x38;
	[tilespmem:$0x1C800] =	vst v63  }
0x1a2: {  	_ =	swait.ge [sflag:s24], $0x4000  }
0x1a3: {  	[sflag:s24] =	ssyncset.done $0x0  }
0x1a4: {  	s10 =	rddreg [dreg:$0x8];
	[sflag:s24] =	ssyncadd.s32 $0xFFFFC000  }
0x1a5: {  	[spmem:s10] =	stream.linear.scatter [tilespmem:s23], [sflag:$0x4], $0x4000, $0x38;
	[tilespmem:$0x1C800] =	vst v63  }
0x1a6: {  	_ =	swait.ge [sflag:s24], $0x4000  }
0x1a7: {  	[sflag:s24] =	ssyncset.done $0x0  }
0x1a8: {  	[sflag:s24] =	ssyncadd.s32 $0xFFFFC000  }
0x1a9: {  	[spmem:s13] =	stream.linear.scatter [tilespmem:s23], [sflag:$0x4], $0x4000, $0x38;
	[tilespmem:$0x1C800] =	vst v63  }
0x1aa: {  	_ =	swait.ge [sflag:s24], $0x4000  }
0x1ab: {  	[sflag:s24] =	ssyncset.done $0x0  }
0x1ac: {  	[sflag:s24] =	ssyncadd.s32 $0xFFFFC000  }
0x1ad: {  	[bflag:$0x0] =	sbarrier.arrive $0xFFFF  }
0x1ae: {  	s11 =	rddreg [dreg:$0x9]  }
0x1af: {  	[tilespmem:s25], [sflag:$0x4] =	stream.linear.gather [hbm4b:s11+s3], $0x300, $0x38;
	[tilespmem:$0x1C800] =	vst v63  }
0x1b0: {  	_ =	swait.ge [sflag:s24], $0x300  }
0x1b1: {  	[sflag:s24] =	ssyncset.done $0x0  }
0x1b2: {  	[sflag:s24] =	ssyncadd.s32 $0xFFFFFD00  }
0x1b3: {  	[tilespmem:s23], [sflag:$0x1] =	stream.indirect.gather [hbm4b:s4+s26], $0x80, s25, s26, $0xb8;
	[tilespmem:$0x1C800] =	vst v63  }
0x1b4: {  	s12 =	rddreg [dreg:$0xa]  }
0x1b5: {  	[tilespmem:s29], [sflag:$0x3] =	stream.linear.gather [hbm4b:s12+s3], $0x300, $0x38;
	[tilespmem:$0x1C800] =	vst v63  }
0x1b6: {  	_ =	swait.ge [sflag:s30], $0x300  }
0x1b7: {  	[sflag:s30] =	ssyncset.done $0x0  }
0x1b8: {  	[sflag:s30] =	ssyncadd.s32 $0xFFFFFD00  }
0x1b9: {  	[tilespmem:s0], [sflag:$0x2] =	stream.indirect.gather [hbm4b:s4+s26], $0x80, s29, s26, $0xb8;
	[tilespmem:$0x1C800] =	vst v63  }
0x1ba: {  	_ =	swait.ge [sflag:s6], $0x4000  }
0x1bb: {  	[sflag:s6] =	ssyncset.done $0x0  }
0x1bc: {  	[sflag:s6] =	ssyncadd.s32 $0xFFFFC000  }
0x1bd: {  	[spmem:s1] =	stream.indirect.scatter.add.f32 [tilespmem:s23], [sflag:$0x4], $0x80, s7, s26, $0xb8;
	[tilespmem:$0x1C800] =	vst v63  }
0x1be: {  	_ =	swait.ge [sflag:s24], $0x4000  }
0x1bf: {  	s14 =	sadd.s32 $0xFFFFD900, s22;
	[sflag:s24] =	ssyncset.done $0x0  }
0x1c0: {  	s10 =	sadd.s32 $0x2800, s14;
	[sflag:s24] =	ssyncadd.s32 $0xFFFFC000  }
0x1c1: {  	[tilespmem:s25], [sflag:$0x3] =	stream.linear.gather [hbm4b:s10+s3], $0x300, $0x38;
	[tilespmem:$0x1C800] =	vst v63  }
0x1c2: {  	_ =	swait.ge [sflag:s30], $0x300  }
0x1c3: {  	[sflag:s30] =	ssyncset.done $0x0  }
0x1c4: {  	[sflag:s30] =	ssyncadd.s32 $0xFFFFFD00  }
0x1c5: {  	[tilespmem:s23], [sflag:$0x1] =	stream.indirect.gather [hbm4b:s4+s26], $0x80, s25, s26, $0xb8;
	[tilespmem:$0x1C800] =	vst v63  }
0x1c6: {  	_ =	swait.ge [sflag:s15], $0x4000  }
0x1c7: {  	[sflag:s15] =	ssyncset.done $0x0  }
0x1c8: {  	[sflag:s15] =	ssyncadd.s32 $0xFFFFC000  }
0x1c9: {  	[spmem:s1] =	stream.indirect.scatter.add.f32 [tilespmem:s0], [sflag:$0x4], $0x80, s16, s26, $0xb8;
	[tilespmem:$0x1C800] =	vst v63  }
0x1ca: {  	_ =	swait.ge [sflag:s24], $0x4000  }
0x1cb: {  	[sflag:s24] =	ssyncset.done $0x0  }
0x1cc: {  	s9 =	sadd.s32 $0x2880, s14;
	s12 =	simm.s32 $0xFFFFDA00;
	[sflag:s24] =	ssyncadd.s32 $0xFFFFC000  }
.LBB2_5:
0x1cd: {  	[tilespmem:s29], [sflag:$0x3] =	stream.linear.gather [hbm4b:s9+s3], $0x300, $0x38;
	[tilespmem:$0x1C800] =	vst v63  }
0x1ce: {  	s9 =	smov.u32 s12  }
0x1cf: {  	p1 =	sne.s32 s12, $0xFFFFFF00;
	s12 =	sadd.s32 $0x100, s12;
	_ =	swait.ge [sflag:s30], $0x300  }
0x1d0: {  	[sflag:s30] =	ssyncset.done $0x0  }
0x1d1: {  	[sflag:s30] =	ssyncadd.s32 $0xFFFFFD00  }
0x1d2: {  	[tilespmem:s0], [sflag:$0x2] =	stream.indirect.gather [hbm4b:s4+s26], $0x80, s29, s26, $0xb8;
	[tilespmem:$0x1C800] =	vst v63  }
0x1d3: {  	_ =	swait.ge [sflag:s6], $0x4000  }
0x1d4: {  	[sflag:s6] =	ssyncset.done $0x0  }
0x1d5: {  	[sflag:s6] =	ssyncadd.s32 $0xFFFFC000  }
0x1d6: {  	[spmem:s1] =	stream.indirect.scatter.add.f32 [tilespmem:s23], [sflag:$0x4], $0x80, s7, s26, $0xb8;
	[tilespmem:$0x1C800] =	vst v63  }
0x1d7: {  	_ =	swait.ge [sflag:s24], $0x4000  }
0x1d8: {  	s9 =	sadd.s32 s9, s22;
	[sflag:s24] =	ssyncset.done $0x0  }
0x1d9: {  	s10 =	sadd.s32 $0x2800, s9;
	[sflag:s24] =	ssyncadd.s32 $0xFFFFC000  }
0x1da: {  	[tilespmem:s25], [sflag:$0x3] =	stream.linear.gather [hbm4b:s10+s3], $0x300, $0x38;
	[tilespmem:$0x1C800] =	vst v63  }
0x1db: {  	_ =	swait.ge [sflag:s30], $0x300  }
0x1dc: {  	[sflag:s30] =	ssyncset.done $0x0  }
0x1dd: {  	[sflag:s30] =	ssyncadd.s32 $0xFFFFFD00  }
0x1de: {  	[tilespmem:s23], [sflag:$0x1] =	stream.indirect.gather [hbm4b:s4+s26], $0x80, s25, s26, $0xb8;
	[tilespmem:$0x1C800] =	vst v63  }
0x1df: {  	_ =	swait.ge [sflag:s15], $0x4000  }
0x1e0: {  	[sflag:s15] =	ssyncset.done $0x0  }
.Ltmp11:
0x1e1: {  	[sflag:s15] =	ssyncadd.s32 $0xFFFFC000;
	(pc) =	sbr.rel @p1 .LBB2_5-.Ltmp11, $4  }
0x1e2: {  	[spmem:s1] =	stream.indirect.scatter.add.f32 [tilespmem:s0], [sflag:$0x4], $0x80, s16, s26, $0xb8;
	[tilespmem:$0x1C800] =	vst v63  }
0x1e3: {  	_ =	swait.ge [sflag:s24], $0x4000  }
0x1e4: {  	[sflag:s24] =	ssyncset.done $0x0  }
0x1e5: {  	s9 =	sadd.s32 $0x2880, s9;
	[sflag:s24] =	ssyncadd.s32 $0xFFFFC000  }
0x1e6: {  	[tilespmem:s29], [sflag:$0x3] =	stream.linear.gather [hbm4b:s9+s3], $0x300, $0x38;
	[tilespmem:$0x1C800] =	vst v63  }
0x1e7: {  	_ =	swait.ge [sflag:s30], $0x300  }
0x1e8: {  	[sflag:s30] =	ssyncset.done $0x0  }
0x1e9: {  	[sflag:s30] =	ssyncadd.s32 $0xFFFFFD00  }
0x1ea: {  	[tilespmem:s0], [sflag:$0x2] =	stream.indirect.gather [hbm4b:s4+s26], $0x80, s29, s26, $0xb8;
	[tilespmem:$0x1C800] =	vst v63  }
0x1eb: {  	_ =	swait.ge [sflag:s6], $0x4000  }
0x1ec: {  	[sflag:s6] =	ssyncset.done $0x0  }
0x1ed: {  	[sflag:s6] =	ssyncadd.s32 $0xFFFFC000  }
0x1ee: {  	[spmem:s1] =	stream.indirect.scatter.add.f32 [tilespmem:s23], [sflag:$0x4], $0x80, s7, s26, $0xb8;
	[tilespmem:$0x1C800] =	vst v63  }
0x1ef: {  	_ =	swait.ge [sflag:s24], $0x4000  }
0x1f0: {  	[sflag:s24] =	ssyncset.done $0x0  }
0x1f1: {  	[sflag:s24] =	ssyncadd.s32 $0xFFFFC000  }
0x1f2: {  	_ =	swait.ge [sflag:s15], $0x4000  }
0x1f3: {  	[sflag:s15] =	ssyncset.done $0x0  }
0x1f4: {  	[sflag:s15] =	ssyncadd.s32 $0xFFFFC000  }
0x1f5: {  	[spmem:s1] =	stream.indirect.scatter.add.f32 [tilespmem:s0], [sflag:$0x4], $0x80, s16, s26, $0xb8;
	[tilespmem:$0x1C800] =	vst v63  }
0x1f6: {  	_ =	swait.ge [sflag:s24], $0x4000  }
0x1f7: {  	[sflag:s24] =	ssyncset.done $0x0  }
0x1f8: {  	s10 =	stileid.u32;
	[sflag:s24] =	ssyncadd.s32 $0xFFFFC000  }
0x1f9: {  	s9 =	sshll.u32 s10, $0x6;
	[bflag:$0x0] =	sbarrier.arrive $0xFFFF  }
0x1fa: {  	s12 =	sshrl.u32 s8, $0x3;
	s14 =	sor.u32 $0x1C04, s9;
	s11 =	rddreg [dreg:$0xb]  }
0x1fb: {  	[hbm:s11], [sflag:s14] =	dma.local [spmem:s12], $0x2800  }
0x1fc: {  	_ =	swait.ge [sflag:s24], $0x2800  }
0x1fd: {  	[sflag:s24] =	ssyncset.done $0x0  }
0x1fe: {  	[sflag:s24] =	ssyncadd.s32 $0xFFFFD800  }
0x1ff: {  	s10 =	simm.s32 $0x200;
	s9 =	simm.s32 $0x0;
	[bflag:$0x0] =	sbarrier.arrive $0xFFFF  }
.LBB2_7:
0x200: {  	p1 =	sne.s32 s10, $0xFE00;
	[tilespmem:s9+$0x14070] =	vst v0  }
0x201: {  	[tilespmem:s9+$0x14000] =	vst v0  }
0x202: {  	[tilespmem:s9+$0x14010] =	vst v0  }
.Ltmp12:
0x203: {  	[tilespmem:s9+$0x14020] =	vst v0;
	(pc) =	sbr.rel @p1 .LBB2_7-.Ltmp12, $4  }
0x204: {  	[tilespmem:s9+$0x14030] =	vst v0  }
0x205: {  	[tilespmem:s9+$0x14040] =	vst v0  }
0x206: {  	[tilespmem:s9+$0x14050] =	vst v0  }
0x207: {  	[tilespmem:s9+$0x14060] =	vst v0;
	s9 =	sshra.s32 s10, $0x2;
	s10 =	sadd.s32 $0x200, s10  }
0x208: {  	[tilespmem:s9+$0x14070] =	vst v0  }
0x209: {  	[tilespmem:s9+$0x14000] =	vst v0  }
0x20a: {  	[tilespmem:s9+$0x14010] =	vst v0  }
0x20b: {  	[tilespmem:s9+$0x14020] =	vst v0  }
0x20c: {  	[tilespmem:s9+$0x14030] =	vst v0  }
0x20d: {  	[tilespmem:s9+$0x14040] =	vst v0  }
0x20e: {  	[tilespmem:s9+$0x14050] =	vst v0  }
0x20f: {  	[tilespmem:s9+$0x14060] =	vst v0  }
0x210: {  	[spmem:s8] =	stream.linear.scatter [tilespmem:s23], [sflag:$0x4], $0x4000, $0x38;
	[tilespmem:$0x1C800] =	vst v63  }
0x211: {  	_ =	swait.ge [sflag:s24], $0x4000  }
0x212: {  	[sflag:s24] =	ssyncset.done $0x0  }
0x213: {  	s10 =	rddreg [dreg:$0x6];
	[sflag:s24] =	ssyncadd.s32 $0xFFFFC000  }
0x214: {  	[spmem:s10] =	stream.linear.scatter [tilespmem:s23], [sflag:$0x4], $0x4000, $0x38;
	[tilespmem:$0x1C800] =	vst v63  }
0x215: {  	_ =	swait.ge [sflag:s24], $0x4000  }
0x216: {  	[sflag:s24] =	ssyncset.done $0x0  }
0x217: {  	s11 =	rddreg [dreg:$0x7];
	[sflag:s24] =	ssyncadd.s32 $0xFFFFC000  }
0x218: {  	[spmem:s11] =	stream.linear.scatter [tilespmem:s23], [sflag:$0x4], $0x4000, $0x38;
	[tilespmem:$0x1C800] =	vst v63  }
0x219: {  	_ =	swait.ge [sflag:s24], $0x4000  }
0x21a: {  	[sflag:s24] =	ssyncset.done $0x0  }
0x21b: {  	s10 =	rddreg [dreg:$0x8];
	[sflag:s24] =	ssyncadd.s32 $0xFFFFC000  }
0x21c: {  	[spmem:s10] =	stream.linear.scatter [tilespmem:s23], [sflag:$0x4], $0x4000, $0x38;
	[tilespmem:$0x1C800] =	vst v63  }
0x21d: {  	_ =	swait.ge [sflag:s24], $0x4000  }
0x21e: {  	[sflag:s24] =	ssyncset.done $0x0  }
0x21f: {  	[sflag:s24] =	ssyncadd.s32 $0xFFFFC000  }
0x220: {  	[spmem:s13] =	stream.linear.scatter [tilespmem:s23], [sflag:$0x4], $0x4000, $0x38;
	[tilespmem:$0x1C800] =	vst v63  }
0x221: {  	_ =	swait.ge [sflag:s24], $0x4000  }
0x222: {  	[sflag:s24] =	ssyncset.done $0x0  }
0x223: {  	[sflag:s24] =	ssyncadd.s32 $0xFFFFC000  }
0x224: {  	[bflag:$0x0] =	sbarrier.arrive $0xFFFF  }
0x225: {  	s11 =	rddreg [dreg:$0x9]  }
0x226: {  	[tilespmem:s25], [sflag:$0x4] =	stream.linear.gather [hbm4b:s11+s3], $0x300, $0x38;
	[tilespmem:$0x1C800] =	vst v63  }
0x227: {  	_ =	swait.ge [sflag:s24], $0x300  }
0x228: {  	[sflag:s24] =	ssyncset.done $0x0  }
0x229: {  	[sflag:s24] =	ssyncadd.s32 $0xFFFFFD00  }
0x22a: {  	[tilespmem:s23], [sflag:$0x1] =	stream.indirect.gather [hbm4b:s4+s26], $0x80, s2, s26, $0xb8;
	[tilespmem:$0x1C800] =	vst v63  }
0x22b: {  	s10 =	rddreg [dreg:$0xa]  }
0x22c: {  	[tilespmem:s29], [sflag:$0x3] =	stream.linear.gather [hbm4b:s10+s3], $0x300, $0x38;
	[tilespmem:$0x1C800] =	vst v63  }
0x22d: {  	_ =	swait.ge [sflag:s30], $0x300  }
0x22e: {  	[sflag:s30] =	ssyncset.done $0x0  }
0x22f: {  	[sflag:s30] =	ssyncadd.s32 $0xFFFFFD00  }
0x230: {  	[tilespmem:s0], [sflag:$0x2] =	stream.indirect.gather [hbm4b:s4+s26], $0x80, s21, s26, $0xb8;
	[tilespmem:$0x1C800] =	vst v63  }
0x231: {  	_ =	swait.ge [sflag:s6], $0x4000  }
0x232: {  	[sflag:s6] =	ssyncset.done $0x0  }
0x233: {  	[sflag:s6] =	ssyncadd.s32 $0xFFFFC000  }
0x234: {  	[spmem:s1] =	stream.indirect.scatter.add.f32 [tilespmem:s23], [sflag:$0x4], $0x80, s7, s26, $0xb8;
	[tilespmem:$0x1C800] =	vst v63  }
0x235: {  	_ =	swait.ge [sflag:s24], $0x4000  }
0x236: {  	s10 =	sadd.s32 $0xFFFFD900, s22;
	[sflag:s24] =	ssyncset.done $0x0  }
0x237: {  	s11 =	sadd.s32 $0x2800, s10;
	[sflag:s24] =	ssyncadd.s32 $0xFFFFC000  }
0x238: {  	[tilespmem:s25], [sflag:$0x3] =	stream.linear.gather [hbm4b:s11+s3], $0x300, $0x38;
	[tilespmem:$0x1C800] =	vst v63  }
0x239: {  	_ =	swait.ge [sflag:s30], $0x300  }
0x23a: {  	[sflag:s30] =	ssyncset.done $0x0  }
0x23b: {  	[sflag:s30] =	ssyncadd.s32 $0xFFFFFD00  }
0x23c: {  	[tilespmem:s23], [sflag:$0x1] =	stream.indirect.gather [hbm4b:s4+s26], $0x80, s2, s26, $0xb8;
	[tilespmem:$0x1C800] =	vst v63  }
0x23d: {  	_ =	swait.ge [sflag:s15], $0x4000  }
0x23e: {  	[sflag:s15] =	ssyncset.done $0x0  }
0x23f: {  	[sflag:s15] =	ssyncadd.s32 $0xFFFFC000  }
0x240: {  	[spmem:s1] =	stream.indirect.scatter.add.f32 [tilespmem:s0], [sflag:$0x4], $0x80, s16, s26, $0xb8;
	[tilespmem:$0x1C800] =	vst v63  }
0x241: {  	_ =	swait.ge [sflag:s24], $0x4000  }
0x242: {  	[sflag:s24] =	ssyncset.done $0x0  }
0x243: {  	s9 =	simm.s32 $0xFFFFDA00;
	s10 =	sadd.s32 $0x2880, s10;
	[sflag:s24] =	ssyncadd.s32 $0xFFFFC000  }
.LBB2_9:
0x244: {  	[tilespmem:s29], [sflag:$0x3] =	stream.linear.gather [hbm4b:s10+s3], $0x300, $0x38;
	[tilespmem:$0x1C800] =	vst v63  }
0x245: {  	s10 =	smov.u32 s9  }
0x246: {  	p1 =	sne.s32 s9, $0xFFFFFF00;
	s9 =	sadd.s32 $0x100, s9;
	_ =	swait.ge [sflag:s30], $0x300  }
0x247: {  	[sflag:s30] =	ssyncset.done $0x0  }
0x248: {  	[sflag:s30] =	ssyncadd.s32 $0xFFFFFD00  }
0x249: {  	[tilespmem:s0], [sflag:$0x2] =	stream.indirect.gather [hbm4b:s4+s26], $0x80, s21, s26, $0xb8;
	[tilespmem:$0x1C800] =	vst v63  }
0x24a: {  	_ =	swait.ge [sflag:s6], $0x4000  }
0x24b: {  	[sflag:s6] =	ssyncset.done $0x0  }
0x24c: {  	[sflag:s6] =	ssyncadd.s32 $0xFFFFC000  }
0x24d: {  	[spmem:s1] =	stream.indirect.scatter.add.f32 [tilespmem:s23], [sflag:$0x4], $0x80, s7, s26, $0xb8;
	[tilespmem:$0x1C800] =	vst v63  }
0x24e: {  	_ =	swait.ge [sflag:s24], $0x4000  }
0x24f: {  	s10 =	sadd.s32 s10, s22;
	[sflag:s24] =	ssyncset.done $0x0  }
0x250: {  	s11 =	sadd.s32 $0x2800, s10;
	[sflag:s24] =	ssyncadd.s32 $0xFFFFC000  }
0x251: {  	[tilespmem:s25], [sflag:$0x3] =	stream.linear.gather [hbm4b:s11+s3], $0x300, $0x38;
	[tilespmem:$0x1C800] =	vst v63  }
0x252: {  	_ =	swait.ge [sflag:s30], $0x300  }
0x253: {  	[sflag:s30] =	ssyncset.done $0x0  }
0x254: {  	[sflag:s30] =	ssyncadd.s32 $0xFFFFFD00  }
0x255: {  	[tilespmem:s23], [sflag:$0x1] =	stream.indirect.gather [hbm4b:s4+s26], $0x80, s2, s26, $0xb8;
	[tilespmem:$0x1C800] =	vst v63  }
0x256: {  	_ =	swait.ge [sflag:s15], $0x4000  }
0x257: {  	[sflag:s15] =	ssyncset.done $0x0  }
.Ltmp13:
0x258: {  	[sflag:s15] =	ssyncadd.s32 $0xFFFFC000;
	(pc) =	sbr.rel @p1 .LBB2_9-.Ltmp13, $4  }
0x259: {  	[spmem:s1] =	stream.indirect.scatter.add.f32 [tilespmem:s0], [sflag:$0x4], $0x80, s16, s26, $0xb8;
	[tilespmem:$0x1C800] =	vst v63  }
0x25a: {  	_ =	swait.ge [sflag:s24], $0x4000  }
0x25b: {  	[sflag:s24] =	ssyncset.done $0x0  }
0x25c: {  	s10 =	sadd.s32 $0x2880, s10;
	[sflag:s24] =	ssyncadd.s32 $0xFFFFC000  }
0x25d: {  	[tilespmem:s29], [sflag:$0x3] =	stream.linear.gather [hbm4b:s10+s3], $0x300, $0x38;
	[tilespmem:$0x1C800] =	vst v63  }
0x25e: {  	_ =	swait.ge [sflag:s30], $0x300  }
0x25f: {  	[sflag:s30] =	ssyncset.done $0x0  }
0x260: {  	[sflag:s30] =	ssyncadd.s32 $0xFFFFFD00  }
0x261: {  	[tilespmem:s0], [sflag:$0x2] =	stream.indirect.gather [hbm4b:s4+s26], $0x80, s21, s26, $0xb8;
	[tilespmem:$0x1C800] =	vst v63  }
0x262: {  	_ =	swait.ge [sflag:s6], $0x4000  }
0x263: {  	[sflag:s6] =	ssyncset.done $0x0  }
0x264: {  	[sflag:s6] =	ssyncadd.s32 $0xFFFFC000  }
0x265: {  	[spmem:s1] =	stream.indirect.scatter.add.f32 [tilespmem:s23], [sflag:$0x4], $0x80, s7, s26, $0xb8;
	[tilespmem:$0x1C800] =	vst v63  }
0x266: {  	_ =	swait.ge [sflag:s24], $0x4000  }
0x267: {  	[sflag:s24] =	ssyncset.done $0x0  }
0x268: {  	[sflag:s24] =	ssyncadd.s32 $0xFFFFC000  }
0x269: {  	_ =	swait.ge [sflag:s15], $0x4000  }
0x26a: {  	[sflag:s15] =	ssyncset.done $0x0  }
0x26b: {  	[sflag:s15] =	ssyncadd.s32 $0xFFFFC000  }
0x26c: {  	[spmem:s1] =	stream.indirect.scatter.add.f32 [tilespmem:s0], [sflag:$0x4], $0x80, s16, s26, $0xb8;
	[tilespmem:$0x1C800] =	vst v63  }
0x26d: {  	_ =	swait.ge [sflag:s24], $0x4000  }
0x26e: {  	[sflag:s24] =	ssyncset.done $0x0  }
0x26f: {  	[sflag:s24] =	ssyncadd.s32 $0xFFFFC000  }
0x270: {  	[bflag:$0x0] =	sbarrier.arrive $0xFFFF  }
0x271: {  	s9 =	rddreg [dreg:$0xc]  }
0x272: {  	[hbm:s9], [sflag:s14] =	dma.local [spmem:s12], $0x2800  }
0x273: {  	_ =	swait.ge [sflag:s24], $0x2800  }
0x274: {  	[sflag:s24] =	ssyncset.done $0x0  }
0x275: {  	[sflag:s24] =	ssyncadd.s32 $0xFFFFD800  }
0x276: {  	s10 =	simm.s32 $0x200;
	s9 =	simm.s32 $0x0;
	[bflag:$0x0] =	sbarrier.arrive $0xFFFF  }
.LBB2_11:
0x277: {  	p1 =	sne.s32 s10, $0xFE00;
	[tilespmem:s9+$0x14070] =	vst v0  }
0x278: {  	[tilespmem:s9+$0x14000] =	vst v0  }
0x279: {  	[tilespmem:s9+$0x14010] =	vst v0  }
.Ltmp14:
0x27a: {  	[tilespmem:s9+$0x14020] =	vst v0;
	(pc) =	sbr.rel @p1 .LBB2_11-.Ltmp14, $4  }
0x27b: {  	[tilespmem:s9+$0x14030] =	vst v0  }
0x27c: {  	[tilespmem:s9+$0x14040] =	vst v0  }
0x27d: {  	[tilespmem:s9+$0x14050] =	vst v0  }
0x27e: {  	[tilespmem:s9+$0x14060] =	vst v0;
	s9 =	sshra.s32 s10, $0x2;
	s10 =	sadd.s32 $0x200, s10  }
0x27f: {  	[tilespmem:s9+$0x14070] =	vst v0  }
0x280: {  	[tilespmem:s9+$0x14000] =	vst v0  }
0x281: {  	[tilespmem:s9+$0x14010] =	vst v0  }
0x282: {  	[tilespmem:s9+$0x14020] =	vst v0  }
0x283: {  	[tilespmem:s9+$0x14030] =	vst v0  }
0x284: {  	[tilespmem:s9+$0x14040] =	vst v0  }
0x285: {  	[tilespmem:s9+$0x14050] =	vst v0  }
0x286: {  	[tilespmem:s9+$0x14060] =	vst v0  }
0x287: {  	[spmem:s8] =	stream.linear.scatter [tilespmem:s23], [sflag:$0x4], $0x4000, $0x38;
	[tilespmem:$0x1C800] =	vst v63  }
0x288: {  	_ =	swait.ge [sflag:s24], $0x4000  }
0x289: {  	[sflag:s24] =	ssyncset.done $0x0  }
0x28a: {  	s10 =	rddreg [dreg:$0x6];
	[sflag:s24] =	ssyncadd.s32 $0xFFFFC000  }
0x28b: {  	[spmem:s10] =	stream.linear.scatter [tilespmem:s23], [sflag:$0x4], $0x4000, $0x38;
	[tilespmem:$0x1C800] =	vst v63  }
0x28c: {  	_ =	swait.ge [sflag:s24], $0x4000  }
0x28d: {  	[sflag:s24] =	ssyncset.done $0x0  }
0x28e: {  	s11 =	rddreg [dreg:$0x7];
	[sflag:s24] =	ssyncadd.s32 $0xFFFFC000  }
0x28f: {  	[spmem:s11] =	stream.linear.scatter [tilespmem:s23], [sflag:$0x4], $0x4000, $0x38;
	[tilespmem:$0x1C800] =	vst v63  }
0x290: {  	_ =	swait.ge [sflag:s24], $0x4000  }
0x291: {  	[sflag:s24] =	ssyncset.done $0x0  }
0x292: {  	s12 =	rddreg [dreg:$0x8];
	[sflag:s24] =	ssyncadd.s32 $0xFFFFC000  }
0x293: {  	[spmem:s12] =	stream.linear.scatter [tilespmem:s23], [sflag:$0x4], $0x4000, $0x38;
	[tilespmem:$0x1C800] =	vst v63  }
0x294: {  	_ =	swait.ge [sflag:s24], $0x4000  }
0x295: {  	[sflag:s24] =	ssyncset.done $0x0  }
0x296: {  	[sflag:s24] =	ssyncadd.s32 $0xFFFFC000  }
0x297: {  	[spmem:s13] =	stream.linear.scatter [tilespmem:s23], [sflag:$0x4], $0x4000, $0x38;
	[tilespmem:$0x1C800] =	vst v63  }
0x298: {  	_ =	swait.ge [sflag:s24], $0x4000  }
0x299: {  	[sflag:s24] =	ssyncset.done $0x0  }
0x29a: {  	[sflag:s24] =	ssyncadd.s32 $0xFFFFC000  }
0x29b: {  	[bflag:$0x0] =	sbarrier.arrive $0xFFFF  }
0x29c: {  	s10 =	rddreg [dreg:$0x9]  }
0x29d: {  	[tilespmem:s25], [sflag:$0x4] =	stream.linear.gather [hbm4b:s10+s3], $0x300, $0x38;
	[tilespmem:$0x1C800] =	vst v63  }
0x29e: {  	_ =	swait.ge [sflag:s24], $0x300  }
0x29f: {  	[sflag:s24] =	ssyncset.done $0x0  }
0x2a0: {  	[sflag:s24] =	ssyncadd.s32 $0xFFFFFD00  }
0x2a1: {  	[tilespmem:s23], [sflag:$0x1] =	stream.indirect.gather [hbm4b:s4+s26], $0x80, s19, s26, $0xb8;
	[tilespmem:$0x1C800] =	vst v63  }
0x2a2: {  	s11 =	rddreg [dreg:$0xa]  }
0x2a3: {  	[tilespmem:s29], [sflag:$0x3] =	stream.linear.gather [hbm4b:s11+s3], $0x300, $0x38;
	[tilespmem:$0x1C800] =	vst v63  }
0x2a4: {  	_ =	swait.ge [sflag:s30], $0x300  }
0x2a5: {  	[sflag:s30] =	ssyncset.done $0x0  }
0x2a6: {  	[sflag:s30] =	ssyncadd.s32 $0xFFFFFD00  }
0x2a7: {  	[tilespmem:s0], [sflag:$0x2] =	stream.indirect.gather [hbm4b:s4+s26], $0x80, s20, s26, $0xb8;
	[tilespmem:$0x1C800] =	vst v63  }
0x2a8: {  	_ =	swait.ge [sflag:s6], $0x4000  }
0x2a9: {  	[sflag:s6] =	ssyncset.done $0x0  }
0x2aa: {  	[sflag:s6] =	ssyncadd.s32 $0xFFFFC000  }
0x2ab: {  	[spmem:s1] =	stream.indirect.scatter.add.f32 [tilespmem:s23], [sflag:$0x4], $0x80, s7, s26, $0xb8;
	[tilespmem:$0x1C800] =	vst v63  }
0x2ac: {  	_ =	swait.ge [sflag:s24], $0x4000  }
0x2ad: {  	s10 =	sadd.s32 $0xFFFFED00, s22;
	[sflag:s24] =	ssyncset.done $0x0  }
0x2ae: {  	s12 =	sadd.s32 $0x1400, s10;
	[sflag:s24] =	ssyncadd.s32 $0xFFFFC000  }
0x2af: {  	[tilespmem:s25], [sflag:$0x3] =	stream.linear.gather [hbm4b:s12+s3], $0x300, $0x38;
	[tilespmem:$0x1C800] =	vst v63  }
0x2b0: {  	_ =	swait.ge [sflag:s30], $0x300  }
0x2b1: {  	[sflag:s30] =	ssyncset.done $0x0  }
0x2b2: {  	[sflag:s30] =	ssyncadd.s32 $0xFFFFFD00  }
0x2b3: {  	[tilespmem:s23], [sflag:$0x1] =	stream.indirect.gather [hbm4b:s4+s26], $0x80, s19, s26, $0xb8;
	[tilespmem:$0x1C800] =	vst v63  }
0x2b4: {  	_ =	swait.ge [sflag:s15], $0x4000  }
0x2b5: {  	[sflag:s15] =	ssyncset.done $0x0  }
0x2b6: {  	[sflag:s15] =	ssyncadd.s32 $0xFFFFC000  }
0x2b7: {  	[spmem:s1] =	stream.indirect.scatter.add.f32 [tilespmem:s0], [sflag:$0x4], $0x80, s16, s26, $0xb8;
	[tilespmem:$0x1C800] =	vst v63  }
0x2b8: {  	_ =	swait.ge [sflag:s24], $0x4000  }
0x2b9: {  	[sflag:s24] =	ssyncset.done $0x0  }
0x2ba: {  	s9 =	simm.s32 $0xFFFFEE00;
	s10 =	sadd.s32 $0x1480, s10;
	[sflag:s24] =	ssyncadd.s32 $0xFFFFC000  }
.LBB2_13:
0x2bb: {  	[tilespmem:s29], [sflag:$0x3] =	stream.linear.gather [hbm4b:s10+s3], $0x300, $0x38;
	[tilespmem:$0x1C800] =	vst v63  }
0x2bc: {  	s10 =	smov.u32 s9  }
0x2bd: {  	p1 =	seq.s32 s9, $0xFFFFFF00;
	s9 =	sadd.s32 $0x100, s9;
	_ =	swait.ge [sflag:s30], $0x300  }
0x2be: {  	[sflag:s30] =	ssyncset.done $0x0  }
0x2bf: {  	[sflag:s30] =	ssyncadd.s32 $0xFFFFFD00  }
0x2c0: {  	[tilespmem:s0], [sflag:$0x2] =	stream.indirect.gather [hbm4b:s4+s26], $0x80, s20, s26, $0xb8;
	[tilespmem:$0x1C800] =	vst v63  }
0x2c1: {  	_ =	swait.ge [sflag:s6], $0x4000  }
0x2c2: {  	[sflag:s6] =	ssyncset.done $0x0  }
0x2c3: {  	[sflag:s6] =	ssyncadd.s32 $0xFFFFC000  }
0x2c4: {  	[spmem:s1] =	stream.indirect.scatter.add.f32 [tilespmem:s23], [sflag:$0x4], $0x80, s7, s26, $0xb8;
	[tilespmem:$0x1C800] =	vst v63  }
0x2c5: {  	_ =	swait.ge [sflag:s24], $0x4000  }
0x2c6: {  	s10 =	sadd.s32 s10, s22;
	[sflag:s24] =	ssyncset.done $0x0  }
0x2c7: {  	s11 =	sadd.s32 $0x1400, s10;
	[sflag:s24] =	ssyncadd.s32 $0xFFFFC000  }
0x2c8: {  	[tilespmem:s25], [sflag:$0x3] =	stream.linear.gather [hbm4b:s11+s3], $0x300, $0x38;
	[tilespmem:$0x1C800] =	vst v63  }
0x2c9: {  	_ =	swait.ge [sflag:s30], $0x300  }
0x2ca: {  	[sflag:s30] =	ssyncset.done $0x0  }
0x2cb: {  	[sflag:s30] =	ssyncadd.s32 $0xFFFFFD00  }
0x2cc: {  	[tilespmem:s23], [sflag:$0x1] =	stream.indirect.gather [hbm4b:s4+s26], $0x80, s19, s26, $0xb8;
	[tilespmem:$0x1C800] =	vst v63  }
0x2cd: {  	_ =	swait.ge [sflag:s15], $0x4000  }
0x2ce: {  	[sflag:s15] =	ssyncset.done $0x0  }
.Ltmp15:
0x2cf: {  	[sflag:s15] =	ssyncadd.s32 $0xFFFFC000;
	(pc) =	sbr.rel @!p1 .LBB2_13-.Ltmp15, $4  }
0x2d0: {  	[spmem:s1] =	stream.indirect.scatter.add.f32 [tilespmem:s0], [sflag:$0x4], $0x80, s16, s26, $0xb8;
	[tilespmem:$0x1C800] =	vst v63  }
0x2d1: {  	_ =	swait.ge [sflag:s24], $0x4000  }
0x2d2: {  	[sflag:s24] =	ssyncset.done $0x0  }
0x2d3: {  	s10 =	sadd.s32 $0x1480, s10;
	[sflag:s24] =	ssyncadd.s32 $0xFFFFC000  }
.Ltmp16:
0x2d4: {  	(pc) =	sbr.rel .LBB2_28-.Ltmp16, $3  }
0x2d5: {  	_ =	sdelay $0x1  }
0x2d6: {  	[tilespmem:s29], [sflag:$0x3] =	stream.linear.gather [hbm4b:s10+s3], $0x300, $0x38;
	[tilespmem:$0x1C800] =	vst v63  }
0x2d7: {  	s9 =	rddreg [dreg:$0x4]  }
.LBB2_29:
0x2d8: {  	_ =	sfence.sel $0x180000  }
0x2d9: {  	[bflag:$0x0] =	sbarrier.arrive $0xFFFF  }
0x2da: {  	_ =	strace $0x90000047  }
0x2db: {  	s0 =	stileid.u32;
	[bflag:$0x2] =	sbarrier.arrive $0xFFFF  }
0x2dc: {  	p0 =	sne.s32 s0, $0x0;
	s0 =	rddreg [dreg:$0x2]  }
0x2dd: {  	s0 =	sadd.s32 @!p0 $0x100000, s0  }
0x2de: {  	[sflag:s0] =	ssyncadd.tile.s32 @!p0 $0x1;
	_ =	shalt  }
.Lfunc_end2:
_tile_overlayer_lowered:
.L_overlay_start_2:
0x2df: {  	(tag) =	ssettag $0x2  }
0x2e0: {  	s0 =	rddreg [dreg:$0x0];
	s2 =	stileid.u32  }
0x2e1: {  	s1 =	rddreg [dreg:$0x1];
	p0 =	sne.s32 s2, $0x0  }
0x2e2: {  	s3 =	rddreg [dreg:$0x2];
	[bflag:$0x3] =	sbarrier.arrive $0xFFFF;
	s2 =	simm.s32 @!p0 $0x1C04  }
0x2e3: {  	[timem:s3], [sflag:s2] =	dma.local @!p0 [hbm:s0], s1  }
0x2e4: {  	s0 =	simm.s32 @!p0 $0x4  }
0x2e5: {  	_ =	swait.ge @!p0 [sflag:s0], s1  }
0x2e6: {  	s1 =	ssub.s32 @!p0 $0x0, s1;
	[sflag:s0] =	ssyncset.done @!p0 $0x0  }
0x2e7: {  	[sflag:s0] =	ssyncadd.s32 @!p0 s1  }
0x2e8: {  	[bflag:$0x3] =	sbarrier.arrive $0xFFFF  }
0x2e9: {  	_ =	shalt  }

</sc_bundles>
